<compile_context>
chip_gen: v7x
topology: tpu7x:2x2x1
jax: 0.10.2.dev20260603
libtpu: 0.0.44.dev20260713+nightly
codegen_flags: <defaults>
</compile_context>

<pallas_src>
import functools

import jax
import jax.numpy as jnp
from jax import lax
from jax.experimental import pallas as pl
from jax.experimental.pallas import tpu as pltpu
from jax.experimental.pallas import tpu_sc as plsc

N = 10000
E = 320000
F = 128
K_TOPK = 5000
NUM_CLASSES = 10

NC = 2
NS = 16
CHUNK = 64
EPW = E // (NC * NS)
NFULL = EPW // CHUNK
REM = EPW - NFULL * CHUNK
DCHUNK = 128
DNFULL = EPW // DCHUNK
DREM = EPW - DNFULL * DCHUNK
STRIPE = 640
LAST_STRIPE = N - 15 * STRIPE

_NEG = -1e30



def _stripe_copy(src, dst, s, src_stripe=True):
    @pl.when(s < 15)
    def _():
        soff = s * STRIPE if src_stripe else 0
        pltpu.sync_copy(src.at[pl.ds(soff, STRIPE)],
                        dst.at[pl.ds(s * STRIPE, STRIPE)])

    @pl.when(s == 15)
    def _():
        soff = 15 * STRIPE if src_stripe else 0
        pltpu.sync_copy(src.at[pl.ds(soff, LAST_STRIPE)],
                        dst.at[pl.ds(15 * STRIPE, LAST_STRIPE)])


@functools.lru_cache(maxsize=None)
def _make_sc_agg(width):
    mesh = plsc.VectorSubcoreMesh(core_axis_name="c", subcore_axis_name="s",
                                  num_cores=NC, num_subcores=NS)

    NBUF = 4
    scratch = (
        [pltpu.VMEM_SHARED((N, width), jnp.float32)]
        + [pltpu.VMEM((EPW,), jnp.int32)]
        + [pltpu.VMEM((CHUNK,), jnp.int32)] * NBUF
        + [pltpu.VMEM((CHUNK, width), jnp.float32)] * NBUF
        + [pltpu.VMEM((REM,), jnp.int32),
           pltpu.VMEM((REM,), jnp.int32),
           pltpu.VMEM((REM, width), jnp.float32)]
        + [pltpu.SemaphoreType.DMA] * (2 * NBUF)
    )

    @functools.partial(
        pl.kernel,
        out_type=jax.ShapeDtypeStruct((NC, N, width), jnp.float32),
        mesh=mesh,
        scratch_types=scratch,
    )
    def agg(table, src, dst, zrows, out, acc, sidx_all,
            d0, d1, d2, d3, r0, r1, r2, r3,
            sidx_r, didx_r, rows_r,
            sd0, sd1, sd2, sd3, sg0, sg1, sg2, sg3):
        dbuf = (d0, d1, d2, d3)
        rows = (r0, r1, r2, r3)
        sd = (sd0, sd1, sd2, sd3)
        sg = (sg0, sg1, sg2, sg3)
        c = lax.axis_index("c")
        s = lax.axis_index("s")
        @pl.when(c == 0)
        def _():
            _stripe_copy(table, acc, s)

        @pl.when(c == 1)
        def _():
            _stripe_copy(zrows, acc, s, src_stripe=False)

        base = (c * NS + s) * EPW
        pltpu.sync_copy(src.at[pl.ds(base, EPW)], sidx_all)
        plsc.subcore_barrier()

        def launch(i, k):
            pltpu.async_copy(dst.at[pl.ds(base + i * CHUNK, CHUNK)],
                             dbuf[k], sd[k])
            pltpu.async_copy(table.at[sidx_all.at[pl.ds(i * CHUNK, CHUNK)]],
                             rows[k], sg[k])

        def drain_scatter(i, k):
            pltpu.make_async_copy(dst.at[pl.ds(base + i * CHUNK, CHUNK)],
                                  dbuf[k], sd[k]).wait()
            pltpu.make_async_copy(table.at[sidx_all.at[pl.ds(i * CHUNK, CHUNK)]],
                                  rows[k], sg[k]).wait()
            pltpu.sync_copy(rows[k], acc.at[dbuf[k]], add=True)

        for k in range(NBUF):
            launch(k, k)

        def body(j, carry):
            for k in range(NBUF):
                i = NBUF * j + k
                drain_scatter(i, k)

                @pl.when(i + NBUF < NFULL)
                def _():
                    launch(i + NBUF, k)
            return carry

        lax.fori_loop(0, NFULL // NBUF, body, 0)

        for k in range(NFULL % NBUF):
            drain_scatter((NFULL // NBUF) * NBUF + k, k)

        off = base + NFULL * CHUNK
        pltpu.sync_copy(src.at[pl.ds(off, REM)], sidx_r)
        pltpu.sync_copy(dst.at[pl.ds(off, REM)], didx_r)
        pltpu.async_copy(table.at[sidx_r], rows_r, sg0).wait()
        pltpu.sync_copy(rows_r, acc.at[didx_r], add=True)

        plsc.subcore_barrier()
        _stripe_copy(acc, out.at[c], s)

    return agg


@functools.lru_cache(maxsize=None)
def _make_sc_colagg():
    mesh = plsc.VectorSubcoreMesh(core_axis_name="c", subcore_axis_name="s",
                                  num_cores=NC, num_subcores=NS)

    NP = 10240
    PSTRIPE = NP // NS
    NV = EPW // 16
    NZ = NP // 16

    scratch = [
        pltpu.VMEM_SHARED((NS, NP), jnp.float32),
        pltpu.VMEM((N,), jnp.float32),
        pltpu.VMEM((NP,), jnp.float32),
        pltpu.VMEM((EPW,), jnp.int32),
        pltpu.VMEM((EPW,), jnp.int32),
        pltpu.VMEM((NS, PSTRIPE), jnp.float32),
        pltpu.VMEM((PSTRIPE,), jnp.float32),
    ]

    @functools.partial(
        pl.kernel,
        out_type=jax.ShapeDtypeStruct((NC, NP), jnp.float32),
        mesh=mesh,
        scratch_types=scratch,
        compiler_params=pltpu.CompilerParams(needs_layout_passes=False),
    )
    def colagg(table, src, dst, out, shared, tbl, accv, sidx, didx, redbuf, res):
        c = lax.axis_index("c")
        s = lax.axis_index("s")
        base = (c * NS + s) * EPW
        pltpu.sync_copy(table, tbl)
        pltpu.sync_copy(src.at[pl.ds(base, EPW)], sidx)
        pltpu.sync_copy(dst.at[pl.ds(base, EPW)], didx)

        iota = lax.broadcasted_iota(jnp.int32, (16,), 0)
        zeros16 = jnp.zeros((16,), jnp.float32)

        def zstep(i, carry):
            accv[pl.ds(i * 16, 16)] = zeros16
            return carry

        seed = (c == 0) & (s == 0)

        @pl.when(seed)
        def _():
            pltpu.sync_copy(table, accv.at[pl.ds(0, N)])
            lax.fori_loop(N // 16, NZ, zstep, 0)

        @pl.when(jnp.logical_not(seed))
        def _():
            lax.fori_loop(0, NZ, zstep, 0)

        def estep(k, carry):
            sv = sidx[pl.ds(k * 16, 16)]
            dv = didx[pl.ds(k * 16, 16)]
            vals = plsc.load_gather(tbl, [sv])
            sd, svals = plsc.sort_key_val(dv, vals)
            nxt = sd.at[jnp.minimum(iota + 1, 15)].get(mode="promise_in_bounds")
            m_end = (sd != nxt) | (iota == 15)
            csum = plsc.cumsum(svals)
            endpos = jnp.where(m_end, iota, -1)
            cm = plsc.cummax(endpos)
            p = cm.at[jnp.maximum(iota - 1, 0)].get(mode="promise_in_bounds")
            p = jnp.where(iota == 0, -1, p)
            cprev = csum.at[jnp.maximum(p, 0)].get(mode="promise_in_bounds")
            runsum = csum - jnp.where(p < 0, 0.0, cprev)
            plsc.addupdate_scatter(accv, [sd], runsum, mask=m_end)
            return carry

        lax.fori_loop(0, NV, estep, 0)

        pltpu.sync_copy(accv, shared.at[s])
        plsc.subcore_barrier()

        r0 = s * PSTRIPE
        pltpu.sync_copy(shared.at[:, pl.ds(r0, PSTRIPE)], redbuf)

        def rstep(i, carry):
            v = redbuf[0, pl.ds(i * 16, 16)]
            for r in range(1, NS):
                v = v + redbuf[r, pl.ds(i * 16, 16)]
            res[pl.ds(i * 16, 16)] = v
            return carry

        lax.fori_loop(0, PSTRIPE // 16, rstep, 0)
        pltpu.sync_copy(res, out.at[c, pl.ds(r0, PSTRIPE)])

    return colagg


def _sc_agg128(*args):
    return _make_sc_agg(F)(*args)


def _sc_colagg(*args):
    return _make_sc_colagg()(*args)



_BR = 400
_GRID = N // _BR


def _tc1_body(x_ref, w_ref, deg_ref, hs_ref, dinv_ref):
    deg = deg_ref[:, 0:1] + deg_ref[:, 1:2]
    dinv = lax.rsqrt(deg)
    dinv_ref[...] = dinv
    h = jnp.dot(x_ref[...], w_ref[...], preferred_element_type=jnp.float32)
    hs_ref[...] = h * dinv


def _tc1(x, W1, degp):
    return pl.pallas_call(
        _tc1_body,
        grid=(_GRID,),
        in_specs=[
            pl.BlockSpec((_BR, F), lambda i: (i, 0)),
            pl.BlockSpec((F, F), lambda i: (0, 0)),
            pl.BlockSpec((_BR, 2), lambda i: (i, 0)),
        ],
        out_specs=[
            pl.BlockSpec((_BR, F), lambda i: (i, 0)),
            pl.BlockSpec((_BR, 1), lambda i: (i, 0)),
        ],
        out_shape=[
            jax.ShapeDtypeStruct((N, F), jnp.float32),
            jax.ShapeDtypeStruct((N, 1), jnp.float32),
        ],
    )(x, W1, degp)


def _tc_mid_body(agg_ref, dinv_ref, b_ref, w_ref, x_ref, hsn_ref):
    dinv = dinv_ref[...]
    tot = agg_ref[0] + agg_ref[1]
    xo = jnp.maximum(dinv * tot + b_ref[...], 0.0)
    x_ref[...] = xo
    hsn_ref[...] = jnp.dot(xo, w_ref[...], preferred_element_type=jnp.float32) * dinv


def _tc_mid(aggp, dinv, b, Wn):
    return pl.pallas_call(
        _tc_mid_body,
        grid=(_GRID,),
        in_specs=[
            pl.BlockSpec((NC, _BR, F), lambda i: (0, i, 0)),
            pl.BlockSpec((_BR, 1), lambda i: (i, 0)),
            pl.BlockSpec((1, F), lambda i: (0, 0)),
            pl.BlockSpec((F, F), lambda i: (0, 0)),
        ],
        out_specs=[
            pl.BlockSpec((_BR, F), lambda i: (i, 0)),
            pl.BlockSpec((_BR, F), lambda i: (i, 0)),
        ],
        out_shape=[
            jax.ShapeDtypeStruct((N, F), jnp.float32),
            jax.ShapeDtypeStruct((N, F), jnp.float32),
        ],
    )(aggp, dinv, b, Wn)


def _tc4_body(agg_ref, dinv_ref, b_ref, x1_ref, x2_ref, wp_ref,
              x3_ref, hsp_ref):
    dinv = dinv_ref[...]
    tot = agg_ref[0] + agg_ref[1]
    x3 = jnp.maximum(dinv * tot + b_ref[...], 0.0)
    x3_ref[...] = x3
    sp = (jnp.dot(x1_ref[...], wp_ref[0:F, :], preferred_element_type=jnp.float32)
          + jnp.dot(x2_ref[...], wp_ref[F:2 * F, :], preferred_element_type=jnp.float32)
          + jnp.dot(x3, wp_ref[2 * F:3 * F, :], preferred_element_type=jnp.float32))
    hsp_ref[...] = sp * dinv


def _tc4(aggp, dinv, b3, x1, x2, Wp):
    return pl.pallas_call(
        _tc4_body,
        grid=(_GRID,),
        in_specs=[
            pl.BlockSpec((NC, _BR, F), lambda i: (0, i, 0)),
            pl.BlockSpec((_BR, 1), lambda i: (i, 0)),
            pl.BlockSpec((1, F), lambda i: (0, 0)),
            pl.BlockSpec((_BR, F), lambda i: (i, 0)),
            pl.BlockSpec((_BR, F), lambda i: (i, 0)),
            pl.BlockSpec((3 * F, 1), lambda i: (0, 0)),
        ],
        out_specs=[
            pl.BlockSpec((_BR, F), lambda i: (i, 0)),
            pl.BlockSpec((_BR, 1), lambda i: (i, 0)),
        ],
        out_shape=[
            jax.ShapeDtypeStruct((N, F), jnp.float32),
            jax.ShapeDtypeStruct((N, 1), jnp.float32),
        ],
    )(aggp, dinv, b3, x1, x2, Wp)


def _tc5_body(sp_ref, dinv_ref, bp_ref, score_ref):
    tot = sp_ref[:, 0:1] + sp_ref[:, 1:2]
    score_ref[...] = dinv_ref[...] * tot + bp_ref[...]


def _tc5(spagg, dinv, bp):
    return pl.pallas_call(
        _tc5_body,
        out_shape=jax.ShapeDtypeStruct((N, 1), jnp.float32),
    )(spagg, dinv, bp)


def _sortable_u32(x):
    u = lax.bitcast_convert_type(x, jnp.uint32)
    return jnp.where(u >= jnp.uint32(0x80000000), ~u, u | jnp.uint32(0x80000000))


def _tc_final_body(s2d_ref, sc_ref, x1_ref, x2_ref, x3_ref,
                   wl1_ref, bl1_ref, wl2_ref, bl2_ref, wl3_ref, bl3_ref,
                   out_ref):
    keys2d = _sortable_u32(s2d_ref[...])

    def bit_step(i, thr):
        cand = thr | (jnp.uint32(1) << (jnp.uint32(31) - i.astype(jnp.uint32)))
        cnt = jnp.sum((keys2d >= cand).astype(jnp.int32))
        return jnp.where(cnt >= K_TOPK, cand, thr)

    thr = lax.fori_loop(0, 32, bit_step, jnp.uint32(0))

    score = sc_ref[...]
    msk = _sortable_u32(score) >= thr
    w = jnp.tanh(score)

    parts = []
    sums = []
    for xr in (x1_ref, x2_ref, x3_ref):
        xp = xr[...] * w
        parts.append(jnp.max(jnp.where(msk, xp, _NEG), axis=0, keepdims=True))
        sums.append(jnp.sum(jnp.where(msk, xp, 0.0), axis=0, keepdims=True)
                    * (1.0 / K_TOPK))
    parts.extend(sums)

    h = bl1_ref[...]
    for j, part in enumerate(parts):
        h = h + jnp.dot(part, wl1_ref[j * F:(j + 1) * F, :],
                        preferred_element_type=jnp.float32)
    h = jnp.maximum(h, 0.0)
    h2 = jnp.maximum(
        jnp.dot(h, wl2_ref[...], preferred_element_type=jnp.float32)
        + bl2_ref[...], 0.0)
    logits = (jnp.dot(h2, wl3_ref[...], preferred_element_type=jnp.float32)
              + bl3_ref[...])
    mx = jnp.max(logits, axis=1, keepdims=True)
    ls = jnp.log(jnp.sum(jnp.exp(logits - mx), axis=1, keepdims=True))
    out_ref[...] = logits - mx - ls


def _tc_final(score2d, score, x1, x2, x3, Wl1, bl1, Wl2p, bl2p, Wl3p, bl3p):
    return pl.pallas_call(
        _tc_final_body,
        out_shape=jax.ShapeDtypeStruct((1, F), jnp.float32),
    )(score2d, score, x1, x2, x3, Wl1, bl1, Wl2p, bl2p, Wl3p, bl3p)



@jax.jit
def kernel(x, edge_index, batch, W1, b1, W2, b2, W3, b3, Wp, bp,
           Wl1, bl1, Wl2, bl2, Wl3, bl3):
    del batch
    src = edge_index[0]
    dst = edge_index[1]

    z128 = jnp.zeros((STRIPE, F), jnp.float32)
    ones_n = jnp.ones((N,), jnp.float32)

    degp = _sc_colagg(ones_n, src, dst)[:, :N]

    hs1, dinv = _tc1(x, W1, degp.T)
    a1 = _sc_agg128(hs1, src, dst, z128)
    x1, hs2 = _tc_mid(a1, dinv, b1.reshape(1, F), W2)
    a2 = _sc_agg128(hs2, src, dst, z128)
    x2, hs3 = _tc_mid(a2, dinv, b2.reshape(1, F), W3)
    a3 = _sc_agg128(hs3, src, dst, z128)
    x3, hsp = _tc4(a3, dinv, b3.reshape(1, F), x1, x2, Wp)
    sp = _sc_colagg(hsp.reshape(N), src, dst)[:, :N]
    score = _tc5(sp.T, dinv, bp.reshape(1, 1))

    score2d = jnp.pad(score.reshape(N), (0, 80 * 128 - N),
                      constant_values=-jnp.inf).reshape(80, 128)

    Wl2p = jnp.pad(Wl2, ((0, 0), (0, F - Wl2.shape[1])))
    bl2p = jnp.pad(bl2, (0, F - bl2.shape[0])).reshape(1, F)
    Wl3p = jnp.pad(Wl3, ((0, F - Wl3.shape[0]), (0, F - Wl3.shape[1])))
    bl3p = jnp.pad(bl3, (0, F - bl3.shape[0]),
                   constant_values=-1e30).reshape(1, F)

    out = _tc_final(score2d, score, x1, x2, x3, Wl1, bl1.reshape(1, F),
                    Wl2p, bl2p, Wl3p, bl3p)
    return out[:, :NUM_CLASSES]

# --- scband reference (transcript-rebuilt; emitter-appended) ---
"""Pipeline reference for scband-glob-net-60902636257971 (READ-ONLY COPY).

The authoritative reference and input builder live on the scoring server;
editing this copy changes nothing except your own understanding.
"""

import jax, jax.numpy as jnp
import numpy as np
import math

N = 10000
E = 320000
F_IN = 128
NHID = 128
NUM_CLASSES = 10
RATIO = 0.5


def _glorot(key, shape):
    lim = math.sqrt(6.0 / (shape[0] + shape[1]))
    return jax.random.uniform(key, shape, minval=-lim, maxval=lim, dtype=jnp.float32)


def setup_inputs(seed: int = 0):
    key = jax.random.key(seed)
    ks = jax.random.split(key, 12)
    x = jax.random.normal(ks[0], (N, F_IN), dtype=jnp.float32)
    edge_index = jax.random.randint(ks[1], (2, E), 0, N, dtype=jnp.int32)
    batch = jnp.zeros((N,), dtype=jnp.int32)
    params = {
        'W1': _glorot(ks[2], (F_IN, NHID)), 'b1': jnp.zeros((NHID,), jnp.float32),
        'W2': _glorot(ks[3], (NHID, NHID)), 'b2': jnp.zeros((NHID,), jnp.float32),
        'W3': _glorot(ks[4], (NHID, NHID)), 'b3': jnp.zeros((NHID,), jnp.float32),
        'Wp': _glorot(ks[5], (3 * NHID, 1)), 'bp': jnp.zeros((1,), jnp.float32),
        'Wl1': _glorot(ks[6], (6 * NHID, NHID)), 'bl1': jnp.zeros((NHID,), jnp.float32),
        'Wl2': _glorot(ks[7], (NHID, NHID // 2)), 'bl2': jnp.zeros((NHID // 2,), jnp.float32),
        'Wl3': _glorot(ks[8], (NHID // 2, NUM_CLASSES)), 'bl3': jnp.zeros((NUM_CLASSES,), jnp.float32),
    }
    return {'x': x, 'edge_index': edge_index, 'batch': batch, **params}


def _gcn_conv(x, src, dst, W, b, n):
    # PyG GCNConv: linear transform, add self loops, sym-normalized scatter-add aggregation, bias.
    h = x @ W
    loop = jnp.arange(n, dtype=src.dtype)
    s = jnp.concatenate([src, loop])
    d = jnp.concatenate([dst, loop])
    deg = jnp.zeros((n,), jnp.float32).at[d].add(1.0)
    dinv = jnp.where(deg > 0, jax.lax.rsqrt(deg), 0.0)
    norm = dinv[s] * dinv[d]
    msg = h[s] * norm[:, None]
    out = jnp.zeros((n, h.shape[1]), jnp.float32).at[d].add(msg)
    return out + b


def reference(x, edge_index, batch, W1, b1, W2, b2, W3, b3, Wp, bp, Wl1, bl1, Wl2, bl2, Wl3, bl3):
    src, dst = edge_index[0], edge_index[1]
    x1 = jax.nn.relu(_gcn_conv(x, src, dst, W1, b1, N))
    x2 = jax.nn.relu(_gcn_conv(x1, src, dst, W2, b2, N))
    x3 = jax.nn.relu(_gcn_conv(x2, src, dst, W3, b3, N))
    xc = jnp.concatenate([x1, x2, x3], axis=1)
    # gcn_pool (SAGPool-style): GCN scoring then top-k node selection
    score = _gcn_conv(xc, src, dst, Wp, bp, N)[:, 0]
    k = int(math.ceil(RATIO * N))
    topv, perm = jax.lax.top_k(score, k)
    xp = xc[perm] * jnp.tanh(topv)[:, None]
    bperm = batch[perm]
    num_graphs = 1
    xmax = jax.ops.segment_max(xp, bperm, num_segments=num_graphs)
    xsum = jax.ops.segment_sum(xp, bperm, num_segments=num_graphs)
    cnt = jax.ops.segment_sum(jnp.ones((k,), jnp.float32), bperm, num_segments=num_graphs)
    xmean = xsum / jnp.maximum(cnt, 1.0)[:, None]
    xg = jnp.concatenate([xmax, xmean], axis=1)
    h = jax.nn.relu(xg @ Wl1 + bl1)
    # dropout: identity in deterministic/eval reference
    h = jax.nn.relu(h @ Wl2 + bl2)
    logits = h @ Wl3 + bl3
    return jax.nn.log_softmax(logits, axis=-1)

if __name__ == "__main__":
    import jax
    _d = setup_inputs()
    print(jax.jit(kernel)(*tuple(_d.values())))

</pallas_src>

<mosaic_0001>
#map = affine_map<(d0, d1) -> (0, 0)>
#map1 = affine_map<(d0, d1) -> (0)>
#map2 = affine_map<(d0, d1) -> (0, 0, 0)>
module attributes {stable_mosaic.version = 14 : i64} {
  func.func @agg(%arg0: i32, %arg1: i32, %arg2: memref<10000x128xf32, #tpu.memory_space<hbm>>, %arg3: memref<320000xi32, #tpu.memory_space<hbm>>, %arg4: memref<320000xi32, #tpu.memory_space<hbm>>, %arg5: memref<640x128xf32, #tpu.memory_space<hbm>>, %arg6: memref<2x10000x128xf32, #tpu.memory_space<hbm>>, %arg7: memref<10000x128xf32, #tpu.memory_space<vmem_shared>>, %arg8: memref<10000xi32, #tpu.memory_space<vmem>>, %arg9: memref<64xi32, #tpu.memory_space<vmem>>, %arg10: memref<64xi32, #tpu.memory_space<vmem>>, %arg11: memref<64xi32, #tpu.memory_space<vmem>>, %arg12: memref<64xi32, #tpu.memory_space<vmem>>, %arg13: memref<64x128xf32, #tpu.memory_space<vmem>>, %arg14: memref<64x128xf32, #tpu.memory_space<vmem>>, %arg15: memref<64x128xf32, #tpu.memory_space<vmem>>, %arg16: memref<64x128xf32, #tpu.memory_space<vmem>>, %arg17: memref<16xi32, #tpu.memory_space<vmem>>, %arg18: memref<16xi32, #tpu.memory_space<vmem>>, %arg19: memref<16x128xf32, #tpu.memory_space<vmem>>, %arg20: memref<!tpu.dma_semaphore, #tpu.memory_space<semaphore_mem>>, %arg21: memref<!tpu.dma_semaphore, #tpu.memory_space<semaphore_mem>>, %arg22: memref<!tpu.dma_semaphore, #tpu.memory_space<semaphore_mem>>, %arg23: memref<!tpu.dma_semaphore, #tpu.memory_space<semaphore_mem>>, %arg24: memref<!tpu.dma_semaphore, #tpu.memory_space<semaphore_mem>>, %arg25: memref<!tpu.dma_semaphore, #tpu.memory_space<semaphore_mem>>, %arg26: memref<!tpu.dma_semaphore, #tpu.memory_space<semaphore_mem>>, %arg27: memref<!tpu.dma_semaphore, #tpu.memory_space<semaphore_mem>>) attributes {dimension_semantics = [#tpu.dimension_semantics<core_parallel>, #tpu.dimension_semantics<subcore_parallel>], iteration_bounds = array<i64: 2, 16>, scalar_prefetch = 0 : i64, scratch_operands = 21 : i64, tpu.core_type = #tpu.core_type<sc_vector_subcore>, window_params = [{transform_indices = #map}, {transform_indices = #map1}, {transform_indices = #map1}, {transform_indices = #map}, {transform_indices = #map2}]} {
    %eq3A = arith.constant 0 : i32
    %eq3A_0 = arith.cmpi eq, %arg0, %eq3A : i32
    %convert_element_type3A = arith.extui %eq3A_0 : i1 to i32
    %cond3A = arith.constant 0 : i32
    %cond3A_1 = arith.cmpi ne, %convert_element_type3A, %cond3A : i32
    scf.if %cond3A_1 {
      %lt3A_67 = arith.constant 15 : i32
      %lt3A_68 = arith.cmpi slt, %arg1, %lt3A_67 : i32
      %convert_element_type3A_69 = arith.extui %lt3A_68 : i1 to i32
      %cond3A_70 = arith.constant 0 : i32
      %cond3A_71 = arith.cmpi ne, %convert_element_type3A_69, %cond3A_70 : i32
      scf.if %cond3A_71 {
        %mul3A_77 = arith.constant 640 : i32
        %mul3A_78 = arith.muli %arg1, %mul3A_77 : i32
        %mul3A_79 = arith.constant 640 : i32
        %mul3A_80 = arith.muli %arg1, %mul3A_79 : i32
        "tpu.region"() ({
          %run_scoped3A = tpu.sem_alloc : memref<!tpu.dma_semaphore, #tpu.memory_space<semaphore_mem>>
          %dma_start3A_81 = arith.constant 0 : i32
          %dma_start3A_82 = tpu.memref_slice %arg7[%mul3A_80, %dma_start3A_81] : memref<10000x128xf32, #tpu.memory_space<vmem_shared>> -> memref<640x128xf32, #tpu.memory_space<vmem_shared>>
          %dma_start3A_83 = arith.constant 0 : i32
          %dma_start3A_84 = tpu.memref_slice %arg2[%mul3A_78, %dma_start3A_83] : memref<10000x128xf32, #tpu.memory_space<hbm>> -> memref<640x128xf32, #tpu.memory_space<hbm>>
          tpu.enqueue_dma source(%dma_start3A_84 : memref<640x128xf32, #tpu.memory_space<hbm>>) target(%dma_start3A_82 : memref<640x128xf32, #tpu.memory_space<vmem_shared>>) target_semaphore(%run_scoped3A : memref<!tpu.dma_semaphore, #tpu.memory_space<semaphore_mem>>)
          %dma_wait3A_85 = arith.constant 0 : i32
          %dma_wait3A_86 = tpu.memref_slice %arg7[%mul3A_80, %dma_wait3A_85] : memref<10000x128xf32, #tpu.memory_space<vmem_shared>> -> memref<640x128xf32, #tpu.memory_space<vmem_shared>>
          %dma_wait3A_87 = arith.constant 0 : i32
          %dma_wait3A_88 = tpu.memref_slice %arg2[%mul3A_78, %dma_wait3A_87] : memref<10000x128xf32, #tpu.memory_space<hbm>> -> memref<640x128xf32, #tpu.memory_space<hbm>>
          tpu.wait_dma2 semaphore(%run_scoped3A : memref<!tpu.dma_semaphore, #tpu.memory_space<semaphore_mem>>) src(%dma_wait3A_88 : memref<640x128xf32, #tpu.memory_space<hbm>>) dst(%dma_wait3A_86 : memref<640x128xf32, #tpu.memory_space<vmem_shared>>)
          tpu.yield
        }) : () -> ()
      } else {
      }
      %eq3A_72 = arith.constant 15 : i32
      %eq3A_73 = arith.cmpi eq, %arg1, %eq3A_72 : i32
      %convert_element_type3A_74 = arith.extui %eq3A_73 : i1 to i32
      %cond3A_75 = arith.constant 0 : i32
      %cond3A_76 = arith.cmpi ne, %convert_element_type3A_74, %cond3A_75 : i32
      scf.if %cond3A_76 {
        "tpu.region"() ({
          %run_scoped3A = tpu.sem_alloc : memref<!tpu.dma_semaphore, #tpu.memory_space<semaphore_mem>>
          %dma_start3A_77 = arith.constant 9600 : i32
          %dma_start3A_78 = arith.constant 0 : i32
          %dma_start3A_79 = tpu.memref_slice %arg7[%dma_start3A_77, %dma_start3A_78] : memref<10000x128xf32, #tpu.memory_space<vmem_shared>> -> memref<400x128xf32, #tpu.memory_space<vmem_shared>>
          %dma_start3A_80 = arith.constant 9600 : i32
          %dma_start3A_81 = arith.constant 0 : i32
          %dma_start3A_82 = tpu.memref_slice %arg2[%dma_start3A_80, %dma_start3A_81] : memref<10000x128xf32, #tpu.memory_space<hbm>> -> memref<400x128xf32, #tpu.memory_space<hbm>>
          tpu.enqueue_dma source(%dma_start3A_82 : memref<400x128xf32, #tpu.memory_space<hbm>>) target(%dma_start3A_79 : memref<400x128xf32, #tpu.memory_space<vmem_shared>>) target_semaphore(%run_scoped3A : memref<!tpu.dma_semaphore, #tpu.memory_space<semaphore_mem>>)
          %dma_wait3A_83 = arith.constant 9600 : i32
          %dma_wait3A_84 = arith.constant 0 : i32
          %dma_wait3A_85 = tpu.memref_slice %arg7[%dma_wait3A_83, %dma_wait3A_84] : memref<10000x128xf32, #tpu.memory_space<vmem_shared>> -> memref<400x128xf32, #tpu.memory_space<vmem_shared>>
          %dma_wait3A_86 = arith.constant 9600 : i32
          %dma_wait3A_87 = arith.constant 0 : i32
          %dma_wait3A_88 = tpu.memref_slice %arg2[%dma_wait3A_86, %dma_wait3A_87] : memref<10000x128xf32, #tpu.memory_space<hbm>> -> memref<400x128xf32, #tpu.memory_space<hbm>>
          tpu.wait_dma2 semaphore(%run_scoped3A : memref<!tpu.dma_semaphore, #tpu.memory_space<semaphore_mem>>) src(%dma_wait3A_88 : memref<400x128xf32, #tpu.memory_space<hbm>>) dst(%dma_wait3A_85 : memref<400x128xf32, #tpu.memory_space<vmem_shared>>)
          tpu.yield
        }) : () -> ()
      } else {
      }
    } else {
    }
    %eq3A_2 = arith.constant 1 : i32
    %eq3A_3 = arith.cmpi eq, %arg0, %eq3A_2 : i32
    %convert_element_type3A_4 = arith.extui %eq3A_3 : i1 to i32
    %cond3A_5 = arith.constant 0 : i32
    %cond3A_6 = arith.cmpi ne, %convert_element_type3A_4, %cond3A_5 : i32
    scf.if %cond3A_6 {
      %lt3A_67 = arith.constant 15 : i32
      %lt3A_68 = arith.cmpi slt, %arg1, %lt3A_67 : i32
      %convert_element_type3A_69 = arith.extui %lt3A_68 : i1 to i32
      %cond3A_70 = arith.constant 0 : i32
      %cond3A_71 = arith.cmpi ne, %convert_element_type3A_69, %cond3A_70 : i32
      scf.if %cond3A_71 {
        %mul3A_77 = arith.constant 640 : i32
        %mul3A_78 = arith.muli %arg1, %mul3A_77 : i32
        "tpu.region"() ({
          %run_scoped3A = tpu.sem_alloc : memref<!tpu.dma_semaphore, #tpu.memory_space<semaphore_mem>>
          %dma_start3A_79 = arith.constant 0 : i32
          %dma_start3A_80 = tpu.memref_slice %arg7[%mul3A_78, %dma_start3A_79] : memref<10000x128xf32, #tpu.memory_space<vmem_shared>> -> memref<640x128xf32, #tpu.memory_space<vmem_shared>>
          %dma_start3A_81 = arith.constant 0 : i32
          %dma_start3A_82 = arith.constant 0 : i32
          %dma_start3A_83 = tpu.memref_slice %arg5[%dma_start3A_81, %dma_start3A_82] : memref<640x128xf32, #tpu.memory_space<hbm>> -> memref<640x128xf32, #tpu.memory_space<hbm>>
          tpu.enqueue_dma source(%dma_start3A_83 : memref<640x128xf32, #tpu.memory_space<hbm>>) target(%dma_start3A_80 : memref<640x128xf32, #tpu.memory_space<vmem_shared>>) target_semaphore(%run_scoped3A : memref<!tpu.dma_semaphore, #tpu.memory_space<semaphore_mem>>)
          %dma_wait3A_84 = arith.constant 0 : i32
          %dma_wait3A_85 = tpu.memref_slice %arg7[%mul3A_78, %dma_wait3A_84] : memref<10000x128xf32, #tpu.memory_space<vmem_shared>> -> memref<640x128xf32, #tpu.memory_space<vmem_shared>>
          %dma_wait3A_86 = arith.constant 0 : i32
          %dma_wait3A_87 = arith.constant 0 : i32
          %dma_wait3A_88 = tpu.memref_slice %arg5[%dma_wait3A_86, %dma_wait3A_87] : memref<640x128xf32, #tpu.memory_space<hbm>> -> memref<640x128xf32, #tpu.memory_space<hbm>>
          tpu.wait_dma2 semaphore(%run_scoped3A : memref<!tpu.dma_semaphore, #tpu.memory_space<semaphore_mem>>) src(%dma_wait3A_88 : memref<640x128xf32, #tpu.memory_space<hbm>>) dst(%dma_wait3A_85 : memref<640x128xf32, #tpu.memory_space<vmem_shared>>)
          tpu.yield
        }) : () -> ()
      } else {
      }
      %eq3A_72 = arith.constant 15 : i32
      %eq3A_73 = arith.cmpi eq, %arg1, %eq3A_72 : i32
      %convert_element_type3A_74 = arith.extui %eq3A_73 : i1 to i32
      %cond3A_75 = arith.constant 0 : i32
      %cond3A_76 = arith.cmpi ne, %convert_element_type3A_74, %cond3A_75 : i32
      scf.if %cond3A_76 {
        "tpu.region"() ({
          %run_scoped3A = tpu.sem_alloc : memref<!tpu.dma_semaphore, #tpu.memory_space<semaphore_mem>>
          %dma_start3A_77 = arith.constant 9600 : i32
          %dma_start3A_78 = arith.constant 0 : i32
          %dma_start3A_79 = tpu.memref_slice %arg7[%dma_start3A_77, %dma_start3A_78] : memref<10000x128xf32, #tpu.memory_space<vmem_shared>> -> memref<400x128xf32, #tpu.memory_space<vmem_shared>>
          %dma_start3A_80 = arith.constant 0 : i32
          %dma_start3A_81 = arith.constant 0 : i32
          %dma_start3A_82 = tpu.memref_slice %arg5[%dma_start3A_80, %dma_start3A_81] : memref<640x128xf32, #tpu.memory_space<hbm>> -> memref<400x128xf32, #tpu.memory_space<hbm>>
          tpu.enqueue_dma source(%dma_start3A_82 : memref<400x128xf32, #tpu.memory_space<hbm>>) target(%dma_start3A_79 : memref<400x128xf32, #tpu.memory_space<vmem_shared>>) target_semaphore(%run_scoped3A : memref<!tpu.dma_semaphore, #tpu.memory_space<semaphore_mem>>)
          %dma_wait3A_83 = arith.constant 9600 : i32
          %dma_wait3A_84 = arith.constant 0 : i32
          %dma_wait3A_85 = tpu.memref_slice %arg7[%dma_wait3A_83, %dma_wait3A_84] : memref<10000x128xf32, #tpu.memory_space<vmem_shared>> -> memref<400x128xf32, #tpu.memory_space<vmem_shared>>
          %dma_wait3A_86 = arith.constant 0 : i32
          %dma_wait3A_87 = arith.constant 0 : i32
          %dma_wait3A_88 = tpu.memref_slice %arg5[%dma_wait3A_86, %dma_wait3A_87] : memref<640x128xf32, #tpu.memory_space<hbm>> -> memref<400x128xf32, #tpu.memory_space<hbm>>
          tpu.wait_dma2 semaphore(%run_scoped3A : memref<!tpu.dma_semaphore, #tpu.memory_space<semaphore_mem>>) src(%dma_wait3A_88 : memref<400x128xf32, #tpu.memory_space<hbm>>) dst(%dma_wait3A_85 : memref<400x128xf32, #tpu.memory_space<vmem_shared>>)
          tpu.yield
        }) : () -> ()
      } else {
      }
    } else {
    }
    %mul3A = arith.constant 16 : i32
    %mul3A_7 = arith.muli %arg0, %mul3A : i32
    %add3A = arith.addi %mul3A_7, %arg1 : i32
    %mul3A_8 = arith.constant 10000 : i32
    %mul3A_9 = arith.muli %add3A, %mul3A_8 : i32
    "tpu.region"() ({
      %run_scoped3A = tpu.sem_alloc : memref<!tpu.dma_semaphore, #tpu.memory_space<semaphore_mem>>
      %dma_start3A_67 = tpu.memref_slice %arg3[%mul3A_9] : memref<320000xi32, #tpu.memory_space<hbm>> -> memref<10000xi32, #tpu.memory_space<hbm>>
      %dma_start3A_68 = tpu.memref_slice %arg3[%mul3A_9] : memref<320000xi32, #tpu.memory_space<hbm>> -> memref<10000xi32, #tpu.memory_space<hbm>>
      tpu.enqueue_dma source(%dma_start3A_68 : memref<10000xi32, #tpu.memory_space<hbm>>) target(%arg8 : memref<10000xi32, #tpu.memory_space<vmem>>) target_semaphore(%run_scoped3A : memref<!tpu.dma_semaphore, #tpu.memory_space<semaphore_mem>>)
      %dma_wait3A_69 = tpu.memref_slice %arg3[%mul3A_9] : memref<320000xi32, #tpu.memory_space<hbm>> -> memref<10000xi32, #tpu.memory_space<hbm>>
      %dma_wait3A_70 = tpu.memref_slice %arg3[%mul3A_9] : memref<320000xi32, #tpu.memory_space<hbm>> -> memref<10000xi32, #tpu.memory_space<hbm>>
      tpu.wait_dma2 semaphore(%run_scoped3A : memref<!tpu.dma_semaphore, #tpu.memory_space<semaphore_mem>>) src(%dma_wait3A_70 : memref<10000xi32, #tpu.memory_space<hbm>>) dst(%arg8 : memref<10000xi32, #tpu.memory_space<vmem>>)
      tpu.yield
    }) : () -> ()
    %barrier3A = arith.constant 0 : index
    tpu.barrier barrier_id(%barrier3A)
    %add3A_10 = arith.constant 0 : i32
    %add3A_11 = arith.addi %mul3A_9, %add3A_10 : i32
    %dma_start3A = tpu.memref_slice %arg4[%add3A_11] : memref<320000xi32, #tpu.memory_space<hbm>> -> memref<64xi32, #tpu.memory_space<hbm>>
    %dma_start3A_12 = tpu.memref_slice %arg4[%add3A_11] : memref<320000xi32, #tpu.memory_space<hbm>> -> memref<64xi32, #tpu.memory_space<hbm>>
    tpu.enqueue_dma source(%dma_start3A_12 : memref<64xi32, #tpu.memory_space<hbm>>) target(%arg9 : memref<64xi32, #tpu.memory_space<vmem>>) target_semaphore(%arg20 : memref<!tpu.dma_semaphore, #tpu.memory_space<semaphore_mem>>)
    %dma_start3A_13 = arith.constant 0 : i32
    %dma_start3A_14 = tpu.memref_slice %arg8[%dma_start3A_13] : memref<10000xi32, #tpu.memory_space<vmem>> -> memref<64xi32, #tpu.memory_space<vmem>>
    %dma_start3A_15 = arith.constant 0 : i32
    %dma_start3A_16 = arith.constant 0 : i32
    %dma_start3A_17 = tpu.memref_slice %arg2[%dma_start3A_15, %dma_start3A_16] : memref<10000x128xf32, #tpu.memory_space<hbm>> -> memref<10000x128xf32, #tpu.memory_space<hbm>>
    tpu.enqueue_indirect_dma source(%dma_start3A_17 : memref<10000x128xf32, #tpu.memory_space<hbm>>) target(%arg13 : memref<64x128xf32, #tpu.memory_space<vmem>>) offsets(%dma_start3A_14 : memref<64xi32, #tpu.memory_space<vmem>>) semaphore(%arg24 : memref<!tpu.dma_semaphore, #tpu.memory_space<semaphore_mem>>)
    %add3A_18 = arith.constant 64 : i32
    %add3A_19 = arith.addi %mul3A_9, %add3A_18 : i32
    %dma_start3A_20 = tpu.memref_slice %arg4[%add3A_19] : memref<320000xi32, #tpu.memory_space<hbm>> -> memref<64xi32, #tpu.memory_space<hbm>>
    %dma_start3A_21 = tpu.memref_slice %arg4[%add3A_19] : memref<320000xi32, #tpu.memory_space<hbm>> -> memref<64xi32, #tpu.memory_space<hbm>>
    tpu.enqueue_dma source(%dma_start3A_21 : memref<64xi32, #tpu.memory_space<hbm>>) target(%arg10 : memref<64xi32, #tpu.memory_space<vmem>>) target_semaphore(%arg21 : memref<!tpu.dma_semaphore, #tpu.memory_space<semaphore_mem>>)
    %dma_start3A_22 = arith.constant 64 : i32
    %dma_start3A_23 = tpu.memref_slice %arg8[%dma_start3A_22] : memref<10000xi32, #tpu.memory_space<vmem>> -> memref<64xi32, #tpu.memory_space<vmem>>
    %dma_start3A_24 = arith.constant 0 : i32
    %dma_start3A_25 = arith.constant 0 : i32
    %dma_start3A_26 = tpu.memref_slice %arg2[%dma_start3A_24, %dma_start3A_25] : memref<10000x128xf32, #tpu.memory_space<hbm>> -> memref<10000x128xf32, #tpu.memory_space<hbm>>
    tpu.enqueue_indirect_dma source(%dma_start3A_26 : memref<10000x128xf32, #tpu.memory_space<hbm>>) target(%arg14 : memref<64x128xf32, #tpu.memory_space<vmem>>) offsets(%dma_start3A_23 : memref<64xi32, #tpu.memory_space<vmem>>) semaphore(%arg25 : memref<!tpu.dma_semaphore, #tpu.memory_space<semaphore_mem>>)
    %add3A_27 = arith.constant 128 : i32
    %add3A_28 = arith.addi %mul3A_9, %add3A_27 : i32
    %dma_start3A_29 = tpu.memref_slice %arg4[%add3A_28] : memref<320000xi32, #tpu.memory_space<hbm>> -> memref<64xi32, #tpu.memory_space<hbm>>
    %dma_start3A_30 = tpu.memref_slice %arg4[%add3A_28] : memref<320000xi32, #tpu.memory_space<hbm>> -> memref<64xi32, #tpu.memory_space<hbm>>
    tpu.enqueue_dma source(%dma_start3A_30 : memref<64xi32, #tpu.memory_space<hbm>>) target(%arg11 : memref<64xi32, #tpu.memory_space<vmem>>) target_semaphore(%arg22 : memref<!tpu.dma_semaphore, #tpu.memory_space<semaphore_mem>>)
    %dma_start3A_31 = arith.constant 128 : i32
    %dma_start3A_32 = tpu.memref_slice %arg8[%dma_start3A_31] : memref<10000xi32, #tpu.memory_space<vmem>> -> memref<64xi32, #tpu.memory_space<vmem>>
    %dma_start3A_33 = arith.constant 0 : i32
    %dma_start3A_34 = arith.constant 0 : i32
    %dma_start3A_35 = tpu.memref_slice %arg2[%dma_start3A_33, %dma_start3A_34] : memref<10000x128xf32, #tpu.memory_space<hbm>> -> memref<10000x128xf32, #tpu.memory_space<hbm>>
    tpu.enqueue_indirect_dma source(%dma_start3A_35 : memref<10000x128xf32, #tpu.memory_space<hbm>>) target(%arg15 : memref<64x128xf32, #tpu.memory_space<vmem>>) offsets(%dma_start3A_32 : memref<64xi32, #tpu.memory_space<vmem>>) semaphore(%arg26 : memref<!tpu.dma_semaphore, #tpu.memory_space<semaphore_mem>>)
    %add3A_36 = arith.constant 192 : i32
    %add3A_37 = arith.addi %mul3A_9, %add3A_36 : i32
    %dma_start3A_38 = tpu.memref_slice %arg4[%add3A_37] : memref<320000xi32, #tpu.memory_space<hbm>> -> memref<64xi32, #tpu.memory_space<hbm>>
    %dma_start3A_39 = tpu.memref_slice %arg4[%add3A_37] : memref<320000xi32, #tpu.memory_space<hbm>> -> memref<64xi32, #tpu.memory_space<hbm>>
    tpu.enqueue_dma source(%dma_start3A_39 : memref<64xi32, #tpu.memory_space<hbm>>) target(%arg12 : memref<64xi32, #tpu.memory_space<vmem>>) target_semaphore(%arg23 : memref<!tpu.dma_semaphore, #tpu.memory_space<semaphore_mem>>)
    %dma_start3A_40 = arith.constant 192 : i32
    %dma_start3A_41 = tpu.memref_slice %arg8[%dma_start3A_40] : memref<10000xi32, #tpu.memory_space<vmem>> -> memref<64xi32, #tpu.memory_space<vmem>>
    %dma_start3A_42 = arith.constant 0 : i32
    %dma_start3A_43 = arith.constant 0 : i32
    %dma_start3A_44 = tpu.memref_slice %arg2[%dma_start3A_42, %dma_start3A_43] : memref<10000x128xf32, #tpu.memory_space<hbm>> -> memref<10000x128xf32, #tpu.memory_space<hbm>>
    tpu.enqueue_indirect_dma source(%dma_start3A_44 : memref<10000x128xf32, #tpu.memory_space<hbm>>) target(%arg16 : memref<64x128xf32, #tpu.memory_space<vmem>>) offsets(%dma_start3A_41 : memref<64xi32, #tpu.memory_space<vmem>>) semaphore(%arg27 : memref<!tpu.dma_semaphore, #tpu.memory_space<semaphore_mem>>)
    %scan3A = arith.constant 0 : i32
    %scan3A_45 = arith.constant 0 : i32
    %scan3A_46 = arith.constant 39 : i32
    %scan3A_47 = arith.addi %scan3A_45, %scan3A_46 : i32
    %scan3A_48 = arith.constant 1 : i32
    scf.for %scan3A_67 = %scan3A_45 to %scan3A_47 step %scan3A_48  : i32 {
      %mul3A_68 = arith.constant 4 : i32
      %mul3A_69 = arith.muli %mul3A_68, %scan3A_67 : i32
      %add3A_70 = arith.constant 0 : i32
      %add3A_71 = arith.addi %mul3A_69, %add3A_70 : i32
      %mul3A_72 = arith.constant 64 : i32
      %mul3A_73 = arith.muli %add3A_71, %mul3A_72 : i32
      %add3A_74 = arith.addi %mul3A_9, %mul3A_73 : i32
      %dma_wait3A_75 = tpu.memref_slice %arg4[%add3A_74] : memref<320000xi32, #tpu.memory_space<hbm>> -> memref<64xi32, #tpu.memory_space<hbm>>
      %dma_wait3A_76 = tpu.memref_slice %arg4[%add3A_74] : memref<320000xi32, #tpu.memory_space<hbm>> -> memref<64xi32, #tpu.memory_space<hbm>>
      tpu.wait_dma2 semaphore(%arg20 : memref<!tpu.dma_semaphore, #tpu.memory_space<semaphore_mem>>) src(%dma_wait3A_76 : memref<64xi32, #tpu.memory_space<hbm>>) dst(%arg9 : memref<64xi32, #tpu.memory_space<vmem>>)
      %mul3A_77 = arith.constant 64 : i32
      %mul3A_78 = arith.muli %add3A_71, %mul3A_77 : i32
      %dma_wait3A_79 = tpu.memref_slice %arg8[%mul3A_78] : memref<10000xi32, #tpu.memory_space<vmem>> -> memref<64xi32, #tpu.memory_space<vmem>>
      %dma_wait3A_80 = arith.constant 0 : i32
      %dma_wait3A_81 = arith.constant 0 : i32
      %dma_wait3A_82 = tpu.memref_slice %arg2[%dma_wait3A_80, %dma_wait3A_81] : memref<10000x128xf32, #tpu.memory_space<hbm>> -> memref<10000x128xf32, #tpu.memory_space<hbm>>
      tpu.wait_indirect_dma semaphore(%arg24 : memref<!tpu.dma_semaphore, #tpu.memory_space<semaphore_mem>>) src(%dma_wait3A_82 : memref<10000x128xf32, #tpu.memory_space<hbm>>) dst(%arg13 : memref<64x128xf32, #tpu.memory_space<vmem>>)
      "tpu.region"() ({
        %run_scoped3A = tpu.sem_alloc : memref<!tpu.dma_semaphore, #tpu.memory_space<semaphore_mem>>
        %dma_start3A_156 = arith.constant 0 : i32
        %dma_start3A_157 = arith.constant 0 : i32
        %dma_start3A_158 = tpu.memref_slice %arg7[%dma_start3A_156, %dma_start3A_157] : memref<10000x128xf32, #tpu.memory_space<vmem_shared>> -> memref<10000x128xf32, #tpu.memory_space<vmem_shared>>
        tpu.enqueue_indirect_dma source(%arg13 : memref<64x128xf32, #tpu.memory_space<vmem>>) target(%dma_start3A_158 : memref<10000x128xf32, #tpu.memory_space<vmem_shared>>) offsets(%arg9 : memref<64xi32, #tpu.memory_space<vmem>>) semaphore(%run_scoped3A : memref<!tpu.dma_semaphore, #tpu.memory_space<semaphore_mem>>) {add = true}
        %dma_wait3A_159 = arith.constant 0 : i32
        %dma_wait3A_160 = arith.constant 0 : i32
        %dma_wait3A_161 = tpu.memref_slice %arg7[%dma_wait3A_159, %dma_wait3A_160] : memref<10000x128xf32, #tpu.memory_space<vmem_shared>> -> memref<10000x128xf32, #tpu.memory_space<vmem_shared>>
        tpu.wait_indirect_dma semaphore(%run_scoped3A : memref<!tpu.dma_semaphore, #tpu.memory_space<semaphore_mem>>) src(%arg13 : memref<64x128xf32, #tpu.memory_space<vmem>>) dst(%dma_wait3A_161 : memref<10000x128xf32, #tpu.memory_space<vmem_shared>>)
        tpu.yield
      }) : () -> ()
      %add3A_83 = arith.constant 4 : i32
      %add3A_84 = arith.addi %add3A_71, %add3A_83 : i32
      %lt3A_85 = arith.constant 156 : i32
      %lt3A_86 = arith.cmpi slt, %add3A_84, %lt3A_85 : i32
      %convert_element_type3A_87 = arith.extui %lt3A_86 : i1 to i32
      %cond3A_88 = arith.constant 0 : i32
      %cond3A_89 = arith.cmpi ne, %convert_element_type3A_87, %cond3A_88 : i32
      scf.if %cond3A_89 {
        %add3A_156 = arith.constant 4 : i32
        %add3A_157 = arith.addi %add3A_71, %add3A_156 : i32
        %mul3A_158 = arith.constant 64 : i32
        %mul3A_159 = arith.muli %add3A_157, %mul3A_158 : i32
        %add3A_160 = arith.addi %mul3A_9, %mul3A_159 : i32
        %dma_start3A_161 = tpu.memref_slice %arg4[%add3A_160] : memref<320000xi32, #tpu.memory_space<hbm>> -> memref<64xi32, #tpu.memory_space<hbm>>
        %dma_start3A_162 = tpu.memref_slice %arg4[%add3A_160] : memref<320000xi32, #tpu.memory_space<hbm>> -> memref<64xi32, #tpu.memory_space<hbm>>
        tpu.enqueue_dma source(%dma_start3A_162 : memref<64xi32, #tpu.memory_space<hbm>>) target(%arg9 : memref<64xi32, #tpu.memory_space<vmem>>) target_semaphore(%arg20 : memref<!tpu.dma_semaphore, #tpu.memory_space<semaphore_mem>>)
        %mul3A_163 = arith.constant 64 : i32
        %mul3A_164 = arith.muli %add3A_157, %mul3A_163 : i32
        %dma_start3A_165 = tpu.memref_slice %arg8[%mul3A_164] : memref<10000xi32, #tpu.memory_space<vmem>> -> memref<64xi32, #tpu.memory_space<vmem>>
        %dma_start3A_166 = arith.constant 0 : i32
        %dma_start3A_167 = arith.constant 0 : i32
        %dma_start3A_168 = tpu.memref_slice %arg2[%dma_start3A_166, %dma_start3A_167] : memref<10000x128xf32, #tpu.memory_space<hbm>> -> memref<10000x128xf32, #tpu.memory_space<hbm>>
        tpu.enqueue_indirect_dma source(%dma_start3A_168 : memref<10000x128xf32, #tpu.memory_space<hbm>>) target(%arg13 : memref<64x128xf32, #tpu.memory_space<vmem>>) offsets(%dma_start3A_165 : memref<64xi32, #tpu.memory_space<vmem>>) semaphore(%arg24 : memref<!tpu.dma_semaphore, #tpu.memory_space<semaphore_mem>>)
      } else {
      }
      %mul3A_90 = arith.constant 4 : i32
      %mul3A_91 = arith.muli %mul3A_90, %scan3A_67 : i32
      %add3A_92 = arith.constant 1 : i32
      %add3A_93 = arith.addi %mul3A_91, %add3A_92 : i32
      %mul3A_94 = arith.constant 64 : i32
      %mul3A_95 = arith.muli %add3A_93, %mul3A_94 : i32
      %add3A_96 = arith.addi %mul3A_9, %mul3A_95 : i32
      %dma_wait3A_97 = tpu.memref_slice %arg4[%add3A_96] : memref<320000xi32, #tpu.memory_space<hbm>> -> memref<64xi32, #tpu.memory_space<hbm>>
      %dma_wait3A_98 = tpu.memref_slice %arg4[%add3A_96] : memref<320000xi32, #tpu.memory_space<hbm>> -> memref<64xi32, #tpu.memory_space<hbm>>
      tpu.wait_dma2 semaphore(%arg21 : memref<!tpu.dma_semaphore, #tpu.memory_space<semaphore_mem>>) src(%dma_wait3A_98 : memref<64xi32, #tpu.memory_space<hbm>>) dst(%arg10 : memref<64xi32, #tpu.memory_space<vmem>>)
      %mul3A_99 = arith.constant 64 : i32
      %mul3A_100 = arith.muli %add3A_93, %mul3A_99 : i32
      %dma_wait3A_101 = tpu.memref_slice %arg8[%mul3A_100] : memref<10000xi32, #tpu.memory_space<vmem>> -> memref<64xi32, #tpu.memory_space<vmem>>
      %dma_wait3A_102 = arith.constant 0 : i32
      %dma_wait3A_103 = arith.constant 0 : i32
      %dma_wait3A_104 = tpu.memref_slice %arg2[%dma_wait3A_102, %dma_wait3A_103] : memref<10000x128xf32, #tpu.memory_space<hbm>> -> memref<10000x128xf32, #tpu.memory_space<hbm>>
      tpu.wait_indirect_dma semaphore(%arg25 : memref<!tpu.dma_semaphore, #tpu.memory_space<semaphore_mem>>) src(%dma_wait3A_104 : memref<10000x128xf32, #tpu.memory_space<hbm>>) dst(%arg14 : memref<64x128xf32, #tpu.memory_space<vmem>>)
      "tpu.region"() ({
        %run_scoped3A = tpu.sem_alloc : memref<!tpu.dma_semaphore, #tpu.memory_space<semaphore_mem>>
        %dma_start3A_156 = arith.constant 0 : i32
        %dma_start3A_157 = arith.constant 0 : i32
        %dma_start3A_158 = tpu.memref_slice %arg7[%dma_start3A_156, %dma_start3A_157] : memref<10000x128xf32, #tpu.memory_space<vmem_shared>> -> memref<10000x128xf32, #tpu.memory_space<vmem_shared>>
        tpu.enqueue_indirect_dma source(%arg14 : memref<64x128xf32, #tpu.memory_space<vmem>>) target(%dma_start3A_158 : memref<10000x128xf32, #tpu.memory_space<vmem_shared>>) offsets(%arg10 : memref<64xi32, #tpu.memory_space<vmem>>) semaphore(%run_scoped3A : memref<!tpu.dma_semaphore, #tpu.memory_space<semaphore_mem>>) {add = true}
        %dma_wait3A_159 = arith.constant 0 : i32
        %dma_wait3A_160 = arith.constant 0 : i32
        %dma_wait3A_161 = tpu.memref_slice %arg7[%dma_wait3A_159, %dma_wait3A_160] : memref<10000x128xf32, #tpu.memory_space<vmem_shared>> -> memref<10000x128xf32, #tpu.memory_space<vmem_shared>>
        tpu.wait_indirect_dma semaphore(%run_scoped3A : memref<!tpu.dma_semaphore, #tpu.memory_space<semaphore_mem>>) src(%arg14 : memref<64x128xf32, #tpu.memory_space<vmem>>) dst(%dma_wait3A_161 : memref<10000x128xf32, #tpu.memory_space<vmem_shared>>)
        tpu.yield
      }) : () -> ()
      %add3A_105 = arith.constant 4 : i32
      %add3A_106 = arith.addi %add3A_93, %add3A_105 : i32
      %lt3A_107 = arith.constant 156 : i32
      %lt3A_108 = arith.cmpi slt, %add3A_106, %lt3A_107 : i32
      %convert_element_type3A_109 = arith.extui %lt3A_108 : i1 to i32
      %cond3A_110 = arith.constant 0 : i32
      %cond3A_111 = arith.cmpi ne, %convert_element_type3A_109, %cond3A_110 : i32
      scf.if %cond3A_111 {
        %add3A_156 = arith.constant 4 : i32
        %add3A_157 = arith.addi %add3A_93, %add3A_156 : i32
        %mul3A_158 = arith.constant 64 : i32
        %mul3A_159 = arith.muli %add3A_157, %mul3A_158 : i32
        %add3A_160 = arith.addi %mul3A_9, %mul3A_159 : i32
        %dma_start3A_161 = tpu.memref_slice %arg4[%add3A_160] : memref<320000xi32, #tpu.memory_space<hbm>> -> memref<64xi32, #tpu.memory_space<hbm>>
        %dma_start3A_162 = tpu.memref_slice %arg4[%add3A_160] : memref<320000xi32, #tpu.memory_space<hbm>> -> memref<64xi32, #tpu.memory_space<hbm>>
        tpu.enqueue_dma source(%dma_start3A_162 : memref<64xi32, #tpu.memory_space<hbm>>) target(%arg10 : memref<64xi32, #tpu.memory_space<vmem>>) target_semaphore(%arg21 : memref<!tpu.dma_semaphore, #tpu.memory_space<semaphore_mem>>)
        %mul3A_163 = arith.constant 64 : i32
        %mul3A_164 = arith.muli %add3A_157, %mul3A_163 : i32
        %dma_start3A_165 = tpu.memref_slice %arg8[%mul3A_164] : memref<10000xi32, #tpu.memory_space<vmem>> -> memref<64xi32, #tpu.memory_space<vmem>>
        %dma_start3A_166 = arith.constant 0 : i32
        %dma_start3A_167 = arith.constant 0 : i32
        %dma_start3A_168 = tpu.memref_slice %arg2[%dma_start3A_166, %dma_start3A_167] : memref<10000x128xf32, #tpu.memory_space<hbm>> -> memref<10000x128xf32, #tpu.memory_space<hbm>>
        tpu.enqueue_indirect_dma source(%dma_start3A_168 : memref<10000x128xf32, #tpu.memory_space<hbm>>) target(%arg14 : memref<64x128xf32, #tpu.memory_space<vmem>>) offsets(%dma_start3A_165 : memref<64xi32, #tpu.memory_space<vmem>>) semaphore(%arg25 : memref<!tpu.dma_semaphore, #tpu.memory_space<semaphore_mem>>)
      } else {
      }
      %mul3A_112 = arith.constant 4 : i32
      %mul3A_113 = arith.muli %mul3A_112, %scan3A_67 : i32
      %add3A_114 = arith.constant 2 : i32
      %add3A_115 = arith.addi %mul3A_113, %add3A_114 : i32
      %mul3A_116 = arith.constant 64 : i32
      %mul3A_117 = arith.muli %add3A_115, %mul3A_116 : i32
      %add3A_118 = arith.addi %mul3A_9, %mul3A_117 : i32
      %dma_wait3A_119 = tpu.memref_slice %arg4[%add3A_118] : memref<320000xi32, #tpu.memory_space<hbm>> -> memref<64xi32, #tpu.memory_space<hbm>>
      %dma_wait3A_120 = tpu.memref_slice %arg4[%add3A_118] : memref<320000xi32, #tpu.memory_space<hbm>> -> memref<64xi32, #tpu.memory_space<hbm>>
      tpu.wait_dma2 semaphore(%arg22 : memref<!tpu.dma_semaphore, #tpu.memory_space<semaphore_mem>>) src(%dma_wait3A_120 : memref<64xi32, #tpu.memory_space<hbm>>) dst(%arg11 : memref<64xi32, #tpu.memory_space<vmem>>)
      %mul3A_121 = arith.constant 64 : i32
      %mul3A_122 = arith.muli %add3A_115, %mul3A_121 : i32
      %dma_wait3A_123 = tpu.memref_slice %arg8[%mul3A_122] : memref<10000xi32, #tpu.memory_space<vmem>> -> memref<64xi32, #tpu.memory_space<vmem>>
      %dma_wait3A_124 = arith.constant 0 : i32
      %dma_wait3A_125 = arith.constant 0 : i32
      %dma_wait3A_126 = tpu.memref_slice %arg2[%dma_wait3A_124, %dma_wait3A_125] : memref<10000x128xf32, #tpu.memory_space<hbm>> -> memref<10000x128xf32, #tpu.memory_space<hbm>>
      tpu.wait_indirect_dma semaphore(%arg26 : memref<!tpu.dma_semaphore, #tpu.memory_space<semaphore_mem>>) src(%dma_wait3A_126 : memref<10000x128xf32, #tpu.memory_space<hbm>>) dst(%arg15 : memref<64x128xf32, #tpu.memory_space<vmem>>)
      "tpu.region"() ({
        %run_scoped3A = tpu.sem_alloc : memref<!tpu.dma_semaphore, #tpu.memory_space<semaphore_mem>>
        %dma_start3A_156 = arith.constant 0 : i32
        %dma_start3A_157 = arith.constant 0 : i32
        %dma_start3A_158 = tpu.memref_slice %arg7[%dma_start3A_156, %dma_start3A_157] : memref<10000x128xf32, #tpu.memory_space<vmem_shared>> -> memref<10000x128xf32, #tpu.memory_space<vmem_shared>>
        tpu.enqueue_indirect_dma source(%arg15 : memref<64x128xf32, #tpu.memory_space<vmem>>) target(%dma_start3A_158 : memref<10000x128xf32, #tpu.memory_space<vmem_shared>>) offsets(%arg11 : memref<64xi32, #tpu.memory_space<vmem>>) semaphore(%run_scoped3A : memref<!tpu.dma_semaphore, #tpu.memory_space<semaphore_mem>>) {add = true}
        %dma_wait3A_159 = arith.constant 0 : i32
        %dma_wait3A_160 = arith.constant 0 : i32
        %dma_wait3A_161 = tpu.memref_slice %arg7[%dma_wait3A_159, %dma_wait3A_160] : memref<10000x128xf32, #tpu.memory_space<vmem_shared>> -> memref<10000x128xf32, #tpu.memory_space<vmem_shared>>
        tpu.wait_indirect_dma semaphore(%run_scoped3A : memref<!tpu.dma_semaphore, #tpu.memory_space<semaphore_mem>>) src(%arg15 : memref<64x128xf32, #tpu.memory_space<vmem>>) dst(%dma_wait3A_161 : memref<10000x128xf32, #tpu.memory_space<vmem_shared>>)
        tpu.yield
      }) : () -> ()
      %add3A_127 = arith.constant 4 : i32
      %add3A_128 = arith.addi %add3A_115, %add3A_127 : i32
      %lt3A_129 = arith.constant 156 : i32
      %lt3A_130 = arith.cmpi slt, %add3A_128, %lt3A_129 : i32
      %convert_element_type3A_131 = arith.extui %lt3A_130 : i1 to i32
      %cond3A_132 = arith.constant 0 : i32
      %cond3A_133 = arith.cmpi ne, %convert_element_type3A_131, %cond3A_132 : i32
      scf.if %cond3A_133 {
        %add3A_156 = arith.constant 4 : i32
        %add3A_157 = arith.addi %add3A_115, %add3A_156 : i32
        %mul3A_158 = arith.constant 64 : i32
        %mul3A_159 = arith.muli %add3A_157, %mul3A_158 : i32
        %add3A_160 = arith.addi %mul3A_9, %mul3A_159 : i32
        %dma_start3A_161 = tpu.memref_slice %arg4[%add3A_160] : memref<320000xi32, #tpu.memory_space<hbm>> -> memref<64xi32, #tpu.memory_space<hbm>>
        %dma_start3A_162 = tpu.memref_slice %arg4[%add3A_160] : memref<320000xi32, #tpu.memory_space<hbm>> -> memref<64xi32, #tpu.memory_space<hbm>>
        tpu.enqueue_dma source(%dma_start3A_162 : memref<64xi32, #tpu.memory_space<hbm>>) target(%arg11 : memref<64xi32, #tpu.memory_space<vmem>>) target_semaphore(%arg22 : memref<!tpu.dma_semaphore, #tpu.memory_space<semaphore_mem>>)
        %mul3A_163 = arith.constant 64 : i32
        %mul3A_164 = arith.muli %add3A_157, %mul3A_163 : i32
        %dma_start3A_165 = tpu.memref_slice %arg8[%mul3A_164] : memref<10000xi32, #tpu.memory_space<vmem>> -> memref<64xi32, #tpu.memory_space<vmem>>
        %dma_start3A_166 = arith.constant 0 : i32
        %dma_start3A_167 = arith.constant 0 : i32
        %dma_start3A_168 = tpu.memref_slice %arg2[%dma_start3A_166, %dma_start3A_167] : memref<10000x128xf32, #tpu.memory_space<hbm>> -> memref<10000x128xf32, #tpu.memory_space<hbm>>
        tpu.enqueue_indirect_dma source(%dma_start3A_168 : memref<10000x128xf32, #tpu.memory_space<hbm>>) target(%arg15 : memref<64x128xf32, #tpu.memory_space<vmem>>) offsets(%dma_start3A_165 : memref<64xi32, #tpu.memory_space<vmem>>) semaphore(%arg26 : memref<!tpu.dma_semaphore, #tpu.memory_space<semaphore_mem>>)
      } else {
      }
      %mul3A_134 = arith.constant 4 : i32
      %mul3A_135 = arith.muli %mul3A_134, %scan3A_67 : i32
      %add3A_136 = arith.constant 3 : i32
      %add3A_137 = arith.addi %mul3A_135, %add3A_136 : i32
      %mul3A_138 = arith.constant 64 : i32
      %mul3A_139 = arith.muli %add3A_137, %mul3A_138 : i32
      %add3A_140 = arith.addi %mul3A_9, %mul3A_139 : i32
      %dma_wait3A_141 = tpu.memref_slice %arg4[%add3A_140] : memref<320000xi32, #tpu.memory_space<hbm>> -> memref<64xi32, #tpu.memory_space<hbm>>
      %dma_wait3A_142 = tpu.memref_slice %arg4[%add3A_140] : memref<320000xi32, #tpu.memory_space<hbm>> -> memref<64xi32, #tpu.memory_space<hbm>>
      tpu.wait_dma2 semaphore(%arg23 : memref<!tpu.dma_semaphore, #tpu.memory_space<semaphore_mem>>) src(%dma_wait3A_142 : memref<64xi32, #tpu.memory_space<hbm>>) dst(%arg12 : memref<64xi32, #tpu.memory_space<vmem>>)
      %mul3A_143 = arith.constant 64 : i32
      %mul3A_144 = arith.muli %add3A_137, %mul3A_143 : i32
      %dma_wait3A_145 = tpu.memref_slice %arg8[%mul3A_144] : memref<10000xi32, #tpu.memory_space<vmem>> -> memref<64xi32, #tpu.memory_space<vmem>>
      %dma_wait3A_146 = arith.constant 0 : i32
      %dma_wait3A_147 = arith.constant 0 : i32
      %dma_wait3A_148 = tpu.memref_slice %arg2[%dma_wait3A_146, %dma_wait3A_147] : memref<10000x128xf32, #tpu.memory_space<hbm>> -> memref<10000x128xf32, #tpu.memory_space<hbm>>
      tpu.wait_indirect_dma semaphore(%arg27 : memref<!tpu.dma_semaphore, #tpu.memory_space<semaphore_mem>>) src(%dma_wait3A_148 : memref<10000x128xf32, #tpu.memory_space<hbm>>) dst(%arg16 : memref<64x128xf32, #tpu.memory_space<vmem>>)
      "tpu.region"() ({
        %run_scoped3A = tpu.sem_alloc : memref<!tpu.dma_semaphore, #tpu.memory_space<semaphore_mem>>
        %dma_start3A_156 = arith.constant 0 : i32
        %dma_start3A_157 = arith.constant 0 : i32
        %dma_start3A_158 = tpu.memref_slice %arg7[%dma_start3A_156, %dma_start3A_157] : memref<10000x128xf32, #tpu.memory_space<vmem_shared>> -> memref<10000x128xf32, #tpu.memory_space<vmem_shared>>
        tpu.enqueue_indirect_dma source(%arg16 : memref<64x128xf32, #tpu.memory_space<vmem>>) target(%dma_start3A_158 : memref<10000x128xf32, #tpu.memory_space<vmem_shared>>) offsets(%arg12 : memref<64xi32, #tpu.memory_space<vmem>>) semaphore(%run_scoped3A : memref<!tpu.dma_semaphore, #tpu.memory_space<semaphore_mem>>) {add = true}
        %dma_wait3A_159 = arith.constant 0 : i32
        %dma_wait3A_160 = arith.constant 0 : i32
        %dma_wait3A_161 = tpu.memref_slice %arg7[%dma_wait3A_159, %dma_wait3A_160] : memref<10000x128xf32, #tpu.memory_space<vmem_shared>> -> memref<10000x128xf32, #tpu.memory_space<vmem_shared>>
        tpu.wait_indirect_dma semaphore(%run_scoped3A : memref<!tpu.dma_semaphore, #tpu.memory_space<semaphore_mem>>) src(%arg16 : memref<64x128xf32, #tpu.memory_space<vmem>>) dst(%dma_wait3A_161 : memref<10000x128xf32, #tpu.memory_space<vmem_shared>>)
        tpu.yield
      }) : () -> ()
      %add3A_149 = arith.constant 4 : i32
      %add3A_150 = arith.addi %add3A_137, %add3A_149 : i32
      %lt3A_151 = arith.constant 156 : i32
      %lt3A_152 = arith.cmpi slt, %add3A_150, %lt3A_151 : i32
      %convert_element_type3A_153 = arith.extui %lt3A_152 : i1 to i32
      %cond3A_154 = arith.constant 0 : i32
      %cond3A_155 = arith.cmpi ne, %convert_element_type3A_153, %cond3A_154 : i32
      scf.if %cond3A_155 {
        %add3A_156 = arith.constant 4 : i32
        %add3A_157 = arith.addi %add3A_137, %add3A_156 : i32
        %mul3A_158 = arith.constant 64 : i32
        %mul3A_159 = arith.muli %add3A_157, %mul3A_158 : i32
        %add3A_160 = arith.addi %mul3A_9, %mul3A_159 : i32
        %dma_start3A_161 = tpu.memref_slice %arg4[%add3A_160] : memref<320000xi32, #tpu.memory_space<hbm>> -> memref<64xi32, #tpu.memory_space<hbm>>
        %dma_start3A_162 = tpu.memref_slice %arg4[%add3A_160] : memref<320000xi32, #tpu.memory_space<hbm>> -> memref<64xi32, #tpu.memory_space<hbm>>
        tpu.enqueue_dma source(%dma_start3A_162 : memref<64xi32, #tpu.memory_space<hbm>>) target(%arg12 : memref<64xi32, #tpu.memory_space<vmem>>) target_semaphore(%arg23 : memref<!tpu.dma_semaphore, #tpu.memory_space<semaphore_mem>>)
        %mul3A_163 = arith.constant 64 : i32
        %mul3A_164 = arith.muli %add3A_157, %mul3A_163 : i32
        %dma_start3A_165 = tpu.memref_slice %arg8[%mul3A_164] : memref<10000xi32, #tpu.memory_space<vmem>> -> memref<64xi32, #tpu.memory_space<vmem>>
        %dma_start3A_166 = arith.constant 0 : i32
        %dma_start3A_167 = arith.constant 0 : i32
        %dma_start3A_168 = tpu.memref_slice %arg2[%dma_start3A_166, %dma_start3A_167] : memref<10000x128xf32, #tpu.memory_space<hbm>> -> memref<10000x128xf32, #tpu.memory_space<hbm>>
        tpu.enqueue_indirect_dma source(%dma_start3A_168 : memref<10000x128xf32, #tpu.memory_space<hbm>>) target(%arg16 : memref<64x128xf32, #tpu.memory_space<vmem>>) offsets(%dma_start3A_165 : memref<64xi32, #tpu.memory_space<vmem>>) semaphore(%arg27 : memref<!tpu.dma_semaphore, #tpu.memory_space<semaphore_mem>>)
      } else {
      }
    }
    %scan3A_49 = arith.constant 39 : i32
    %add3A_50 = arith.constant 9984 : i32
    %add3A_51 = arith.addi %mul3A_9, %add3A_50 : i32
    "tpu.region"() ({
      %run_scoped3A = tpu.sem_alloc : memref<!tpu.dma_semaphore, #tpu.memory_space<semaphore_mem>>
      %dma_start3A_67 = tpu.memref_slice %arg3[%add3A_51] : memref<320000xi32, #tpu.memory_space<hbm>> -> memref<16xi32, #tpu.memory_space<hbm>>
      %dma_start3A_68 = tpu.memref_slice %arg3[%add3A_51] : memref<320000xi32, #tpu.memory_space<hbm>> -> memref<16xi32, #tpu.memory_space<hbm>>
      tpu.enqueue_dma source(%dma_start3A_68 : memref<16xi32, #tpu.memory_space<hbm>>) target(%arg17 : memref<16xi32, #tpu.memory_space<vmem>>) target_semaphore(%run_scoped3A : memref<!tpu.dma_semaphore, #tpu.memory_space<semaphore_mem>>)
      %dma_wait3A_69 = tpu.memref_slice %arg3[%add3A_51] : memref<320000xi32, #tpu.memory_space<hbm>> -> memref<16xi32, #tpu.memory_space<hbm>>
      %dma_wait3A_70 = tpu.memref_slice %arg3[%add3A_51] : memref<320000xi32, #tpu.memory_space<hbm>> -> memref<16xi32, #tpu.memory_space<hbm>>
      tpu.wait_dma2 semaphore(%run_scoped3A : memref<!tpu.dma_semaphore, #tpu.memory_space<semaphore_mem>>) src(%dma_wait3A_70 : memref<16xi32, #tpu.memory_space<hbm>>) dst(%arg17 : memref<16xi32, #tpu.memory_space<vmem>>)
      tpu.yield
    }) : () -> ()
    "tpu.region"() ({
      %run_scoped3A = tpu.sem_alloc : memref<!tpu.dma_semaphore, #tpu.memory_space<semaphore_mem>>
      %dma_start3A_67 = tpu.memref_slice %arg4[%add3A_51] : memref<320000xi32, #tpu.memory_space<hbm>> -> memref<16xi32, #tpu.memory_space<hbm>>
      %dma_start3A_68 = tpu.memref_slice %arg4[%add3A_51] : memref<320000xi32, #tpu.memory_space<hbm>> -> memref<16xi32, #tpu.memory_space<hbm>>
      tpu.enqueue_dma source(%dma_start3A_68 : memref<16xi32, #tpu.memory_space<hbm>>) target(%arg18 : memref<16xi32, #tpu.memory_space<vmem>>) target_semaphore(%run_scoped3A : memref<!tpu.dma_semaphore, #tpu.memory_space<semaphore_mem>>)
      %dma_wait3A_69 = tpu.memref_slice %arg4[%add3A_51] : memref<320000xi32, #tpu.memory_space<hbm>> -> memref<16xi32, #tpu.memory_space<hbm>>
      %dma_wait3A_70 = tpu.memref_slice %arg4[%add3A_51] : memref<320000xi32, #tpu.memory_space<hbm>> -> memref<16xi32, #tpu.memory_space<hbm>>
      tpu.wait_dma2 semaphore(%run_scoped3A : memref<!tpu.dma_semaphore, #tpu.memory_space<semaphore_mem>>) src(%dma_wait3A_70 : memref<16xi32, #tpu.memory_space<hbm>>) dst(%arg18 : memref<16xi32, #tpu.memory_space<vmem>>)
      tpu.yield
    }) : () -> ()
    %dma_start3A_52 = arith.constant 0 : i32
    %dma_start3A_53 = arith.constant 0 : i32
    %dma_start3A_54 = tpu.memref_slice %arg2[%dma_start3A_52, %dma_start3A_53] : memref<10000x128xf32, #tpu.memory_space<hbm>> -> memref<10000x128xf32, #tpu.memory_space<hbm>>
    tpu.enqueue_indirect_dma source(%dma_start3A_54 : memref<10000x128xf32, #tpu.memory_space<hbm>>) target(%arg19 : memref<16x128xf32, #tpu.memory_space<vmem>>) offsets(%arg17 : memref<16xi32, #tpu.memory_space<vmem>>) semaphore(%arg24 : memref<!tpu.dma_semaphore, #tpu.memory_space<semaphore_mem>>)
    %dma_wait3A = arith.constant 0 : i32
    %dma_wait3A_55 = arith.constant 0 : i32
    %dma_wait3A_56 = tpu.memref_slice %arg2[%dma_wait3A, %dma_wait3A_55] : memref<10000x128xf32, #tpu.memory_space<hbm>> -> memref<10000x128xf32, #tpu.memory_space<hbm>>
    tpu.wait_indirect_dma semaphore(%arg24 : memref<!tpu.dma_semaphore, #tpu.memory_space<semaphore_mem>>) src(%dma_wait3A_56 : memref<10000x128xf32, #tpu.memory_space<hbm>>) dst(%arg19 : memref<16x128xf32, #tpu.memory_space<vmem>>)
    "tpu.region"() ({
      %run_scoped3A = tpu.sem_alloc : memref<!tpu.dma_semaphore, #tpu.memory_space<semaphore_mem>>
      %dma_start3A_67 = arith.constant 0 : i32
      %dma_start3A_68 = arith.constant 0 : i32
      %dma_start3A_69 = tpu.memref_slice %arg7[%dma_start3A_67, %dma_start3A_68] : memref<10000x128xf32, #tpu.memory_space<vmem_shared>> -> memref<10000x128xf32, #tpu.memory_space<vmem_shared>>
      tpu.enqueue_indirect_dma source(%arg19 : memref<16x128xf32, #tpu.memory_space<vmem>>) target(%dma_start3A_69 : memref<10000x128xf32, #tpu.memory_space<vmem_shared>>) offsets(%arg18 : memref<16xi32, #tpu.memory_space<vmem>>) semaphore(%run_scoped3A : memref<!tpu.dma_semaphore, #tpu.memory_space<semaphore_mem>>) {add = true}
      %dma_wait3A_70 = arith.constant 0 : i32
      %dma_wait3A_71 = arith.constant 0 : i32
      %dma_wait3A_72 = tpu.memref_slice %arg7[%dma_wait3A_70, %dma_wait3A_71] : memref<10000x128xf32, #tpu.memory_space<vmem_shared>> -> memref<10000x128xf32, #tpu.memory_space<vmem_shared>>
      tpu.wait_indirect_dma semaphore(%run_scoped3A : memref<!tpu.dma_semaphore, #tpu.memory_space<semaphore_mem>>) src(%arg19 : memref<16x128xf32, #tpu.memory_space<vmem>>) dst(%dma_wait3A_72 : memref<10000x128xf32, #tpu.memory_space<vmem_shared>>)
      tpu.yield
    }) : () -> ()
    %barrier3A_57 = arith.constant 0 : index
    tpu.barrier barrier_id(%barrier3A_57)
    %lt3A = arith.constant 15 : i32
    %lt3A_58 = arith.cmpi slt, %arg1, %lt3A : i32
    %convert_element_type3A_59 = arith.extui %lt3A_58 : i1 to i32
    %cond3A_60 = arith.constant 0 : i32
    %cond3A_61 = arith.cmpi ne, %convert_element_type3A_59, %cond3A_60 : i32
    scf.if %cond3A_61 {
      %mul3A_67 = arith.constant 640 : i32
      %mul3A_68 = arith.muli %arg1, %mul3A_67 : i32
      %mul3A_69 = arith.constant 640 : i32
      %mul3A_70 = arith.muli %arg1, %mul3A_69 : i32
      "tpu.region"() ({
        %run_scoped3A = tpu.sem_alloc : memref<!tpu.dma_semaphore, #tpu.memory_space<semaphore_mem>>
        %dma_start3A_71 = arith.constant 0 : i32
        %dma_start3A_72 = arith.constant 0 : i32
        %dma_start3A_73 = tpu.memref_slice %arg6[%arg0, %dma_start3A_71, %dma_start3A_72] : memref<2x10000x128xf32, #tpu.memory_space<hbm>> -> memref<1x10000x128xf32, #tpu.memory_space<hbm>>
        %dma_start3A_74 = tpu.memref_squeeze %dma_start3A_73 : memref<1x10000x128xf32, #tpu.memory_space<hbm>> -> memref<10000x128xf32, #tpu.memory_space<hbm>>
        %dma_start3A_75 = arith.constant 0 : i32
        %dma_start3A_76 = tpu.memref_slice %dma_start3A_74[%mul3A_70, %dma_start3A_75] : memref<10000x128xf32, #tpu.memory_space<hbm>> -> memref<640x128xf32, #tpu.memory_space<hbm>>
        %dma_start3A_77 = arith.constant 0 : i32
        %dma_start3A_78 = tpu.memref_slice %arg7[%mul3A_68, %dma_start3A_77] : memref<10000x128xf32, #tpu.memory_space<vmem_shared>> -> memref<640x128xf32, #tpu.memory_space<vmem_shared>>
        tpu.enqueue_dma source(%dma_start3A_78 : memref<640x128xf32, #tpu.memory_space<vmem_shared>>) target(%dma_start3A_76 : memref<640x128xf32, #tpu.memory_space<hbm>>) target_semaphore(%run_scoped3A : memref<!tpu.dma_semaphore, #tpu.memory_space<semaphore_mem>>)
        %dma_wait3A_79 = arith.constant 0 : i32
        %dma_wait3A_80 = arith.constant 0 : i32
        %dma_wait3A_81 = tpu.memref_slice %arg6[%arg0, %dma_wait3A_79, %dma_wait3A_80] : memref<2x10000x128xf32, #tpu.memory_space<hbm>> -> memref<1x10000x128xf32, #tpu.memory_space<hbm>>
        %dma_wait3A_82 = tpu.memref_squeeze %dma_wait3A_81 : memref<1x10000x128xf32, #tpu.memory_space<hbm>> -> memref<10000x128xf32, #tpu.memory_space<hbm>>
        %dma_wait3A_83 = arith.constant 0 : i32
        %dma_wait3A_84 = tpu.memref_slice %dma_wait3A_82[%mul3A_70, %dma_wait3A_83] : memref<10000x128xf32, #tpu.memory_space<hbm>> -> memref<640x128xf32, #tpu.memory_space<hbm>>
        %dma_wait3A_85 = arith.constant 0 : i32
        %dma_wait3A_86 = tpu.memref_slice %arg7[%mul3A_68, %dma_wait3A_85] : memref<10000x128xf32, #tpu.memory_space<vmem_shared>> -> memref<640x128xf32, #tpu.memory_space<vmem_shared>>
        tpu.wait_dma2 semaphore(%run_scoped3A : memref<!tpu.dma_semaphore, #tpu.memory_space<semaphore_mem>>) src(%dma_wait3A_86 : memref<640x128xf32, #tpu.memory_space<vmem_shared>>) dst(%dma_wait3A_84 : memref<640x128xf32, #tpu.memory_space<hbm>>)
        tpu.yield
      }) : () -> ()
    } else {
    }
    %eq3A_62 = arith.constant 15 : i32
    %eq3A_63 = arith.cmpi eq, %arg1, %eq3A_62 : i32
    %convert_element_type3A_64 = arith.extui %eq3A_63 : i1 to i32
    %cond3A_65 = arith.constant 0 : i32
    %cond3A_66 = arith.cmpi ne, %convert_element_type3A_64, %cond3A_65 : i32
    scf.if %cond3A_66 {
      "tpu.region"() ({
        %run_scoped3A = tpu.sem_alloc : memref<!tpu.dma_semaphore, #tpu.memory_space<semaphore_mem>>
        %dma_start3A_67 = arith.constant 0 : i32
        %dma_start3A_68 = arith.constant 0 : i32
        %dma_start3A_69 = tpu.memref_slice %arg6[%arg0, %dma_start3A_67, %dma_start3A_68] : memref<2x10000x128xf32, #tpu.memory_space<hbm>> -> memref<1x10000x128xf32, #tpu.memory_space<hbm>>
        %dma_start3A_70 = tpu.memref_squeeze %dma_start3A_69 : memref<1x10000x128xf32, #tpu.memory_space<hbm>> -> memref<10000x128xf32, #tpu.memory_space<hbm>>
        %dma_start3A_71 = arith.constant 9600 : i32
        %dma_start3A_72 = arith.constant 0 : i32
        %dma_start3A_73 = tpu.memref_slice %dma_start3A_70[%dma_start3A_71, %dma_start3A_72] : memref<10000x128xf32, #tpu.memory_space<hbm>> -> memref<400x128xf32, #tpu.memory_space<hbm>>
        %dma_start3A_74 = arith.constant 9600 : i32
        %dma_start3A_75 = arith.constant 0 : i32
        %dma_start3A_76 = tpu.memref_slice %arg7[%dma_start3A_74, %dma_start3A_75] : memref<10000x128xf32, #tpu.memory_space<vmem_shared>> -> memref<400x128xf32, #tpu.memory_space<vmem_shared>>
        tpu.enqueue_dma source(%dma_start3A_76 : memref<400x128xf32, #tpu.memory_space<vmem_shared>>) target(%dma_start3A_73 : memref<400x128xf32, #tpu.memory_space<hbm>>) target_semaphore(%run_scoped3A : memref<!tpu.dma_semaphore, #tpu.memory_space<semaphore_mem>>)
        %dma_wait3A_77 = arith.constant 0 : i32
        %dma_wait3A_78 = arith.constant 0 : i32
        %dma_wait3A_79 = tpu.memref_slice %arg6[%arg0, %dma_wait3A_77, %dma_wait3A_78] : memref<2x10000x128xf32, #tpu.memory_space<hbm>> -> memref<1x10000x128xf32, #tpu.memory_space<hbm>>
        %dma_wait3A_80 = tpu.memref_squeeze %dma_wait3A_79 : memref<1x10000x128xf32, #tpu.memory_space<hbm>> -> memref<10000x128xf32, #tpu.memory_space<hbm>>
        %dma_wait3A_81 = arith.constant 9600 : i32
        %dma_wait3A_82 = arith.constant 0 : i32
        %dma_wait3A_83 = tpu.memref_slice %dma_wait3A_80[%dma_wait3A_81, %dma_wait3A_82] : memref<10000x128xf32, #tpu.memory_space<hbm>> -> memref<400x128xf32, #tpu.memory_space<hbm>>
        %dma_wait3A_84 = arith.constant 9600 : i32
        %dma_wait3A_85 = arith.constant 0 : i32
        %dma_wait3A_86 = tpu.memref_slice %arg7[%dma_wait3A_84, %dma_wait3A_85] : memref<10000x128xf32, #tpu.memory_space<vmem_shared>> -> memref<400x128xf32, #tpu.memory_space<vmem_shared>>
        tpu.wait_dma2 semaphore(%run_scoped3A : memref<!tpu.dma_semaphore, #tpu.memory_space<semaphore_mem>>) src(%dma_wait3A_86 : memref<400x128xf32, #tpu.memory_space<vmem_shared>>) dst(%dma_wait3A_83 : memref<400x128xf32, #tpu.memory_space<hbm>>)
        tpu.yield
      }) : () -> ()
    } else {
    }
    return
  }
}

#map = affine_map<(d0, d1) -> (0, 0)>
#map1 = affine_map<(d0, d1) -> (0)>
#map2 = affine_map<(d0, d1) -> (0, 0, 0)>
module attributes {stable_mosaic.version = 14 : i64} {
  func.func @agg(%arg0: i32, %arg1: i32, %arg2: memref<10000x128xf32, #tpu.memory_space<hbm>>, %arg3: memref<320000xi32, #tpu.memory_space<hbm>>, %arg4: memref<320000xi32, #tpu.memory_space<hbm>>, %arg5: memref<640x128xf32, #tpu.memory_space<hbm>>, %arg6: memref<2x10000x128xf32, #tpu.memory_space<hbm>>, %arg7: memref<10000x128xf32, #tpu.memory_space<vmem_shared>>, %arg8: memref<10000xi32, #tpu.memory_space<vmem>>, %arg9: memref<64xi32, #tpu.memory_space<vmem>>, %arg10: memref<64xi32, #tpu.memory_space<vmem>>, %arg11: memref<64xi32, #tpu.memory_space<vmem>>, %arg12: memref<64xi32, #tpu.memory_space<vmem>>, %arg13: memref<64x128xf32, #tpu.memory_space<vmem>>, %arg14: memref<64x128xf32, #tpu.memory_space<vmem>>, %arg15: memref<64x128xf32, #tpu.memory_space<vmem>>, %arg16: memref<64x128xf32, #tpu.memory_space<vmem>>, %arg17: memref<16xi32, #tpu.memory_space<vmem>>, %arg18: memref<16xi32, #tpu.memory_space<vmem>>, %arg19: memref<16x128xf32, #tpu.memory_space<vmem>>, %arg20: memref<!tpu.dma_semaphore, #tpu.memory_space<semaphore_mem>>, %arg21: memref<!tpu.dma_semaphore, #tpu.memory_space<semaphore_mem>>, %arg22: memref<!tpu.dma_semaphore, #tpu.memory_space<semaphore_mem>>, %arg23: memref<!tpu.dma_semaphore, #tpu.memory_space<semaphore_mem>>, %arg24: memref<!tpu.dma_semaphore, #tpu.memory_space<semaphore_mem>>, %arg25: memref<!tpu.dma_semaphore, #tpu.memory_space<semaphore_mem>>, %arg26: memref<!tpu.dma_semaphore, #tpu.memory_space<semaphore_mem>>, %arg27: memref<!tpu.dma_semaphore, #tpu.memory_space<semaphore_mem>>) attributes {dimension_semantics = [#tpu.dimension_semantics<core_parallel>, #tpu.dimension_semantics<subcore_parallel>], iteration_bounds = array<i64: 2, 16>, scalar_prefetch = 0 : i64, scratch_operands = 21 : i64, tpu.core_type = #tpu.core_type<sc_vector_subcore>, window_params = [{transform_indices = #map}, {transform_indices = #map1}, {transform_indices = #map1}, {transform_indices = #map}, {transform_indices = #map2}]} {
    %eq3A = arith.constant 0 : i32
    %eq3A_0 = arith.cmpi eq, %arg0, %eq3A : i32
    %convert_element_type3A = arith.extui %eq3A_0 : i1 to i32
    %cond3A = arith.constant 0 : i32
    %cond3A_1 = arith.cmpi ne, %convert_element_type3A, %cond3A : i32
    scf.if %cond3A_1 {
      %lt3A_67 = arith.constant 15 : i32
      %lt3A_68 = arith.cmpi slt, %arg1, %lt3A_67 : i32
      %convert_element_type3A_69 = arith.extui %lt3A_68 : i1 to i32
      %cond3A_70 = arith.constant 0 : i32
      %cond3A_71 = arith.cmpi ne, %convert_element_type3A_69, %cond3A_70 : i32
      scf.if %cond3A_71 {
        %mul3A_77 = arith.constant 640 : i32
        %mul3A_78 = arith.muli %arg1, %mul3A_77 : i32
        %mul3A_79 = arith.constant 640 : i32
        %mul3A_80 = arith.muli %arg1, %mul3A_79 : i32
        "tpu.region"() ({
          %run_scoped3A = tpu.sem_alloc : memref<!tpu.dma_semaphore, #tpu.memory_space<semaphore_mem>>
          %dma_start3A_81 = arith.constant 0 : i32
          %dma_start3A_82 = tpu.memref_slice %arg7[%mul3A_80, %dma_start3A_81] : memref<10000x128xf32, #tpu.memory_space<vmem_shared>> -> memref<640x128xf32, #tpu.memory_space<vmem_shared>>
          %dma_start3A_83 = arith.constant 0 : i32
          %dma_start3A_84 = tpu.memref_slice %arg2[%mul3A_78, %dma_start3A_83] : memref<10000x128xf32, #tpu.memory_space<hbm>> -> memref<640x128xf32, #tpu.memory_space<hbm>>
          tpu.enqueue_dma source(%dma_start3A_84 : memref<640x128xf32, #tpu.memory_space<hbm>>) target(%dma_start3A_82 : memref<640x128xf32, #tpu.memory_space<vmem_shared>>) target_semaphore(%run_scoped3A : memref<!tpu.dma_semaphore, #tpu.memory_space<semaphore_mem>>)
          %dma_wait3A_85 = arith.constant 0 : i32
          %dma_wait3A_86 = tpu.memref_slice %arg7[%mul3A_80, %dma_wait3A_85] : memref<10000x128xf32, #tpu.memory_space<vmem_shared>> -> memref<640x128xf32, #tpu.memory_space<vmem_shared>>
          %dma_wait3A_87 = arith.constant 0 : i32
          %dma_wait3A_88 = tpu.memref_slice %arg2[%mul3A_78, %dma_wait3A_87] : memref<10000x128xf32, #tpu.memory_space<hbm>> -> memref<640x128xf32, #tpu.memory_space<hbm>>
          tpu.wait_dma2 semaphore(%run_scoped3A : memref<!tpu.dma_semaphore, #tpu.memory_space<semaphore_mem>>) src(%dma_wait3A_88 : memref<640x128xf32, #tpu.memory_space<hbm>>) dst(%dma_wait3A_86 : memref<640x128xf32, #tpu.memory_space<vmem_shared>>)
          tpu.yield
        }) : () -> ()
      } else {
      }
      %eq3A_72 = arith.constant 15 : i32
      %eq3A_73 = arith.cmpi eq, %arg1, %eq3A_72 : i32
      %convert_element_type3A_74 = arith.extui %eq3A_73 : i1 to i32
      %cond3A_75 = arith.constant 0 : i32
      %cond3A_76 = arith.cmpi ne, %convert_element_type3A_74, %cond3A_75 : i32
      scf.if %cond3A_76 {
        "tpu.region"() ({
          %run_scoped3A = tpu.sem_alloc : memref<!tpu.dma_semaphore, #tpu.memory_space<semaphore_mem>>
          %dma_start3A_77 = arith.constant 9600 : i32
          %dma_start3A_78 = arith.constant 0 : i32
          %dma_start3A_79 = tpu.memref_slice %arg7[%dma_start3A_77, %dma_start3A_78] : memref<10000x128xf32, #tpu.memory_space<vmem_shared>> -> memref<400x128xf32, #tpu.memory_space<vmem_shared>>
          %dma_start3A_80 = arith.constant 9600 : i32
          %dma_start3A_81 = arith.constant 0 : i32
          %dma_start3A_82 = tpu.memref_slice %arg2[%dma_start3A_80, %dma_start3A_81] : memref<10000x128xf32, #tpu.memory_space<hbm>> -> memref<400x128xf32, #tpu.memory_space<hbm>>
          tpu.enqueue_dma source(%dma_start3A_82 : memref<400x128xf32, #tpu.memory_space<hbm>>) target(%dma_start3A_79 : memref<400x128xf32, #tpu.memory_space<vmem_shared>>) target_semaphore(%run_scoped3A : memref<!tpu.dma_semaphore, #tpu.memory_space<semaphore_mem>>)
          %dma_wait3A_83 = arith.constant 9600 : i32
          %dma_wait3A_84 = arith.constant 0 : i32
          %dma_wait3A_85 = tpu.memref_slice %arg7[%dma_wait3A_83, %dma_wait3A_84] : memref<10000x128xf32, #tpu.memory_space<vmem_shared>> -> memref<400x128xf32, #tpu.memory_space<vmem_shared>>
          %dma_wait3A_86 = arith.constant 9600 : i32
          %dma_wait3A_87 = arith.constant 0 : i32
          %dma_wait3A_88 = tpu.memref_slice %arg2[%dma_wait3A_86, %dma_wait3A_87] : memref<10000x128xf32, #tpu.memory_space<hbm>> -> memref<400x128xf32, #tpu.memory_space<hbm>>
          tpu.wait_dma2 semaphore(%run_scoped3A : memref<!tpu.dma_semaphore, #tpu.memory_space<semaphore_mem>>) src(%dma_wait3A_88 : memref<400x128xf32, #tpu.memory_space<hbm>>) dst(%dma_wait3A_85 : memref<400x128xf32, #tpu.memory_space<vmem_shared>>)
          tpu.yield
        }) : () -> ()
      } else {
      }
    } else {
    }
    %eq3A_2 = arith.constant 1 : i32
    %eq3A_3 = arith.cmpi eq, %arg0, %eq3A_2 : i32
    %convert_element_type3A_4 = arith.extui %eq3A_3 : i1 to i32
    %cond3A_5 = arith.constant 0 : i32
    %cond3A_6 = arith.cmpi ne, %convert_element_type3A_4, %cond3A_5 : i32
    scf.if %cond3A_6 {
      %lt3A_67 = arith.constant 15 : i32
      %lt3A_68 = arith.cmpi slt, %arg1, %lt3A_67 : i32
      %convert_element_type3A_69 = arith.extui %lt3A_68 : i1 to i32
      %cond3A_70 = arith.constant 0 : i32
      %cond3A_71 = arith.cmpi ne, %convert_element_type3A_69, %cond3A_70 : i32
      scf.if %cond3A_71 {
        %mul3A_77 = arith.constant 640 : i32
        %mul3A_78 = arith.muli %arg1, %mul3A_77 : i32
        "tpu.region"() ({
          %run_scoped3A = tpu.sem_alloc : memref<!tpu.dma_semaphore, #tpu.memory_space<semaphore_mem>>
          %dma_start3A_79 = arith.constant 0 : i32
          %dma_start3A_80 = tpu.memref_slice %arg7[%mul3A_78, %dma_start3A_79] : memref<10000x128xf32, #tpu.memory_space<vmem_shared>> -> memref<640x128xf32, #tpu.memory_space<vmem_shared>>
          %dma_start3A_81 = arith.constant 0 : i32
          %dma_start3A_82 = arith.constant 0 : i32
          %dma_start3A_83 = tpu.memref_slice %arg5[%dma_start3A_81, %dma_start3A_82] : memref<640x128xf32, #tpu.memory_space<hbm>> -> memref<640x128xf32, #tpu.memory_space<hbm>>
          tpu.enqueue_dma source(%dma_start3A_83 : memref<640x128xf32, #tpu.memory_space<hbm>>) target(%dma_start3A_80 : memref<640x128xf32, #tpu.memory_space<vmem_shared>>) target_semaphore(%run_scoped3A : memref<!tpu.dma_semaphore, #tpu.memory_space<semaphore_mem>>)
          %dma_wait3A_84 = arith.constant 0 : i32
          %dma_wait3A_85 = tpu.memref_slice %arg7[%mul3A_78, %dma_wait3A_84] : memref<10000x128xf32, #tpu.memory_space<vmem_shared>> -> memref<640x128xf32, #tpu.memory_space<vmem_shared>>
          %dma_wait3A_86 = arith.constant 0 : i32
          %dma_wait3A_87 = arith.constant 0 : i32
          %dma_wait3A_88 = tpu.memref_slice %arg5[%dma_wait3A_86, %dma_wait3A_87] : memref<640x128xf32, #tpu.memory_space<hbm>> -> memref<640x128xf32, #tpu.memory_space<hbm>>
          tpu.wait_dma2 semaphore(%run_scoped3A : memref<!tpu.dma_semaphore, #tpu.memory_space<semaphore_mem>>) src(%dma_wait3A_88 : memref<640x128xf32, #tpu.memory_space<hbm>>) dst(%dma_wait3A_85 : memref<640x128xf32, #tpu.memory_space<vmem_shared>>)
          tpu.yield
        }) : () -> ()
      } else {
      }
      %eq3A_72 = arith.constant 15 : i32
      %eq3A_73 = arith.cmpi eq, %arg1, %eq3A_72 : i32
      %convert_element_type3A_74 = arith.extui %eq3A_73 : i1 to i32
      %cond3A_75 = arith.constant 0 : i32
      %cond3A_76 = arith.cmpi ne, %convert_element_type3A_74, %cond3A_75 : i32
      scf.if %cond3A_76 {
        "tpu.region"() ({
          %run_scoped3A = tpu.sem_alloc : memref<!tpu.dma_semaphore, #tpu.memory_space<semaphore_mem>>
          %dma_start3A_77 = arith.constant 9600 : i32
          %dma_start3A_78 = arith.constant 0 : i32
          %dma_start3A_79 = tpu.memref_slice %arg7[%dma_start3A_77, %dma_start3A_78] : memref<10000x128xf32, #tpu.memory_space<vmem_shared>> -> memref<400x128xf32, #tpu.memory_space<vmem_shared>>
          %dma_start3A_80 = arith.constant 0 : i32
          %dma_start3A_81 = arith.constant 0 : i32
          %dma_start3A_82 = tpu.memref_slice %arg5[%dma_start3A_80, %dma_start3A_81] : memref<640x128xf32, #tpu.memory_space<hbm>> -> memref<400x128xf32, #tpu.memory_space<hbm>>
          tpu.enqueue_dma source(%dma_start3A_82 : memref<400x128xf32, #tpu.memory_space<hbm>>) target(%dma_start3A_79 : memref<400x128xf32, #tpu.memory_space<vmem_shared>>) target_semaphore(%run_scoped3A : memref<!tpu.dma_semaphore, #tpu.memory_space<semaphore_mem>>)
          %dma_wait3A_83 = arith.constant 9600 : i32
          %dma_wait3A_84 = arith.constant 0 : i32
          %dma_wait3A_85 = tpu.memref_slice %arg7[%dma_wait3A_83, %dma_wait3A_84] : memref<10000x128xf32, #tpu.memory_space<vmem_shared>> -> memref<400x128xf32, #tpu.memory_space<vmem_shared>>
          %dma_wait3A_86 = arith.constant 0 : i32
          %dma_wait3A_87 = arith.constant 0 : i32
          %dma_wait3A_88 = tpu.memref_slice %arg5[%dma_wait3A_86, %dma_wait3A_87] : memref<640x128xf32, #tpu.memory_space<hbm>> -> memref<400x128xf32, #tpu.memory_space<hbm>>
          tpu.wait_dma2 semaphore(%run_scoped3A : memref<!tpu.dma_semaphore, #tpu.memory_space<semaphore_mem>>) src(%dma_wait3A_88 : memref<400x128xf32, #tpu.memory_space<hbm>>) dst(%dma_wait3A_85 : memref<400x128xf32, #tpu.memory_space<vmem_shared>>)
          tpu.yield
        }) : () -> ()
      } else {
      }
    } else {
    }
    %mul3A = arith.constant 16 : i32
    %mul3A_7 = arith.muli %arg0, %mul3A : i32
    %add3A = arith.addi %mul3A_7, %arg1 : i32
    %mul3A_8 = arith.constant 10000 : i32
    %mul3A_9 = arith.muli %add3A, %mul3A_8 : i32
    "tpu.region"() ({
      %run_scoped3A = tpu.sem_alloc : memref<!tpu.dma_semaphore, #tpu.memory_space<semaphore_mem>>
      %dma_start3A_67 = tpu.memref_slice %arg3[%mul3A_9] : memref<320000xi32, #tpu.memory_space<hbm>> -> memref<10000xi32, #tpu.memory_space<hbm>>
      %dma_start3A_68 = tpu.memref_slice %arg3[%mul3A_9] : memref<320000xi32, #tpu.memory_space<hbm>> -> memref<10000xi32, #tpu.memory_space<hbm>>
      tpu.enqueue_dma source(%dma_start3A_68 : memref<10000xi32, #tpu.memory_space<hbm>>) target(%arg8 : memref<10000xi32, #tpu.memory_space<vmem>>) target_semaphore(%run_scoped3A : memref<!tpu.dma_semaphore, #tpu.memory_space<semaphore_mem>>)
      %dma_wait3A_69 = tpu.memref_slice %arg3[%mul3A_9] : memref<320000xi32, #tpu.memory_space<hbm>> -> memref<10000xi32, #tpu.memory_space<hbm>>
      %dma_wait3A_70 = tpu.memref_slice %arg3[%mul3A_9] : memref<320000xi32, #tpu.memory_space<hbm>> -> memref<10000xi32, #tpu.memory_space<hbm>>
      tpu.wait_dma2 semaphore(%run_scoped3A : memref<!tpu.dma_semaphore, #tpu.memory_space<semaphore_mem>>) src(%dma_wait3A_70 : memref<10000xi32, #tpu.memory_space<hbm>>) dst(%arg8 : memref<10000xi32, #tpu.memory_space<vmem>>)
      tpu.yield
    }) : () -> ()
    %barrier3A = arith.constant 0 : index
    tpu.barrier barrier_id(%barrier3A)
    %add3A_10 = arith.constant 0 : i32
    %add3A_11 = arith.addi %mul3A_9, %add3A_10 : i32
    %dma_start3A = tpu.memref_slice %arg4[%add3A_11] : memref<320000xi32, #tpu.memory_space<hbm>> -> memref<64xi32, #tpu.memory_space<hbm>>
    %dma_start3A_12 = tpu.memref_slice %arg4[%add3A_11] : memref<320000xi32, #tpu.memory_space<hbm>> -> memref<64xi32, #tpu.memory_space<hbm>>
    tpu.enqueue_dma source(%dma_start3A_12 : memref<64xi32, #tpu.memory_space<hbm>>) target(%arg9 : memref<64xi32, #tpu.memory_space<vmem>>) target_semaphore(%arg20 : memref<!tpu.dma_semaphore, #tpu.memory_space<semaphore_mem>>)
    %dma_start3A_13 = arith.constant 0 : i32
    %dma_start3A_14 = tpu.memref_slice %arg8[%dma_start3A_13] : memref<10000xi32, #tpu.memory_space<vmem>> -> memref<64xi32, #tpu.memory_space<vmem>>
    %dma_start3A_15 = arith.constant 0 : i32
    %dma_start3A_16 = arith.constant 0 : i32
    %dma_start3A_17 = tpu.memref_slice %arg2[%dma_start3A_15, %dma_start3A_16] : memref<10000x128xf32, #tpu.memory_space<hbm>> -> memref<10000x128xf32, #tpu.memory_space<hbm>>
    tpu.enqueue_indirect_dma source(%dma_start3A_17 : memref<10000x128xf32, #tpu.memory_space<hbm>>) target(%arg13 : memref<64x128xf32, #tpu.memory_space<vmem>>) offsets(%dma_start3A_14 : memref<64xi32, #tpu.memory_space<vmem>>) semaphore(%arg24 : memref<!tpu.dma_semaphore, #tpu.memory_space<semaphore_mem>>)
    %add3A_18 = arith.constant 64 : i32
    %add3A_19 = arith.addi %mul3A_9, %add3A_18 : i32
    %dma_start3A_20 = tpu.memref_slice %arg4[%add3A_19] : memref<320000xi32, #tpu.memory_space<hbm>> -> memref<64xi32, #tpu.memory_space<hbm>>
    %dma_start3A_21 = tpu.memref_slice %arg4[%add3A_19] : memref<320000xi32, #tpu.memory_space<hbm>> -> memref<64xi32, #tpu.memory_space<hbm>>
    tpu.enqueue_dma source(%dma_start3A_21 : memref<64xi32, #tpu.memory_space<hbm>>) target(%arg10 : memref<64xi32, #tpu.memory_space<vmem>>) target_semaphore(%arg21 : memref<!tpu.dma_semaphore, #tpu.memory_space<semaphore_mem>>)
    %dma_start3A_22 = arith.constant 64 : i32
    %dma_start3A_23 = tpu.memref_slice %arg8[%dma_start3A_22] : memref<10000xi32, #tpu.memory_space<vmem>> -> memref<64xi32, #tpu.memory_space<vmem>>
    %dma_start3A_24 = arith.constant 0 : i32
    %dma_start3A_25 = arith.constant 0 : i32
    %dma_start3A_26 = tpu.memref_slice %arg2[%dma_start3A_24, %dma_start3A_25] : memref<10000x128xf32, #tpu.memory_space<hbm>> -> memref<10000x128xf32, #tpu.memory_space<hbm>>
    tpu.enqueue_indirect_dma source(%dma_start3A_26 : memref<10000x128xf32, #tpu.memory_space<hbm>>) target(%arg14 : memref<64x128xf32, #tpu.memory_space<vmem>>) offsets(%dma_start3A_23 : memref<64xi32, #tpu.memory_space<vmem>>) semaphore(%arg25 : memref<!tpu.dma_semaphore, #tpu.memory_space<semaphore_mem>>)
    %add3A_27 = arith.constant 128 : i32
    %add3A_28 = arith.addi %mul3A_9, %add3A_27 : i32
    %dma_start3A_29 = tpu.memref_slice %arg4[%add3A_28] : memref<320000xi32, #tpu.memory_space<hbm>> -> memref<64xi32, #tpu.memory_space<hbm>>
    %dma_start3A_30 = tpu.memref_slice %arg4[%add3A_28] : memref<320000xi32, #tpu.memory_space<hbm>> -> memref<64xi32, #tpu.memory_space<hbm>>
    tpu.enqueue_dma source(%dma_start3A_30 : memref<64xi32, #tpu.memory_space<hbm>>) target(%arg11 : memref<64xi32, #tpu.memory_space<vmem>>) target_semaphore(%arg22 : memref<!tpu.dma_semaphore, #tpu.memory_space<semaphore_mem>>)
    %dma_start3A_31 = arith.constant 128 : i32
    %dma_start3A_32 = tpu.memref_slice %arg8[%dma_start3A_31] : memref<10000xi32, #tpu.memory_space<vmem>> -> memref<64xi32, #tpu.memory_space<vmem>>
    %dma_start3A_33 = arith.constant 0 : i32
    %dma_start3A_34 = arith.constant 0 : i32
    %dma_start3A_35 = tpu.memref_slice %arg2[%dma_start3A_33, %dma_start3A_34] : memref<10000x128xf32, #tpu.memory_space<hbm>> -> memref<10000x128xf32, #tpu.memory_space<hbm>>
    tpu.enqueue_indirect_dma source(%dma_start3A_35 : memref<10000x128xf32, #tpu.memory_space<hbm>>) target(%arg15 : memref<64x128xf32, #tpu.memory_space<vmem>>) offsets(%dma_start3A_32 : memref<64xi32, #tpu.memory_space<vmem>>) semaphore(%arg26 : memref<!tpu.dma_semaphore, #tpu.memory_space<semaphore_mem>>)
    %add3A_36 = arith.constant 192 : i32
    %add3A_37 = arith.addi %mul3A_9, %add3A_36 : i32
    %dma_start3A_38 = tpu.memref_slice %arg4[%add3A_37] : memref<320000xi32, #tpu.memory_space<hbm>> -> memref<64xi32, #tpu.memory_space<hbm>>
    %dma_start3A_39 = tpu.memref_slice %arg4[%add3A_37] : memref<320000xi32, #tpu.memory_space<hbm>> -> memref<64xi32, #tpu.memory_space<hbm>>
    tpu.enqueue_dma source(%dma_start3A_39 : memref<64xi32, #tpu.memory_space<hbm>>) target(%arg12 : memref<64xi32, #tpu.memory_space<vmem>>) target_semaphore(%arg23 : memref<!tpu.dma_semaphore, #tpu.memory_space<semaphore_mem>>)
    %dma_start3A_40 = arith.constant 192 : i32
    %dma_start3A_41 = tpu.memref_slice %arg8[%dma_start3A_40] : memref<10000xi32, #tpu.memory_space<vmem>> -> memref<64xi32, #tpu.memory_space<vmem>>
    %dma_start3A_42 = arith.constant 0 : i32
    %dma_start3A_43 = arith.constant 0 : i32
    %dma_start3A_44 = tpu.memref_slice %arg2[%dma_start3A_42, %dma_start3A_43] : memref<10000x128xf32, #tpu.memory_space<hbm>> -> memref<10000x128xf32, #tpu.memory_space<hbm>>
    tpu.enqueue_indirect_dma source(%dma_start3A_44 : memref<10000x128xf32, #tpu.memory_space<hbm>>) target(%arg16 : memref<64x128xf32, #tpu.memory_space<vmem>>) offsets(%dma_start3A_41 : memref<64xi32, #tpu.memory_space<vmem>>) semaphore(%arg27 : memref<!tpu.dma_semaphore, #tpu.memory_space<semaphore_mem>>)
    %scan3A = arith.constant 0 : i32
    %scan3A_45 = arith.constant 0 : i32
    %scan3A_46 = arith.constant 39 : i32
    %scan3A_47 = arith.addi %scan3A_45, %scan3A_46 : i32
    %scan3A_48 = arith.constant 1 : i32
    scf.for %scan3A_67 = %scan3A_45 to %scan3A_47 step %scan3A_48  : i32 {
      %mul3A_68 = arith.constant 4 : i32
      %mul3A_69 = arith.muli %mul3A_68, %scan3A_67 : i32
      %add3A_70 = arith.constant 0 : i32
      %add3A_71 = arith.addi %mul3A_69, %add3A_70 : i32
      %mul3A_72 = arith.constant 64 : i32
      %mul3A_73 = arith.muli %add3A_71, %mul3A_72 : i32
      %add3A_74 = arith.addi %mul3A_9, %mul3A_73 : i32
      %dma_wait3A_75 = tpu.memref_slice %arg4[%add3A_74] : memref<320000xi32, #tpu.memory_space<hbm>> -> memref<64xi32, #tpu.memory_space<hbm>>
      %dma_wait3A_76 = tpu.memref_slice %arg4[%add3A_74] : memref<320000xi32, #tpu.memory_space<hbm>> -> memref<64xi32, #tpu.memory_space<hbm>>
      tpu.wait_dma2 semaphore(%arg20 : memref<!tpu.dma_semaphore, #tpu.memory_space<semaphore_mem>>) src(%dma_wait3A_76 : memref<64xi32, #tpu.memory_space<hbm>>) dst(%arg9 : memref<64xi32, #tpu.memory_space<vmem>>)
      %mul3A_77 = arith.constant 64 : i32
      %mul3A_78 = arith.muli %add3A_71, %mul3A_77 : i32
      %dma_wait3A_79 = tpu.memref_slice %arg8[%mul3A_78] : memref<10000xi32, #tpu.memory_space<vmem>> -> memref<64xi32, #tpu.memory_space<vmem>>
      %dma_wait3A_80 = arith.constant 0 : i32
      %dma_wait3A_81 = arith.constant 0 : i32
      %dma_wait3A_82 = tpu.memref_slice %arg2[%dma_wait3A_80, %dma_wait3A_81] : memref<10000x128xf32, #tpu.memory_space<hbm>> -> memref<10000x128xf32, #tpu.memory_space<hbm>>
      tpu.wait_indirect_dma semaphore(%arg24 : memref<!tpu.dma_semaphore, #tpu.memory_space<semaphore_mem>>) src(%dma_wait3A_82 : memref<10000x128xf32, #tpu.memory_space<hbm>>) dst(%arg13 : memref<64x128xf32, #tpu.memory_space<vmem>>)
      "tpu.region"() ({
        %run_scoped3A = tpu.sem_alloc : memref<!tpu.dma_semaphore, #tpu.memory_space<semaphore_mem>>
        %dma_start3A_156 = arith.constant 0 : i32
        %dma_start3A_157 = arith.constant 0 : i32
        %dma_start3A_158 = tpu.memref_slice %arg7[%dma_start3A_156, %dma_start3A_157] : memref<10000x128xf32, #tpu.memory_space<vmem_shared>> -> memref<10000x128xf32, #tpu.memory_space<vmem_shared>>
        tpu.enqueue_indirect_dma source(%arg13 : memref<64x128xf32, #tpu.memory_space<vmem>>) target(%dma_start3A_158 : memref<10000x128xf32, #tpu.memory_space<vmem_shared>>) offsets(%arg9 : memref<64xi32, #tpu.memory_space<vmem>>) semaphore(%run_scoped3A : memref<!tpu.dma_semaphore, #tpu.memory_space<semaphore_mem>>) {add = true}
        %dma_wait3A_159 = arith.constant 0 : i32
        %dma_wait3A_160 = arith.constant 0 : i32
        %dma_wait3A_161 = tpu.memref_slice %arg7[%dma_wait3A_159, %dma_wait3A_160] : memref<10000x128xf32, #tpu.memory_space<vmem_shared>> -> memref<10000x128xf32, #tpu.memory_space<vmem_shared>>
        tpu.wait_indirect_dma semaphore(%run_scoped3A : memref<!tpu.dma_semaphore, #tpu.memory_space<semaphore_mem>>) src(%arg13 : memref<64x128xf32, #tpu.memory_space<vmem>>) dst(%dma_wait3A_161 : memref<10000x128xf32, #tpu.memory_space<vmem_shared>>)
        tpu.yield
      }) : () -> ()
      %add3A_83 = arith.constant 4 : i32
      %add3A_84 = arith.addi %add3A_71, %add3A_83 : i32
      %lt3A_85 = arith.constant 156 : i32
      %lt3A_86 = arith.cmpi slt, %add3A_84, %lt3A_85 : i32
      %convert_element_type3A_87 = arith.extui %lt3A_86 : i1 to i32
      %cond3A_88 = arith.constant 0 : i32
      %cond3A_89 = arith.cmpi ne, %convert_element_type3A_87, %cond3A_88 : i32
      scf.if %cond3A_89 {
        %add3A_156 = arith.constant 4 : i32
        %add3A_157 = arith.addi %add3A_71, %add3A_156 : i32
        %mul3A_158 = arith.constant 64 : i32
        %mul3A_159 = arith.muli %add3A_157, %mul3A_158 : i32
        %add3A_160 = arith.addi %mul3A_9, %mul3A_159 : i32
        %dma_start3A_161 = tpu.memref_slice %arg4[%add3A_160] : memref<320000xi32, #tpu.memory_space<hbm>> -> memref<64xi32, #tpu.memory_space<hbm>>
        %dma_start3A_162 = tpu.memref_slice %arg4[%add3A_160] : memref<320000xi32, #tpu.memory_space<hbm>> -> memref<64xi32, #tpu.memory_space<hbm>>
        tpu.enqueue_dma source(%dma_start3A_162 : memref<64xi32, #tpu.memory_space<hbm>>) target(%arg9 : memref<64xi32, #tpu.memory_space<vmem>>) target_semaphore(%arg20 : memref<!tpu.dma_semaphore, #tpu.memory_space<semaphore_mem>>)
        %mul3A_163 = arith.constant 64 : i32
        %mul3A_164 = arith.muli %add3A_157, %mul3A_163 : i32
        %dma_start3A_165 = tpu.memref_slice %arg8[%mul3A_164] : memref<10000xi32, #tpu.memory_space<vmem>> -> memref<64xi32, #tpu.memory_space<vmem>>
        %dma_start3A_166 = arith.constant 0 : i32
        %dma_start3A_167 = arith.constant 0 : i32
        %dma_start3A_168 = tpu.memref_slice %arg2[%dma_start3A_166, %dma_start3A_167] : memref<10000x128xf32, #tpu.memory_space<hbm>> -> memref<10000x128xf32, #tpu.memory_space<hbm>>
        tpu.enqueue_indirect_dma source(%dma_start3A_168 : memref<10000x128xf32, #tpu.memory_space<hbm>>) target(%arg13 : memref<64x128xf32, #tpu.memory_space<vmem>>) offsets(%dma_start3A_165 : memref<64xi32, #tpu.memory_space<vmem>>) semaphore(%arg24 : memref<!tpu.dma_semaphore, #tpu.memory_space<semaphore_mem>>)
      } else {
      }
      %mul3A_90 = arith.constant 4 : i32
      %mul3A_91 = arith.muli %mul3A_90, %scan3A_67 : i32
      %add3A_92 = arith.constant 1 : i32
      %add3A_93 = arith.addi %mul3A_91, %add3A_92 : i32
      %mul3A_94 = arith.constant 64 : i32
      %mul3A_95 = arith.muli %add3A_93, %mul3A_94 : i32
      %add3A_96 = arith.addi %mul3A_9, %mul3A_95 : i32
      %dma_wait3A_97 = tpu.memref_slice %arg4[%add3A_96] : memref<320000xi32, #tpu.memory_space<hbm>> -> memref<64xi32, #tpu.memory_space<hbm>>
      %dma_wait3A_98 = tpu.memref_slice %arg4[%add3A_96] : memref<320000xi32, #tpu.memory_space<hbm>> -> memref<64xi32, #tpu.memory_space<hbm>>
      tpu.wait_dma2 semaphore(%arg21 : memref<!tpu.dma_semaphore, #tpu.memory_space<semaphore_mem>>) src(%dma_wait3A_98 : memref<64xi32, #tpu.memory_space<hbm>>) dst(%arg10 : memref<64xi32, #tpu.memory_space<vmem>>)
      %mul3A_99 = arith.constant 64 : i32
      %mul3A_100 = arith.muli %add3A_93, %mul3A_99 : i32
      %dma_wait3A_101 = tpu.memref_slice %arg8[%mul3A_100] : memref<10000xi32, #tpu.memory_space<vmem>> -> memref<64xi32, #tpu.memory_space<vmem>>
      %dma_wait3A_102 = arith.constant 0 : i32
      %dma_wait3A_103 = arith.constant 0 : i32
      %dma_wait3A_104 = tpu.memref_slice %arg2[%dma_wait3A_102, %dma_wait3A_103] : memref<10000x128xf32, #tpu.memory_space<hbm>> -> memref<10000x128xf32, #tpu.memory_space<hbm>>
      tpu.wait_indirect_dma semaphore(%arg25 : memref<!tpu.dma_semaphore, #tpu.memory_space<semaphore_mem>>) src(%dma_wait3A_104 : memref<10000x128xf32, #tpu.memory_space<hbm>>) dst(%arg14 : memref<64x128xf32, #tpu.memory_space<vmem>>)
      "tpu.region"() ({
        %run_scoped3A = tpu.sem_alloc : memref<!tpu.dma_semaphore, #tpu.memory_space<semaphore_mem>>
        %dma_start3A_156 = arith.constant 0 : i32
        %dma_start3A_157 = arith.constant 0 : i32
        %dma_start3A_158 = tpu.memref_slice %arg7[%dma_start3A_156, %dma_start3A_157] : memref<10000x128xf32, #tpu.memory_space<vmem_shared>> -> memref<10000x128xf32, #tpu.memory_space<vmem_shared>>
        tpu.enqueue_indirect_dma source(%arg14 : memref<64x128xf32, #tpu.memory_space<vmem>>) target(%dma_start3A_158 : memref<10000x128xf32, #tpu.memory_space<vmem_shared>>) offsets(%arg10 : memref<64xi32, #tpu.memory_space<vmem>>) semaphore(%run_scoped3A : memref<!tpu.dma_semaphore, #tpu.memory_space<semaphore_mem>>) {add = true}
        %dma_wait3A_159 = arith.constant 0 : i32
        %dma_wait3A_160 = arith.constant 0 : i32
        %dma_wait3A_161 = tpu.memref_slice %arg7[%dma_wait3A_159, %dma_wait3A_160] : memref<10000x128xf32, #tpu.memory_space<vmem_shared>> -> memref<10000x128xf32, #tpu.memory_space<vmem_shared>>
        tpu.wait_indirect_dma semaphore(%run_scoped3A : memref<!tpu.dma_semaphore, #tpu.memory_space<semaphore_mem>>) src(%arg14 : memref<64x128xf32, #tpu.memory_space<vmem>>) dst(%dma_wait3A_161 : memref<10000x128xf32, #tpu.memory_space<vmem_shared>>)
        tpu.yield
      }) : () -> ()
      %add3A_105 = arith.constant 4 : i32
      %add3A_106 = arith.addi %add3A_93, %add3A_105 : i32
      %lt3A_107 = arith.constant 156 : i32
      %lt3A_108 = arith.cmpi slt, %add3A_106, %lt3A_107 : i32
      %convert_element_type3A_109 = arith.extui %lt3A_108 : i1 to i32
      %cond3A_110 = arith.constant 0 : i32
      %cond3A_111 = arith.cmpi ne, %convert_element_type3A_109, %cond3A_110 : i32
      scf.if %cond3A_111 {
        %add3A_156 = arith.constant 4 : i32
        %add3A_157 = arith.addi %add3A_93, %add3A_156 : i32
        %mul3A_158 = arith.constant 64 : i32
        %mul3A_159 = arith.muli %add3A_157, %mul3A_158 : i32
        %add3A_160 = arith.addi %mul3A_9, %mul3A_159 : i32
        %dma_start3A_161 = tpu.memref_slice %arg4[%add3A_160] : memref<320000xi32, #tpu.memory_space<hbm>> -> memref<64xi32, #tpu.memory_space<hbm>>
        %dma_start3A_162 = tpu.memref_slice %arg4[%add3A_160] : memref<320000xi32, #tpu.memory_space<hbm>> -> memref<64xi32, #tpu.memory_space<hbm>>
        tpu.enqueue_dma source(%dma_start3A_162 : memref<64xi32, #tpu.memory_space<hbm>>) target(%arg10 : memref<64xi32, #tpu.memory_space<vmem>>) target_semaphore(%arg21 : memref<!tpu.dma_semaphore, #tpu.memory_space<semaphore_mem>>)
        %mul3A_163 = arith.constant 64 : i32
        %mul3A_164 = arith.muli %add3A_157, %mul3A_163 : i32
        %dma_start3A_165 = tpu.memref_slice %arg8[%mul3A_164] : memref<10000xi32, #tpu.memory_space<vmem>> -> memref<64xi32, #tpu.memory_space<vmem>>
        %dma_start3A_166 = arith.constant 0 : i32
        %dma_start3A_167 = arith.constant 0 : i32
        %dma_start3A_168 = tpu.memref_slice %arg2[%dma_start3A_166, %dma_start3A_167] : memref<10000x128xf32, #tpu.memory_space<hbm>> -> memref<10000x128xf32, #tpu.memory_space<hbm>>
        tpu.enqueue_indirect_dma source(%dma_start3A_168 : memref<10000x128xf32, #tpu.memory_space<hbm>>) target(%arg14 : memref<64x128xf32, #tpu.memory_space<vmem>>) offsets(%dma_start3A_165 : memref<64xi32, #tpu.memory_space<vmem>>) semaphore(%arg25 : memref<!tpu.dma_semaphore, #tpu.memory_space<semaphore_mem>>)
      } else {
      }
      %mul3A_112 = arith.constant 4 : i32
      %mul3A_113 = arith.muli %mul3A_112, %scan3A_67 : i32
      %add3A_114 = arith.constant 2 : i32
      %add3A_115 = arith.addi %mul3A_113, %add3A_114 : i32
      %mul3A_116 = arith.constant 64 : i32
      %mul3A_117 = arith.muli %add3A_115, %mul3A_116 : i32
      %add3A_118 = arith.addi %mul3A_9, %mul3A_117 : i32
      %dma_wait3A_119 = tpu.memref_slice %arg4[%add3A_118] : memref<320000xi32, #tpu.memory_space<hbm>> -> memref<64xi32, #tpu.memory_space<hbm>>
      %dma_wait3A_120 = tpu.memref_slice %arg4[%add3A_118] : memref<320000xi32, #tpu.memory_space<hbm>> -> memref<64xi32, #tpu.memory_space<hbm>>
      tpu.wait_dma2 semaphore(%arg22 : memref<!tpu.dma_semaphore, #tpu.memory_space<semaphore_mem>>) src(%dma_wait3A_120 : memref<64xi32, #tpu.memory_space<hbm>>) dst(%arg11 : memref<64xi32, #tpu.memory_space<vmem>>)
      %mul3A_121 = arith.constant 64 : i32
      %mul3A_122 = arith.muli %add3A_115, %mul3A_121 : i32
      %dma_wait3A_123 = tpu.memref_slice %arg8[%mul3A_122] : memref<10000xi32, #tpu.memory_space<vmem>> -> memref<64xi32, #tpu.memory_space<vmem>>
      %dma_wait3A_124 = arith.constant 0 : i32
      %dma_wait3A_125 = arith.constant 0 : i32
      %dma_wait3A_126 = tpu.memref_slice %arg2[%dma_wait3A_124, %dma_wait3A_125] : memref<10000x128xf32, #tpu.memory_space<hbm>> -> memref<10000x128xf32, #tpu.memory_space<hbm>>
      tpu.wait_indirect_dma semaphore(%arg26 : memref<!tpu.dma_semaphore, #tpu.memory_space<semaphore_mem>>) src(%dma_wait3A_126 : memref<10000x128xf32, #tpu.memory_space<hbm>>) dst(%arg15 : memref<64x128xf32, #tpu.memory_space<vmem>>)
      "tpu.region"() ({
        %run_scoped3A = tpu.sem_alloc : memref<!tpu.dma_semaphore, #tpu.memory_space<semaphore_mem>>
        %dma_start3A_156 = arith.constant 0 : i32
        %dma_start3A_157 = arith.constant 0 : i32
        %dma_start3A_158 = tpu.memref_slice %arg7[%dma_start3A_156, %dma_start3A_157] : memref<10000x128xf32, #tpu.memory_space<vmem_shared>> -> memref<10000x128xf32, #tpu.memory_space<vmem_shared>>
        tpu.enqueue_indirect_dma source(%arg15 : memref<64x128xf32, #tpu.memory_space<vmem>>) target(%dma_start3A_158 : memref<10000x128xf32, #tpu.memory_space<vmem_shared>>) offsets(%arg11 : memref<64xi32, #tpu.memory_space<vmem>>) semaphore(%run_scoped3A : memref<!tpu.dma_semaphore, #tpu.memory_space<semaphore_mem>>) {add = true}
        %dma_wait3A_159 = arith.constant 0 : i32
        %dma_wait3A_160 = arith.constant 0 : i32
        %dma_wait3A_161 = tpu.memref_slice %arg7[%dma_wait3A_159, %dma_wait3A_160] : memref<10000x128xf32, #tpu.memory_space<vmem_shared>> -> memref<10000x128xf32, #tpu.memory_space<vmem_shared>>
        tpu.wait_indirect_dma semaphore(%run_scoped3A : memref<!tpu.dma_semaphore, #tpu.memory_space<semaphore_mem>>) src(%arg15 : memref<64x128xf32, #tpu.memory_space<vmem>>) dst(%dma_wait3A_161 : memref<10000x128xf32, #tpu.memory_space<vmem_shared>>)
        tpu.yield
      }) : () -> ()
      %add3A_127 = arith.constant 4 : i32
      %add3A_128 = arith.addi %add3A_115, %add3A_127 : i32
      %lt3A_129 = arith.constant 156 : i32
      %lt3A_130 = arith.cmpi slt, %add3A_128, %lt3A_129 : i32
      %convert_element_type3A_131 = arith.extui %lt3A_130 : i1 to i32
      %cond3A_132 = arith.constant 0 : i32
      %cond3A_133 = arith.cmpi ne, %convert_element_type3A_131, %cond3A_132 : i32
      scf.if %cond3A_133 {
        %add3A_156 = arith.constant 4 : i32
        %add3A_157 = arith.addi %add3A_115, %add3A_156 : i32
        %mul3A_158 = arith.constant 64 : i32
        %mul3A_159 = arith.muli %add3A_157, %mul3A_158 : i32
        %add3A_160 = arith.addi %mul3A_9, %mul3A_159 : i32
        %dma_start3A_161 = tpu.memref_slice %arg4[%add3A_160] : memref<320000xi32, #tpu.memory_space<hbm>> -> memref<64xi32, #tpu.memory_space<hbm>>
        %dma_start3A_162 = tpu.memref_slice %arg4[%add3A_160] : memref<320000xi32, #tpu.memory_space<hbm>> -> memref<64xi32, #tpu.memory_space<hbm>>
        tpu.enqueue_dma source(%dma_start3A_162 : memref<64xi32, #tpu.memory_space<hbm>>) target(%arg11 : memref<64xi32, #tpu.memory_space<vmem>>) target_semaphore(%arg22 : memref<!tpu.dma_semaphore, #tpu.memory_space<semaphore_mem>>)
        %mul3A_163 = arith.constant 64 : i32
        %mul3A_164 = arith.muli %add3A_157, %mul3A_163 : i32
        %dma_start3A_165 = tpu.memref_slice %arg8[%mul3A_164] : memref<10000xi32, #tpu.memory_space<vmem>> -> memref<64xi32, #tpu.memory_space<vmem>>
        %dma_start3A_166 = arith.constant 0 : i32
        %dma_start3A_167 = arith.constant 0 : i32
        %dma_start3A_168 = tpu.memref_slice %arg2[%dma_start3A_166, %dma_start3A_167] : memref<10000x128xf32, #tpu.memory_space<hbm>> -> memref<10000x128xf32, #tpu.memory_space<hbm>>
        tpu.enqueue_indirect_dma source(%dma_start3A_168 : memref<10000x128xf32, #tpu.memory_space<hbm>>) target(%arg15 : memref<64x128xf32, #tpu.memory_space<vmem>>) offsets(%dma_start3A_165 : memref<64xi32, #tpu.memory_space<vmem>>) semaphore(%arg26 : memref<!tpu.dma_semaphore, #tpu.memory_space<semaphore_mem>>)
      } else {
      }
      %mul3A_134 = arith.constant 4 : i32
      %mul3A_135 = arith.muli %mul3A_134, %scan3A_67 : i32
      %add3A_136 = arith.constant 3 : i32
      %add3A_137 = arith.addi %mul3A_135, %add3A_136 : i32
      %mul3A_138 = arith.constant 64 : i32
      %mul3A_139 = arith.muli %add3A_137, %mul3A_138 : i32
      %add3A_140 = arith.addi %mul3A_9, %mul3A_139 : i32
      %dma_wait3A_141 = tpu.memref_slice %arg4[%add3A_140] : memref<320000xi32, #tpu.memory_space<hbm>> -> memref<64xi32, #tpu.memory_space<hbm>>
      %dma_wait3A_142 = tpu.memref_slice %arg4[%add3A_140] : memref<320000xi32, #tpu.memory_space<hbm>> -> memref<64xi32, #tpu.memory_space<hbm>>
      tpu.wait_dma2 semaphore(%arg23 : memref<!tpu.dma_semaphore, #tpu.memory_space<semaphore_mem>>) src(%dma_wait3A_142 : memref<64xi32, #tpu.memory_space<hbm>>) dst(%arg12 : memref<64xi32, #tpu.memory_space<vmem>>)
      %mul3A_143 = arith.constant 64 : i32
      %mul3A_144 = arith.muli %add3A_137, %mul3A_143 : i32
      %dma_wait3A_145 = tpu.memref_slice %arg8[%mul3A_144] : memref<10000xi32, #tpu.memory_space<vmem>> -> memref<64xi32, #tpu.memory_space<vmem>>
      %dma_wait3A_146 = arith.constant 0 : i32
      %dma_wait3A_147 = arith.constant 0 : i32
      %dma_wait3A_148 = tpu.memref_slice %arg2[%dma_wait3A_146, %dma_wait3A_147] : memref<10000x128xf32, #tpu.memory_space<hbm>> -> memref<10000x128xf32, #tpu.memory_space<hbm>>
      tpu.wait_indirect_dma semaphore(%arg27 : memref<!tpu.dma_semaphore, #tpu.memory_space<semaphore_mem>>) src(%dma_wait3A_148 : memref<10000x128xf32, #tpu.memory_space<hbm>>) dst(%arg16 : memref<64x128xf32, #tpu.memory_space<vmem>>)
      "tpu.region"() ({
        %run_scoped3A = tpu.sem_alloc : memref<!tpu.dma_semaphore, #tpu.memory_space<semaphore_mem>>
        %dma_start3A_156 = arith.constant 0 : i32
        %dma_start3A_157 = arith.constant 0 : i32
        %dma_start3A_158 = tpu.memref_slice %arg7[%dma_start3A_156, %dma_start3A_157] : memref<10000x128xf32, #tpu.memory_space<vmem_shared>> -> memref<10000x128xf32, #tpu.memory_space<vmem_shared>>
        tpu.enqueue_indirect_dma source(%arg16 : memref<64x128xf32, #tpu.memory_space<vmem>>) target(%dma_start3A_158 : memref<10000x128xf32, #tpu.memory_space<vmem_shared>>) offsets(%arg12 : memref<64xi32, #tpu.memory_space<vmem>>) semaphore(%run_scoped3A : memref<!tpu.dma_semaphore, #tpu.memory_space<semaphore_mem>>) {add = true}
        %dma_wait3A_159 = arith.constant 0 : i32
        %dma_wait3A_160 = arith.constant 0 : i32
        %dma_wait3A_161 = tpu.memref_slice %arg7[%dma_wait3A_159, %dma_wait3A_160] : memref<10000x128xf32, #tpu.memory_space<vmem_shared>> -> memref<10000x128xf32, #tpu.memory_space<vmem_shared>>
        tpu.wait_indirect_dma semaphore(%run_scoped3A : memref<!tpu.dma_semaphore, #tpu.memory_space<semaphore_mem>>) src(%arg16 : memref<64x128xf32, #tpu.memory_space<vmem>>) dst(%dma_wait3A_161 : memref<10000x128xf32, #tpu.memory_space<vmem_shared>>)
        tpu.yield
      }) : () -> ()
      %add3A_149 = arith.constant 4 : i32
      %add3A_150 = arith.addi %add3A_137, %add3A_149 : i32
      %lt3A_151 = arith.constant 156 : i32
      %lt3A_152 = arith.cmpi slt, %add3A_150, %lt3A_151 : i32
      %convert_element_type3A_153 = arith.extui %lt3A_152 : i1 to i32
      %cond3A_154 = arith.constant 0 : i32
      %cond3A_155 = arith.cmpi ne, %convert_element_type3A_153, %cond3A_154 : i32
      scf.if %cond3A_155 {
        %add3A_156 = arith.constant 4 : i32
        %add3A_157 = arith.addi %add3A_137, %add3A_156 : i32
        %mul3A_158 = arith.constant 64 : i32
        %mul3A_159 = arith.muli %add3A_157, %mul3A_158 : i32
        %add3A_160 = arith.addi %mul3A_9, %mul3A_159 : i32
        %dma_start3A_161 = tpu.memref_slice %arg4[%add3A_160] : memref<320000xi32, #tpu.memory_space<hbm>> -> memref<64xi32, #tpu.memory_space<hbm>>
        %dma_start3A_162 = tpu.memref_slice %arg4[%add3A_160] : memref<320000xi32, #tpu.memory_space<hbm>> -> memref<64xi32, #tpu.memory_space<hbm>>
        tpu.enqueue_dma source(%dma_start3A_162 : memref<64xi32, #tpu.memory_space<hbm>>) target(%arg12 : memref<64xi32, #tpu.memory_space<vmem>>) target_semaphore(%arg23 : memref<!tpu.dma_semaphore, #tpu.memory_space<semaphore_mem>>)
        %mul3A_163 = arith.constant 64 : i32
        %mul3A_164 = arith.muli %add3A_157, %mul3A_163 : i32
        %dma_start3A_165 = tpu.memref_slice %arg8[%mul3A_164] : memref<10000xi32, #tpu.memory_space<vmem>> -> memref<64xi32, #tpu.memory_space<vmem>>
        %dma_start3A_166 = arith.constant 0 : i32
        %dma_start3A_167 = arith.constant 0 : i32
        %dma_start3A_168 = tpu.memref_slice %arg2[%dma_start3A_166, %dma_start3A_167] : memref<10000x128xf32, #tpu.memory_space<hbm>> -> memref<10000x128xf32, #tpu.memory_space<hbm>>
        tpu.enqueue_indirect_dma source(%dma_start3A_168 : memref<10000x128xf32, #tpu.memory_space<hbm>>) target(%arg16 : memref<64x128xf32, #tpu.memory_space<vmem>>) offsets(%dma_start3A_165 : memref<64xi32, #tpu.memory_space<vmem>>) semaphore(%arg27 : memref<!tpu.dma_semaphore, #tpu.memory_space<semaphore_mem>>)
      } else {
      }
    }
    %scan3A_49 = arith.constant 39 : i32
    %add3A_50 = arith.constant 9984 : i32
    %add3A_51 = arith.addi %mul3A_9, %add3A_50 : i32
    "tpu.region"() ({
      %run_scoped3A = tpu.sem_alloc : memref<!tpu.dma_semaphore, #tpu.memory_space<semaphore_mem>>
      %dma_start3A_67 = tpu.memref_slice %arg3[%add3A_51] : memref<320000xi32, #tpu.memory_space<hbm>> -> memref<16xi32, #tpu.memory_space<hbm>>
      %dma_start3A_68 = tpu.memref_slice %arg3[%add3A_51] : memref<320000xi32, #tpu.memory_space<hbm>> -> memref<16xi32, #tpu.memory_space<hbm>>
      tpu.enqueue_dma source(%dma_start3A_68 : memref<16xi32, #tpu.memory_space<hbm>>) target(%arg17 : memref<16xi32, #tpu.memory_space<vmem>>) target_semaphore(%run_scoped3A : memref<!tpu.dma_semaphore, #tpu.memory_space<semaphore_mem>>)
      %dma_wait3A_69 = tpu.memref_slice %arg3[%add3A_51] : memref<320000xi32, #tpu.memory_space<hbm>> -> memref<16xi32, #tpu.memory_space<hbm>>
      %dma_wait3A_70 = tpu.memref_slice %arg3[%add3A_51] : memref<320000xi32, #tpu.memory_space<hbm>> -> memref<16xi32, #tpu.memory_space<hbm>>
      tpu.wait_dma2 semaphore(%run_scoped3A : memref<!tpu.dma_semaphore, #tpu.memory_space<semaphore_mem>>) src(%dma_wait3A_70 : memref<16xi32, #tpu.memory_space<hbm>>) dst(%arg17 : memref<16xi32, #tpu.memory_space<vmem>>)
      tpu.yield
    }) : () -> ()
    "tpu.region"() ({
      %run_scoped3A = tpu.sem_alloc : memref<!tpu.dma_semaphore, #tpu.memory_space<semaphore_mem>>
      %dma_start3A_67 = tpu.memref_slice %arg4[%add3A_51] : memref<320000xi32, #tpu.memory_space<hbm>> -> memref<16xi32, #tpu.memory_space<hbm>>
      %dma_start3A_68 = tpu.memref_slice %arg4[%add3A_51] : memref<320000xi32, #tpu.memory_space<hbm>> -> memref<16xi32, #tpu.memory_space<hbm>>
      tpu.enqueue_dma source(%dma_start3A_68 : memref<16xi32, #tpu.memory_space<hbm>>) target(%arg18 : memref<16xi32, #tpu.memory_space<vmem>>) target_semaphore(%run_scoped3A : memref<!tpu.dma_semaphore, #tpu.memory_space<semaphore_mem>>)
      %dma_wait3A_69 = tpu.memref_slice %arg4[%add3A_51] : memref<320000xi32, #tpu.memory_space<hbm>> -> memref<16xi32, #tpu.memory_space<hbm>>
      %dma_wait3A_70 = tpu.memref_slice %arg4[%add3A_51] : memref<320000xi32, #tpu.memory_space<hbm>> -> memref<16xi32, #tpu.memory_space<hbm>>
      tpu.wait_dma2 semaphore(%run_scoped3A : memref<!tpu.dma_semaphore, #tpu.memory_space<semaphore_mem>>) src(%dma_wait3A_70 : memref<16xi32, #tpu.memory_space<hbm>>) dst(%arg18 : memref<16xi32, #tpu.memory_space<vmem>>)
      tpu.yield
    }) : () -> ()
    %dma_start3A_52 = arith.constant 0 : i32
    %dma_start3A_53 = arith.constant 0 : i32
    %dma_start3A_54 = tpu.memref_slice %arg2[%dma_start3A_52, %dma_start3A_53] : memref<10000x128xf32, #tpu.memory_space<hbm>> -> memref<10000x128xf32, #tpu.memory_space<hbm>>
    tpu.enqueue_indirect_dma source(%dma_start3A_54 : memref<10000x128xf32, #tpu.memory_space<hbm>>) target(%arg19 : memref<16x128xf32, #tpu.memory_space<vmem>>) offsets(%arg17 : memref<16xi32, #tpu.memory_space<vmem>>) semaphore(%arg24 : memref<!tpu.dma_semaphore, #tpu.memory_space<semaphore_mem>>)
    %dma_wait3A = arith.constant 0 : i32
    %dma_wait3A_55 = arith.constant 0 : i32
    %dma_wait3A_56 = tpu.memref_slice %arg2[%dma_wait3A, %dma_wait3A_55] : memref<10000x128xf32, #tpu.memory_space<hbm>> -> memref<10000x128xf32, #tpu.memory_space<hbm>>
    tpu.wait_indirect_dma semaphore(%arg24 : memref<!tpu.dma_semaphore, #tpu.memory_space<semaphore_mem>>) src(%dma_wait3A_56 : memref<10000x128xf32, #tpu.memory_space<hbm>>) dst(%arg19 : memref<16x128xf32, #tpu.memory_space<vmem>>)
    "tpu.region"() ({
      %run_scoped3A = tpu.sem_alloc : memref<!tpu.dma_semaphore, #tpu.memory_space<semaphore_mem>>
      %dma_start3A_67 = arith.constant 0 : i32
      %dma_start3A_68 = arith.constant 0 : i32
      %dma_start3A_69 = tpu.memref_slice %arg7[%dma_start3A_67, %dma_start3A_68] : memref<10000x128xf32, #tpu.memory_space<vmem_shared>> -> memref<10000x128xf32, #tpu.memory_space<vmem_shared>>
      tpu.enqueue_indirect_dma source(%arg19 : memref<16x128xf32, #tpu.memory_space<vmem>>) target(%dma_start3A_69 : memref<10000x128xf32, #tpu.memory_space<vmem_shared>>) offsets(%arg18 : memref<16xi32, #tpu.memory_space<vmem>>) semaphore(%run_scoped3A : memref<!tpu.dma_semaphore, #tpu.memory_space<semaphore_mem>>) {add = true}
      %dma_wait3A_70 = arith.constant 0 : i32
      %dma_wait3A_71 = arith.constant 0 : i32
      %dma_wait3A_72 = tpu.memref_slice %arg7[%dma_wait3A_70, %dma_wait3A_71] : memref<10000x128xf32, #tpu.memory_space<vmem_shared>> -> memref<10000x128xf32, #tpu.memory_space<vmem_shared>>
      tpu.wait_indirect_dma semaphore(%run_scoped3A : memref<!tpu.dma_semaphore, #tpu.memory_space<semaphore_mem>>) src(%arg19 : memref<16x128xf32, #tpu.memory_space<vmem>>) dst(%dma_wait3A_72 : memref<10000x128xf32, #tpu.memory_space<vmem_shared>>)
      tpu.yield
    }) : () -> ()
    %barrier3A_57 = arith.constant 0 : index
    tpu.barrier barrier_id(%barrier3A_57)
    %lt3A = arith.constant 15 : i32
    %lt3A_58 = arith.cmpi slt, %arg1, %lt3A : i32
    %convert_element_type3A_59 = arith.extui %lt3A_58 : i1 to i32
    %cond3A_60 = arith.constant 0 : i32
    %cond3A_61 = arith.cmpi ne, %convert_element_type3A_59, %cond3A_60 : i32
    scf.if %cond3A_61 {
      %mul3A_67 = arith.constant 640 : i32
      %mul3A_68 = arith.muli %arg1, %mul3A_67 : i32
      %mul3A_69 = arith.constant 640 : i32
      %mul3A_70 = arith.muli %arg1, %mul3A_69 : i32
      "tpu.region"() ({
        %run_scoped3A = tpu.sem_alloc : memref<!tpu.dma_semaphore, #tpu.memory_space<semaphore_mem>>
        %dma_start3A_71 = arith.constant 0 : i32
        %dma_start3A_72 = arith.constant 0 : i32
        %dma_start3A_73 = tpu.memref_slice %arg6[%arg0, %dma_start3A_71, %dma_start3A_72] : memref<2x10000x128xf32, #tpu.memory_space<hbm>> -> memref<1x10000x128xf32, #tpu.memory_space<hbm>>
        %dma_start3A_74 = tpu.memref_squeeze %dma_start3A_73 : memref<1x10000x128xf32, #tpu.memory_space<hbm>> -> memref<10000x128xf32, #tpu.memory_space<hbm>>
        %dma_start3A_75 = arith.constant 0 : i32
        %dma_start3A_76 = tpu.memref_slice %dma_start3A_74[%mul3A_70, %dma_start3A_75] : memref<10000x128xf32, #tpu.memory_space<hbm>> -> memref<640x128xf32, #tpu.memory_space<hbm>>
        %dma_start3A_77 = arith.constant 0 : i32
        %dma_start3A_78 = tpu.memref_slice %arg7[%mul3A_68, %dma_start3A_77] : memref<10000x128xf32, #tpu.memory_space<vmem_shared>> -> memref<640x128xf32, #tpu.memory_space<vmem_shared>>
        tpu.enqueue_dma source(%dma_start3A_78 : memref<640x128xf32, #tpu.memory_space<vmem_shared>>) target(%dma_start3A_76 : memref<640x128xf32, #tpu.memory_space<hbm>>) target_semaphore(%run_scoped3A : memref<!tpu.dma_semaphore, #tpu.memory_space<semaphore_mem>>)
        %dma_wait3A_79 = arith.constant 0 : i32
        %dma_wait3A_80 = arith.constant 0 : i32
        %dma_wait3A_81 = tpu.memref_slice %arg6[%arg0, %dma_wait3A_79, %dma_wait3A_80] : memref<2x10000x128xf32, #tpu.memory_space<hbm>> -> memref<1x10000x128xf32, #tpu.memory_space<hbm>>
        %dma_wait3A_82 = tpu.memref_squeeze %dma_wait3A_81 : memref<1x10000x128xf32, #tpu.memory_space<hbm>> -> memref<10000x128xf32, #tpu.memory_space<hbm>>
        %dma_wait3A_83 = arith.constant 0 : i32
        %dma_wait3A_84 = tpu.memref_slice %dma_wait3A_82[%mul3A_70, %dma_wait3A_83] : memref<10000x128xf32, #tpu.memory_space<hbm>> -> memref<640x128xf32, #tpu.memory_space<hbm>>
        %dma_wait3A_85 = arith.constant 0 : i32
        %dma_wait3A_86 = tpu.memref_slice %arg7[%mul3A_68, %dma_wait3A_85] : memref<10000x128xf32, #tpu.memory_space<vmem_shared>> -> memref<640x128xf32, #tpu.memory_space<vmem_shared>>
        tpu.wait_dma2 semaphore(%run_scoped3A : memref<!tpu.dma_semaphore, #tpu.memory_space<semaphore_mem>>) src(%dma_wait3A_86 : memref<640x128xf32, #tpu.memory_space<vmem_shared>>) dst(%dma_wait3A_84 : memref<640x128xf32, #tpu.memory_space<hbm>>)
        tpu.yield
      }) : () -> ()
    } else {
    }
    %eq3A_62 = arith.constant 15 : i32
    %eq3A_63 = arith.cmpi eq, %arg1, %eq3A_62 : i32
    %convert_element_type3A_64 = arith.extui %eq3A_63 : i1 to i32
    %cond3A_65 = arith.constant 0 : i32
    %cond3A_66 = arith.cmpi ne, %convert_element_type3A_64, %cond3A_65 : i32
    scf.if %cond3A_66 {
      "tpu.region"() ({
        %run_scoped3A = tpu.sem_alloc : memref<!tpu.dma_semaphore, #tpu.memory_space<semaphore_mem>>
        %dma_start3A_67 = arith.constant 0 : i32
        %dma_start3A_68 = arith.constant 0 : i32
        %dma_start3A_69 = tpu.memref_slice %arg6[%arg0, %dma_start3A_67, %dma_start3A_68] : memref<2x10000x128xf32, #tpu.memory_space<hbm>> -> memref<1x10000x128xf32, #tpu.memory_space<hbm>>
        %dma_start3A_70 = tpu.memref_squeeze %dma_start3A_69 : memref<1x10000x128xf32, #tpu.memory_space<hbm>> -> memref<10000x128xf32, #tpu.memory_space<hbm>>
        %dma_start3A_71 = arith.constant 9600 : i32
        %dma_start3A_72 = arith.constant 0 : i32
        %dma_start3A_73 = tpu.memref_slice %dma_start3A_70[%dma_start3A_71, %dma_start3A_72] : memref<10000x128xf32, #tpu.memory_space<hbm>> -> memref<400x128xf32, #tpu.memory_space<hbm>>
        %dma_start3A_74 = arith.constant 9600 : i32
        %dma_start3A_75 = arith.constant 0 : i32
        %dma_start3A_76 = tpu.memref_slice %arg7[%dma_start3A_74, %dma_start3A_75] : memref<10000x128xf32, #tpu.memory_space<vmem_shared>> -> memref<400x128xf32, #tpu.memory_space<vmem_shared>>
        tpu.enqueue_dma source(%dma_start3A_76 : memref<400x128xf32, #tpu.memory_space<vmem_shared>>) target(%dma_start3A_73 : memref<400x128xf32, #tpu.memory_space<hbm>>) target_semaphore(%run_scoped3A : memref<!tpu.dma_semaphore, #tpu.memory_space<semaphore_mem>>)
        %dma_wait3A_77 = arith.constant 0 : i32
        %dma_wait3A_78 = arith.constant 0 : i32
        %dma_wait3A_79 = tpu.memref_slice %arg6[%arg0, %dma_wait3A_77, %dma_wait3A_78] : memref<2x10000x128xf32, #tpu.memory_space<hbm>> -> memref<1x10000x128xf32, #tpu.memory_space<hbm>>
        %dma_wait3A_80 = tpu.memref_squeeze %dma_wait3A_79 : memref<1x10000x128xf32, #tpu.memory_space<hbm>> -> memref<10000x128xf32, #tpu.memory_space<hbm>>
        %dma_wait3A_81 = arith.constant 9600 : i32
        %dma_wait3A_82 = arith.constant 0 : i32
        %dma_wait3A_83 = tpu.memref_slice %dma_wait3A_80[%dma_wait3A_81, %dma_wait3A_82] : memref<10000x128xf32, #tpu.memory_space<hbm>> -> memref<400x128xf32, #tpu.memory_space<hbm>>
        %dma_wait3A_84 = arith.constant 9600 : i32
        %dma_wait3A_85 = arith.constant 0 : i32
        %dma_wait3A_86 = tpu.memref_slice %arg7[%dma_wait3A_84, %dma_wait3A_85] : memref<10000x128xf32, #tpu.memory_space<vmem_shared>> -> memref<400x128xf32, #tpu.memory_space<vmem_shared>>
        tpu.wait_dma2 semaphore(%run_scoped3A : memref<!tpu.dma_semaphore, #tpu.memory_space<semaphore_mem>>) src(%dma_wait3A_86 : memref<400x128xf32, #tpu.memory_space<vmem_shared>>) dst(%dma_wait3A_83 : memref<400x128xf32, #tpu.memory_space<hbm>>)
        tpu.yield
      }) : () -> ()
    } else {
    }
    return
  }
}

#map = affine_map<(d0, d1) -> (0)>
#map1 = affine_map<(d0, d1) -> (0, 0)>
module attributes {stable_mosaic.version = 14 : i64} {
  func.func @colagg(%arg0: i32, %arg1: i32, %arg2: memref<10000xf32, #tpu.memory_space<hbm>>, %arg3: memref<320000xi32, #tpu.memory_space<hbm>>, %arg4: memref<320000xi32, #tpu.memory_space<hbm>>, %arg5: memref<2x10240xf32, #tpu.memory_space<hbm>>, %arg6: memref<16x10240xf32, #tpu.memory_space<vmem_shared>>, %arg7: memref<10000xf32, #tpu.memory_space<vmem>>, %arg8: memref<10240xf32, #tpu.memory_space<vmem>>, %arg9: memref<10000xi32, #tpu.memory_space<vmem>>, %arg10: memref<10000xi32, #tpu.memory_space<vmem>>, %arg11: memref<16x640xf32, #tpu.memory_space<vmem>>, %arg12: memref<640xf32, #tpu.memory_space<vmem>>) attributes {dimension_semantics = [#tpu.dimension_semantics<core_parallel>, #tpu.dimension_semantics<subcore_parallel>], iteration_bounds = array<i64: 2, 16>, scalar_prefetch = 0 : i64, scratch_operands = 7 : i64, tpu.core_type = #tpu.core_type<sc_vector_subcore>, window_params = [{transform_indices = #map}, {transform_indices = #map}, {transform_indices = #map}, {transform_indices = #map1}]} {
    %mul3A = arith.constant 16 : i32
    %mul3A_0 = arith.muli %arg0, %mul3A : i32
    %add3A = arith.addi %mul3A_0, %arg1 : i32
    %mul3A_1 = arith.constant 10000 : i32
    %mul3A_2 = arith.muli %add3A, %mul3A_1 : i32
    "tpu.region"() ({
      %run_scoped3A = tpu.sem_alloc : memref<!tpu.dma_semaphore, #tpu.memory_space<semaphore_mem>>
      tpu.enqueue_dma source(%arg2 : memref<10000xf32, #tpu.memory_space<hbm>>) target(%arg7 : memref<10000xf32, #tpu.memory_space<vmem>>) target_semaphore(%run_scoped3A : memref<!tpu.dma_semaphore, #tpu.memory_space<semaphore_mem>>)
      tpu.wait_dma2 semaphore(%run_scoped3A : memref<!tpu.dma_semaphore, #tpu.memory_space<semaphore_mem>>) src(%arg2 : memref<10000xf32, #tpu.memory_space<hbm>>) dst(%arg7 : memref<10000xf32, #tpu.memory_space<vmem>>)
      tpu.yield
    }) : () -> ()
    "tpu.region"() ({
      %run_scoped3A = tpu.sem_alloc : memref<!tpu.dma_semaphore, #tpu.memory_space<semaphore_mem>>
      %dma_start3A = tpu.memref_slice %arg3[%mul3A_2] : memref<320000xi32, #tpu.memory_space<hbm>> -> memref<10000xi32, #tpu.memory_space<hbm>>
      %dma_start3A_25 = tpu.memref_slice %arg3[%mul3A_2] : memref<320000xi32, #tpu.memory_space<hbm>> -> memref<10000xi32, #tpu.memory_space<hbm>>
      tpu.enqueue_dma source(%dma_start3A_25 : memref<10000xi32, #tpu.memory_space<hbm>>) target(%arg9 : memref<10000xi32, #tpu.memory_space<vmem>>) target_semaphore(%run_scoped3A : memref<!tpu.dma_semaphore, #tpu.memory_space<semaphore_mem>>)
      %dma_wait3A = tpu.memref_slice %arg3[%mul3A_2] : memref<320000xi32, #tpu.memory_space<hbm>> -> memref<10000xi32, #tpu.memory_space<hbm>>
      %dma_wait3A_26 = tpu.memref_slice %arg3[%mul3A_2] : memref<320000xi32, #tpu.memory_space<hbm>> -> memref<10000xi32, #tpu.memory_space<hbm>>
      tpu.wait_dma2 semaphore(%run_scoped3A : memref<!tpu.dma_semaphore, #tpu.memory_space<semaphore_mem>>) src(%dma_wait3A_26 : memref<10000xi32, #tpu.memory_space<hbm>>) dst(%arg9 : memref<10000xi32, #tpu.memory_space<vmem>>)
      tpu.yield
    }) : () -> ()
    "tpu.region"() ({
      %run_scoped3A = tpu.sem_alloc : memref<!tpu.dma_semaphore, #tpu.memory_space<semaphore_mem>>
      %dma_start3A = tpu.memref_slice %arg4[%mul3A_2] : memref<320000xi32, #tpu.memory_space<hbm>> -> memref<10000xi32, #tpu.memory_space<hbm>>
      %dma_start3A_25 = tpu.memref_slice %arg4[%mul3A_2] : memref<320000xi32, #tpu.memory_space<hbm>> -> memref<10000xi32, #tpu.memory_space<hbm>>
      tpu.enqueue_dma source(%dma_start3A_25 : memref<10000xi32, #tpu.memory_space<hbm>>) target(%arg10 : memref<10000xi32, #tpu.memory_space<vmem>>) target_semaphore(%run_scoped3A : memref<!tpu.dma_semaphore, #tpu.memory_space<semaphore_mem>>)
      %dma_wait3A = tpu.memref_slice %arg4[%mul3A_2] : memref<320000xi32, #tpu.memory_space<hbm>> -> memref<10000xi32, #tpu.memory_space<hbm>>
      %dma_wait3A_26 = tpu.memref_slice %arg4[%mul3A_2] : memref<320000xi32, #tpu.memory_space<hbm>> -> memref<10000xi32, #tpu.memory_space<hbm>>
      tpu.wait_dma2 semaphore(%run_scoped3A : memref<!tpu.dma_semaphore, #tpu.memory_space<semaphore_mem>>) src(%dma_wait3A_26 : memref<10000xi32, #tpu.memory_space<hbm>>) dst(%arg10 : memref<10000xi32, #tpu.memory_space<vmem>>)
      tpu.yield
    }) : () -> ()
    %iota3A = tpu.iota {dimensions = array<i32: 0>} : vector<16xi32>
    %broadcast_in_dim3A = arith.constant 0.000000e+00 : f32
    %broadcast_in_dim3A_3 = vector.broadcast %broadcast_in_dim3A : f32 to vector<16xf32>
    %eq3A = arith.constant 0 : i32
    %eq3A_4 = arith.cmpi eq, %arg0, %eq3A : i32
    %eq3A_5 = arith.constant 0 : i32
    %eq3A_6 = arith.cmpi eq, %arg1, %eq3A_5 : i32
    %and3A = arith.andi %eq3A_4, %eq3A_6 : i1
    %convert_element_type3A = arith.extui %and3A : i1 to i32
    %cond3A = arith.constant 0 : i32
    %cond3A_7 = arith.cmpi ne, %convert_element_type3A, %cond3A : i32
    scf.if %cond3A_7 {
      "tpu.region"() ({
        %run_scoped3A = tpu.sem_alloc : memref<!tpu.dma_semaphore, #tpu.memory_space<semaphore_mem>>
        %dma_start3A = arith.constant 0 : i32
        %dma_start3A_31 = tpu.memref_slice %arg8[%dma_start3A] : memref<10240xf32, #tpu.memory_space<vmem>> -> memref<10000xf32, #tpu.memory_space<vmem>>
        %dma_start3A_32 = arith.constant 0 : i32
        %dma_start3A_33 = tpu.memref_slice %arg8[%dma_start3A_32] : memref<10240xf32, #tpu.memory_space<vmem>> -> memref<10000xf32, #tpu.memory_space<vmem>>
        tpu.enqueue_dma source(%arg2 : memref<10000xf32, #tpu.memory_space<hbm>>) target(%dma_start3A_33 : memref<10000xf32, #tpu.memory_space<vmem>>) target_semaphore(%run_scoped3A : memref<!tpu.dma_semaphore, #tpu.memory_space<semaphore_mem>>)
        %dma_wait3A = arith.constant 0 : i32
        %dma_wait3A_34 = tpu.memref_slice %arg8[%dma_wait3A] : memref<10240xf32, #tpu.memory_space<vmem>> -> memref<10000xf32, #tpu.memory_space<vmem>>
        %dma_wait3A_35 = arith.constant 0 : i32
        %dma_wait3A_36 = tpu.memref_slice %arg8[%dma_wait3A_35] : memref<10240xf32, #tpu.memory_space<vmem>> -> memref<10000xf32, #tpu.memory_space<vmem>>
        tpu.wait_dma2 semaphore(%run_scoped3A : memref<!tpu.dma_semaphore, #tpu.memory_space<semaphore_mem>>) src(%arg2 : memref<10000xf32, #tpu.memory_space<hbm>>) dst(%dma_wait3A_36 : memref<10000xf32, #tpu.memory_space<vmem>>)
        tpu.yield
      }) : () -> ()
      %scan3A_25 = arith.constant 0 : i32
      %scan3A_26 = arith.constant 625 : i32
      %scan3A_27 = arith.constant 15 : i32
      %scan3A_28 = arith.addi %scan3A_26, %scan3A_27 : i32
      %scan3A_29 = arith.constant 1 : i32
      scf.for %scan3A_31 = %scan3A_26 to %scan3A_28 step %scan3A_29  : i32 {
        %mul3A_32 = arith.constant 16 : i32
        %mul3A_33 = arith.muli %scan3A_31, %mul3A_32 : i32
        %swap3A = arith.index_cast %mul3A_33 : i32 to index
        %swap3A_34 = tpu.vector_load %arg8[%swap3A] {strides = array<i32>} : memref<10240xf32, #tpu.memory_space<vmem>>, vector<16xf32>,
        tpu.vector_store %arg8[%swap3A], %broadcast_in_dim3A_3 {strides = array<i32>} : memref<10240xf32, #tpu.memory_space<vmem>>, vector<16xf32>,
      }
      %scan3A_30 = arith.constant 15 : i32
    } else {
    }
    %not3A = arith.constant true
    %not3A_8 = arith.xori %and3A, %not3A : i1
    %convert_element_type3A_9 = arith.extui %not3A_8 : i1 to i32
    %cond3A_10 = arith.constant 0 : i32
    %cond3A_11 = arith.cmpi ne, %convert_element_type3A_9, %cond3A_10 : i32
    scf.if %cond3A_11 {
      %scan3A_25 = arith.constant 0 : i32
      %scan3A_26 = arith.constant 0 : i32
      %scan3A_27 = arith.constant 640 : i32
      %scan3A_28 = arith.addi %scan3A_26, %scan3A_27 : i32
      %scan3A_29 = arith.constant 1 : i32
      scf.for %scan3A_31 = %scan3A_26 to %scan3A_28 step %scan3A_29  : i32 {
        %mul3A_32 = arith.constant 16 : i32
        %mul3A_33 = arith.muli %scan3A_31, %mul3A_32 : i32
        %swap3A = arith.index_cast %mul3A_33 : i32 to index
        %swap3A_34 = tpu.vector_load %arg8[%swap3A] {strides = array<i32>} : memref<10240xf32, #tpu.memory_space<vmem>>, vector<16xf32>,
        tpu.vector_store %arg8[%swap3A], %broadcast_in_dim3A_3 {strides = array<i32>} : memref<10240xf32, #tpu.memory_space<vmem>>, vector<16xf32>,
      }
      %scan3A_30 = arith.constant 640 : i32
    } else {
    }
    %scan3A = arith.constant 0 : i32
    %scan3A_12 = arith.constant 0 : i32
    %scan3A_13 = arith.constant 625 : i32
    %scan3A_14 = arith.addi %scan3A_12, %scan3A_13 : i32
    %scan3A_15 = arith.constant 1 : i32
    scf.for %scan3A_25 = %scan3A_12 to %scan3A_14 step %scan3A_15  : i32 {
      %mul3A_26 = arith.constant 16 : i32
      %mul3A_27 = arith.muli %scan3A_25, %mul3A_26 : i32
      %get3A = arith.index_cast %mul3A_27 : i32 to index
      %get3A_28 = tpu.vector_load %arg9[%get3A] {strides = array<i32>} : memref<10000xi32, #tpu.memory_space<vmem>>, vector<16xi32>,
      %mul3A_29 = arith.constant 16 : i32
      %mul3A_30 = arith.muli %scan3A_25, %mul3A_29 : i32
      %get3A_31 = arith.index_cast %mul3A_30 : i32 to index
      %get3A_32 = tpu.vector_load %arg10[%get3A_31] {strides = array<i32>} : memref<10000xi32, #tpu.memory_space<vmem>>, vector<16xi32>,
      %gather3A = tpu.vector_load_idx %arg7[%get3A_28] : memref<10000xf32, #tpu.memory_space<vmem>>[vector<16xi32>], vector<16xf32>,
      %masked_sort3A = arith.constant dense<true> : vector<16xi1>
      %masked_sort3A_33 = arith.constant -2147483648 : i32
      %masked_sort3A_34 = vector.broadcast %masked_sort3A_33 : i32 to vector<16xi32>
      %masked_sort3A_35 = arith.xori %get3A_32, %masked_sort3A_34 : vector<16xi32>
      %masked_sort3A_36, %masked_sort3A_37, %masked_sort3A_38 = tpu.sort %masked_sort3A_35, %gather3A masked %masked_sort3A : (vector<16xi32>, vector<16xf32>, vector<16xi1>) -> (vector<16xi1>, vector<16xi32>, vector<16xf32>)
      %masked_sort3A_39 = arith.xori %masked_sort3A_37, %masked_sort3A_34 : vector<16xi32>
      %add3A_40 = arith.constant 1 : i32
      %add3A_41 = vector.broadcast %add3A_40 : i32 to vector<16xi32>
      %add3A_42 = arith.addi %iota3A, %add3A_41 : vector<16xi32>
      %min3A = arith.constant 15 : i32
      %min3A_43 = vector.broadcast %min3A : i32 to vector<16xi32>
      %min3A_44 = arith.minsi %add3A_42, %min3A_43 : vector<16xi32>
      %lt3A = arith.constant 0 : i32
      %lt3A_45 = vector.broadcast %lt3A : i32 to vector<16xi32>
      %lt3A_46 = arith.cmpi slt, %min3A_44, %lt3A_45 : vector<16xi32>
      %add3A_47 = arith.constant 16 : i32
      %add3A_48 = vector.broadcast %add3A_47 : i32 to vector<16xi32>
      %add3A_49 = arith.addi %min3A_44, %add3A_48 : vector<16xi32>
      %select_n3A = arith.select %lt3A_46, %add3A_49, %min3A_44 : vector<16xi1>, vector<16xi32>
      %broadcast_in_dim3A_50 = vector.shape_cast %select_n3A : vector<16xi32> to vector<16x1xi32>
      %gather3A_51 = vector.shape_cast %broadcast_in_dim3A_50 : vector<16x1xi32> to vector<16xi32>
      %gather3A_52 = tpu.dynamic_gather %masked_sort3A_39[%gather3A_51] in [0] : vector<16xi32>, vector<16xi32> -> vector<16xi32>
      %ne3A = arith.cmpi ne, %masked_sort3A_39, %gather3A_52 : vector<16xi32>
      %eq3A_53 = arith.constant 15 : i32
      %eq3A_54 = vector.broadcast %eq3A_53 : i32 to vector<16xi32>
      %eq3A_55 = arith.cmpi eq, %iota3A, %eq3A_54 : vector<16xi32>
      %or3A = arith.ori %ne3A, %eq3A_55 : vector<16xi1>
      %broadcast_in_dim3A_56 = arith.constant true
      %broadcast_in_dim3A_57 = vector.broadcast %broadcast_in_dim3A_56 : i1 to vector<16xi1>
      %masked_cumsum3A = tpu.scan <sum>, %masked_sort3A_38 masked %broadcast_in_dim3A_57 : vector<16xf32>, vector<16xi1> -> vector<16xf32>
      %jit3A = arith.constant -1 : i32
      %broadcast_in_dim3A_58 = vector.broadcast %jit3A : i32 to vector<16xi32>
      %select_n3A_59 = arith.select %or3A, %iota3A, %broadcast_in_dim3A_58 : vector<16xi1>, vector<16xi32>
      %broadcast_in_dim3A_60 = arith.constant true
      %broadcast_in_dim3A_61 = vector.broadcast %broadcast_in_dim3A_60 : i1 to vector<16xi1>
      %masked_cummax3A = arith.constant -2147483648 : i32
      %masked_cummax3A_62 = vector.broadcast %masked_cummax3A : i32 to vector<16xi32>
      %masked_cummax3A_63 = arith.xori %select_n3A_59, %masked_cummax3A_62 : vector<16xi32>
      %masked_cummax3A_64 = tpu.scan <max>, %masked_cummax3A_63 masked %broadcast_in_dim3A_61 : vector<16xi32>, vector<16xi1> -> vector<16xi32>
      %masked_cummax3A_65 = arith.xori %masked_cummax3A_64, %masked_cummax3A_62 : vector<16xi32>
      %sub3A = arith.constant 1 : i32
      %sub3A_66 = vector.broadcast %sub3A : i32 to vector<16xi32>
      %sub3A_67 = arith.subi %iota3A, %sub3A_66 : vector<16xi32>
      %max3A = arith.constant 0 : i32
      %max3A_68 = vector.broadcast %max3A : i32 to vector<16xi32>
      %max3A_69 = arith.maxsi %sub3A_67, %max3A_68 : vector<16xi32>
      %lt3A_70 = arith.constant 0 : i32
      %lt3A_71 = vector.broadcast %lt3A_70 : i32 to vector<16xi32>
      %lt3A_72 = arith.cmpi slt, %max3A_69, %lt3A_71 : vector<16xi32>
      %add3A_73 = arith.constant 16 : i32
      %add3A_74 = vector.broadcast %add3A_73 : i32 to vector<16xi32>
      %add3A_75 = arith.addi %max3A_69, %add3A_74 : vector<16xi32>
      %select_n3A_76 = arith.select %lt3A_72, %add3A_75, %max3A_69 : vector<16xi1>, vector<16xi32>
      %broadcast_in_dim3A_77 = vector.shape_cast %select_n3A_76 : vector<16xi32> to vector<16x1xi32>
      %gather3A_78 = vector.shape_cast %broadcast_in_dim3A_77 : vector<16x1xi32> to vector<16xi32>
      %gather3A_79 = tpu.dynamic_gather %masked_cummax3A_65[%gather3A_78] in [0] : vector<16xi32>, vector<16xi32> -> vector<16xi32>
      %eq3A_80 = arith.constant 0 : i32
      %eq3A_81 = vector.broadcast %eq3A_80 : i32 to vector<16xi32>
      %eq3A_82 = arith.cmpi eq, %iota3A, %eq3A_81 : vector<16xi32>
      %jit3A_83 = arith.constant -1 : i32
      %broadcast_in_dim3A_84 = vector.broadcast %jit3A_83 : i32 to vector<16xi32>
      %select_n3A_85 = arith.select %eq3A_82, %broadcast_in_dim3A_84, %gather3A_79 : vector<16xi1>, vector<16xi32>
      %max3A_86 = arith.constant 0 : i32
      %max3A_87 = vector.broadcast %max3A_86 : i32 to vector<16xi32>
      %max3A_88 = arith.maxsi %select_n3A_85, %max3A_87 : vector<16xi32>
      %lt3A_89 = arith.constant 0 : i32
      %lt3A_90 = vector.broadcast %lt3A_89 : i32 to vector<16xi32>
      %lt3A_91 = arith.cmpi slt, %max3A_88, %lt3A_90 : vector<16xi32>
      %add3A_92 = arith.constant 16 : i32
      %add3A_93 = vector.broadcast %add3A_92 : i32 to vector<16xi32>
      %add3A_94 = arith.addi %max3A_88, %add3A_93 : vector<16xi32>
      %select_n3A_95 = arith.select %lt3A_91, %add3A_94, %max3A_88 : vector<16xi1>, vector<16xi32>
      %broadcast_in_dim3A_96 = vector.shape_cast %select_n3A_95 : vector<16xi32> to vector<16x1xi32>
      %gather3A_97 = vector.shape_cast %broadcast_in_dim3A_96 : vector<16x1xi32> to vector<16xi32>
      %gather3A_98 = tpu.dynamic_gather %masked_cumsum3A[%gather3A_97] in [0] : vector<16xf32>, vector<16xi32> -> vector<16xf32>
      %lt3A_99 = arith.constant 0 : i32
      %lt3A_100 = vector.broadcast %lt3A_99 : i32 to vector<16xi32>
      %lt3A_101 = arith.cmpi slt, %select_n3A_85, %lt3A_100 : vector<16xi32>
      %jit3A_102 = arith.constant 0.000000e+00 : f32
      %broadcast_in_dim3A_103 = vector.broadcast %jit3A_102 : f32 to vector<16xf32>
      %select_n3A_104 = arith.select %lt3A_101, %broadcast_in_dim3A_103, %gather3A_98 : vector<16xi1>, vector<16xf32>
      %sub3A_105 = arith.subf %masked_cumsum3A, %select_n3A_104 : vector<16xf32>
      tpu.vector_store_idx %arg8[%masked_sort3A_39], %sub3A_105 masked %or3A {add = true} : memref<10240xf32, #tpu.memory_space<vmem>>[vector<16xi32>], vector<16xf32>, vector<16xi1>
    }
    %scan3A_16 = arith.constant 625 : i32
    "tpu.region"() ({
      %run_scoped3A = tpu.sem_alloc : memref<!tpu.dma_semaphore, #tpu.memory_space<semaphore_mem>>
      %dma_start3A = arith.constant 0 : i32
      %dma_start3A_25 = tpu.memref_slice %arg6[%arg1, %dma_start3A] : memref<16x10240xf32, #tpu.memory_space<vmem_shared>> -> memref<1x10240xf32, #tpu.memory_space<vmem_shared>>
      %dma_start3A_26 = tpu.memref_squeeze %dma_start3A_25 : memref<1x10240xf32, #tpu.memory_space<vmem_shared>> -> memref<10240xf32, #tpu.memory_space<vmem_shared>>
      %dma_start3A_27 = arith.constant 0 : i32
      %dma_start3A_28 = tpu.memref_slice %arg6[%arg1, %dma_start3A_27] : memref<16x10240xf32, #tpu.memory_space<vmem_shared>> -> memref<1x10240xf32, #tpu.memory_space<vmem_shared>>
      %dma_start3A_29 = tpu.memref_squeeze %dma_start3A_28 : memref<1x10240xf32, #tpu.memory_space<vmem_shared>> -> memref<10240xf32, #tpu.memory_space<vmem_shared>>
      tpu.enqueue_dma source(%arg8 : memref<10240xf32, #tpu.memory_space<vmem>>) target(%dma_start3A_29 : memref<10240xf32, #tpu.memory_space<vmem_shared>>) target_semaphore(%run_scoped3A : memref<!tpu.dma_semaphore, #tpu.memory_space<semaphore_mem>>)
      %dma_wait3A = arith.constant 0 : i32
      %dma_wait3A_30 = tpu.memref_slice %arg6[%arg1, %dma_wait3A] : memref<16x10240xf32, #tpu.memory_space<vmem_shared>> -> memref<1x10240xf32, #tpu.memory_space<vmem_shared>>
      %dma_wait3A_31 = tpu.memref_squeeze %dma_wait3A_30 : memref<1x10240xf32, #tpu.memory_space<vmem_shared>> -> memref<10240xf32, #tpu.memory_space<vmem_shared>>
      %dma_wait3A_32 = arith.constant 0 : i32
      %dma_wait3A_33 = tpu.memref_slice %arg6[%arg1, %dma_wait3A_32] : memref<16x10240xf32, #tpu.memory_space<vmem_shared>> -> memref<1x10240xf32, #tpu.memory_space<vmem_shared>>
      %dma_wait3A_34 = tpu.memref_squeeze %dma_wait3A_33 : memref<1x10240xf32, #tpu.memory_space<vmem_shared>> -> memref<10240xf32, #tpu.memory_space<vmem_shared>>
      tpu.wait_dma2 semaphore(%run_scoped3A : memref<!tpu.dma_semaphore, #tpu.memory_space<semaphore_mem>>) src(%arg8 : memref<10240xf32, #tpu.memory_space<vmem>>) dst(%dma_wait3A_34 : memref<10240xf32, #tpu.memory_space<vmem_shared>>)
      tpu.yield
    }) : () -> ()
    %barrier3A = arith.constant 0 : index
    tpu.barrier barrier_id(%barrier3A)
    %mul3A_17 = arith.constant 640 : i32
    %mul3A_18 = arith.muli %arg1, %mul3A_17 : i32
    "tpu.region"() ({
      %run_scoped3A = tpu.sem_alloc : memref<!tpu.dma_semaphore, #tpu.memory_space<semaphore_mem>>
      %dma_start3A = arith.constant 0 : i32
      %dma_start3A_25 = tpu.memref_slice %arg6[%dma_start3A, %mul3A_18] : memref<16x10240xf32, #tpu.memory_space<vmem_shared>> -> memref<16x640xf32, #tpu.memory_space<vmem_shared>>
      %dma_start3A_26 = arith.constant 0 : i32
      %dma_start3A_27 = tpu.memref_slice %arg6[%dma_start3A_26, %mul3A_18] : memref<16x10240xf32, #tpu.memory_space<vmem_shared>> -> memref<16x640xf32, #tpu.memory_space<vmem_shared>>
      tpu.enqueue_dma source(%dma_start3A_27 : memref<16x640xf32, #tpu.memory_space<vmem_shared>>) target(%arg11 : memref<16x640xf32, #tpu.memory_space<vmem>>) target_semaphore(%run_scoped3A : memref<!tpu.dma_semaphore, #tpu.memory_space<semaphore_mem>>)
      %dma_wait3A = arith.constant 0 : i32
      %dma_wait3A_28 = tpu.memref_slice %arg6[%dma_wait3A, %mul3A_18] : memref<16x10240xf32, #tpu.memory_space<vmem_shared>> -> memref<16x640xf32, #tpu.memory_space<vmem_shared>>
      %dma_wait3A_29 = arith.constant 0 : i32
      %dma_wait3A_30 = tpu.memref_slice %arg6[%dma_wait3A_29, %mul3A_18] : memref<16x10240xf32, #tpu.memory_space<vmem_shared>> -> memref<16x640xf32, #tpu.memory_space<vmem_shared>>
      tpu.wait_dma2 semaphore(%run_scoped3A : memref<!tpu.dma_semaphore, #tpu.memory_space<semaphore_mem>>) src(%dma_wait3A_30 : memref<16x640xf32, #tpu.memory_space<vmem_shared>>) dst(%arg11 : memref<16x640xf32, #tpu.memory_space<vmem>>)
      tpu.yield
    }) : () -> ()
    %scan3A_19 = arith.constant 0 : i32
    %scan3A_20 = arith.constant 0 : i32
    %scan3A_21 = arith.constant 40 : i32
    %scan3A_22 = arith.addi %scan3A_20, %scan3A_21 : i32
    %scan3A_23 = arith.constant 1 : i32
    scf.for %scan3A_25 = %scan3A_20 to %scan3A_22 step %scan3A_23  : i32 {
      %mul3A_26 = arith.constant 16 : i32
      %mul3A_27 = arith.muli %scan3A_25, %mul3A_26 : i32
      %get3A = arith.constant 0 : i32
      %get3A_28 = arith.index_cast %get3A : i32 to index
      %get3A_29 = arith.index_cast %mul3A_27 : i32 to index
      %get3A_30 = tpu.vector_load %arg11[%get3A_28, %get3A_29] {strides = array<i32>} : memref<16x640xf32, #tpu.memory_space<vmem>>, vector<16xf32>,
      %mul3A_31 = arith.constant 16 : i32
      %mul3A_32 = arith.muli %scan3A_25, %mul3A_31 : i32
      %get3A_33 = arith.constant 1 : i32
      %get3A_34 = arith.index_cast %get3A_33 : i32 to index
      %get3A_35 = arith.index_cast %mul3A_32 : i32 to index
      %get3A_36 = tpu.vector_load %arg11[%get3A_34, %get3A_35] {strides = array<i32>} : memref<16x640xf32, #tpu.memory_space<vmem>>, vector<16xf32>,
      %add3A_37 = arith.addf %get3A_30, %get3A_36 : vector<16xf32>
      %mul3A_38 = arith.constant 16 : i32
      %mul3A_39 = arith.muli %scan3A_25, %mul3A_38 : i32
      %get3A_40 = arith.constant 2 : i32
      %get3A_41 = arith.index_cast %get3A_40 : i32 to index
      %get3A_42 = arith.index_cast %mul3A_39 : i32 to index
      %get3A_43 = tpu.vector_load %arg11[%get3A_41, %get3A_42] {strides = array<i32>} : memref<16x640xf32, #tpu.memory_space<vmem>>, vector<16xf32>,
      %add3A_44 = arith.addf %add3A_37, %get3A_43 : vector<16xf32>
      %mul3A_45 = arith.constant 16 : i32
      %mul3A_46 = arith.muli %scan3A_25, %mul3A_45 : i32
      %get3A_47 = arith.constant 3 : i32
      %get3A_48 = arith.index_cast %get3A_47 : i32 to index
      %get3A_49 = arith.index_cast %mul3A_46 : i32 to index
      %get3A_50 = tpu.vector_load %arg11[%get3A_48, %get3A_49] {strides = array<i32>} : memref<16x640xf32, #tpu.memory_space<vmem>>, vector<16xf32>,
      %add3A_51 = arith.addf %add3A_44, %get3A_50 : vector<16xf32>
      %mul3A_52 = arith.constant 16 : i32
      %mul3A_53 = arith.muli %scan3A_25, %mul3A_52 : i32
      %get3A_54 = arith.constant 4 : i32
      %get3A_55 = arith.index_cast %get3A_54 : i32 to index
      %get3A_56 = arith.index_cast %mul3A_53 : i32 to index
      %get3A_57 = tpu.vector_load %arg11[%get3A_55, %get3A_56] {strides = array<i32>} : memref<16x640xf32, #tpu.memory_space<vmem>>, vector<16xf32>,
      %add3A_58 = arith.addf %add3A_51, %get3A_57 : vector<16xf32>
      %mul3A_59 = arith.constant 16 : i32
      %mul3A_60 = arith.muli %scan3A_25, %mul3A_59 : i32
      %get3A_61 = arith.constant 5 : i32
      %get3A_62 = arith.index_cast %get3A_61 : i32 to index
      %get3A_63 = arith.index_cast %mul3A_60 : i32 to index
      %get3A_64 = tpu.vector_load %arg11[%get3A_62, %get3A_63] {strides = array<i32>} : memref<16x640xf32, #tpu.memory_space<vmem>>, vector<16xf32>,
      %add3A_65 = arith.addf %add3A_58, %get3A_64 : vector<16xf32>
      %mul3A_66 = arith.constant 16 : i32
      %mul3A_67 = arith.muli %scan3A_25, %mul3A_66 : i32
      %get3A_68 = arith.constant 6 : i32
      %get3A_69 = arith.index_cast %get3A_68 : i32 to index
      %get3A_70 = arith.index_cast %mul3A_67 : i32 to index
      %get3A_71 = tpu.vector_load %arg11[%get3A_69, %get3A_70] {strides = array<i32>} : memref<16x640xf32, #tpu.memory_space<vmem>>, vector<16xf32>,
      %add3A_72 = arith.addf %add3A_65, %get3A_71 : vector<16xf32>
      %mul3A_73 = arith.constant 16 : i32
      %mul3A_74 = arith.muli %scan3A_25, %mul3A_73 : i32
      %get3A_75 = arith.constant 7 : i32
      %get3A_76 = arith.index_cast %get3A_75 : i32 to index
      %get3A_77 = arith.index_cast %mul3A_74 : i32 to index
      %get3A_78 = tpu.vector_load %arg11[%get3A_76, %get3A_77] {strides = array<i32>} : memref<16x640xf32, #tpu.memory_space<vmem>>, vector<16xf32>,
      %add3A_79 = arith.addf %add3A_72, %get3A_78 : vector<16xf32>
      %mul3A_80 = arith.constant 16 : i32
      %mul3A_81 = arith.muli %scan3A_25, %mul3A_80 : i32
      %get3A_82 = arith.constant 8 : i32
      %get3A_83 = arith.index_cast %get3A_82 : i32 to index
      %get3A_84 = arith.index_cast %mul3A_81 : i32 to index
      %get3A_85 = tpu.vector_load %arg11[%get3A_83, %get3A_84] {strides = array<i32>} : memref<16x640xf32, #tpu.memory_space<vmem>>, vector<16xf32>,
      %add3A_86 = arith.addf %add3A_79, %get3A_85 : vector<16xf32>
      %mul3A_87 = arith.constant 16 : i32
      %mul3A_88 = arith.muli %scan3A_25, %mul3A_87 : i32
      %get3A_89 = arith.constant 9 : i32
      %get3A_90 = arith.index_cast %get3A_89 : i32 to index
      %get3A_91 = arith.index_cast %mul3A_88 : i32 to index
      %get3A_92 = tpu.vector_load %arg11[%get3A_90, %get3A_91] {strides = array<i32>} : memref<16x640xf32, #tpu.memory_space<vmem>>, vector<16xf32>,
      %add3A_93 = arith.addf %add3A_86, %get3A_92 : vector<16xf32>
      %mul3A_94 = arith.constant 16 : i32
      %mul3A_95 = arith.muli %scan3A_25, %mul3A_94 : i32
      %get3A_96 = arith.constant 10 : i32
      %get3A_97 = arith.index_cast %get3A_96 : i32 to index
      %get3A_98 = arith.index_cast %mul3A_95 : i32 to index
      %get3A_99 = tpu.vector_load %arg11[%get3A_97, %get3A_98] {strides = array<i32>} : memref<16x640xf32, #tpu.memory_space<vmem>>, vector<16xf32>,
      %add3A_100 = arith.addf %add3A_93, %get3A_99 : vector<16xf32>
      %mul3A_101 = arith.constant 16 : i32
      %mul3A_102 = arith.muli %scan3A_25, %mul3A_101 : i32
      %get3A_103 = arith.constant 11 : i32
      %get3A_104 = arith.index_cast %get3A_103 : i32 to index
      %get3A_105 = arith.index_cast %mul3A_102 : i32 to index
      %get3A_106 = tpu.vector_load %arg11[%get3A_104, %get3A_105] {strides = array<i32>} : memref<16x640xf32, #tpu.memory_space<vmem>>, vector<16xf32>,
      %add3A_107 = arith.addf %add3A_100, %get3A_106 : vector<16xf32>
      %mul3A_108 = arith.constant 16 : i32
      %mul3A_109 = arith.muli %scan3A_25, %mul3A_108 : i32
      %get3A_110 = arith.constant 12 : i32
      %get3A_111 = arith.index_cast %get3A_110 : i32 to index
      %get3A_112 = arith.index_cast %mul3A_109 : i32 to index
      %get3A_113 = tpu.vector_load %arg11[%get3A_111, %get3A_112] {strides = array<i32>} : memref<16x640xf32, #tpu.memory_space<vmem>>, vector<16xf32>,
      %add3A_114 = arith.addf %add3A_107, %get3A_113 : vector<16xf32>
      %mul3A_115 = arith.constant 16 : i32
      %mul3A_116 = arith.muli %scan3A_25, %mul3A_115 : i32
      %get3A_117 = arith.constant 13 : i32
      %get3A_118 = arith.index_cast %get3A_117 : i32 to index
      %get3A_119 = arith.index_cast %mul3A_116 : i32 to index
      %get3A_120 = tpu.vector_load %arg11[%get3A_118, %get3A_119] {strides = array<i32>} : memref<16x640xf32, #tpu.memory_space<vmem>>, vector<16xf32>,
      %add3A_121 = arith.addf %add3A_114, %get3A_120 : vector<16xf32>
      %mul3A_122 = arith.constant 16 : i32
      %mul3A_123 = arith.muli %scan3A_25, %mul3A_122 : i32
      %get3A_124 = arith.constant 14 : i32
      %get3A_125 = arith.index_cast %get3A_124 : i32 to index
      %get3A_126 = arith.index_cast %mul3A_123 : i32 to index
      %get3A_127 = tpu.vector_load %arg11[%get3A_125, %get3A_126] {strides = array<i32>} : memref<16x640xf32, #tpu.memory_space<vmem>>, vector<16xf32>,
      %add3A_128 = arith.addf %add3A_121, %get3A_127 : vector<16xf32>
      %mul3A_129 = arith.constant 16 : i32
      %mul3A_130 = arith.muli %scan3A_25, %mul3A_129 : i32
      %get3A_131 = arith.constant 15 : i32
      %get3A_132 = arith.index_cast %get3A_131 : i32 to index
      %get3A_133 = arith.index_cast %mul3A_130 : i32 to index
      %get3A_134 = tpu.vector_load %arg11[%get3A_132, %get3A_133] {strides = array<i32>} : memref<16x640xf32, #tpu.memory_space<vmem>>, vector<16xf32>,
      %add3A_135 = arith.addf %add3A_128, %get3A_134 : vector<16xf32>
      %mul3A_136 = arith.constant 16 : i32
      %mul3A_137 = arith.muli %scan3A_25, %mul3A_136 : i32
      %swap3A = arith.index_cast %mul3A_137 : i32 to index
      %swap3A_138 = tpu.vector_load %arg12[%swap3A] {strides = array<i32>} : memref<640xf32, #tpu.memory_space<vmem>>, vector<16xf32>,
      tpu.vector_store %arg12[%swap3A], %add3A_135 {strides = array<i32>} : memref<640xf32, #tpu.memory_space<vmem>>, vector<16xf32>,
    }
    %scan3A_24 = arith.constant 40 : i32
    "tpu.region"() ({
      %run_scoped3A = tpu.sem_alloc : memref<!tpu.dma_semaphore, #tpu.memory_space<semaphore_mem>>
      %dma_start3A = tpu.memref_slice %arg5[%arg0, %mul3A_18] : memref<2x10240xf32, #tpu.memory_space<hbm>> -> memref<1x640xf32, #tpu.memory_space<hbm>>
      %dma_start3A_25 = tpu.memref_squeeze %dma_start3A : memref<1x640xf32, #tpu.memory_space<hbm>> -> memref<640xf32, #tpu.memory_space<hbm>>
      %dma_start3A_26 = tpu.memref_slice %arg5[%arg0, %mul3A_18] : memref<2x10240xf32, #tpu.memory_space<hbm>> -> memref<1x640xf32, #tpu.memory_space<hbm>>
      %dma_start3A_27 = tpu.memref_squeeze %dma_start3A_26 : memref<1x640xf32, #tpu.memory_space<hbm>> -> memref<640xf32, #tpu.memory_space<hbm>>
      tpu.enqueue_dma source(%arg12 : memref<640xf32, #tpu.memory_space<vmem>>) target(%dma_start3A_27 : memref<640xf32, #tpu.memory_space<hbm>>) target_semaphore(%run_scoped3A : memref<!tpu.dma_semaphore, #tpu.memory_space<semaphore_mem>>)
      %dma_wait3A = tpu.memref_slice %arg5[%arg0, %mul3A_18] : memref<2x10240xf32, #tpu.memory_space<hbm>> -> memref<1x640xf32, #tpu.memory_space<hbm>>
      %dma_wait3A_28 = tpu.memref_squeeze %dma_wait3A : memref<1x640xf32, #tpu.memory_space<hbm>> -> memref<640xf32, #tpu.memory_space<hbm>>
      %dma_wait3A_29 = tpu.memref_slice %arg5[%arg0, %mul3A_18] : memref<2x10240xf32, #tpu.memory_space<hbm>> -> memref<1x640xf32, #tpu.memory_space<hbm>>
      %dma_wait3A_30 = tpu.memref_squeeze %dma_wait3A_29 : memref<1x640xf32, #tpu.memory_space<hbm>> -> memref<640xf32, #tpu.memory_space<hbm>>
      tpu.wait_dma2 semaphore(%run_scoped3A : memref<!tpu.dma_semaphore, #tpu.memory_space<semaphore_mem>>) src(%arg12 : memref<640xf32, #tpu.memory_space<vmem>>) dst(%dma_wait3A_30 : memref<640xf32, #tpu.memory_space<hbm>>)
      tpu.yield
    }) : () -> ()
    return
  }
}

#map = affine_map<(d0, d1) -> (0, 0)>
#map1 = affine_map<(d0, d1) -> (0)>
#map2 = affine_map<(d0, d1) -> (0, 0, 0)>
module attributes {stable_mosaic.version = 14 : i64} {
  func.func @agg(%arg0: i32, %arg1: i32, %arg2: memref<10000x128xf32, #tpu.memory_space<hbm>>, %arg3: memref<320000xi32, #tpu.memory_space<hbm>>, %arg4: memref<320000xi32, #tpu.memory_space<hbm>>, %arg5: memref<640x128xf32, #tpu.memory_space<hbm>>, %arg6: memref<2x10000x128xf32, #tpu.memory_space<hbm>>, %arg7: memref<10000x128xf32, #tpu.memory_space<vmem_shared>>, %arg8: memref<10000xi32, #tpu.memory_space<vmem>>, %arg9: memref<64xi32, #tpu.memory_space<vmem>>, %arg10: memref<64xi32, #tpu.memory_space<vmem>>, %arg11: memref<64xi32, #tpu.memory_space<vmem>>, %arg12: memref<64xi32, #tpu.memory_space<vmem>>, %arg13: memref<64x128xf32, #tpu.memory_space<vmem>>, %arg14: memref<64x128xf32, #tpu.memory_space<vmem>>, %arg15: memref<64x128xf32, #tpu.memory_space<vmem>>, %arg16: memref<64x128xf32, #tpu.memory_space<vmem>>, %arg17: memref<16xi32, #tpu.memory_space<vmem>>, %arg18: memref<16xi32, #tpu.memory_space<vmem>>, %arg19: memref<16x128xf32, #tpu.memory_space<vmem>>, %arg20: memref<!tpu.dma_semaphore, #tpu.memory_space<semaphore_mem>>, %arg21: memref<!tpu.dma_semaphore, #tpu.memory_space<semaphore_mem>>, %arg22: memref<!tpu.dma_semaphore, #tpu.memory_space<semaphore_mem>>, %arg23: memref<!tpu.dma_semaphore, #tpu.memory_space<semaphore_mem>>, %arg24: memref<!tpu.dma_semaphore, #tpu.memory_space<semaphore_mem>>, %arg25: memref<!tpu.dma_semaphore, #tpu.memory_space<semaphore_mem>>, %arg26: memref<!tpu.dma_semaphore, #tpu.memory_space<semaphore_mem>>, %arg27: memref<!tpu.dma_semaphore, #tpu.memory_space<semaphore_mem>>) attributes {dimension_semantics = [#tpu.dimension_semantics<core_parallel>, #tpu.dimension_semantics<subcore_parallel>], iteration_bounds = array<i64: 2, 16>, scalar_prefetch = 0 : i64, scratch_operands = 21 : i64, tpu.core_type = #tpu.core_type<sc_vector_subcore>, window_params = [{transform_indices = #map}, {transform_indices = #map1}, {transform_indices = #map1}, {transform_indices = #map}, {transform_indices = #map2}]} {
    %eq3A = arith.constant 0 : i32
    %eq3A_0 = arith.cmpi eq, %arg0, %eq3A : i32
    %convert_element_type3A = arith.extui %eq3A_0 : i1 to i32
    %cond3A = arith.constant 0 : i32
    %cond3A_1 = arith.cmpi ne, %convert_element_type3A, %cond3A : i32
    scf.if %cond3A_1 {
      %lt3A_67 = arith.constant 15 : i32
      %lt3A_68 = arith.cmpi slt, %arg1, %lt3A_67 : i32
      %convert_element_type3A_69 = arith.extui %lt3A_68 : i1 to i32
      %cond3A_70 = arith.constant 0 : i32
      %cond3A_71 = arith.cmpi ne, %convert_element_type3A_69, %cond3A_70 : i32
      scf.if %cond3A_71 {
        %mul3A_77 = arith.constant 640 : i32
        %mul3A_78 = arith.muli %arg1, %mul3A_77 : i32
        %mul3A_79 = arith.constant 640 : i32
        %mul3A_80 = arith.muli %arg1, %mul3A_79 : i32
        "tpu.region"() ({
          %run_scoped3A = tpu.sem_alloc : memref<!tpu.dma_semaphore, #tpu.memory_space<semaphore_mem>>
          %dma_start3A_81 = arith.constant 0 : i32
          %dma_start3A_82 = tpu.memref_slice %arg7[%mul3A_80, %dma_start3A_81] : memref<10000x128xf32, #tpu.memory_space<vmem_shared>> -> memref<640x128xf32, #tpu.memory_space<vmem_shared>>
          %dma_start3A_83 = arith.constant 0 : i32
          %dma_start3A_84 = tpu.memref_slice %arg2[%mul3A_78, %dma_start3A_83] : memref<10000x128xf32, #tpu.memory_space<hbm>> -> memref<640x128xf32, #tpu.memory_space<hbm>>
          tpu.enqueue_dma source(%dma_start3A_84 : memref<640x128xf32, #tpu.memory_space<hbm>>) target(%dma_start3A_82 : memref<640x128xf32, #tpu.memory_space<vmem_shared>>) target_semaphore(%run_scoped3A : memref<!tpu.dma_semaphore, #tpu.memory_space<semaphore_mem>>)
          %dma_wait3A_85 = arith.constant 0 : i32
          %dma_wait3A_86 = tpu.memref_slice %arg7[%mul3A_80, %dma_wait3A_85] : memref<10000x128xf32, #tpu.memory_space<vmem_shared>> -> memref<640x128xf32, #tpu.memory_space<vmem_shared>>
          %dma_wait3A_87 = arith.constant 0 : i32
          %dma_wait3A_88 = tpu.memref_slice %arg2[%mul3A_78, %dma_wait3A_87] : memref<10000x128xf32, #tpu.memory_space<hbm>> -> memref<640x128xf32, #tpu.memory_space<hbm>>
          tpu.wait_dma2 semaphore(%run_scoped3A : memref<!tpu.dma_semaphore, #tpu.memory_space<semaphore_mem>>) src(%dma_wait3A_88 : memref<640x128xf32, #tpu.memory_space<hbm>>) dst(%dma_wait3A_86 : memref<640x128xf32, #tpu.memory_space<vmem_shared>>)
          tpu.yield
        }) : () -> ()
      } else {
      }
      %eq3A_72 = arith.constant 15 : i32
      %eq3A_73 = arith.cmpi eq, %arg1, %eq3A_72 : i32
      %convert_element_type3A_74 = arith.extui %eq3A_73 : i1 to i32
      %cond3A_75 = arith.constant 0 : i32
      %cond3A_76 = arith.cmpi ne, %convert_element_type3A_74, %cond3A_75 : i32
      scf.if %cond3A_76 {
        "tpu.region"() ({
          %run_scoped3A = tpu.sem_alloc : memref<!tpu.dma_semaphore, #tpu.memory_space<semaphore_mem>>
          %dma_start3A_77 = arith.constant 9600 : i32
          %dma_start3A_78 = arith.constant 0 : i32
          %dma_start3A_79 = tpu.memref_slice %arg7[%dma_start3A_77, %dma_start3A_78] : memref<10000x128xf32, #tpu.memory_space<vmem_shared>> -> memref<400x128xf32, #tpu.memory_space<vmem_shared>>
          %dma_start3A_80 = arith.constant 9600 : i32
          %dma_start3A_81 = arith.constant 0 : i32
          %dma_start3A_82 = tpu.memref_slice %arg2[%dma_start3A_80, %dma_start3A_81] : memref<10000x128xf32, #tpu.memory_space<hbm>> -> memref<400x128xf32, #tpu.memory_space<hbm>>
          tpu.enqueue_dma source(%dma_start3A_82 : memref<400x128xf32, #tpu.memory_space<hbm>>) target(%dma_start3A_79 : memref<400x128xf32, #tpu.memory_space<vmem_shared>>) target_semaphore(%run_scoped3A : memref<!tpu.dma_semaphore, #tpu.memory_space<semaphore_mem>>)
          %dma_wait3A_83 = arith.constant 9600 : i32
          %dma_wait3A_84 = arith.constant 0 : i32
          %dma_wait3A_85 = tpu.memref_slice %arg7[%dma_wait3A_83, %dma_wait3A_84] : memref<10000x128xf32, #tpu.memory_space<vmem_shared>> -> memref<400x128xf32, #tpu.memory_space<vmem_shared>>
          %dma_wait3A_86 = arith.constant 9600 : i32
          %dma_wait3A_87 = arith.constant 0 : i32
          %dma_wait3A_88 = tpu.memref_slice %arg2[%dma_wait3A_86, %dma_wait3A_87] : memref<10000x128xf32, #tpu.memory_space<hbm>> -> memref<400x128xf32, #tpu.memory_space<hbm>>
          tpu.wait_dma2 semaphore(%run_scoped3A : memref<!tpu.dma_semaphore, #tpu.memory_space<semaphore_mem>>) src(%dma_wait3A_88 : memref<400x128xf32, #tpu.memory_space<hbm>>) dst(%dma_wait3A_85 : memref<400x128xf32, #tpu.memory_space<vmem_shared>>)
          tpu.yield
        }) : () -> ()
      } else {
      }
    } else {
    }
    %eq3A_2 = arith.constant 1 : i32
    %eq3A_3 = arith.cmpi eq, %arg0, %eq3A_2 : i32
    %convert_element_type3A_4 = arith.extui %eq3A_3 : i1 to i32
    %cond3A_5 = arith.constant 0 : i32
    %cond3A_6 = arith.cmpi ne, %convert_element_type3A_4, %cond3A_5 : i32
    scf.if %cond3A_6 {
      %lt3A_67 = arith.constant 15 : i32
      %lt3A_68 = arith.cmpi slt, %arg1, %lt3A_67 : i32
      %convert_element_type3A_69 = arith.extui %lt3A_68 : i1 to i32
      %cond3A_70 = arith.constant 0 : i32
      %cond3A_71 = arith.cmpi ne, %convert_element_type3A_69, %cond3A_70 : i32
      scf.if %cond3A_71 {
        %mul3A_77 = arith.constant 640 : i32
        %mul3A_78 = arith.muli %arg1, %mul3A_77 : i32
        "tpu.region"() ({
          %run_scoped3A = tpu.sem_alloc : memref<!tpu.dma_semaphore, #tpu.memory_space<semaphore_mem>>
          %dma_start3A_79 = arith.constant 0 : i32
          %dma_start3A_80 = tpu.memref_slice %arg7[%mul3A_78, %dma_start3A_79] : memref<10000x128xf32, #tpu.memory_space<vmem_shared>> -> memref<640x128xf32, #tpu.memory_space<vmem_shared>>
          %dma_start3A_81 = arith.constant 0 : i32
          %dma_start3A_82 = arith.constant 0 : i32
          %dma_start3A_83 = tpu.memref_slice %arg5[%dma_start3A_81, %dma_start3A_82] : memref<640x128xf32, #tpu.memory_space<hbm>> -> memref<640x128xf32, #tpu.memory_space<hbm>>
          tpu.enqueue_dma source(%dma_start3A_83 : memref<640x128xf32, #tpu.memory_space<hbm>>) target(%dma_start3A_80 : memref<640x128xf32, #tpu.memory_space<vmem_shared>>) target_semaphore(%run_scoped3A : memref<!tpu.dma_semaphore, #tpu.memory_space<semaphore_mem>>)
          %dma_wait3A_84 = arith.constant 0 : i32
          %dma_wait3A_85 = tpu.memref_slice %arg7[%mul3A_78, %dma_wait3A_84] : memref<10000x128xf32, #tpu.memory_space<vmem_shared>> -> memref<640x128xf32, #tpu.memory_space<vmem_shared>>
          %dma_wait3A_86 = arith.constant 0 : i32
          %dma_wait3A_87 = arith.constant 0 : i32
          %dma_wait3A_88 = tpu.memref_slice %arg5[%dma_wait3A_86, %dma_wait3A_87] : memref<640x128xf32, #tpu.memory_space<hbm>> -> memref<640x128xf32, #tpu.memory_space<hbm>>
          tpu.wait_dma2 semaphore(%run_scoped3A : memref<!tpu.dma_semaphore, #tpu.memory_space<semaphore_mem>>) src(%dma_wait3A_88 : memref<640x128xf32, #tpu.memory_space<hbm>>) dst(%dma_wait3A_85 : memref<640x128xf32, #tpu.memory_space<vmem_shared>>)
          tpu.yield
        }) : () -> ()
      } else {
      }
      %eq3A_72 = arith.constant 15 : i32
      %eq3A_73 = arith.cmpi eq, %arg1, %eq3A_72 : i32
      %convert_element_type3A_74 = arith.extui %eq3A_73 : i1 to i32
      %cond3A_75 = arith.constant 0 : i32
      %cond3A_76 = arith.cmpi ne, %convert_element_type3A_74, %cond3A_75 : i32
      scf.if %cond3A_76 {
        "tpu.region"() ({
          %run_scoped3A = tpu.sem_alloc : memref<!tpu.dma_semaphore, #tpu.memory_space<semaphore_mem>>
          %dma_start3A_77 = arith.constant 9600 : i32
          %dma_start3A_78 = arith.constant 0 : i32
          %dma_start3A_79 = tpu.memref_slice %arg7[%dma_start3A_77, %dma_start3A_78] : memref<10000x128xf32, #tpu.memory_space<vmem_shared>> -> memref<400x128xf32, #tpu.memory_space<vmem_shared>>
          %dma_start3A_80 = arith.constant 0 : i32
          %dma_start3A_81 = arith.constant 0 : i32
          %dma_start3A_82 = tpu.memref_slice %arg5[%dma_start3A_80, %dma_start3A_81] : memref<640x128xf32, #tpu.memory_space<hbm>> -> memref<400x128xf32, #tpu.memory_space<hbm>>
          tpu.enqueue_dma source(%dma_start3A_82 : memref<400x128xf32, #tpu.memory_space<hbm>>) target(%dma_start3A_79 : memref<400x128xf32, #tpu.memory_space<vmem_shared>>) target_semaphore(%run_scoped3A : memref<!tpu.dma_semaphore, #tpu.memory_space<semaphore_mem>>)
          %dma_wait3A_83 = arith.constant 9600 : i32
          %dma_wait3A_84 = arith.constant 0 : i32
          %dma_wait3A_85 = tpu.memref_slice %arg7[%dma_wait3A_83, %dma_wait3A_84] : memref<10000x128xf32, #tpu.memory_space<vmem_shared>> -> memref<400x128xf32, #tpu.memory_space<vmem_shared>>
          %dma_wait3A_86 = arith.constant 0 : i32
          %dma_wait3A_87 = arith.constant 0 : i32
          %dma_wait3A_88 = tpu.memref_slice %arg5[%dma_wait3A_86, %dma_wait3A_87] : memref<640x128xf32, #tpu.memory_space<hbm>> -> memref<400x128xf32, #tpu.memory_space<hbm>>
          tpu.wait_dma2 semaphore(%run_scoped3A : memref<!tpu.dma_semaphore, #tpu.memory_space<semaphore_mem>>) src(%dma_wait3A_88 : memref<400x128xf32, #tpu.memory_space<hbm>>) dst(%dma_wait3A_85 : memref<400x128xf32, #tpu.memory_space<vmem_shared>>)
          tpu.yield
        }) : () -> ()
      } else {
      }
    } else {
    }
    %mul3A = arith.constant 16 : i32
    %mul3A_7 = arith.muli %arg0, %mul3A : i32
    %add3A = arith.addi %mul3A_7, %arg1 : i32
    %mul3A_8 = arith.constant 10000 : i32
    %mul3A_9 = arith.muli %add3A, %mul3A_8 : i32
    "tpu.region"() ({
      %run_scoped3A = tpu.sem_alloc : memref<!tpu.dma_semaphore, #tpu.memory_space<semaphore_mem>>
      %dma_start3A_67 = tpu.memref_slice %arg3[%mul3A_9] : memref<320000xi32, #tpu.memory_space<hbm>> -> memref<10000xi32, #tpu.memory_space<hbm>>
      %dma_start3A_68 = tpu.memref_slice %arg3[%mul3A_9] : memref<320000xi32, #tpu.memory_space<hbm>> -> memref<10000xi32, #tpu.memory_space<hbm>>
      tpu.enqueue_dma source(%dma_start3A_68 : memref<10000xi32, #tpu.memory_space<hbm>>) target(%arg8 : memref<10000xi32, #tpu.memory_space<vmem>>) target_semaphore(%run_scoped3A : memref<!tpu.dma_semaphore, #tpu.memory_space<semaphore_mem>>)
      %dma_wait3A_69 = tpu.memref_slice %arg3[%mul3A_9] : memref<320000xi32, #tpu.memory_space<hbm>> -> memref<10000xi32, #tpu.memory_space<hbm>>
      %dma_wait3A_70 = tpu.memref_slice %arg3[%mul3A_9] : memref<320000xi32, #tpu.memory_space<hbm>> -> memref<10000xi32, #tpu.memory_space<hbm>>
      tpu.wait_dma2 semaphore(%run_scoped3A : memref<!tpu.dma_semaphore, #tpu.memory_space<semaphore_mem>>) src(%dma_wait3A_70 : memref<10000xi32, #tpu.memory_space<hbm>>) dst(%arg8 : memref<10000xi32, #tpu.memory_space<vmem>>)
      tpu.yield
    }) : () -> ()
    %barrier3A = arith.constant 0 : index
    tpu.barrier barrier_id(%barrier3A)
    %add3A_10 = arith.constant 0 : i32
    %add3A_11 = arith.addi %mul3A_9, %add3A_10 : i32
    %dma_start3A = tpu.memref_slice %arg4[%add3A_11] : memref<320000xi32, #tpu.memory_space<hbm>> -> memref<64xi32, #tpu.memory_space<hbm>>
    %dma_start3A_12 = tpu.memref_slice %arg4[%add3A_11] : memref<320000xi32, #tpu.memory_space<hbm>> -> memref<64xi32, #tpu.memory_space<hbm>>
    tpu.enqueue_dma source(%dma_start3A_12 : memref<64xi32, #tpu.memory_space<hbm>>) target(%arg9 : memref<64xi32, #tpu.memory_space<vmem>>) target_semaphore(%arg20 : memref<!tpu.dma_semaphore, #tpu.memory_space<semaphore_mem>>)
    %dma_start3A_13 = arith.constant 0 : i32
    %dma_start3A_14 = tpu.memref_slice %arg8[%dma_start3A_13] : memref<10000xi32, #tpu.memory_space<vmem>> -> memref<64xi32, #tpu.memory_space<vmem>>
    %dma_start3A_15 = arith.constant 0 : i32
    %dma_start3A_16 = arith.constant 0 : i32
    %dma_start3A_17 = tpu.memref_slice %arg2[%dma_start3A_15, %dma_start3A_16] : memref<10000x128xf32, #tpu.memory_space<hbm>> -> memref<10000x128xf32, #tpu.memory_space<hbm>>
    tpu.enqueue_indirect_dma source(%dma_start3A_17 : memref<10000x128xf32, #tpu.memory_space<hbm>>) target(%arg13 : memref<64x128xf32, #tpu.memory_space<vmem>>) offsets(%dma_start3A_14 : memref<64xi32, #tpu.memory_space<vmem>>) semaphore(%arg24 : memref<!tpu.dma_semaphore, #tpu.memory_space<semaphore_mem>>)
    %add3A_18 = arith.constant 64 : i32
    %add3A_19 = arith.addi %mul3A_9, %add3A_18 : i32
    %dma_start3A_20 = tpu.memref_slice %arg4[%add3A_19] : memref<320000xi32, #tpu.memory_space<hbm>> -> memref<64xi32, #tpu.memory_space<hbm>>
    %dma_start3A_21 = tpu.memref_slice %arg4[%add3A_19] : memref<320000xi32, #tpu.memory_space<hbm>> -> memref<64xi32, #tpu.memory_space<hbm>>
    tpu.enqueue_dma source(%dma_start3A_21 : memref<64xi32, #tpu.memory_space<hbm>>) target(%arg10 : memref<64xi32, #tpu.memory_space<vmem>>) target_semaphore(%arg21 : memref<!tpu.dma_semaphore, #tpu.memory_space<semaphore_mem>>)
    %dma_start3A_22 = arith.constant 64 : i32
    %dma_start3A_23 = tpu.memref_slice %arg8[%dma_start3A_22] : memref<10000xi32, #tpu.memory_space<vmem>> -> memref<64xi32, #tpu.memory_space<vmem>>
    %dma_start3A_24 = arith.constant 0 : i32
    %dma_start3A_25 = arith.constant 0 : i32
    %dma_start3A_26 = tpu.memref_slice %arg2[%dma_start3A_24, %dma_start3A_25] : memref<10000x128xf32, #tpu.memory_space<hbm>> -> memref<10000x128xf32, #tpu.memory_space<hbm>>
    tpu.enqueue_indirect_dma source(%dma_start3A_26 : memref<10000x128xf32, #tpu.memory_space<hbm>>) target(%arg14 : memref<64x128xf32, #tpu.memory_space<vmem>>) offsets(%dma_start3A_23 : memref<64xi32, #tpu.memory_space<vmem>>) semaphore(%arg25 : memref<!tpu.dma_semaphore, #tpu.memory_space<semaphore_mem>>)
    %add3A_27 = arith.constant 128 : i32
    %add3A_28 = arith.addi %mul3A_9, %add3A_27 : i32
    %dma_start3A_29 = tpu.memref_slice %arg4[%add3A_28] : memref<320000xi32, #tpu.memory_space<hbm>> -> memref<64xi32, #tpu.memory_space<hbm>>
    %dma_start3A_30 = tpu.memref_slice %arg4[%add3A_28] : memref<320000xi32, #tpu.memory_space<hbm>> -> memref<64xi32, #tpu.memory_space<hbm>>
    tpu.enqueue_dma source(%dma_start3A_30 : memref<64xi32, #tpu.memory_space<hbm>>) target(%arg11 : memref<64xi32, #tpu.memory_space<vmem>>) target_semaphore(%arg22 : memref<!tpu.dma_semaphore, #tpu.memory_space<semaphore_mem>>)
    %dma_start3A_31 = arith.constant 128 : i32
    %dma_start3A_32 = tpu.memref_slice %arg8[%dma_start3A_31] : memref<10000xi32, #tpu.memory_space<vmem>> -> memref<64xi32, #tpu.memory_space<vmem>>
    %dma_start3A_33 = arith.constant 0 : i32
    %dma_start3A_34 = arith.constant 0 : i32
    %dma_start3A_35 = tpu.memref_slice %arg2[%dma_start3A_33, %dma_start3A_34] : memref<10000x128xf32, #tpu.memory_space<hbm>> -> memref<10000x128xf32, #tpu.memory_space<hbm>>
    tpu.enqueue_indirect_dma source(%dma_start3A_35 : memref<10000x128xf32, #tpu.memory_space<hbm>>) target(%arg15 : memref<64x128xf32, #tpu.memory_space<vmem>>) offsets(%dma_start3A_32 : memref<64xi32, #tpu.memory_space<vmem>>) semaphore(%arg26 : memref<!tpu.dma_semaphore, #tpu.memory_space<semaphore_mem>>)
    %add3A_36 = arith.constant 192 : i32
    %add3A_37 = arith.addi %mul3A_9, %add3A_36 : i32
    %dma_start3A_38 = tpu.memref_slice %arg4[%add3A_37] : memref<320000xi32, #tpu.memory_space<hbm>> -> memref<64xi32, #tpu.memory_space<hbm>>
    %dma_start3A_39 = tpu.memref_slice %arg4[%add3A_37] : memref<320000xi32, #tpu.memory_space<hbm>> -> memref<64xi32, #tpu.memory_space<hbm>>
    tpu.enqueue_dma source(%dma_start3A_39 : memref<64xi32, #tpu.memory_space<hbm>>) target(%arg12 : memref<64xi32, #tpu.memory_space<vmem>>) target_semaphore(%arg23 : memref<!tpu.dma_semaphore, #tpu.memory_space<semaphore_mem>>)
    %dma_start3A_40 = arith.constant 192 : i32
    %dma_start3A_41 = tpu.memref_slice %arg8[%dma_start3A_40] : memref<10000xi32, #tpu.memory_space<vmem>> -> memref<64xi32, #tpu.memory_space<vmem>>
    %dma_start3A_42 = arith.constant 0 : i32
    %dma_start3A_43 = arith.constant 0 : i32
    %dma_start3A_44 = tpu.memref_slice %arg2[%dma_start3A_42, %dma_start3A_43] : memref<10000x128xf32, #tpu.memory_space<hbm>> -> memref<10000x128xf32, #tpu.memory_space<hbm>>
    tpu.enqueue_indirect_dma source(%dma_start3A_44 : memref<10000x128xf32, #tpu.memory_space<hbm>>) target(%arg16 : memref<64x128xf32, #tpu.memory_space<vmem>>) offsets(%dma_start3A_41 : memref<64xi32, #tpu.memory_space<vmem>>) semaphore(%arg27 : memref<!tpu.dma_semaphore, #tpu.memory_space<semaphore_mem>>)
    %scan3A = arith.constant 0 : i32
    %scan3A_45 = arith.constant 0 : i32
    %scan3A_46 = arith.constant 39 : i32
    %scan3A_47 = arith.addi %scan3A_45, %scan3A_46 : i32
    %scan3A_48 = arith.constant 1 : i32
    scf.for %scan3A_67 = %scan3A_45 to %scan3A_47 step %scan3A_48  : i32 {
      %mul3A_68 = arith.constant 4 : i32
      %mul3A_69 = arith.muli %mul3A_68, %scan3A_67 : i32
      %add3A_70 = arith.constant 0 : i32
      %add3A_71 = arith.addi %mul3A_69, %add3A_70 : i32
      %mul3A_72 = arith.constant 64 : i32
      %mul3A_73 = arith.muli %add3A_71, %mul3A_72 : i32
      %add3A_74 = arith.addi %mul3A_9, %mul3A_73 : i32
      %dma_wait3A_75 = tpu.memref_slice %arg4[%add3A_74] : memref<320000xi32, #tpu.memory_space<hbm>> -> memref<64xi32, #tpu.memory_space<hbm>>
      %dma_wait3A_76 = tpu.memref_slice %arg4[%add3A_74] : memref<320000xi32, #tpu.memory_space<hbm>> -> memref<64xi32, #tpu.memory_space<hbm>>
      tpu.wait_dma2 semaphore(%arg20 : memref<!tpu.dma_semaphore, #tpu.memory_space<semaphore_mem>>) src(%dma_wait3A_76 : memref<64xi32, #tpu.memory_space<hbm>>) dst(%arg9 : memref<64xi32, #tpu.memory_space<vmem>>)
      %mul3A_77 = arith.constant 64 : i32
      %mul3A_78 = arith.muli %add3A_71, %mul3A_77 : i32
      %dma_wait3A_79 = tpu.memref_slice %arg8[%mul3A_78] : memref<10000xi32, #tpu.memory_space<vmem>> -> memref<64xi32, #tpu.memory_space<vmem>>
      %dma_wait3A_80 = arith.constant 0 : i32
      %dma_wait3A_81 = arith.constant 0 : i32
      %dma_wait3A_82 = tpu.memref_slice %arg2[%dma_wait3A_80, %dma_wait3A_81] : memref<10000x128xf32, #tpu.memory_space<hbm>> -> memref<10000x128xf32, #tpu.memory_space<hbm>>
      tpu.wait_indirect_dma semaphore(%arg24 : memref<!tpu.dma_semaphore, #tpu.memory_space<semaphore_mem>>) src(%dma_wait3A_82 : memref<10000x128xf32, #tpu.memory_space<hbm>>) dst(%arg13 : memref<64x128xf32, #tpu.memory_space<vmem>>)
      "tpu.region"() ({
        %run_scoped3A = tpu.sem_alloc : memref<!tpu.dma_semaphore, #tpu.memory_space<semaphore_mem>>
        %dma_start3A_156 = arith.constant 0 : i32
        %dma_start3A_157 = arith.constant 0 : i32
        %dma_start3A_158 = tpu.memref_slice %arg7[%dma_start3A_156, %dma_start3A_157] : memref<10000x128xf32, #tpu.memory_space<vmem_shared>> -> memref<10000x128xf32, #tpu.memory_space<vmem_shared>>
        tpu.enqueue_indirect_dma source(%arg13 : memref<64x128xf32, #tpu.memory_space<vmem>>) target(%dma_start3A_158 : memref<10000x128xf32, #tpu.memory_space<vmem_shared>>) offsets(%arg9 : memref<64xi32, #tpu.memory_space<vmem>>) semaphore(%run_scoped3A : memref<!tpu.dma_semaphore, #tpu.memory_space<semaphore_mem>>) {add = true}
        %dma_wait3A_159 = arith.constant 0 : i32
        %dma_wait3A_160 = arith.constant 0 : i32
        %dma_wait3A_161 = tpu.memref_slice %arg7[%dma_wait3A_159, %dma_wait3A_160] : memref<10000x128xf32, #tpu.memory_space<vmem_shared>> -> memref<10000x128xf32, #tpu.memory_space<vmem_shared>>
        tpu.wait_indirect_dma semaphore(%run_scoped3A : memref<!tpu.dma_semaphore, #tpu.memory_space<semaphore_mem>>) src(%arg13 : memref<64x128xf32, #tpu.memory_space<vmem>>) dst(%dma_wait3A_161 : memref<10000x128xf32, #tpu.memory_space<vmem_shared>>)
        tpu.yield
      }) : () -> ()
      %add3A_83 = arith.constant 4 : i32
      %add3A_84 = arith.addi %add3A_71, %add3A_83 : i32
      %lt3A_85 = arith.constant 156 : i32
      %lt3A_86 = arith.cmpi slt, %add3A_84, %lt3A_85 : i32
      %convert_element_type3A_87 = arith.extui %lt3A_86 : i1 to i32
      %cond3A_88 = arith.constant 0 : i32
      %cond3A_89 = arith.cmpi ne, %convert_element_type3A_87, %cond3A_88 : i32
      scf.if %cond3A_89 {
        %add3A_156 = arith.constant 4 : i32
        %add3A_157 = arith.addi %add3A_71, %add3A_156 : i32
        %mul3A_158 = arith.constant 64 : i32
        %mul3A_159 = arith.muli %add3A_157, %mul3A_158 : i32
        %add3A_160 = arith.addi %mul3A_9, %mul3A_159 : i32
        %dma_start3A_161 = tpu.memref_slice %arg4[%add3A_160] : memref<320000xi32, #tpu.memory_space<hbm>> -> memref<64xi32, #tpu.memory_space<hbm>>
        %dma_start3A_162 = tpu.memref_slice %arg4[%add3A_160] : memref<320000xi32, #tpu.memory_space<hbm>> -> memref<64xi32, #tpu.memory_space<hbm>>
        tpu.enqueue_dma source(%dma_start3A_162 : memref<64xi32, #tpu.memory_space<hbm>>) target(%arg9 : memref<64xi32, #tpu.memory_space<vmem>>) target_semaphore(%arg20 : memref<!tpu.dma_semaphore, #tpu.memory_space<semaphore_mem>>)
        %mul3A_163 = arith.constant 64 : i32
        %mul3A_164 = arith.muli %add3A_157, %mul3A_163 : i32
        %dma_start3A_165 = tpu.memref_slice %arg8[%mul3A_164] : memref<10000xi32, #tpu.memory_space<vmem>> -> memref<64xi32, #tpu.memory_space<vmem>>
        %dma_start3A_166 = arith.constant 0 : i32
        %dma_start3A_167 = arith.constant 0 : i32
        %dma_start3A_168 = tpu.memref_slice %arg2[%dma_start3A_166, %dma_start3A_167] : memref<10000x128xf32, #tpu.memory_space<hbm>> -> memref<10000x128xf32, #tpu.memory_space<hbm>>
        tpu.enqueue_indirect_dma source(%dma_start3A_168 : memref<10000x128xf32, #tpu.memory_space<hbm>>) target(%arg13 : memref<64x128xf32, #tpu.memory_space<vmem>>) offsets(%dma_start3A_165 : memref<64xi32, #tpu.memory_space<vmem>>) semaphore(%arg24 : memref<!tpu.dma_semaphore, #tpu.memory_space<semaphore_mem>>)
      } else {
      }
      %mul3A_90 = arith.constant 4 : i32
      %mul3A_91 = arith.muli %mul3A_90, %scan3A_67 : i32
      %add3A_92 = arith.constant 1 : i32
      %add3A_93 = arith.addi %mul3A_91, %add3A_92 : i32
      %mul3A_94 = arith.constant 64 : i32
      %mul3A_95 = arith.muli %add3A_93, %mul3A_94 : i32
      %add3A_96 = arith.addi %mul3A_9, %mul3A_95 : i32
      %dma_wait3A_97 = tpu.memref_slice %arg4[%add3A_96] : memref<320000xi32, #tpu.memory_space<hbm>> -> memref<64xi32, #tpu.memory_space<hbm>>
      %dma_wait3A_98 = tpu.memref_slice %arg4[%add3A_96] : memref<320000xi32, #tpu.memory_space<hbm>> -> memref<64xi32, #tpu.memory_space<hbm>>
      tpu.wait_dma2 semaphore(%arg21 : memref<!tpu.dma_semaphore, #tpu.memory_space<semaphore_mem>>) src(%dma_wait3A_98 : memref<64xi32, #tpu.memory_space<hbm>>) dst(%arg10 : memref<64xi32, #tpu.memory_space<vmem>>)
      %mul3A_99 = arith.constant 64 : i32
      %mul3A_100 = arith.muli %add3A_93, %mul3A_99 : i32
      %dma_wait3A_101 = tpu.memref_slice %arg8[%mul3A_100] : memref<10000xi32, #tpu.memory_space<vmem>> -> memref<64xi32, #tpu.memory_space<vmem>>
      %dma_wait3A_102 = arith.constant 0 : i32
      %dma_wait3A_103 = arith.constant 0 : i32
      %dma_wait3A_104 = tpu.memref_slice %arg2[%dma_wait3A_102, %dma_wait3A_103] : memref<10000x128xf32, #tpu.memory_space<hbm>> -> memref<10000x128xf32, #tpu.memory_space<hbm>>
      tpu.wait_indirect_dma semaphore(%arg25 : memref<!tpu.dma_semaphore, #tpu.memory_space<semaphore_mem>>) src(%dma_wait3A_104 : memref<10000x128xf32, #tpu.memory_space<hbm>>) dst(%arg14 : memref<64x128xf32, #tpu.memory_space<vmem>>)
      "tpu.region"() ({
        %run_scoped3A = tpu.sem_alloc : memref<!tpu.dma_semaphore, #tpu.memory_space<semaphore_mem>>
        %dma_start3A_156 = arith.constant 0 : i32
        %dma_start3A_157 = arith.constant 0 : i32
        %dma_start3A_158 = tpu.memref_slice %arg7[%dma_start3A_156, %dma_start3A_157] : memref<10000x128xf32, #tpu.memory_space<vmem_shared>> -> memref<10000x128xf32, #tpu.memory_space<vmem_shared>>
        tpu.enqueue_indirect_dma source(%arg14 : memref<64x128xf32, #tpu.memory_space<vmem>>) target(%dma_start3A_158 : memref<10000x128xf32, #tpu.memory_space<vmem_shared>>) offsets(%arg10 : memref<64xi32, #tpu.memory_space<vmem>>) semaphore(%run_scoped3A : memref<!tpu.dma_semaphore, #tpu.memory_space<semaphore_mem>>) {add = true}
        %dma_wait3A_159 = arith.constant 0 : i32
        %dma_wait3A_160 = arith.constant 0 : i32
        %dma_wait3A_161 = tpu.memref_slice %arg7[%dma_wait3A_159, %dma_wait3A_160] : memref<10000x128xf32, #tpu.memory_space<vmem_shared>> -> memref<10000x128xf32, #tpu.memory_space<vmem_shared>>
        tpu.wait_indirect_dma semaphore(%run_scoped3A : memref<!tpu.dma_semaphore, #tpu.memory_space<semaphore_mem>>) src(%arg14 : memref<64x128xf32, #tpu.memory_space<vmem>>) dst(%dma_wait3A_161 : memref<10000x128xf32, #tpu.memory_space<vmem_shared>>)
        tpu.yield
      }) : () -> ()
      %add3A_105 = arith.constant 4 : i32
      %add3A_106 = arith.addi %add3A_93, %add3A_105 : i32
      %lt3A_107 = arith.constant 156 : i32
      %lt3A_108 = arith.cmpi slt, %add3A_106, %lt3A_107 : i32
      %convert_element_type3A_109 = arith.extui %lt3A_108 : i1 to i32
      %cond3A_110 = arith.constant 0 : i32
      %cond3A_111 = arith.cmpi ne, %convert_element_type3A_109, %cond3A_110 : i32
      scf.if %cond3A_111 {
        %add3A_156 = arith.constant 4 : i32
        %add3A_157 = arith.addi %add3A_93, %add3A_156 : i32
        %mul3A_158 = arith.constant 64 : i32
        %mul3A_159 = arith.muli %add3A_157, %mul3A_158 : i32
        %add3A_160 = arith.addi %mul3A_9, %mul3A_159 : i32
        %dma_start3A_161 = tpu.memref_slice %arg4[%add3A_160] : memref<320000xi32, #tpu.memory_space<hbm>> -> memref<64xi32, #tpu.memory_space<hbm>>
        %dma_start3A_162 = tpu.memref_slice %arg4[%add3A_160] : memref<320000xi32, #tpu.memory_space<hbm>> -> memref<64xi32, #tpu.memory_space<hbm>>
        tpu.enqueue_dma source(%dma_start3A_162 : memref<64xi32, #tpu.memory_space<hbm>>) target(%arg10 : memref<64xi32, #tpu.memory_space<vmem>>) target_semaphore(%arg21 : memref<!tpu.dma_semaphore, #tpu.memory_space<semaphore_mem>>)
        %mul3A_163 = arith.constant 64 : i32
        %mul3A_164 = arith.muli %add3A_157, %mul3A_163 : i32
        %dma_start3A_165 = tpu.memref_slice %arg8[%mul3A_164] : memref<10000xi32, #tpu.memory_space<vmem>> -> memref<64xi32, #tpu.memory_space<vmem>>
        %dma_start3A_166 = arith.constant 0 : i32
        %dma_start3A_167 = arith.constant 0 : i32
        %dma_start3A_168 = tpu.memref_slice %arg2[%dma_start3A_166, %dma_start3A_167] : memref<10000x128xf32, #tpu.memory_space<hbm>> -> memref<10000x128xf32, #tpu.memory_space<hbm>>
        tpu.enqueue_indirect_dma source(%dma_start3A_168 : memref<10000x128xf32, #tpu.memory_space<hbm>>) target(%arg14 : memref<64x128xf32, #tpu.memory_space<vmem>>) offsets(%dma_start3A_165 : memref<64xi32, #tpu.memory_space<vmem>>) semaphore(%arg25 : memref<!tpu.dma_semaphore, #tpu.memory_space<semaphore_mem>>)
      } else {
      }
      %mul3A_112 = arith.constant 4 : i32
      %mul3A_113 = arith.muli %mul3A_112, %scan3A_67 : i32
      %add3A_114 = arith.constant 2 : i32
      %add3A_115 = arith.addi %mul3A_113, %add3A_114 : i32
      %mul3A_116 = arith.constant 64 : i32
      %mul3A_117 = arith.muli %add3A_115, %mul3A_116 : i32
      %add3A_118 = arith.addi %mul3A_9, %mul3A_117 : i32
      %dma_wait3A_119 = tpu.memref_slice %arg4[%add3A_118] : memref<320000xi32, #tpu.memory_space<hbm>> -> memref<64xi32, #tpu.memory_space<hbm>>
      %dma_wait3A_120 = tpu.memref_slice %arg4[%add3A_118] : memref<320000xi32, #tpu.memory_space<hbm>> -> memref<64xi32, #tpu.memory_space<hbm>>
      tpu.wait_dma2 semaphore(%arg22 : memref<!tpu.dma_semaphore, #tpu.memory_space<semaphore_mem>>) src(%dma_wait3A_120 : memref<64xi32, #tpu.memory_space<hbm>>) dst(%arg11 : memref<64xi32, #tpu.memory_space<vmem>>)
      %mul3A_121 = arith.constant 64 : i32
      %mul3A_122 = arith.muli %add3A_115, %mul3A_121 : i32
      %dma_wait3A_123 = tpu.memref_slice %arg8[%mul3A_122] : memref<10000xi32, #tpu.memory_space<vmem>> -> memref<64xi32, #tpu.memory_space<vmem>>
      %dma_wait3A_124 = arith.constant 0 : i32
      %dma_wait3A_125 = arith.constant 0 : i32
      %dma_wait3A_126 = tpu.memref_slice %arg2[%dma_wait3A_124, %dma_wait3A_125] : memref<10000x128xf32, #tpu.memory_space<hbm>> -> memref<10000x128xf32, #tpu.memory_space<hbm>>
      tpu.wait_indirect_dma semaphore(%arg26 : memref<!tpu.dma_semaphore, #tpu.memory_space<semaphore_mem>>) src(%dma_wait3A_126 : memref<10000x128xf32, #tpu.memory_space<hbm>>) dst(%arg15 : memref<64x128xf32, #tpu.memory_space<vmem>>)
      "tpu.region"() ({
        %run_scoped3A = tpu.sem_alloc : memref<!tpu.dma_semaphore, #tpu.memory_space<semaphore_mem>>
        %dma_start3A_156 = arith.constant 0 : i32
        %dma_start3A_157 = arith.constant 0 : i32
        %dma_start3A_158 = tpu.memref_slice %arg7[%dma_start3A_156, %dma_start3A_157] : memref<10000x128xf32, #tpu.memory_space<vmem_shared>> -> memref<10000x128xf32, #tpu.memory_space<vmem_shared>>
        tpu.enqueue_indirect_dma source(%arg15 : memref<64x128xf32, #tpu.memory_space<vmem>>) target(%dma_start3A_158 : memref<10000x128xf32, #tpu.memory_space<vmem_shared>>) offsets(%arg11 : memref<64xi32, #tpu.memory_space<vmem>>) semaphore(%run_scoped3A : memref<!tpu.dma_semaphore, #tpu.memory_space<semaphore_mem>>) {add = true}
        %dma_wait3A_159 = arith.constant 0 : i32
        %dma_wait3A_160 = arith.constant 0 : i32
        %dma_wait3A_161 = tpu.memref_slice %arg7[%dma_wait3A_159, %dma_wait3A_160] : memref<10000x128xf32, #tpu.memory_space<vmem_shared>> -> memref<10000x128xf32, #tpu.memory_space<vmem_shared>>
        tpu.wait_indirect_dma semaphore(%run_scoped3A : memref<!tpu.dma_semaphore, #tpu.memory_space<semaphore_mem>>) src(%arg15 : memref<64x128xf32, #tpu.memory_space<vmem>>) dst(%dma_wait3A_161 : memref<10000x128xf32, #tpu.memory_space<vmem_shared>>)
        tpu.yield
      }) : () -> ()
      %add3A_127 = arith.constant 4 : i32
      %add3A_128 = arith.addi %add3A_115, %add3A_127 : i32
      %lt3A_129 = arith.constant 156 : i32
      %lt3A_130 = arith.cmpi slt, %add3A_128, %lt3A_129 : i32
      %convert_element_type3A_131 = arith.extui %lt3A_130 : i1 to i32
      %cond3A_132 = arith.constant 0 : i32
      %cond3A_133 = arith.cmpi ne, %convert_element_type3A_131, %cond3A_132 : i32
      scf.if %cond3A_133 {
        %add3A_156 = arith.constant 4 : i32
        %add3A_157 = arith.addi %add3A_115, %add3A_156 : i32
        %mul3A_158 = arith.constant 64 : i32
        %mul3A_159 = arith.muli %add3A_157, %mul3A_158 : i32
        %add3A_160 = arith.addi %mul3A_9, %mul3A_159 : i32
        %dma_start3A_161 = tpu.memref_slice %arg4[%add3A_160] : memref<320000xi32, #tpu.memory_space<hbm>> -> memref<64xi32, #tpu.memory_space<hbm>>
        %dma_start3A_162 = tpu.memref_slice %arg4[%add3A_160] : memref<320000xi32, #tpu.memory_space<hbm>> -> memref<64xi32, #tpu.memory_space<hbm>>
        tpu.enqueue_dma source(%dma_start3A_162 : memref<64xi32, #tpu.memory_space<hbm>>) target(%arg11 : memref<64xi32, #tpu.memory_space<vmem>>) target_semaphore(%arg22 : memref<!tpu.dma_semaphore, #tpu.memory_space<semaphore_mem>>)
        %mul3A_163 = arith.constant 64 : i32
        %mul3A_164 = arith.muli %add3A_157, %mul3A_163 : i32
        %dma_start3A_165 = tpu.memref_slice %arg8[%mul3A_164] : memref<10000xi32, #tpu.memory_space<vmem>> -> memref<64xi32, #tpu.memory_space<vmem>>
        %dma_start3A_166 = arith.constant 0 : i32
        %dma_start3A_167 = arith.constant 0 : i32
        %dma_start3A_168 = tpu.memref_slice %arg2[%dma_start3A_166, %dma_start3A_167] : memref<10000x128xf32, #tpu.memory_space<hbm>> -> memref<10000x128xf32, #tpu.memory_space<hbm>>
        tpu.enqueue_indirect_dma source(%dma_start3A_168 : memref<10000x128xf32, #tpu.memory_space<hbm>>) target(%arg15 : memref<64x128xf32, #tpu.memory_space<vmem>>) offsets(%dma_start3A_165 : memref<64xi32, #tpu.memory_space<vmem>>) semaphore(%arg26 : memref<!tpu.dma_semaphore, #tpu.memory_space<semaphore_mem>>)
      } else {
      }
      %mul3A_134 = arith.constant 4 : i32
      %mul3A_135 = arith.muli %mul3A_134, %scan3A_67 : i32
      %add3A_136 = arith.constant 3 : i32
      %add3A_137 = arith.addi %mul3A_135, %add3A_136 : i32
      %mul3A_138 = arith.constant 64 : i32
      %mul3A_139 = arith.muli %add3A_137, %mul3A_138 : i32
      %add3A_140 = arith.addi %mul3A_9, %mul3A_139 : i32
      %dma_wait3A_141 = tpu.memref_slice %arg4[%add3A_140] : memref<320000xi32, #tpu.memory_space<hbm>> -> memref<64xi32, #tpu.memory_space<hbm>>
      %dma_wait3A_142 = tpu.memref_slice %arg4[%add3A_140] : memref<320000xi32, #tpu.memory_space<hbm>> -> memref<64xi32, #tpu.memory_space<hbm>>
      tpu.wait_dma2 semaphore(%arg23 : memref<!tpu.dma_semaphore, #tpu.memory_space<semaphore_mem>>) src(%dma_wait3A_142 : memref<64xi32, #tpu.memory_space<hbm>>) dst(%arg12 : memref<64xi32, #tpu.memory_space<vmem>>)
      %mul3A_143 = arith.constant 64 : i32
      %mul3A_144 = arith.muli %add3A_137, %mul3A_143 : i32
      %dma_wait3A_145 = tpu.memref_slice %arg8[%mul3A_144] : memref<10000xi32, #tpu.memory_space<vmem>> -> memref<64xi32, #tpu.memory_space<vmem>>
      %dma_wait3A_146 = arith.constant 0 : i32
      %dma_wait3A_147 = arith.constant 0 : i32
      %dma_wait3A_148 = tpu.memref_slice %arg2[%dma_wait3A_146, %dma_wait3A_147] : memref<10000x128xf32, #tpu.memory_space<hbm>> -> memref<10000x128xf32, #tpu.memory_space<hbm>>
      tpu.wait_indirect_dma semaphore(%arg27 : memref<!tpu.dma_semaphore, #tpu.memory_space<semaphore_mem>>) src(%dma_wait3A_148 : memref<10000x128xf32, #tpu.memory_space<hbm>>) dst(%arg16 : memref<64x128xf32, #tpu.memory_space<vmem>>)
      "tpu.region"() ({
        %run_scoped3A = tpu.sem_alloc : memref<!tpu.dma_semaphore, #tpu.memory_space<semaphore_mem>>
        %dma_start3A_156 = arith.constant 0 : i32
        %dma_start3A_157 = arith.constant 0 : i32
        %dma_start3A_158 = tpu.memref_slice %arg7[%dma_start3A_156, %dma_start3A_157] : memref<10000x128xf32, #tpu.memory_space<vmem_shared>> -> memref<10000x128xf32, #tpu.memory_space<vmem_shared>>
        tpu.enqueue_indirect_dma source(%arg16 : memref<64x128xf32, #tpu.memory_space<vmem>>) target(%dma_start3A_158 : memref<10000x128xf32, #tpu.memory_space<vmem_shared>>) offsets(%arg12 : memref<64xi32, #tpu.memory_space<vmem>>) semaphore(%run_scoped3A : memref<!tpu.dma_semaphore, #tpu.memory_space<semaphore_mem>>) {add = true}
        %dma_wait3A_159 = arith.constant 0 : i32
        %dma_wait3A_160 = arith.constant 0 : i32
        %dma_wait3A_161 = tpu.memref_slice %arg7[%dma_wait3A_159, %dma_wait3A_160] : memref<10000x128xf32, #tpu.memory_space<vmem_shared>> -> memref<10000x128xf32, #tpu.memory_space<vmem_shared>>
        tpu.wait_indirect_dma semaphore(%run_scoped3A : memref<!tpu.dma_semaphore, #tpu.memory_space<semaphore_mem>>) src(%arg16 : memref<64x128xf32, #tpu.memory_space<vmem>>) dst(%dma_wait3A_161 : memref<10000x128xf32, #tpu.memory_space<vmem_shared>>)
        tpu.yield
      }) : () -> ()
      %add3A_149 = arith.constant 4 : i32
      %add3A_150 = arith.addi %add3A_137, %add3A_149 : i32
      %lt3A_151 = arith.constant 156 : i32
      %lt3A_152 = arith.cmpi slt, %add3A_150, %lt3A_151 : i32
      %convert_element_type3A_153 = arith.extui %lt3A_152 : i1 to i32
      %cond3A_154 = arith.constant 0 : i32
      %cond3A_155 = arith.cmpi ne, %convert_element_type3A_153, %cond3A_154 : i32
      scf.if %cond3A_155 {
        %add3A_156 = arith.constant 4 : i32
        %add3A_157 = arith.addi %add3A_137, %add3A_156 : i32
        %mul3A_158 = arith.constant 64 : i32
        %mul3A_159 = arith.muli %add3A_157, %mul3A_158 : i32
        %add3A_160 = arith.addi %mul3A_9, %mul3A_159 : i32
        %dma_start3A_161 = tpu.memref_slice %arg4[%add3A_160] : memref<320000xi32, #tpu.memory_space<hbm>> -> memref<64xi32, #tpu.memory_space<hbm>>
        %dma_start3A_162 = tpu.memref_slice %arg4[%add3A_160] : memref<320000xi32, #tpu.memory_space<hbm>> -> memref<64xi32, #tpu.memory_space<hbm>>
        tpu.enqueue_dma source(%dma_start3A_162 : memref<64xi32, #tpu.memory_space<hbm>>) target(%arg12 : memref<64xi32, #tpu.memory_space<vmem>>) target_semaphore(%arg23 : memref<!tpu.dma_semaphore, #tpu.memory_space<semaphore_mem>>)
        %mul3A_163 = arith.constant 64 : i32
        %mul3A_164 = arith.muli %add3A_157, %mul3A_163 : i32
        %dma_start3A_165 = tpu.memref_slice %arg8[%mul3A_164] : memref<10000xi32, #tpu.memory_space<vmem>> -> memref<64xi32, #tpu.memory_space<vmem>>
        %dma_start3A_166 = arith.constant 0 : i32
        %dma_start3A_167 = arith.constant 0 : i32
        %dma_start3A_168 = tpu.memref_slice %arg2[%dma_start3A_166, %dma_start3A_167] : memref<10000x128xf32, #tpu.memory_space<hbm>> -> memref<10000x128xf32, #tpu.memory_space<hbm>>
        tpu.enqueue_indirect_dma source(%dma_start3A_168 : memref<10000x128xf32, #tpu.memory_space<hbm>>) target(%arg16 : memref<64x128xf32, #tpu.memory_space<vmem>>) offsets(%dma_start3A_165 : memref<64xi32, #tpu.memory_space<vmem>>) semaphore(%arg27 : memref<!tpu.dma_semaphore, #tpu.memory_space<semaphore_mem>>)
      } else {
      }
    }
    %scan3A_49 = arith.constant 39 : i32
    %add3A_50 = arith.constant 9984 : i32
    %add3A_51 = arith.addi %mul3A_9, %add3A_50 : i32
    "tpu.region"() ({
      %run_scoped3A = tpu.sem_alloc : memref<!tpu.dma_semaphore, #tpu.memory_space<semaphore_mem>>
      %dma_start3A_67 = tpu.memref_slice %arg3[%add3A_51] : memref<320000xi32, #tpu.memory_space<hbm>> -> memref<16xi32, #tpu.memory_space<hbm>>
      %dma_start3A_68 = tpu.memref_slice %arg3[%add3A_51] : memref<320000xi32, #tpu.memory_space<hbm>> -> memref<16xi32, #tpu.memory_space<hbm>>
      tpu.enqueue_dma source(%dma_start3A_68 : memref<16xi32, #tpu.memory_space<hbm>>) target(%arg17 : memref<16xi32, #tpu.memory_space<vmem>>) target_semaphore(%run_scoped3A : memref<!tpu.dma_semaphore, #tpu.memory_space<semaphore_mem>>)
      %dma_wait3A_69 = tpu.memref_slice %arg3[%add3A_51] : memref<320000xi32, #tpu.memory_space<hbm>> -> memref<16xi32, #tpu.memory_space<hbm>>
      %dma_wait3A_70 = tpu.memref_slice %arg3[%add3A_51] : memref<320000xi32, #tpu.memory_space<hbm>> -> memref<16xi32, #tpu.memory_space<hbm>>
      tpu.wait_dma2 semaphore(%run_scoped3A : memref<!tpu.dma_semaphore, #tpu.memory_space<semaphore_mem>>) src(%dma_wait3A_70 : memref<16xi32, #tpu.memory_space<hbm>>) dst(%arg17 : memref<16xi32, #tpu.memory_space<vmem>>)
      tpu.yield
    }) : () -> ()
    "tpu.region"() ({
      %run_scoped3A = tpu.sem_alloc : memref<!tpu.dma_semaphore, #tpu.memory_space<semaphore_mem>>
      %dma_start3A_67 = tpu.memref_slice %arg4[%add3A_51] : memref<320000xi32, #tpu.memory_space<hbm>> -> memref<16xi32, #tpu.memory_space<hbm>>
      %dma_start3A_68 = tpu.memref_slice %arg4[%add3A_51] : memref<320000xi32, #tpu.memory_space<hbm>> -> memref<16xi32, #tpu.memory_space<hbm>>
      tpu.enqueue_dma source(%dma_start3A_68 : memref<16xi32, #tpu.memory_space<hbm>>) target(%arg18 : memref<16xi32, #tpu.memory_space<vmem>>) target_semaphore(%run_scoped3A : memref<!tpu.dma_semaphore, #tpu.memory_space<semaphore_mem>>)
      %dma_wait3A_69 = tpu.memref_slice %arg4[%add3A_51] : memref<320000xi32, #tpu.memory_space<hbm>> -> memref<16xi32, #tpu.memory_space<hbm>>
      %dma_wait3A_70 = tpu.memref_slice %arg4[%add3A_51] : memref<320000xi32, #tpu.memory_space<hbm>> -> memref<16xi32, #tpu.memory_space<hbm>>
      tpu.wait_dma2 semaphore(%run_scoped3A : memref<!tpu.dma_semaphore, #tpu.memory_space<semaphore_mem>>) src(%dma_wait3A_70 : memref<16xi32, #tpu.memory_space<hbm>>) dst(%arg18 : memref<16xi32, #tpu.memory_space<vmem>>)
      tpu.yield
    }) : () -> ()
    %dma_start3A_52 = arith.constant 0 : i32
    %dma_start3A_53 = arith.constant 0 : i32
    %dma_start3A_54 = tpu.memref_slice %arg2[%dma_start3A_52, %dma_start3A_53] : memref<10000x128xf32, #tpu.memory_space<hbm>> -> memref<10000x128xf32, #tpu.memory_space<hbm>>
    tpu.enqueue_indirect_dma source(%dma_start3A_54 : memref<10000x128xf32, #tpu.memory_space<hbm>>) target(%arg19 : memref<16x128xf32, #tpu.memory_space<vmem>>) offsets(%arg17 : memref<16xi32, #tpu.memory_space<vmem>>) semaphore(%arg24 : memref<!tpu.dma_semaphore, #tpu.memory_space<semaphore_mem>>)
    %dma_wait3A = arith.constant 0 : i32
    %dma_wait3A_55 = arith.constant 0 : i32
    %dma_wait3A_56 = tpu.memref_slice %arg2[%dma_wait3A, %dma_wait3A_55] : memref<10000x128xf32, #tpu.memory_space<hbm>> -> memref<10000x128xf32, #tpu.memory_space<hbm>>
    tpu.wait_indirect_dma semaphore(%arg24 : memref<!tpu.dma_semaphore, #tpu.memory_space<semaphore_mem>>) src(%dma_wait3A_56 : memref<10000x128xf32, #tpu.memory_space<hbm>>) dst(%arg19 : memref<16x128xf32, #tpu.memory_space<vmem>>)
    "tpu.region"() ({
      %run_scoped3A = tpu.sem_alloc : memref<!tpu.dma_semaphore, #tpu.memory_space<semaphore_mem>>
      %dma_start3A_67 = arith.constant 0 : i32
      %dma_start3A_68 = arith.constant 0 : i32
      %dma_start3A_69 = tpu.memref_slice %arg7[%dma_start3A_67, %dma_start3A_68] : memref<10000x128xf32, #tpu.memory_space<vmem_shared>> -> memref<10000x128xf32, #tpu.memory_space<vmem_shared>>
      tpu.enqueue_indirect_dma source(%arg19 : memref<16x128xf32, #tpu.memory_space<vmem>>) target(%dma_start3A_69 : memref<10000x128xf32, #tpu.memory_space<vmem_shared>>) offsets(%arg18 : memref<16xi32, #tpu.memory_space<vmem>>) semaphore(%run_scoped3A : memref<!tpu.dma_semaphore, #tpu.memory_space<semaphore_mem>>) {add = true}
      %dma_wait3A_70 = arith.constant 0 : i32
      %dma_wait3A_71 = arith.constant 0 : i32
      %dma_wait3A_72 = tpu.memref_slice %arg7[%dma_wait3A_70, %dma_wait3A_71] : memref<10000x128xf32, #tpu.memory_space<vmem_shared>> -> memref<10000x128xf32, #tpu.memory_space<vmem_shared>>
      tpu.wait_indirect_dma semaphore(%run_scoped3A : memref<!tpu.dma_semaphore, #tpu.memory_space<semaphore_mem>>) src(%arg19 : memref<16x128xf32, #tpu.memory_space<vmem>>) dst(%dma_wait3A_72 : memref<10000x128xf32, #tpu.memory_space<vmem_shared>>)
      tpu.yield
    }) : () -> ()
    %barrier3A_57 = arith.constant 0 : index
    tpu.barrier barrier_id(%barrier3A_57)
    %lt3A = arith.constant 15 : i32
    %lt3A_58 = arith.cmpi slt, %arg1, %lt3A : i32
    %convert_element_type3A_59 = arith.extui %lt3A_58 : i1 to i32
    %cond3A_60 = arith.constant 0 : i32
    %cond3A_61 = arith.cmpi ne, %convert_element_type3A_59, %cond3A_60 : i32
    scf.if %cond3A_61 {
      %mul3A_67 = arith.constant 640 : i32
      %mul3A_68 = arith.muli %arg1, %mul3A_67 : i32
      %mul3A_69 = arith.constant 640 : i32
      %mul3A_70 = arith.muli %arg1, %mul3A_69 : i32
      "tpu.region"() ({
        %run_scoped3A = tpu.sem_alloc : memref<!tpu.dma_semaphore, #tpu.memory_space<semaphore_mem>>
        %dma_start3A_71 = arith.constant 0 : i32
        %dma_start3A_72 = arith.constant 0 : i32
        %dma_start3A_73 = tpu.memref_slice %arg6[%arg0, %dma_start3A_71, %dma_start3A_72] : memref<2x10000x128xf32, #tpu.memory_space<hbm>> -> memref<1x10000x128xf32, #tpu.memory_space<hbm>>
        %dma_start3A_74 = tpu.memref_squeeze %dma_start3A_73 : memref<1x10000x128xf32, #tpu.memory_space<hbm>> -> memref<10000x128xf32, #tpu.memory_space<hbm>>
        %dma_start3A_75 = arith.constant 0 : i32
        %dma_start3A_76 = tpu.memref_slice %dma_start3A_74[%mul3A_70, %dma_start3A_75] : memref<10000x128xf32, #tpu.memory_space<hbm>> -> memref<640x128xf32, #tpu.memory_space<hbm>>
        %dma_start3A_77 = arith.constant 0 : i32
        %dma_start3A_78 = tpu.memref_slice %arg7[%mul3A_68, %dma_start3A_77] : memref<10000x128xf32, #tpu.memory_space<vmem_shared>> -> memref<640x128xf32, #tpu.memory_space<vmem_shared>>
        tpu.enqueue_dma source(%dma_start3A_78 : memref<640x128xf32, #tpu.memory_space<vmem_shared>>) target(%dma_start3A_76 : memref<640x128xf32, #tpu.memory_space<hbm>>) target_semaphore(%run_scoped3A : memref<!tpu.dma_semaphore, #tpu.memory_space<semaphore_mem>>)
        %dma_wait3A_79 = arith.constant 0 : i32
        %dma_wait3A_80 = arith.constant 0 : i32
        %dma_wait3A_81 = tpu.memref_slice %arg6[%arg0, %dma_wait3A_79, %dma_wait3A_80] : memref<2x10000x128xf32, #tpu.memory_space<hbm>> -> memref<1x10000x128xf32, #tpu.memory_space<hbm>>
        %dma_wait3A_82 = tpu.memref_squeeze %dma_wait3A_81 : memref<1x10000x128xf32, #tpu.memory_space<hbm>> -> memref<10000x128xf32, #tpu.memory_space<hbm>>
        %dma_wait3A_83 = arith.constant 0 : i32
        %dma_wait3A_84 = tpu.memref_slice %dma_wait3A_82[%mul3A_70, %dma_wait3A_83] : memref<10000x128xf32, #tpu.memory_space<hbm>> -> memref<640x128xf32, #tpu.memory_space<hbm>>
        %dma_wait3A_85 = arith.constant 0 : i32
        %dma_wait3A_86 = tpu.memref_slice %arg7[%mul3A_68, %dma_wait3A_85] : memref<10000x128xf32, #tpu.memory_space<vmem_shared>> -> memref<640x128xf32, #tpu.memory_space<vmem_shared>>
        tpu.wait_dma2 semaphore(%run_scoped3A : memref<!tpu.dma_semaphore, #tpu.memory_space<semaphore_mem>>) src(%dma_wait3A_86 : memref<640x128xf32, #tpu.memory_space<vmem_shared>>) dst(%dma_wait3A_84 : memref<640x128xf32, #tpu.memory_space<hbm>>)
        tpu.yield
      }) : () -> ()
    } else {
    }
    %eq3A_62 = arith.constant 15 : i32
    %eq3A_63 = arith.cmpi eq, %arg1, %eq3A_62 : i32
    %convert_element_type3A_64 = arith.extui %eq3A_63 : i1 to i32
    %cond3A_65 = arith.constant 0 : i32
    %cond3A_66 = arith.cmpi ne, %convert_element_type3A_64, %cond3A_65 : i32
    scf.if %cond3A_66 {
      "tpu.region"() ({
        %run_scoped3A = tpu.sem_alloc : memref<!tpu.dma_semaphore, #tpu.memory_space<semaphore_mem>>
        %dma_start3A_67 = arith.constant 0 : i32
        %dma_start3A_68 = arith.constant 0 : i32
        %dma_start3A_69 = tpu.memref_slice %arg6[%arg0, %dma_start3A_67, %dma_start3A_68] : memref<2x10000x128xf32, #tpu.memory_space<hbm>> -> memref<1x10000x128xf32, #tpu.memory_space<hbm>>
        %dma_start3A_70 = tpu.memref_squeeze %dma_start3A_69 : memref<1x10000x128xf32, #tpu.memory_space<hbm>> -> memref<10000x128xf32, #tpu.memory_space<hbm>>
        %dma_start3A_71 = arith.constant 9600 : i32
        %dma_start3A_72 = arith.constant 0 : i32
        %dma_start3A_73 = tpu.memref_slice %dma_start3A_70[%dma_start3A_71, %dma_start3A_72] : memref<10000x128xf32, #tpu.memory_space<hbm>> -> memref<400x128xf32, #tpu.memory_space<hbm>>
        %dma_start3A_74 = arith.constant 9600 : i32
        %dma_start3A_75 = arith.constant 0 : i32
        %dma_start3A_76 = tpu.memref_slice %arg7[%dma_start3A_74, %dma_start3A_75] : memref<10000x128xf32, #tpu.memory_space<vmem_shared>> -> memref<400x128xf32, #tpu.memory_space<vmem_shared>>
        tpu.enqueue_dma source(%dma_start3A_76 : memref<400x128xf32, #tpu.memory_space<vmem_shared>>) target(%dma_start3A_73 : memref<400x128xf32, #tpu.memory_space<hbm>>) target_semaphore(%run_scoped3A : memref<!tpu.dma_semaphore, #tpu.memory_space<semaphore_mem>>)
        %dma_wait3A_77 = arith.constant 0 : i32
        %dma_wait3A_78 = arith.constant 0 : i32
        %dma_wait3A_79 = tpu.memref_slice %arg6[%arg0, %dma_wait3A_77, %dma_wait3A_78] : memref<2x10000x128xf32, #tpu.memory_space<hbm>> -> memref<1x10000x128xf32, #tpu.memory_space<hbm>>
        %dma_wait3A_80 = tpu.memref_squeeze %dma_wait3A_79 : memref<1x10000x128xf32, #tpu.memory_space<hbm>> -> memref<10000x128xf32, #tpu.memory_space<hbm>>
        %dma_wait3A_81 = arith.constant 9600 : i32
        %dma_wait3A_82 = arith.constant 0 : i32
        %dma_wait3A_83 = tpu.memref_slice %dma_wait3A_80[%dma_wait3A_81, %dma_wait3A_82] : memref<10000x128xf32, #tpu.memory_space<hbm>> -> memref<400x128xf32, #tpu.memory_space<hbm>>
        %dma_wait3A_84 = arith.constant 9600 : i32
        %dma_wait3A_85 = arith.constant 0 : i32
        %dma_wait3A_86 = tpu.memref_slice %arg7[%dma_wait3A_84, %dma_wait3A_85] : memref<10000x128xf32, #tpu.memory_space<vmem_shared>> -> memref<400x128xf32, #tpu.memory_space<vmem_shared>>
        tpu.wait_dma2 semaphore(%run_scoped3A : memref<!tpu.dma_semaphore, #tpu.memory_space<semaphore_mem>>) src(%dma_wait3A_86 : memref<400x128xf32, #tpu.memory_space<vmem_shared>>) dst(%dma_wait3A_83 : memref<400x128xf32, #tpu.memory_space<hbm>>)
        tpu.yield
      }) : () -> ()
    } else {
    }
    return
  }
}

#map = affine_map<(d0, d1) -> (0)>
#map1 = affine_map<(d0, d1) -> (0, 0)>
module attributes {stable_mosaic.version = 14 : i64} {
  func.func @colagg(%arg0: i32, %arg1: i32, %arg2: memref<10000xf32, #tpu.memory_space<hbm>>, %arg3: memref<320000xi32, #tpu.memory_space<hbm>>, %arg4: memref<320000xi32, #tpu.memory_space<hbm>>, %arg5: memref<2x10240xf32, #tpu.memory_space<hbm>>, %arg6: memref<16x10240xf32, #tpu.memory_space<vmem_shared>>, %arg7: memref<10000xf32, #tpu.memory_space<vmem>>, %arg8: memref<10240xf32, #tpu.memory_space<vmem>>, %arg9: memref<10000xi32, #tpu.memory_space<vmem>>, %arg10: memref<10000xi32, #tpu.memory_space<vmem>>, %arg11: memref<16x640xf32, #tpu.memory_space<vmem>>, %arg12: memref<640xf32, #tpu.memory_space<vmem>>) attributes {dimension_semantics = [#tpu.dimension_semantics<core_parallel>, #tpu.dimension_semantics<subcore_parallel>], iteration_bounds = array<i64: 2, 16>, scalar_prefetch = 0 : i64, scratch_operands = 7 : i64, tpu.core_type = #tpu.core_type<sc_vector_subcore>, window_params = [{transform_indices = #map}, {transform_indices = #map}, {transform_indices = #map}, {transform_indices = #map1}]} {
    %mul3A = arith.constant 16 : i32
    %mul3A_0 = arith.muli %arg0, %mul3A : i32
    %add3A = arith.addi %mul3A_0, %arg1 : i32
    %mul3A_1 = arith.constant 10000 : i32
    %mul3A_2 = arith.muli %add3A, %mul3A_1 : i32
    "tpu.region"() ({
      %run_scoped3A = tpu.sem_alloc : memref<!tpu.dma_semaphore, #tpu.memory_space<semaphore_mem>>
      tpu.enqueue_dma source(%arg2 : memref<10000xf32, #tpu.memory_space<hbm>>) target(%arg7 : memref<10000xf32, #tpu.memory_space<vmem>>) target_semaphore(%run_scoped3A : memref<!tpu.dma_semaphore, #tpu.memory_space<semaphore_mem>>)
      tpu.wait_dma2 semaphore(%run_scoped3A : memref<!tpu.dma_semaphore, #tpu.memory_space<semaphore_mem>>) src(%arg2 : memref<10000xf32, #tpu.memory_space<hbm>>) dst(%arg7 : memref<10000xf32, #tpu.memory_space<vmem>>)
      tpu.yield
    }) : () -> ()
    "tpu.region"() ({
      %run_scoped3A = tpu.sem_alloc : memref<!tpu.dma_semaphore, #tpu.memory_space<semaphore_mem>>
      %dma_start3A = tpu.memref_slice %arg3[%mul3A_2] : memref<320000xi32, #tpu.memory_space<hbm>> -> memref<10000xi32, #tpu.memory_space<hbm>>
      %dma_start3A_25 = tpu.memref_slice %arg3[%mul3A_2] : memref<320000xi32, #tpu.memory_space<hbm>> -> memref<10000xi32, #tpu.memory_space<hbm>>
      tpu.enqueue_dma source(%dma_start3A_25 : memref<10000xi32, #tpu.memory_space<hbm>>) target(%arg9 : memref<10000xi32, #tpu.memory_space<vmem>>) target_semaphore(%run_scoped3A : memref<!tpu.dma_semaphore, #tpu.memory_space<semaphore_mem>>)
      %dma_wait3A = tpu.memref_slice %arg3[%mul3A_2] : memref<320000xi32, #tpu.memory_space<hbm>> -> memref<10000xi32, #tpu.memory_space<hbm>>
      %dma_wait3A_26 = tpu.memref_slice %arg3[%mul3A_2] : memref<320000xi32, #tpu.memory_space<hbm>> -> memref<10000xi32, #tpu.memory_space<hbm>>
      tpu.wait_dma2 semaphore(%run_scoped3A : memref<!tpu.dma_semaphore, #tpu.memory_space<semaphore_mem>>) src(%dma_wait3A_26 : memref<10000xi32, #tpu.memory_space<hbm>>) dst(%arg9 : memref<10000xi32, #tpu.memory_space<vmem>>)
      tpu.yield
    }) : () -> ()
    "tpu.region"() ({
      %run_scoped3A = tpu.sem_alloc : memref<!tpu.dma_semaphore, #tpu.memory_space<semaphore_mem>>
      %dma_start3A = tpu.memref_slice %arg4[%mul3A_2] : memref<320000xi32, #tpu.memory_space<hbm>> -> memref<10000xi32, #tpu.memory_space<hbm>>
      %dma_start3A_25 = tpu.memref_slice %arg4[%mul3A_2] : memref<320000xi32, #tpu.memory_space<hbm>> -> memref<10000xi32, #tpu.memory_space<hbm>>
      tpu.enqueue_dma source(%dma_start3A_25 : memref<10000xi32, #tpu.memory_space<hbm>>) target(%arg10 : memref<10000xi32, #tpu.memory_space<vmem>>) target_semaphore(%run_scoped3A : memref<!tpu.dma_semaphore, #tpu.memory_space<semaphore_mem>>)
      %dma_wait3A = tpu.memref_slice %arg4[%mul3A_2] : memref<320000xi32, #tpu.memory_space<hbm>> -> memref<10000xi32, #tpu.memory_space<hbm>>
      %dma_wait3A_26 = tpu.memref_slice %arg4[%mul3A_2] : memref<320000xi32, #tpu.memory_space<hbm>> -> memref<10000xi32, #tpu.memory_space<hbm>>
      tpu.wait_dma2 semaphore(%run_scoped3A : memref<!tpu.dma_semaphore, #tpu.memory_space<semaphore_mem>>) src(%dma_wait3A_26 : memref<10000xi32, #tpu.memory_space<hbm>>) dst(%arg10 : memref<10000xi32, #tpu.memory_space<vmem>>)
      tpu.yield
    }) : () -> ()
    %iota3A = tpu.iota {dimensions = array<i32: 0>} : vector<16xi32>
    %broadcast_in_dim3A = arith.constant 0.000000e+00 : f32
    %broadcast_in_dim3A_3 = vector.broadcast %broadcast_in_dim3A : f32 to vector<16xf32>
    %eq3A = arith.constant 0 : i32
    %eq3A_4 = arith.cmpi eq, %arg0, %eq3A : i32
    %eq3A_5 = arith.constant 0 : i32
    %eq3A_6 = arith.cmpi eq, %arg1, %eq3A_5 : i32
    %and3A = arith.andi %eq3A_4, %eq3A_6 : i1
    %convert_element_type3A = arith.extui %and3A : i1 to i32
    %cond3A = arith.constant 0 : i32
    %cond3A_7 = arith.cmpi ne, %convert_element_type3A, %cond3A : i32
    scf.if %cond3A_7 {
      "tpu.region"() ({
        %run_scoped3A = tpu.sem_alloc : memref<!tpu.dma_semaphore, #tpu.memory_space<semaphore_mem>>
        %dma_start3A = arith.constant 0 : i32
        %dma_start3A_31 = tpu.memref_slice %arg8[%dma_start3A] : memref<10240xf32, #tpu.memory_space<vmem>> -> memref<10000xf32, #tpu.memory_space<vmem>>
        %dma_start3A_32 = arith.constant 0 : i32
        %dma_start3A_33 = tpu.memref_slice %arg8[%dma_start3A_32] : memref<10240xf32, #tpu.memory_space<vmem>> -> memref<10000xf32, #tpu.memory_space<vmem>>
        tpu.enqueue_dma source(%arg2 : memref<10000xf32, #tpu.memory_space<hbm>>) target(%dma_start3A_33 : memref<10000xf32, #tpu.memory_space<vmem>>) target_semaphore(%run_scoped3A : memref<!tpu.dma_semaphore, #tpu.memory_space<semaphore_mem>>)
        %dma_wait3A = arith.constant 0 : i32
        %dma_wait3A_34 = tpu.memref_slice %arg8[%dma_wait3A] : memref<10240xf32, #tpu.memory_space<vmem>> -> memref<10000xf32, #tpu.memory_space<vmem>>
        %dma_wait3A_35 = arith.constant 0 : i32
        %dma_wait3A_36 = tpu.memref_slice %arg8[%dma_wait3A_35] : memref<10240xf32, #tpu.memory_space<vmem>> -> memref<10000xf32, #tpu.memory_space<vmem>>
        tpu.wait_dma2 semaphore(%run_scoped3A : memref<!tpu.dma_semaphore, #tpu.memory_space<semaphore_mem>>) src(%arg2 : memref<10000xf32, #tpu.memory_space<hbm>>) dst(%dma_wait3A_36 : memref<10000xf32, #tpu.memory_space<vmem>>)
        tpu.yield
      }) : () -> ()
      %scan3A_25 = arith.constant 0 : i32
      %scan3A_26 = arith.constant 625 : i32
      %scan3A_27 = arith.constant 15 : i32
      %scan3A_28 = arith.addi %scan3A_26, %scan3A_27 : i32
      %scan3A_29 = arith.constant 1 : i32
      scf.for %scan3A_31 = %scan3A_26 to %scan3A_28 step %scan3A_29  : i32 {
        %mul3A_32 = arith.constant 16 : i32
        %mul3A_33 = arith.muli %scan3A_31, %mul3A_32 : i32
        %swap3A = arith.index_cast %mul3A_33 : i32 to index
        %swap3A_34 = tpu.vector_load %arg8[%swap3A] {strides = array<i32>} : memref<10240xf32, #tpu.memory_space<vmem>>, vector<16xf32>,
        tpu.vector_store %arg8[%swap3A], %broadcast_in_dim3A_3 {strides = array<i32>} : memref<10240xf32, #tpu.memory_space<vmem>>, vector<16xf32>,
      }
      %scan3A_30 = arith.constant 15 : i32
    } else {
    }
    %not3A = arith.constant true
    %not3A_8 = arith.xori %and3A, %not3A : i1
    %convert_element_type3A_9 = arith.extui %not3A_8 : i1 to i32
    %cond3A_10 = arith.constant 0 : i32
    %cond3A_11 = arith.cmpi ne, %convert_element_type3A_9, %cond3A_10 : i32
    scf.if %cond3A_11 {
      %scan3A_25 = arith.constant 0 : i32
      %scan3A_26 = arith.constant 0 : i32
      %scan3A_27 = arith.constant 640 : i32
      %scan3A_28 = arith.addi %scan3A_26, %scan3A_27 : i32
      %scan3A_29 = arith.constant 1 : i32
      scf.for %scan3A_31 = %scan3A_26 to %scan3A_28 step %scan3A_29  : i32 {
        %mul3A_32 = arith.constant 16 : i32
        %mul3A_33 = arith.muli %scan3A_31, %mul3A_32 : i32
        %swap3A = arith.index_cast %mul3A_33 : i32 to index
        %swap3A_34 = tpu.vector_load %arg8[%swap3A] {strides = array<i32>} : memref<10240xf32, #tpu.memory_space<vmem>>, vector<16xf32>,
        tpu.vector_store %arg8[%swap3A], %broadcast_in_dim3A_3 {strides = array<i32>} : memref<10240xf32, #tpu.memory_space<vmem>>, vector<16xf32>,
      }
      %scan3A_30 = arith.constant 640 : i32
    } else {
    }
    %scan3A = arith.constant 0 : i32
    %scan3A_12 = arith.constant 0 : i32
    %scan3A_13 = arith.constant 625 : i32
    %scan3A_14 = arith.addi %scan3A_12, %scan3A_13 : i32
    %scan3A_15 = arith.constant 1 : i32
    scf.for %scan3A_25 = %scan3A_12 to %scan3A_14 step %scan3A_15  : i32 {
      %mul3A_26 = arith.constant 16 : i32
      %mul3A_27 = arith.muli %scan3A_25, %mul3A_26 : i32
      %get3A = arith.index_cast %mul3A_27 : i32 to index
      %get3A_28 = tpu.vector_load %arg9[%get3A] {strides = array<i32>} : memref<10000xi32, #tpu.memory_space<vmem>>, vector<16xi32>,
      %mul3A_29 = arith.constant 16 : i32
      %mul3A_30 = arith.muli %scan3A_25, %mul3A_29 : i32
      %get3A_31 = arith.index_cast %mul3A_30 : i32 to index
      %get3A_32 = tpu.vector_load %arg10[%get3A_31] {strides = array<i32>} : memref<10000xi32, #tpu.memory_space<vmem>>, vector<16xi32>,
      %gather3A = tpu.vector_load_idx %arg7[%get3A_28] : memref<10000xf32, #tpu.memory_space<vmem>>[vector<16xi32>], vector<16xf32>,
      %masked_sort3A = arith.constant dense<true> : vector<16xi1>
      %masked_sort3A_33 = arith.constant -2147483648 : i32
      %masked_sort3A_34 = vector.broadcast %masked_sort3A_33 : i32 to vector<16xi32>
      %masked_sort3A_35 = arith.xori %get3A_32, %masked_sort3A_34 : vector<16xi32>
      %masked_sort3A_36, %masked_sort3A_37, %masked_sort3A_38 = tpu.sort %masked_sort3A_35, %gather3A masked %masked_sort3A : (vector<16xi32>, vector<16xf32>, vector<16xi1>) -> (vector<16xi1>, vector<16xi32>, vector<16xf32>)
      %masked_sort3A_39 = arith.xori %masked_sort3A_37, %masked_sort3A_34 : vector<16xi32>
      %add3A_40 = arith.constant 1 : i32
      %add3A_41 = vector.broadcast %add3A_40 : i32 to vector<16xi32>
      %add3A_42 = arith.addi %iota3A, %add3A_41 : vector<16xi32>
      %min3A = arith.constant 15 : i32
      %min3A_43 = vector.broadcast %min3A : i32 to vector<16xi32>
      %min3A_44 = arith.minsi %add3A_42, %min3A_43 : vector<16xi32>
      %lt3A = arith.constant 0 : i32
      %lt3A_45 = vector.broadcast %lt3A : i32 to vector<16xi32>
      %lt3A_46 = arith.cmpi slt, %min3A_44, %lt3A_45 : vector<16xi32>
      %add3A_47 = arith.constant 16 : i32
      %add3A_48 = vector.broadcast %add3A_47 : i32 to vector<16xi32>
      %add3A_49 = arith.addi %min3A_44, %add3A_48 : vector<16xi32>
      %select_n3A = arith.select %lt3A_46, %add3A_49, %min3A_44 : vector<16xi1>, vector<16xi32>
      %broadcast_in_dim3A_50 = vector.shape_cast %select_n3A : vector<16xi32> to vector<16x1xi32>
      %gather3A_51 = vector.shape_cast %broadcast_in_dim3A_50 : vector<16x1xi32> to vector<16xi32>
      %gather3A_52 = tpu.dynamic_gather %masked_sort3A_39[%gather3A_51] in [0] : vector<16xi32>, vector<16xi32> -> vector<16xi32>
      %ne3A = arith.cmpi ne, %masked_sort3A_39, %gather3A_52 : vector<16xi32>
      %eq3A_53 = arith.constant 15 : i32
      %eq3A_54 = vector.broadcast %eq3A_53 : i32 to vector<16xi32>
      %eq3A_55 = arith.cmpi eq, %iota3A, %eq3A_54 : vector<16xi32>
      %or3A = arith.ori %ne3A, %eq3A_55 : vector<16xi1>
      %broadcast_in_dim3A_56 = arith.constant true
      %broadcast_in_dim3A_57 = vector.broadcast %broadcast_in_dim3A_56 : i1 to vector<16xi1>
      %masked_cumsum3A = tpu.scan <sum>, %masked_sort3A_38 masked %broadcast_in_dim3A_57 : vector<16xf32>, vector<16xi1> -> vector<16xf32>
      %jit3A = arith.constant -1 : i32
      %broadcast_in_dim3A_58 = vector.broadcast %jit3A : i32 to vector<16xi32>
      %select_n3A_59 = arith.select %or3A, %iota3A, %broadcast_in_dim3A_58 : vector<16xi1>, vector<16xi32>
      %broadcast_in_dim3A_60 = arith.constant true
      %broadcast_in_dim3A_61 = vector.broadcast %broadcast_in_dim3A_60 : i1 to vector<16xi1>
      %masked_cummax3A = arith.constant -2147483648 : i32
      %masked_cummax3A_62 = vector.broadcast %masked_cummax3A : i32 to vector<16xi32>
      %masked_cummax3A_63 = arith.xori %select_n3A_59, %masked_cummax3A_62 : vector<16xi32>
      %masked_cummax3A_64 = tpu.scan <max>, %masked_cummax3A_63 masked %broadcast_in_dim3A_61 : vector<16xi32>, vector<16xi1> -> vector<16xi32>
      %masked_cummax3A_65 = arith.xori %masked_cummax3A_64, %masked_cummax3A_62 : vector<16xi32>
      %sub3A = arith.constant 1 : i32
      %sub3A_66 = vector.broadcast %sub3A : i32 to vector<16xi32>
      %sub3A_67 = arith.subi %iota3A, %sub3A_66 : vector<16xi32>
      %max3A = arith.constant 0 : i32
      %max3A_68 = vector.broadcast %max3A : i32 to vector<16xi32>
      %max3A_69 = arith.maxsi %sub3A_67, %max3A_68 : vector<16xi32>
      %lt3A_70 = arith.constant 0 : i32
      %lt3A_71 = vector.broadcast %lt3A_70 : i32 to vector<16xi32>
      %lt3A_72 = arith.cmpi slt, %max3A_69, %lt3A_71 : vector<16xi32>
      %add3A_73 = arith.constant 16 : i32
      %add3A_74 = vector.broadcast %add3A_73 : i32 to vector<16xi32>
      %add3A_75 = arith.addi %max3A_69, %add3A_74 : vector<16xi32>
      %select_n3A_76 = arith.select %lt3A_72, %add3A_75, %max3A_69 : vector<16xi1>, vector<16xi32>
      %broadcast_in_dim3A_77 = vector.shape_cast %select_n3A_76 : vector<16xi32> to vector<16x1xi32>
      %gather3A_78 = vector.shape_cast %broadcast_in_dim3A_77 : vector<16x1xi32> to vector<16xi32>
      %gather3A_79 = tpu.dynamic_gather %masked_cummax3A_65[%gather3A_78] in [0] : vector<16xi32>, vector<16xi32> -> vector<16xi32>
      %eq3A_80 = arith.constant 0 : i32
      %eq3A_81 = vector.broadcast %eq3A_80 : i32 to vector<16xi32>
      %eq3A_82 = arith.cmpi eq, %iota3A, %eq3A_81 : vector<16xi32>
      %jit3A_83 = arith.constant -1 : i32
      %broadcast_in_dim3A_84 = vector.broadcast %jit3A_83 : i32 to vector<16xi32>
      %select_n3A_85 = arith.select %eq3A_82, %broadcast_in_dim3A_84, %gather3A_79 : vector<16xi1>, vector<16xi32>
      %max3A_86 = arith.constant 0 : i32
      %max3A_87 = vector.broadcast %max3A_86 : i32 to vector<16xi32>
      %max3A_88 = arith.maxsi %select_n3A_85, %max3A_87 : vector<16xi32>
      %lt3A_89 = arith.constant 0 : i32
      %lt3A_90 = vector.broadcast %lt3A_89 : i32 to vector<16xi32>
      %lt3A_91 = arith.cmpi slt, %max3A_88, %lt3A_90 : vector<16xi32>
      %add3A_92 = arith.constant 16 : i32
      %add3A_93 = vector.broadcast %add3A_92 : i32 to vector<16xi32>
      %add3A_94 = arith.addi %max3A_88, %add3A_93 : vector<16xi32>
      %select_n3A_95 = arith.select %lt3A_91, %add3A_94, %max3A_88 : vector<16xi1>, vector<16xi32>
      %broadcast_in_dim3A_96 = vector.shape_cast %select_n3A_95 : vector<16xi32> to vector<16x1xi32>
      %gather3A_97 = vector.shape_cast %broadcast_in_dim3A_96 : vector<16x1xi32> to vector<16xi32>
      %gather3A_98 = tpu.dynamic_gather %masked_cumsum3A[%gather3A_97] in [0] : vector<16xf32>, vector<16xi32> -> vector<16xf32>
      %lt3A_99 = arith.constant 0 : i32
      %lt3A_100 = vector.broadcast %lt3A_99 : i32 to vector<16xi32>
      %lt3A_101 = arith.cmpi slt, %select_n3A_85, %lt3A_100 : vector<16xi32>
      %jit3A_102 = arith.constant 0.000000e+00 : f32
      %broadcast_in_dim3A_103 = vector.broadcast %jit3A_102 : f32 to vector<16xf32>
      %select_n3A_104 = arith.select %lt3A_101, %broadcast_in_dim3A_103, %gather3A_98 : vector<16xi1>, vector<16xf32>
      %sub3A_105 = arith.subf %masked_cumsum3A, %select_n3A_104 : vector<16xf32>
      tpu.vector_store_idx %arg8[%masked_sort3A_39], %sub3A_105 masked %or3A {add = true} : memref<10240xf32, #tpu.memory_space<vmem>>[vector<16xi32>], vector<16xf32>, vector<16xi1>
    }
    %scan3A_16 = arith.constant 625 : i32
    "tpu.region"() ({
      %run_scoped3A = tpu.sem_alloc : memref<!tpu.dma_semaphore, #tpu.memory_space<semaphore_mem>>
      %dma_start3A = arith.constant 0 : i32
      %dma_start3A_25 = tpu.memref_slice %arg6[%arg1, %dma_start3A] : memref<16x10240xf32, #tpu.memory_space<vmem_shared>> -> memref<1x10240xf32, #tpu.memory_space<vmem_shared>>
      %dma_start3A_26 = tpu.memref_squeeze %dma_start3A_25 : memref<1x10240xf32, #tpu.memory_space<vmem_shared>> -> memref<10240xf32, #tpu.memory_space<vmem_shared>>
      %dma_start3A_27 = arith.constant 0 : i32
      %dma_start3A_28 = tpu.memref_slice %arg6[%arg1, %dma_start3A_27] : memref<16x10240xf32, #tpu.memory_space<vmem_shared>> -> memref<1x10240xf32, #tpu.memory_space<vmem_shared>>
      %dma_start3A_29 = tpu.memref_squeeze %dma_start3A_28 : memref<1x10240xf32, #tpu.memory_space<vmem_shared>> -> memref<10240xf32, #tpu.memory_space<vmem_shared>>
      tpu.enqueue_dma source(%arg8 : memref<10240xf32, #tpu.memory_space<vmem>>) target(%dma_start3A_29 : memref<10240xf32, #tpu.memory_space<vmem_shared>>) target_semaphore(%run_scoped3A : memref<!tpu.dma_semaphore, #tpu.memory_space<semaphore_mem>>)
      %dma_wait3A = arith.constant 0 : i32
      %dma_wait3A_30 = tpu.memref_slice %arg6[%arg1, %dma_wait3A] : memref<16x10240xf32, #tpu.memory_space<vmem_shared>> -> memref<1x10240xf32, #tpu.memory_space<vmem_shared>>
      %dma_wait3A_31 = tpu.memref_squeeze %dma_wait3A_30 : memref<1x10240xf32, #tpu.memory_space<vmem_shared>> -> memref<10240xf32, #tpu.memory_space<vmem_shared>>
      %dma_wait3A_32 = arith.constant 0 : i32
      %dma_wait3A_33 = tpu.memref_slice %arg6[%arg1, %dma_wait3A_32] : memref<16x10240xf32, #tpu.memory_space<vmem_shared>> -> memref<1x10240xf32, #tpu.memory_space<vmem_shared>>
      %dma_wait3A_34 = tpu.memref_squeeze %dma_wait3A_33 : memref<1x10240xf32, #tpu.memory_space<vmem_shared>> -> memref<10240xf32, #tpu.memory_space<vmem_shared>>
      tpu.wait_dma2 semaphore(%run_scoped3A : memref<!tpu.dma_semaphore, #tpu.memory_space<semaphore_mem>>) src(%arg8 : memref<10240xf32, #tpu.memory_space<vmem>>) dst(%dma_wait3A_34 : memref<10240xf32, #tpu.memory_space<vmem_shared>>)
      tpu.yield
    }) : () -> ()
    %barrier3A = arith.constant 0 : index
    tpu.barrier barrier_id(%barrier3A)
    %mul3A_17 = arith.constant 640 : i32
    %mul3A_18 = arith.muli %arg1, %mul3A_17 : i32
    "tpu.region"() ({
      %run_scoped3A = tpu.sem_alloc : memref<!tpu.dma_semaphore, #tpu.memory_space<semaphore_mem>>
      %dma_start3A = arith.constant 0 : i32
      %dma_start3A_25 = tpu.memref_slice %arg6[%dma_start3A, %mul3A_18] : memref<16x10240xf32, #tpu.memory_space<vmem_shared>> -> memref<16x640xf32, #tpu.memory_space<vmem_shared>>
      %dma_start3A_26 = arith.constant 0 : i32
      %dma_start3A_27 = tpu.memref_slice %arg6[%dma_start3A_26, %mul3A_18] : memref<16x10240xf32, #tpu.memory_space<vmem_shared>> -> memref<16x640xf32, #tpu.memory_space<vmem_shared>>
      tpu.enqueue_dma source(%dma_start3A_27 : memref<16x640xf32, #tpu.memory_space<vmem_shared>>) target(%arg11 : memref<16x640xf32, #tpu.memory_space<vmem>>) target_semaphore(%run_scoped3A : memref<!tpu.dma_semaphore, #tpu.memory_space<semaphore_mem>>)
      %dma_wait3A = arith.constant 0 : i32
      %dma_wait3A_28 = tpu.memref_slice %arg6[%dma_wait3A, %mul3A_18] : memref<16x10240xf32, #tpu.memory_space<vmem_shared>> -> memref<16x640xf32, #tpu.memory_space<vmem_shared>>
      %dma_wait3A_29 = arith.constant 0 : i32
      %dma_wait3A_30 = tpu.memref_slice %arg6[%dma_wait3A_29, %mul3A_18] : memref<16x10240xf32, #tpu.memory_space<vmem_shared>> -> memref<16x640xf32, #tpu.memory_space<vmem_shared>>
      tpu.wait_dma2 semaphore(%run_scoped3A : memref<!tpu.dma_semaphore, #tpu.memory_space<semaphore_mem>>) src(%dma_wait3A_30 : memref<16x640xf32, #tpu.memory_space<vmem_shared>>) dst(%arg11 : memref<16x640xf32, #tpu.memory_space<vmem>>)
      tpu.yield
    }) : () -> ()
    %scan3A_19 = arith.constant 0 : i32
    %scan3A_20 = arith.constant 0 : i32
    %scan3A_21 = arith.constant 40 : i32
    %scan3A_22 = arith.addi %scan3A_20, %scan3A_21 : i32
    %scan3A_23 = arith.constant 1 : i32
    scf.for %scan3A_25 = %scan3A_20 to %scan3A_22 step %scan3A_23  : i32 {
      %mul3A_26 = arith.constant 16 : i32
      %mul3A_27 = arith.muli %scan3A_25, %mul3A_26 : i32
      %get3A = arith.constant 0 : i32
      %get3A_28 = arith.index_cast %get3A : i32 to index
      %get3A_29 = arith.index_cast %mul3A_27 : i32 to index
      %get3A_30 = tpu.vector_load %arg11[%get3A_28, %get3A_29] {strides = array<i32>} : memref<16x640xf32, #tpu.memory_space<vmem>>, vector<16xf32>,
      %mul3A_31 = arith.constant 16 : i32
      %mul3A_32 = arith.muli %scan3A_25, %mul3A_31 : i32
      %get3A_33 = arith.constant 1 : i32
      %get3A_34 = arith.index_cast %get3A_33 : i32 to index
      %get3A_35 = arith.index_cast %mul3A_32 : i32 to index
      %get3A_36 = tpu.vector_load %arg11[%get3A_34, %get3A_35] {strides = array<i32>} : memref<16x640xf32, #tpu.memory_space<vmem>>, vector<16xf32>,
      %add3A_37 = arith.addf %get3A_30, %get3A_36 : vector<16xf32>
      %mul3A_38 = arith.constant 16 : i32
      %mul3A_39 = arith.muli %scan3A_25, %mul3A_38 : i32
      %get3A_40 = arith.constant 2 : i32
      %get3A_41 = arith.index_cast %get3A_40 : i32 to index
      %get3A_42 = arith.index_cast %mul3A_39 : i32 to index
      %get3A_43 = tpu.vector_load %arg11[%get3A_41, %get3A_42] {strides = array<i32>} : memref<16x640xf32, #tpu.memory_space<vmem>>, vector<16xf32>,
      %add3A_44 = arith.addf %add3A_37, %get3A_43 : vector<16xf32>
      %mul3A_45 = arith.constant 16 : i32
      %mul3A_46 = arith.muli %scan3A_25, %mul3A_45 : i32
      %get3A_47 = arith.constant 3 : i32
      %get3A_48 = arith.index_cast %get3A_47 : i32 to index
      %get3A_49 = arith.index_cast %mul3A_46 : i32 to index
      %get3A_50 = tpu.vector_load %arg11[%get3A_48, %get3A_49] {strides = array<i32>} : memref<16x640xf32, #tpu.memory_space<vmem>>, vector<16xf32>,
      %add3A_51 = arith.addf %add3A_44, %get3A_50 : vector<16xf32>
      %mul3A_52 = arith.constant 16 : i32
      %mul3A_53 = arith.muli %scan3A_25, %mul3A_52 : i32
      %get3A_54 = arith.constant 4 : i32
      %get3A_55 = arith.index_cast %get3A_54 : i32 to index
      %get3A_56 = arith.index_cast %mul3A_53 : i32 to index
      %get3A_57 = tpu.vector_load %arg11[%get3A_55, %get3A_56] {strides = array<i32>} : memref<16x640xf32, #tpu.memory_space<vmem>>, vector<16xf32>,
      %add3A_58 = arith.addf %add3A_51, %get3A_57 : vector<16xf32>
      %mul3A_59 = arith.constant 16 : i32
      %mul3A_60 = arith.muli %scan3A_25, %mul3A_59 : i32
      %get3A_61 = arith.constant 5 : i32
      %get3A_62 = arith.index_cast %get3A_61 : i32 to index
      %get3A_63 = arith.index_cast %mul3A_60 : i32 to index
      %get3A_64 = tpu.vector_load %arg11[%get3A_62, %get3A_63] {strides = array<i32>} : memref<16x640xf32, #tpu.memory_space<vmem>>, vector<16xf32>,
      %add3A_65 = arith.addf %add3A_58, %get3A_64 : vector<16xf32>
      %mul3A_66 = arith.constant 16 : i32
      %mul3A_67 = arith.muli %scan3A_25, %mul3A_66 : i32
      %get3A_68 = arith.constant 6 : i32
      %get3A_69 = arith.index_cast %get3A_68 : i32 to index
      %get3A_70 = arith.index_cast %mul3A_67 : i32 to index
      %get3A_71 = tpu.vector_load %arg11[%get3A_69, %get3A_70] {strides = array<i32>} : memref<16x640xf32, #tpu.memory_space<vmem>>, vector<16xf32>,
      %add3A_72 = arith.addf %add3A_65, %get3A_71 : vector<16xf32>
      %mul3A_73 = arith.constant 16 : i32
      %mul3A_74 = arith.muli %scan3A_25, %mul3A_73 : i32
      %get3A_75 = arith.constant 7 : i32
      %get3A_76 = arith.index_cast %get3A_75 : i32 to index
      %get3A_77 = arith.index_cast %mul3A_74 : i32 to index
      %get3A_78 = tpu.vector_load %arg11[%get3A_76, %get3A_77] {strides = array<i32>} : memref<16x640xf32, #tpu.memory_space<vmem>>, vector<16xf32>,
      %add3A_79 = arith.addf %add3A_72, %get3A_78 : vector<16xf32>
      %mul3A_80 = arith.constant 16 : i32
      %mul3A_81 = arith.muli %scan3A_25, %mul3A_80 : i32
      %get3A_82 = arith.constant 8 : i32
      %get3A_83 = arith.index_cast %get3A_82 : i32 to index
      %get3A_84 = arith.index_cast %mul3A_81 : i32 to index
      %get3A_85 = tpu.vector_load %arg11[%get3A_83, %get3A_84] {strides = array<i32>} : memref<16x640xf32, #tpu.memory_space<vmem>>, vector<16xf32>,
      %add3A_86 = arith.addf %add3A_79, %get3A_85 : vector<16xf32>
      %mul3A_87 = arith.constant 16 : i32
      %mul3A_88 = arith.muli %scan3A_25, %mul3A_87 : i32
      %get3A_89 = arith.constant 9 : i32
      %get3A_90 = arith.index_cast %get3A_89 : i32 to index
      %get3A_91 = arith.index_cast %mul3A_88 : i32 to index
      %get3A_92 = tpu.vector_load %arg11[%get3A_90, %get3A_91] {strides = array<i32>} : memref<16x640xf32, #tpu.memory_space<vmem>>, vector<16xf32>,
      %add3A_93 = arith.addf %add3A_86, %get3A_92 : vector<16xf32>
      %mul3A_94 = arith.constant 16 : i32
      %mul3A_95 = arith.muli %scan3A_25, %mul3A_94 : i32
      %get3A_96 = arith.constant 10 : i32
      %get3A_97 = arith.index_cast %get3A_96 : i32 to index
      %get3A_98 = arith.index_cast %mul3A_95 : i32 to index
      %get3A_99 = tpu.vector_load %arg11[%get3A_97, %get3A_98] {strides = array<i32>} : memref<16x640xf32, #tpu.memory_space<vmem>>, vector<16xf32>,
      %add3A_100 = arith.addf %add3A_93, %get3A_99 : vector<16xf32>
      %mul3A_101 = arith.constant 16 : i32
      %mul3A_102 = arith.muli %scan3A_25, %mul3A_101 : i32
      %get3A_103 = arith.constant 11 : i32
      %get3A_104 = arith.index_cast %get3A_103 : i32 to index
      %get3A_105 = arith.index_cast %mul3A_102 : i32 to index
      %get3A_106 = tpu.vector_load %arg11[%get3A_104, %get3A_105] {strides = array<i32>} : memref<16x640xf32, #tpu.memory_space<vmem>>, vector<16xf32>,
      %add3A_107 = arith.addf %add3A_100, %get3A_106 : vector<16xf32>
      %mul3A_108 = arith.constant 16 : i32
      %mul3A_109 = arith.muli %scan3A_25, %mul3A_108 : i32
      %get3A_110 = arith.constant 12 : i32
      %get3A_111 = arith.index_cast %get3A_110 : i32 to index
      %get3A_112 = arith.index_cast %mul3A_109 : i32 to index
      %get3A_113 = tpu.vector_load %arg11[%get3A_111, %get3A_112] {strides = array<i32>} : memref<16x640xf32, #tpu.memory_space<vmem>>, vector<16xf32>,
      %add3A_114 = arith.addf %add3A_107, %get3A_113 : vector<16xf32>
      %mul3A_115 = arith.constant 16 : i32
      %mul3A_116 = arith.muli %scan3A_25, %mul3A_115 : i32
      %get3A_117 = arith.constant 13 : i32
      %get3A_118 = arith.index_cast %get3A_117 : i32 to index
      %get3A_119 = arith.index_cast %mul3A_116 : i32 to index
      %get3A_120 = tpu.vector_load %arg11[%get3A_118, %get3A_119] {strides = array<i32>} : memref<16x640xf32, #tpu.memory_space<vmem>>, vector<16xf32>,
      %add3A_121 = arith.addf %add3A_114, %get3A_120 : vector<16xf32>
      %mul3A_122 = arith.constant 16 : i32
      %mul3A_123 = arith.muli %scan3A_25, %mul3A_122 : i32
      %get3A_124 = arith.constant 14 : i32
      %get3A_125 = arith.index_cast %get3A_124 : i32 to index
      %get3A_126 = arith.index_cast %mul3A_123 : i32 to index
      %get3A_127 = tpu.vector_load %arg11[%get3A_125, %get3A_126] {strides = array<i32>} : memref<16x640xf32, #tpu.memory_space<vmem>>, vector<16xf32>,
      %add3A_128 = arith.addf %add3A_121, %get3A_127 : vector<16xf32>
      %mul3A_129 = arith.constant 16 : i32
      %mul3A_130 = arith.muli %scan3A_25, %mul3A_129 : i32
      %get3A_131 = arith.constant 15 : i32
      %get3A_132 = arith.index_cast %get3A_131 : i32 to index
      %get3A_133 = arith.index_cast %mul3A_130 : i32 to index
      %get3A_134 = tpu.vector_load %arg11[%get3A_132, %get3A_133] {strides = array<i32>} : memref<16x640xf32, #tpu.memory_space<vmem>>, vector<16xf32>,
      %add3A_135 = arith.addf %add3A_128, %get3A_134 : vector<16xf32>
      %mul3A_136 = arith.constant 16 : i32
      %mul3A_137 = arith.muli %scan3A_25, %mul3A_136 : i32
      %swap3A = arith.index_cast %mul3A_137 : i32 to index
      %swap3A_138 = tpu.vector_load %arg12[%swap3A] {strides = array<i32>} : memref<640xf32, #tpu.memory_space<vmem>>, vector<16xf32>,
      tpu.vector_store %arg12[%swap3A], %add3A_135 {strides = array<i32>} : memref<640xf32, #tpu.memory_space<vmem>>, vector<16xf32>,
    }
    %scan3A_24 = arith.constant 40 : i32
    "tpu.region"() ({
      %run_scoped3A = tpu.sem_alloc : memref<!tpu.dma_semaphore, #tpu.memory_space<semaphore_mem>>
      %dma_start3A = tpu.memref_slice %arg5[%arg0, %mul3A_18] : memref<2x10240xf32, #tpu.memory_space<hbm>> -> memref<1x640xf32, #tpu.memory_space<hbm>>
      %dma_start3A_25 = tpu.memref_squeeze %dma_start3A : memref<1x640xf32, #tpu.memory_space<hbm>> -> memref<640xf32, #tpu.memory_space<hbm>>
      %dma_start3A_26 = tpu.memref_slice %arg5[%arg0, %mul3A_18] : memref<2x10240xf32, #tpu.memory_space<hbm>> -> memref<1x640xf32, #tpu.memory_space<hbm>>
      %dma_start3A_27 = tpu.memref_squeeze %dma_start3A_26 : memref<1x640xf32, #tpu.memory_space<hbm>> -> memref<640xf32, #tpu.memory_space<hbm>>
      tpu.enqueue_dma source(%arg12 : memref<640xf32, #tpu.memory_space<vmem>>) target(%dma_start3A_27 : memref<640xf32, #tpu.memory_space<hbm>>) target_semaphore(%run_scoped3A : memref<!tpu.dma_semaphore, #tpu.memory_space<semaphore_mem>>)
      %dma_wait3A = tpu.memref_slice %arg5[%arg0, %mul3A_18] : memref<2x10240xf32, #tpu.memory_space<hbm>> -> memref<1x640xf32, #tpu.memory_space<hbm>>
      %dma_wait3A_28 = tpu.memref_squeeze %dma_wait3A : memref<1x640xf32, #tpu.memory_space<hbm>> -> memref<640xf32, #tpu.memory_space<hbm>>
      %dma_wait3A_29 = tpu.memref_slice %arg5[%arg0, %mul3A_18] : memref<2x10240xf32, #tpu.memory_space<hbm>> -> memref<1x640xf32, #tpu.memory_space<hbm>>
      %dma_wait3A_30 = tpu.memref_squeeze %dma_wait3A_29 : memref<1x640xf32, #tpu.memory_space<hbm>> -> memref<640xf32, #tpu.memory_space<hbm>>
      tpu.wait_dma2 semaphore(%run_scoped3A : memref<!tpu.dma_semaphore, #tpu.memory_space<semaphore_mem>>) src(%arg12 : memref<640xf32, #tpu.memory_space<vmem>>) dst(%dma_wait3A_30 : memref<640xf32, #tpu.memory_space<hbm>>)
      tpu.yield
    }) : () -> ()
    return
  }
}

module attributes {stable_mosaic.version = 14 : i64} {
  func.func @_tc1_body(%arg0: i32, %arg1: memref<400x128xf32, #tpu.memory_space<vmem>>, %arg2: memref<128x128xf32, #tpu.memory_space<vmem>>, %arg3: memref<400x2xf32, #tpu.memory_space<vmem>>, %arg4: memref<400x128xf32, #tpu.memory_space<vmem>>, %arg5: memref<400x1xf32, #tpu.memory_space<vmem>>) attributes {dimension_semantics = [#tpu.dimension_semantics<arbitrary>], iteration_bounds = array<i64: 25>, scalar_prefetch = 0 : i64, scratch_operands = 0 : i64, tpu.core_type = #tpu.core_type<tc>, window_params = [{transform_indices = @transform_0, window_bounds = array<i64: 400, 128>}, {pipeline_mode = #tpu.pipeline_mode<synchronous>, transform_indices = @transform_1, window_bounds = array<i64: 128, 128>}, {transform_indices = @transform_2, window_bounds = array<i64: 400, 2>}, {transform_indices = @transform_3, window_bounds = array<i64: 400, 128>}, {transform_indices = @transform_4, window_bounds = array<i64: 400, 1>}]} {
    %get3A = arith.constant 0 : index
    %get3A_0 = arith.constant 0 : index
    %get3A_1 = vector.load %arg3[%get3A, %get3A_0] : memref<400x2xf32, #tpu.memory_space<vmem>>, vector<400x1xf32>
    %get3A_2 = arith.constant 0 : index
    %get3A_3 = arith.constant 1 : index
    %get3A_4 = vector.load %arg3[%get3A_2, %get3A_3] : memref<400x2xf32, #tpu.memory_space<vmem>>, vector<400x1xf32>
    %add3A = arith.addf %get3A_1, %get3A_4 : vector<400x1xf32>
    %rsqrt3A = math.rsqrt %add3A : vector<400x1xf32>
    %swap3A = arith.constant 0 : index
    %swap3A_5 = arith.constant 0 : index
    %swap3A_6 = vector.load %arg5[%swap3A, %swap3A_5] : memref<400x1xf32, #tpu.memory_space<vmem>>, vector<400x1xf32>
    tpu.vector_store %arg5[%swap3A, %swap3A_5], %rsqrt3A {strides = array<i32>} : memref<400x1xf32, #tpu.memory_space<vmem>>, vector<400x1xf32>,
    %get3A_7 = arith.constant 0 : index
    %get3A_8 = arith.constant 0 : index
    %get3A_9 = vector.load %arg1[%get3A_7, %get3A_8] : memref<400x128xf32, #tpu.memory_space<vmem>>, vector<400x128xf32>
    %get3A_10 = arith.constant 0 : index
    %get3A_11 = arith.constant 0 : index
    %get3A_12 = vector.load %arg2[%get3A_10, %get3A_11] : memref<128x128xf32, #tpu.memory_space<vmem>>, vector<128x128xf32>
    %dot_general3A = arith.constant dense<0.000000e+00> : vector<400x128xf32>
    %dot_general3A_13 = tpu.matmul %get3A_9, %get3A_12, %dot_general3A {dimension_numbers = #tpu.dot_dimension_numbers<[1], [0], [0], [1], [0, 0, 1, 1], [], []>, transpose_lhs_hint = false} : vector<400x128xf32>, vector<128x128xf32>, vector<400x128xf32> -> vector<400x128xf32>
    %mul3A = vector.broadcast %rsqrt3A : vector<400x1xf32> to vector<400x128xf32>
    %mul3A_14 = arith.mulf %dot_general3A_13, %mul3A : vector<400x128xf32>
    %swap3A_15 = arith.constant 0 : index
    %swap3A_16 = arith.constant 0 : index
    %swap3A_17 = vector.load %arg4[%swap3A_15, %swap3A_16] : memref<400x128xf32, #tpu.memory_space<vmem>>, vector<400x128xf32>
    tpu.vector_store %arg4[%swap3A_15, %swap3A_16], %mul3A_14 {strides = array<i32>} : memref<400x128xf32, #tpu.memory_space<vmem>>, vector<400x128xf32>,
    return
  }
  func.func @transform_0(%arg0: i32) -> (i32, i32) {
    %c0_i32 = arith.constant 0 : i32
    %c0_i32_0 = arith.constant 0 : i32
    return %arg0, %c0_i32 : i32, i32
  }
  func.func @transform_1(%arg0: i32) -> (i32, i32) {
    %c0_i32 = arith.constant 0 : i32
    %c0_i32_0 = arith.constant 0 : i32
    %c0_i32_1 = arith.constant 0 : i32
    return %c0_i32, %c0_i32_0 : i32, i32
  }
  func.func @transform_2(%arg0: i32) -> (i32, i32) {
    %c0_i32 = arith.constant 0 : i32
    %c0_i32_0 = arith.constant 0 : i32
    return %arg0, %c0_i32 : i32, i32
  }
  func.func @transform_3(%arg0: i32) -> (i32, i32) {
    %c0_i32 = arith.constant 0 : i32
    %c0_i32_0 = arith.constant 0 : i32
    return %arg0, %c0_i32 : i32, i32
  }
  func.func @transform_4(%arg0: i32) -> (i32, i32) {
    %c0_i32 = arith.constant 0 : i32
    %c0_i32_0 = arith.constant 0 : i32
    return %arg0, %c0_i32 : i32, i32
  }
}

module attributes {stable_mosaic.version = 14 : i64} {
  func.func @_tc_mid_body(%arg0: i32, %arg1: memref<2x400x128xf32, #tpu.memory_space<vmem>>, %arg2: memref<400x1xf32, #tpu.memory_space<vmem>>, %arg3: memref<1x128xf32, #tpu.memory_space<vmem>>, %arg4: memref<128x128xf32, #tpu.memory_space<vmem>>, %arg5: memref<400x128xf32, #tpu.memory_space<vmem>>, %arg6: memref<400x128xf32, #tpu.memory_space<vmem>>) attributes {dimension_semantics = [#tpu.dimension_semantics<arbitrary>], iteration_bounds = array<i64: 25>, scalar_prefetch = 0 : i64, scratch_operands = 0 : i64, tpu.core_type = #tpu.core_type<tc>, window_params = [{transform_indices = @transform_0, window_bounds = array<i64: 2, 400, 128>}, {transform_indices = @transform_1, window_bounds = array<i64: 400, 1>}, {pipeline_mode = #tpu.pipeline_mode<synchronous>, transform_indices = @transform_2, window_bounds = array<i64: 1, 128>}, {pipeline_mode = #tpu.pipeline_mode<synchronous>, transform_indices = @transform_3, window_bounds = array<i64: 128, 128>}, {transform_indices = @transform_4, window_bounds = array<i64: 400, 128>}, {transform_indices = @transform_5, window_bounds = array<i64: 400, 128>}]} {
    %get3A = arith.constant 0 : index
    %get3A_0 = arith.constant 0 : index
    %get3A_1 = vector.load %arg2[%get3A, %get3A_0] : memref<400x1xf32, #tpu.memory_space<vmem>>, vector<400x1xf32>
    %get3A_2 = arith.constant 0 : index
    %get3A_3 = arith.constant 0 : index
    %get3A_4 = arith.constant 0 : index
    %get3A_5 = vector.load %arg1[%get3A_2, %get3A_3, %get3A_4] : memref<2x400x128xf32, #tpu.memory_space<vmem>>, vector<1x400x128xf32>
    %get3A_6 = vector.shape_cast %get3A_5 : vector<1x400x128xf32> to vector<400x128xf32>
    %get3A_7 = arith.constant 1 : index
    %get3A_8 = arith.constant 0 : index
    %get3A_9 = arith.constant 0 : index
    %get3A_10 = vector.load %arg1[%get3A_7, %get3A_8, %get3A_9] : memref<2x400x128xf32, #tpu.memory_space<vmem>>, vector<1x400x128xf32>
    %get3A_11 = vector.shape_cast %get3A_10 : vector<1x400x128xf32> to vector<400x128xf32>
    %add3A = arith.addf %get3A_6, %get3A_11 : vector<400x128xf32>
    %mul3A = vector.broadcast %get3A_1 : vector<400x1xf32> to vector<400x128xf32>
    %mul3A_12 = arith.mulf %mul3A, %add3A : vector<400x128xf32>
    %get3A_13 = arith.constant 0 : index
    %get3A_14 = arith.constant 0 : index
    %get3A_15 = vector.load %arg3[%get3A_13, %get3A_14] : memref<1x128xf32, #tpu.memory_space<vmem>>, vector<1x128xf32>
    %add3A_16 = vector.broadcast %get3A_15 : vector<1x128xf32> to vector<400x128xf32>
    %add3A_17 = arith.addf %mul3A_12, %add3A_16 : vector<400x128xf32>
    %max3A = arith.constant 0.000000e+00 : f32
    %max3A_18 = vector.broadcast %max3A : f32 to vector<400x128xf32>
    %max3A_19 = arith.maximumf %add3A_17, %max3A_18 : vector<400x128xf32>
    %swap3A = arith.constant 0 : index
    %swap3A_20 = arith.constant 0 : index
    %swap3A_21 = vector.load %arg5[%swap3A, %swap3A_20] : memref<400x128xf32, #tpu.memory_space<vmem>>, vector<400x128xf32>
    tpu.vector_store %arg5[%swap3A, %swap3A_20], %max3A_19 {strides = array<i32>} : memref<400x128xf32, #tpu.memory_space<vmem>>, vector<400x128xf32>,
    %get3A_22 = arith.constant 0 : index
    %get3A_23 = arith.constant 0 : index
    %get3A_24 = vector.load %arg4[%get3A_22, %get3A_23] : memref<128x128xf32, #tpu.memory_space<vmem>>, vector<128x128xf32>
    %dot_general3A = arith.constant dense<0.000000e+00> : vector<400x128xf32>
    %dot_general3A_25 = tpu.matmul %max3A_19, %get3A_24, %dot_general3A {dimension_numbers = #tpu.dot_dimension_numbers<[1], [0], [0], [1], [0, 0, 1, 1], [], []>, transpose_lhs_hint = false} : vector<400x128xf32>, vector<128x128xf32>, vector<400x128xf32> -> vector<400x128xf32>
    %mul3A_26 = vector.broadcast %get3A_1 : vector<400x1xf32> to vector<400x128xf32>
    %mul3A_27 = arith.mulf %dot_general3A_25, %mul3A_26 : vector<400x128xf32>
    %swap3A_28 = arith.constant 0 : index
    %swap3A_29 = arith.constant 0 : index
    %swap3A_30 = vector.load %arg6[%swap3A_28, %swap3A_29] : memref<400x128xf32, #tpu.memory_space<vmem>>, vector<400x128xf32>
    tpu.vector_store %arg6[%swap3A_28, %swap3A_29], %mul3A_27 {strides = array<i32>} : memref<400x128xf32, #tpu.memory_space<vmem>>, vector<400x128xf32>,
    return
  }
  func.func @transform_0(%arg0: i32) -> (i32, i32, i32) {
    %c0_i32 = arith.constant 0 : i32
    %c0_i32_0 = arith.constant 0 : i32
    %c0_i32_1 = arith.constant 0 : i32
    return %c0_i32, %arg0, %c0_i32_0 : i32, i32, i32
  }
  func.func @transform_1(%arg0: i32) -> (i32, i32) {
    %c0_i32 = arith.constant 0 : i32
    %c0_i32_0 = arith.constant 0 : i32
    return %arg0, %c0_i32 : i32, i32
  }
  func.func @transform_2(%arg0: i32) -> (i32, i32) {
    %c0_i32 = arith.constant 0 : i32
    %c0_i32_0 = arith.constant 0 : i32
    %c0_i32_1 = arith.constant 0 : i32
    return %c0_i32, %c0_i32_0 : i32, i32
  }
  func.func @transform_3(%arg0: i32) -> (i32, i32) {
    %c0_i32 = arith.constant 0 : i32
    %c0_i32_0 = arith.constant 0 : i32
    %c0_i32_1 = arith.constant 0 : i32
    return %c0_i32, %c0_i32_0 : i32, i32
  }
  func.func @transform_4(%arg0: i32) -> (i32, i32) {
    %c0_i32 = arith.constant 0 : i32
    %c0_i32_0 = arith.constant 0 : i32
    return %arg0, %c0_i32 : i32, i32
  }
  func.func @transform_5(%arg0: i32) -> (i32, i32) {
    %c0_i32 = arith.constant 0 : i32
    %c0_i32_0 = arith.constant 0 : i32
    return %arg0, %c0_i32 : i32, i32
  }
}

module attributes {stable_mosaic.version = 14 : i64} {
  func.func @_tc4_body(%arg0: i32, %arg1: memref<2x400x128xf32, #tpu.memory_space<vmem>>, %arg2: memref<400x1xf32, #tpu.memory_space<vmem>>, %arg3: memref<1x128xf32, #tpu.memory_space<vmem>>, %arg4: memref<400x128xf32, #tpu.memory_space<vmem>>, %arg5: memref<400x128xf32, #tpu.memory_space<vmem>>, %arg6: memref<384x1xf32, #tpu.memory_space<vmem>>, %arg7: memref<400x128xf32, #tpu.memory_space<vmem>>, %arg8: memref<400x1xf32, #tpu.memory_space<vmem>>) attributes {dimension_semantics = [#tpu.dimension_semantics<arbitrary>], iteration_bounds = array<i64: 25>, scalar_prefetch = 0 : i64, scratch_operands = 0 : i64, tpu.core_type = #tpu.core_type<tc>, window_params = [{transform_indices = @transform_0, window_bounds = array<i64: 2, 400, 128>}, {transform_indices = @transform_1, window_bounds = array<i64: 400, 1>}, {pipeline_mode = #tpu.pipeline_mode<synchronous>, transform_indices = @transform_2, window_bounds = array<i64: 1, 128>}, {transform_indices = @transform_3, window_bounds = array<i64: 400, 128>}, {transform_indices = @transform_4, window_bounds = array<i64: 400, 128>}, {pipeline_mode = #tpu.pipeline_mode<synchronous>, transform_indices = @transform_5, window_bounds = array<i64: 384, 1>}, {transform_indices = @transform_6, window_bounds = array<i64: 400, 128>}, {transform_indices = @transform_7, window_bounds = array<i64: 400, 1>}]} {
    %get3A = arith.constant 0 : index
    %get3A_0 = arith.constant 0 : index
    %get3A_1 = vector.load %arg2[%get3A, %get3A_0] : memref<400x1xf32, #tpu.memory_space<vmem>>, vector<400x1xf32>
    %get3A_2 = arith.constant 0 : index
    %get3A_3 = arith.constant 0 : index
    %get3A_4 = arith.constant 0 : index
    %get3A_5 = vector.load %arg1[%get3A_2, %get3A_3, %get3A_4] : memref<2x400x128xf32, #tpu.memory_space<vmem>>, vector<1x400x128xf32>
    %get3A_6 = vector.shape_cast %get3A_5 : vector<1x400x128xf32> to vector<400x128xf32>
    %get3A_7 = arith.constant 1 : index
    %get3A_8 = arith.constant 0 : index
    %get3A_9 = arith.constant 0 : index
    %get3A_10 = vector.load %arg1[%get3A_7, %get3A_8, %get3A_9] : memref<2x400x128xf32, #tpu.memory_space<vmem>>, vector<1x400x128xf32>
    %get3A_11 = vector.shape_cast %get3A_10 : vector<1x400x128xf32> to vector<400x128xf32>
    %add3A = arith.addf %get3A_6, %get3A_11 : vector<400x128xf32>
    %mul3A = vector.broadcast %get3A_1 : vector<400x1xf32> to vector<400x128xf32>
    %mul3A_12 = arith.mulf %mul3A, %add3A : vector<400x128xf32>
    %get3A_13 = arith.constant 0 : index
    %get3A_14 = arith.constant 0 : index
    %get3A_15 = vector.load %arg3[%get3A_13, %get3A_14] : memref<1x128xf32, #tpu.memory_space<vmem>>, vector<1x128xf32>
    %add3A_16 = vector.broadcast %get3A_15 : vector<1x128xf32> to vector<400x128xf32>
    %add3A_17 = arith.addf %mul3A_12, %add3A_16 : vector<400x128xf32>
    %max3A = arith.constant 0.000000e+00 : f32
    %max3A_18 = vector.broadcast %max3A : f32 to vector<400x128xf32>
    %max3A_19 = arith.maximumf %add3A_17, %max3A_18 : vector<400x128xf32>
    %swap3A = arith.constant 0 : index
    %swap3A_20 = arith.constant 0 : index
    %swap3A_21 = vector.load %arg7[%swap3A, %swap3A_20] : memref<400x128xf32, #tpu.memory_space<vmem>>, vector<400x128xf32>
    tpu.vector_store %arg7[%swap3A, %swap3A_20], %max3A_19 {strides = array<i32>} : memref<400x128xf32, #tpu.memory_space<vmem>>, vector<400x128xf32>,
    %get3A_22 = arith.constant 0 : index
    %get3A_23 = arith.constant 0 : index
    %get3A_24 = vector.load %arg4[%get3A_22, %get3A_23] : memref<400x128xf32, #tpu.memory_space<vmem>>, vector<400x128xf32>
    %get3A_25 = arith.constant 0 : index
    %get3A_26 = arith.constant 0 : index
    %get3A_27 = vector.load %arg6[%get3A_25, %get3A_26] : memref<384x1xf32, #tpu.memory_space<vmem>>, vector<128x1xf32>
    %dot_general3A = arith.constant dense<0.000000e+00> : vector<400x1xf32>
    %dot_general3A_28 = tpu.matmul %get3A_24, %get3A_27, %dot_general3A {dimension_numbers = #tpu.dot_dimension_numbers<[1], [0], [0], [1], [0, 0, 1, 1], [], []>, transpose_lhs_hint = false} : vector<400x128xf32>, vector<128x1xf32>, vector<400x1xf32> -> vector<400x1xf32>
    %get3A_29 = arith.constant 0 : index
    %get3A_30 = arith.constant 0 : index
    %get3A_31 = vector.load %arg5[%get3A_29, %get3A_30] : memref<400x128xf32, #tpu.memory_space<vmem>>, vector<400x128xf32>
    %get3A_32 = arith.constant 128 : index
    %get3A_33 = arith.constant 0 : index
    %get3A_34 = vector.load %arg6[%get3A_32, %get3A_33] : memref<384x1xf32, #tpu.memory_space<vmem>>, vector<128x1xf32>
    %dot_general3A_35 = arith.constant dense<0.000000e+00> : vector<400x1xf32>
    %dot_general3A_36 = tpu.matmul %get3A_31, %get3A_34, %dot_general3A_35 {dimension_numbers = #tpu.dot_dimension_numbers<[1], [0], [0], [1], [0, 0, 1, 1], [], []>, transpose_lhs_hint = false} : vector<400x128xf32>, vector<128x1xf32>, vector<400x1xf32> -> vector<400x1xf32>
    %add3A_37 = arith.addf %dot_general3A_28, %dot_general3A_36 : vector<400x1xf32>
    %get3A_38 = arith.constant 256 : index
    %get3A_39 = arith.constant 0 : index
    %get3A_40 = vector.load %arg6[%get3A_38, %get3A_39] : memref<384x1xf32, #tpu.memory_space<vmem>>, vector<128x1xf32>
    %dot_general3A_41 = arith.constant dense<0.000000e+00> : vector<400x1xf32>
    %dot_general3A_42 = tpu.matmul %max3A_19, %get3A_40, %dot_general3A_41 {dimension_numbers = #tpu.dot_dimension_numbers<[1], [0], [0], [1], [0, 0, 1, 1], [], []>, transpose_lhs_hint = false} : vector<400x128xf32>, vector<128x1xf32>, vector<400x1xf32> -> vector<400x1xf32>
    %add3A_43 = arith.addf %add3A_37, %dot_general3A_42 : vector<400x1xf32>
    %mul3A_44 = arith.mulf %add3A_43, %get3A_1 : vector<400x1xf32>
    %swap3A_45 = arith.constant 0 : index
    %swap3A_46 = arith.constant 0 : index
    %swap3A_47 = vector.load %arg8[%swap3A_45, %swap3A_46] : memref<400x1xf32, #tpu.memory_space<vmem>>, vector<400x1xf32>
    tpu.vector_store %arg8[%swap3A_45, %swap3A_46], %mul3A_44 {strides = array<i32>} : memref<400x1xf32, #tpu.memory_space<vmem>>, vector<400x1xf32>,
    return
  }
  func.func @transform_0(%arg0: i32) -> (i32, i32, i32) {
    %c0_i32 = arith.constant 0 : i32
    %c0_i32_0 = arith.constant 0 : i32
    %c0_i32_1 = arith.constant 0 : i32
    return %c0_i32, %arg0, %c0_i32_0 : i32, i32, i32
  }
  func.func @transform_1(%arg0: i32) -> (i32, i32) {
    %c0_i32 = arith.constant 0 : i32
    %c0_i32_0 = arith.constant 0 : i32
    return %arg0, %c0_i32 : i32, i32
  }
  func.func @transform_2(%arg0: i32) -> (i32, i32) {
    %c0_i32 = arith.constant 0 : i32
    %c0_i32_0 = arith.constant 0 : i32
    %c0_i32_1 = arith.constant 0 : i32
    return %c0_i32, %c0_i32_0 : i32, i32
  }
  func.func @transform_3(%arg0: i32) -> (i32, i32) {
    %c0_i32 = arith.constant 0 : i32
    %c0_i32_0 = arith.constant 0 : i32
    return %arg0, %c0_i32 : i32, i32
  }
  func.func @transform_4(%arg0: i32) -> (i32, i32) {
    %c0_i32 = arith.constant 0 : i32
    %c0_i32_0 = arith.constant 0 : i32
    return %arg0, %c0_i32 : i32, i32
  }
  func.func @transform_5(%arg0: i32) -> (i32, i32) {
    %c0_i32 = arith.constant 0 : i32
    %c0_i32_0 = arith.constant 0 : i32
    %c0_i32_1 = arith.constant 0 : i32
    return %c0_i32, %c0_i32_0 : i32, i32
  }
  func.func @transform_6(%arg0: i32) -> (i32, i32) {
    %c0_i32 = arith.constant 0 : i32
    %c0_i32_0 = arith.constant 0 : i32
    return %arg0, %c0_i32 : i32, i32
  }
  func.func @transform_7(%arg0: i32) -> (i32, i32) {
    %c0_i32 = arith.constant 0 : i32
    %c0_i32_0 = arith.constant 0 : i32
    return %arg0, %c0_i32 : i32, i32
  }
}

module attributes {stable_mosaic.version = 14 : i64} {
  func.func @_tc5_body(%arg0: memref<10000x2xf32, #tpu.memory_space<vmem>>, %arg1: memref<10000x1xf32, #tpu.memory_space<vmem>>, %arg2: memref<1x1xf32, #tpu.memory_space<vmem>>, %arg3: memref<10000x1xf32, #tpu.memory_space<vmem>>) attributes {dimension_semantics = [], scalar_prefetch = 0 : i64, scratch_operands = 0 : i64, tpu.core_type = #tpu.core_type<tc>} {
    %get3A = arith.constant 0 : index
    %get3A_0 = arith.constant 0 : index
    %get3A_1 = vector.load %arg0[%get3A, %get3A_0] : memref<10000x2xf32, #tpu.memory_space<vmem>>, vector<10000x1xf32>
    %get3A_2 = arith.constant 0 : index
    %get3A_3 = arith.constant 1 : index
    %get3A_4 = vector.load %arg0[%get3A_2, %get3A_3] : memref<10000x2xf32, #tpu.memory_space<vmem>>, vector<10000x1xf32>
    %add3A = arith.addf %get3A_1, %get3A_4 : vector<10000x1xf32>
    %get3A_5 = arith.constant 0 : index
    %get3A_6 = arith.constant 0 : index
    %get3A_7 = vector.load %arg1[%get3A_5, %get3A_6] : memref<10000x1xf32, #tpu.memory_space<vmem>>, vector<10000x1xf32>
    %mul3A = arith.mulf %get3A_7, %add3A : vector<10000x1xf32>
    %get3A_8 = arith.constant 0 : index
    %get3A_9 = arith.constant 0 : index
    %get3A_10 = vector.load %arg2[%get3A_8, %get3A_9] : memref<1x1xf32, #tpu.memory_space<vmem>>, vector<1x1xf32>
    %add3A_11 = vector.broadcast %get3A_10 : vector<1x1xf32> to vector<10000x1xf32>
    %add3A_12 = arith.addf %mul3A, %add3A_11 : vector<10000x1xf32>
    %swap3A = arith.constant 0 : index
    %swap3A_13 = arith.constant 0 : index
    %swap3A_14 = vector.load %arg3[%swap3A, %swap3A_13] : memref<10000x1xf32, #tpu.memory_space<vmem>>, vector<10000x1xf32>
    tpu.vector_store %arg3[%swap3A, %swap3A_13], %add3A_12 {strides = array<i32>} : memref<10000x1xf32, #tpu.memory_space<vmem>>, vector<10000x1xf32>,
    return
  }
}

module attributes {stable_mosaic.version = 14 : i64} {
  func.func @_tc_final_body(%arg0: memref<80x128xf32, #tpu.memory_space<vmem>>, %arg1: memref<10000x1xf32, #tpu.memory_space<vmem>>, %arg2: memref<10000x128xf32, #tpu.memory_space<vmem>>, %arg3: memref<10000x128xf32, #tpu.memory_space<vmem>>, %arg4: memref<10000x128xf32, #tpu.memory_space<vmem>>, %arg5: memref<768x128xf32, #tpu.memory_space<vmem>>, %arg6: memref<1x128xf32, #tpu.memory_space<vmem>>, %arg7: memref<128x128xf32, #tpu.memory_space<vmem>>, %arg8: memref<1x128xf32, #tpu.memory_space<vmem>>, %arg9: memref<128x128xf32, #tpu.memory_space<vmem>>, %arg10: memref<1x128xf32, #tpu.memory_space<vmem>>, %arg11: memref<1x128xf32, #tpu.memory_space<vmem>>) attributes {dimension_semantics = [], scalar_prefetch = 0 : i64, scratch_operands = 0 : i64, tpu.core_type = #tpu.core_type<tc>} {
    %get3A = arith.constant 0 : index
    %get3A_0 = arith.constant 0 : index
    %get3A_1 = vector.load %arg0[%get3A, %get3A_0] : memref<80x128xf32, #tpu.memory_space<vmem>>, vector<80x128xf32>
    %bitcast_convert_type3A = tpu.bitcast %get3A_1 : vector<80x128xf32> -> vector<80x128xi32>
    %ge3A = arith.constant -2147483648 : i32
    %ge3A_2 = vector.broadcast %ge3A : i32 to vector<80x128xi32>
    %ge3A_3 = arith.cmpi uge, %bitcast_convert_type3A, %ge3A_2 : vector<80x128xi32>
    %not3A = arith.constant dense<-1> : vector<80x128xi32>
    %not3A_4 = arith.xori %bitcast_convert_type3A, %not3A : vector<80x128xi32>
    %or3A = arith.constant -2147483648 : i32
    %or3A_5 = vector.broadcast %or3A : i32 to vector<80x128xi32>
    %or3A_6 = arith.ori %bitcast_convert_type3A, %or3A_5 : vector<80x128xi32>
    %select_n3A = arith.select %ge3A_3, %not3A_4, %or3A_6 : vector<80x128xi1>, vector<80x128xi32>
    %scan3A = arith.constant 0 : i32
    %scan3A_7 = arith.constant 0 : i32
    %scan3A_8 = arith.constant 32 : i32
    %scan3A_9 = arith.addi %scan3A_7, %scan3A_8 : i32
    %scan3A_10 = arith.constant 1 : i32
    %scan3A_11 = scf.for %scan3A_168 = %scan3A_7 to %scan3A_9 step %scan3A_10 iter_args(%scan3A_169 = %scan3A) -> (i32)  : i32 {
      %sub3A_170 = arith.constant 31 : i32
      %sub3A_171 = arith.subi %sub3A_170, %scan3A_168 : i32
      %shift_left3A = arith.constant 1 : i32
      %shift_left3A_172 = arith.shli %shift_left3A, %sub3A_171 : i32
      %or3A_173 = arith.ori %scan3A_169, %shift_left3A_172 : i32
      %ge3A_174 = vector.broadcast %or3A_173 : i32 to vector<80x128xi32>
      %ge3A_175 = arith.cmpi uge, %select_n3A, %ge3A_174 : vector<80x128xi32>
      %convert_element_type3A = arith.extui %ge3A_175 : vector<80x128xi1> to vector<80x128xi32>
      %reduce_sum3A_176 = vector.shape_cast %convert_element_type3A : vector<80x128xi32> to vector<1x80x128xi32>
      %reduce_sum3A_177 = arith.constant dense<0> : vector<1xi32>
      %reduce_sum3A_178 = vector.multi_reduction <add>, %reduce_sum3A_176, %reduce_sum3A_177 [1, 2] : vector<1x80x128xi32> to vector<1xi32>
      %reduce_sum3A_179 = vector.shape_cast %reduce_sum3A_178 : vector<1xi32> to vector<1x1x1xi32>
      %reduce_sum3A_180 = vector.extract %reduce_sum3A_179[0, 0, 0] : i32 from vector<1x1x1xi32>
      %ge3A_181 = arith.constant 5000 : i32
      %ge3A_182 = arith.cmpi sge, %reduce_sum3A_180, %ge3A_181 : i32
      %select_n3A_183 = arith.select %ge3A_182, %or3A_173, %scan3A_169 : i32
      scf.yield %select_n3A_183 : i32
    }
    %scan3A_12 = arith.constant 32 : i32
    %get3A_13 = arith.constant 0 : index
    %get3A_14 = arith.constant 0 : index
    %get3A_15 = vector.load %arg1[%get3A_13, %get3A_14] : memref<10000x1xf32, #tpu.memory_space<vmem>>, vector<10000x1xf32>
    %bitcast_convert_type3A_16 = tpu.bitcast %get3A_15 : vector<10000x1xf32> -> vector<10000x1xi32>
    %ge3A_17 = arith.constant -2147483648 : i32
    %ge3A_18 = vector.broadcast %ge3A_17 : i32 to vector<10000x1xi32>
    %ge3A_19 = arith.cmpi uge, %bitcast_convert_type3A_16, %ge3A_18 : vector<10000x1xi32>
    %not3A_20 = arith.constant dense<-1> : vector<10000x1xi32>
    %not3A_21 = arith.xori %bitcast_convert_type3A_16, %not3A_20 : vector<10000x1xi32>
    %or3A_22 = arith.constant -2147483648 : i32
    %or3A_23 = vector.broadcast %or3A_22 : i32 to vector<10000x1xi32>
    %or3A_24 = arith.ori %bitcast_convert_type3A_16, %or3A_23 : vector<10000x1xi32>
    %select_n3A_25 = arith.select %ge3A_19, %not3A_21, %or3A_24 : vector<10000x1xi1>, vector<10000x1xi32>
    %ge3A_26 = vector.broadcast %scan3A_11 : i32 to vector<10000x1xi32>
    %ge3A_27 = arith.cmpi uge, %select_n3A_25, %ge3A_26 : vector<10000x1xi32>
    %tanh3A = math.tanh %get3A_15 : vector<10000x1xf32>
    %get3A_28 = arith.constant 0 : index
    %get3A_29 = arith.constant 0 : index
    %get3A_30 = vector.load %arg2[%get3A_28, %get3A_29] : memref<10000x128xf32, #tpu.memory_space<vmem>>, vector<10000x128xf32>
    %mul3A = vector.broadcast %tanh3A : vector<10000x1xf32> to vector<10000x128xf32>
    %mul3A_31 = arith.mulf %get3A_30, %mul3A : vector<10000x128xf32>
    %jit3A = arith.constant -1.000000e+30 : f32
    %broadcast_in_dim3A = vector.shape_cast %ge3A_27 : vector<10000x1xi1> to vector<10000x1xi1>
    %broadcast_in_dim3A_32 = vector.broadcast %broadcast_in_dim3A : vector<10000x1xi1> to vector<10000x128xi1>
    %broadcast_in_dim3A_33 = vector.broadcast %jit3A : f32 to vector<10000x128xf32>
    %select_n3A_34 = arith.select %broadcast_in_dim3A_32, %mul3A_31, %broadcast_in_dim3A_33 : vector<10000x128xi1>, vector<10000x128xf32>
    %reduce_max3A = arith.constant dense<0xFF800000> : vector<128xf32>
    %reduce_max3A_35 = vector.multi_reduction <maximumf>, %select_n3A_34, %reduce_max3A [0] : vector<10000x128xf32> to vector<128xf32>
    %broadcast_in_dim3A_36 = vector.shape_cast %reduce_max3A_35 : vector<128xf32> to vector<1x128xf32>
    %jit3A_37 = arith.constant 0.000000e+00 : f32
    %broadcast_in_dim3A_38 = vector.shape_cast %ge3A_27 : vector<10000x1xi1> to vector<10000x1xi1>
    %broadcast_in_dim3A_39 = vector.broadcast %broadcast_in_dim3A_38 : vector<10000x1xi1> to vector<10000x128xi1>
    %broadcast_in_dim3A_40 = vector.broadcast %jit3A_37 : f32 to vector<10000x128xf32>
    %select_n3A_41 = arith.select %broadcast_in_dim3A_39, %mul3A_31, %broadcast_in_dim3A_40 : vector<10000x128xi1>, vector<10000x128xf32>
    %reduce_sum3A = arith.constant dense<0.000000e+00> : vector<128xf32>
    %reduce_sum3A_42 = vector.multi_reduction <add>, %select_n3A_41, %reduce_sum3A [0] : vector<10000x128xf32> to vector<128xf32>
    %broadcast_in_dim3A_43 = vector.shape_cast %reduce_sum3A_42 : vector<128xf32> to vector<1x128xf32>
    %mul3A_44 = arith.constant 2.000000e-04 : f32
    %mul3A_45 = vector.broadcast %mul3A_44 : f32 to vector<1x128xf32>
    %mul3A_46 = arith.mulf %broadcast_in_dim3A_43, %mul3A_45 : vector<1x128xf32>
    %get3A_47 = arith.constant 0 : index
    %get3A_48 = arith.constant 0 : index
    %get3A_49 = vector.load %arg3[%get3A_47, %get3A_48] : memref<10000x128xf32, #tpu.memory_space<vmem>>, vector<10000x128xf32>
    %mul3A_50 = vector.broadcast %tanh3A : vector<10000x1xf32> to vector<10000x128xf32>
    %mul3A_51 = arith.mulf %get3A_49, %mul3A_50 : vector<10000x128xf32>
    %jit3A_52 = arith.constant -1.000000e+30 : f32
    %broadcast_in_dim3A_53 = vector.shape_cast %ge3A_27 : vector<10000x1xi1> to vector<10000x1xi1>
    %broadcast_in_dim3A_54 = vector.broadcast %broadcast_in_dim3A_53 : vector<10000x1xi1> to vector<10000x128xi1>
    %broadcast_in_dim3A_55 = vector.broadcast %jit3A_52 : f32 to vector<10000x128xf32>
    %select_n3A_56 = arith.select %broadcast_in_dim3A_54, %mul3A_51, %broadcast_in_dim3A_55 : vector<10000x128xi1>, vector<10000x128xf32>
    %reduce_max3A_57 = arith.constant dense<0xFF800000> : vector<128xf32>
    %reduce_max3A_58 = vector.multi_reduction <maximumf>, %select_n3A_56, %reduce_max3A_57 [0] : vector<10000x128xf32> to vector<128xf32>
    %broadcast_in_dim3A_59 = vector.shape_cast %reduce_max3A_58 : vector<128xf32> to vector<1x128xf32>
    %jit3A_60 = arith.constant 0.000000e+00 : f32
    %broadcast_in_dim3A_61 = vector.shape_cast %ge3A_27 : vector<10000x1xi1> to vector<10000x1xi1>
    %broadcast_in_dim3A_62 = vector.broadcast %broadcast_in_dim3A_61 : vector<10000x1xi1> to vector<10000x128xi1>
    %broadcast_in_dim3A_63 = vector.broadcast %jit3A_60 : f32 to vector<10000x128xf32>
    %select_n3A_64 = arith.select %broadcast_in_dim3A_62, %mul3A_51, %broadcast_in_dim3A_63 : vector<10000x128xi1>, vector<10000x128xf32>
    %reduce_sum3A_65 = arith.constant dense<0.000000e+00> : vector<128xf32>
    %reduce_sum3A_66 = vector.multi_reduction <add>, %select_n3A_64, %reduce_sum3A_65 [0] : vector<10000x128xf32> to vector<128xf32>
    %broadcast_in_dim3A_67 = vector.shape_cast %reduce_sum3A_66 : vector<128xf32> to vector<1x128xf32>
    %mul3A_68 = arith.constant 2.000000e-04 : f32
    %mul3A_69 = vector.broadcast %mul3A_68 : f32 to vector<1x128xf32>
    %mul3A_70 = arith.mulf %broadcast_in_dim3A_67, %mul3A_69 : vector<1x128xf32>
    %get3A_71 = arith.constant 0 : index
    %get3A_72 = arith.constant 0 : index
    %get3A_73 = vector.load %arg4[%get3A_71, %get3A_72] : memref<10000x128xf32, #tpu.memory_space<vmem>>, vector<10000x128xf32>
    %mul3A_74 = vector.broadcast %tanh3A : vector<10000x1xf32> to vector<10000x128xf32>
    %mul3A_75 = arith.mulf %get3A_73, %mul3A_74 : vector<10000x128xf32>
    %jit3A_76 = arith.constant -1.000000e+30 : f32
    %broadcast_in_dim3A_77 = vector.shape_cast %ge3A_27 : vector<10000x1xi1> to vector<10000x1xi1>
    %broadcast_in_dim3A_78 = vector.broadcast %broadcast_in_dim3A_77 : vector<10000x1xi1> to vector<10000x128xi1>
    %broadcast_in_dim3A_79 = vector.broadcast %jit3A_76 : f32 to vector<10000x128xf32>
    %select_n3A_80 = arith.select %broadcast_in_dim3A_78, %mul3A_75, %broadcast_in_dim3A_79 : vector<10000x128xi1>, vector<10000x128xf32>
    %reduce_max3A_81 = arith.constant dense<0xFF800000> : vector<128xf32>
    %reduce_max3A_82 = vector.multi_reduction <maximumf>, %select_n3A_80, %reduce_max3A_81 [0] : vector<10000x128xf32> to vector<128xf32>
    %broadcast_in_dim3A_83 = vector.shape_cast %reduce_max3A_82 : vector<128xf32> to vector<1x128xf32>
    %jit3A_84 = arith.constant 0.000000e+00 : f32
    %broadcast_in_dim3A_85 = vector.shape_cast %ge3A_27 : vector<10000x1xi1> to vector<10000x1xi1>
    %broadcast_in_dim3A_86 = vector.broadcast %broadcast_in_dim3A_85 : vector<10000x1xi1> to vector<10000x128xi1>
    %broadcast_in_dim3A_87 = vector.broadcast %jit3A_84 : f32 to vector<10000x128xf32>
    %select_n3A_88 = arith.select %broadcast_in_dim3A_86, %mul3A_75, %broadcast_in_dim3A_87 : vector<10000x128xi1>, vector<10000x128xf32>
    %reduce_sum3A_89 = arith.constant dense<0.000000e+00> : vector<128xf32>
    %reduce_sum3A_90 = vector.multi_reduction <add>, %select_n3A_88, %reduce_sum3A_89 [0] : vector<10000x128xf32> to vector<128xf32>
    %broadcast_in_dim3A_91 = vector.shape_cast %reduce_sum3A_90 : vector<128xf32> to vector<1x128xf32>
    %mul3A_92 = arith.constant 2.000000e-04 : f32
    %mul3A_93 = vector.broadcast %mul3A_92 : f32 to vector<1x128xf32>
    %mul3A_94 = arith.mulf %broadcast_in_dim3A_91, %mul3A_93 : vector<1x128xf32>
    %get3A_95 = arith.constant 0 : index
    %get3A_96 = arith.constant 0 : index
    %get3A_97 = vector.load %arg6[%get3A_95, %get3A_96] : memref<1x128xf32, #tpu.memory_space<vmem>>, vector<1x128xf32>
    %get3A_98 = arith.constant 0 : index
    %get3A_99 = arith.constant 0 : index
    %get3A_100 = vector.load %arg5[%get3A_98, %get3A_99] : memref<768x128xf32, #tpu.memory_space<vmem>>, vector<128x128xf32>
    %dot_general3A = arith.constant dense<0.000000e+00> : vector<1x128xf32>
    %dot_general3A_101 = tpu.matmul %broadcast_in_dim3A_36, %get3A_100, %dot_general3A {dimension_numbers = #tpu.dot_dimension_numbers<[1], [0], [0], [1], [0, 0, 1, 1], [], []>, transpose_lhs_hint = false} : vector<1x128xf32>, vector<128x128xf32>, vector<1x128xf32> -> vector<1x128xf32>
    %add3A = arith.addf %get3A_97, %dot_general3A_101 : vector<1x128xf32>
    %get3A_102 = arith.constant 128 : index
    %get3A_103 = arith.constant 0 : index
    %get3A_104 = vector.load %arg5[%get3A_102, %get3A_103] : memref<768x128xf32, #tpu.memory_space<vmem>>, vector<128x128xf32>
    %dot_general3A_105 = arith.constant dense<0.000000e+00> : vector<1x128xf32>
    %dot_general3A_106 = tpu.matmul %broadcast_in_dim3A_59, %get3A_104, %dot_general3A_105 {dimension_numbers = #tpu.dot_dimension_numbers<[1], [0], [0], [1], [0, 0, 1, 1], [], []>, transpose_lhs_hint = false} : vector<1x128xf32>, vector<128x128xf32>, vector<1x128xf32> -> vector<1x128xf32>
    %add3A_107 = arith.addf %add3A, %dot_general3A_106 : vector<1x128xf32>
    %get3A_108 = arith.constant 256 : index
    %get3A_109 = arith.constant 0 : index
    %get3A_110 = vector.load %arg5[%get3A_108, %get3A_109] : memref<768x128xf32, #tpu.memory_space<vmem>>, vector<128x128xf32>
    %dot_general3A_111 = arith.constant dense<0.000000e+00> : vector<1x128xf32>
    %dot_general3A_112 = tpu.matmul %broadcast_in_dim3A_83, %get3A_110, %dot_general3A_111 {dimension_numbers = #tpu.dot_dimension_numbers<[1], [0], [0], [1], [0, 0, 1, 1], [], []>, transpose_lhs_hint = false} : vector<1x128xf32>, vector<128x128xf32>, vector<1x128xf32> -> vector<1x128xf32>
    %add3A_113 = arith.addf %add3A_107, %dot_general3A_112 : vector<1x128xf32>
    %get3A_114 = arith.constant 384 : index
    %get3A_115 = arith.constant 0 : index
    %get3A_116 = vector.load %arg5[%get3A_114, %get3A_115] : memref<768x128xf32, #tpu.memory_space<vmem>>, vector<128x128xf32>
    %dot_general3A_117 = arith.constant dense<0.000000e+00> : vector<1x128xf32>
    %dot_general3A_118 = tpu.matmul %mul3A_46, %get3A_116, %dot_general3A_117 {dimension_numbers = #tpu.dot_dimension_numbers<[1], [0], [0], [1], [0, 0, 1, 1], [], []>, transpose_lhs_hint = false} : vector<1x128xf32>, vector<128x128xf32>, vector<1x128xf32> -> vector<1x128xf32>
    %add3A_119 = arith.addf %add3A_113, %dot_general3A_118 : vector<1x128xf32>
    %get3A_120 = arith.constant 512 : index
    %get3A_121 = arith.constant 0 : index
    %get3A_122 = vector.load %arg5[%get3A_120, %get3A_121] : memref<768x128xf32, #tpu.memory_space<vmem>>, vector<128x128xf32>
    %dot_general3A_123 = arith.constant dense<0.000000e+00> : vector<1x128xf32>
    %dot_general3A_124 = tpu.matmul %mul3A_70, %get3A_122, %dot_general3A_123 {dimension_numbers = #tpu.dot_dimension_numbers<[1], [0], [0], [1], [0, 0, 1, 1], [], []>, transpose_lhs_hint = false} : vector<1x128xf32>, vector<128x128xf32>, vector<1x128xf32> -> vector<1x128xf32>
    %add3A_125 = arith.addf %add3A_119, %dot_general3A_124 : vector<1x128xf32>
    %get3A_126 = arith.constant 640 : index
    %get3A_127 = arith.constant 0 : index
    %get3A_128 = vector.load %arg5[%get3A_126, %get3A_127] : memref<768x128xf32, #tpu.memory_space<vmem>>, vector<128x128xf32>
    %dot_general3A_129 = arith.constant dense<0.000000e+00> : vector<1x128xf32>
    %dot_general3A_130 = tpu.matmul %mul3A_94, %get3A_128, %dot_general3A_129 {dimension_numbers = #tpu.dot_dimension_numbers<[1], [0], [0], [1], [0, 0, 1, 1], [], []>, transpose_lhs_hint = false} : vector<1x128xf32>, vector<128x128xf32>, vector<1x128xf32> -> vector<1x128xf32>
    %add3A_131 = arith.addf %add3A_125, %dot_general3A_130 : vector<1x128xf32>
    %max3A = arith.constant 0.000000e+00 : f32
    %max3A_132 = vector.broadcast %max3A : f32 to vector<1x128xf32>
    %max3A_133 = arith.maximumf %add3A_131, %max3A_132 : vector<1x128xf32>
    %get3A_134 = arith.constant 0 : index
    %get3A_135 = arith.constant 0 : index
    %get3A_136 = vector.load %arg7[%get3A_134, %get3A_135] : memref<128x128xf32, #tpu.memory_space<vmem>>, vector<128x128xf32>
    %dot_general3A_137 = arith.constant dense<0.000000e+00> : vector<1x128xf32>
    %dot_general3A_138 = tpu.matmul %max3A_133, %get3A_136, %dot_general3A_137 {dimension_numbers = #tpu.dot_dimension_numbers<[1], [0], [0], [1], [0, 0, 1, 1], [], []>, transpose_lhs_hint = false} : vector<1x128xf32>, vector<128x128xf32>, vector<1x128xf32> -> vector<1x128xf32>
    %get3A_139 = arith.constant 0 : index
    %get3A_140 = arith.constant 0 : index
    %get3A_141 = vector.load %arg8[%get3A_139, %get3A_140] : memref<1x128xf32, #tpu.memory_space<vmem>>, vector<1x128xf32>
    %add3A_142 = arith.addf %dot_general3A_138, %get3A_141 : vector<1x128xf32>
    %max3A_143 = arith.constant 0.000000e+00 : f32
    %max3A_144 = vector.broadcast %max3A_143 : f32 to vector<1x128xf32>
    %max3A_145 = arith.maximumf %add3A_142, %max3A_144 : vector<1x128xf32>
    %get3A_146 = arith.constant 0 : index
    %get3A_147 = arith.constant 0 : index
    %get3A_148 = vector.load %arg9[%get3A_146, %get3A_147] : memref<128x128xf32, #tpu.memory_space<vmem>>, vector<128x128xf32>
    %dot_general3A_149 = arith.constant dense<0.000000e+00> : vector<1x128xf32>
    %dot_general3A_150 = tpu.matmul %max3A_145, %get3A_148, %dot_general3A_149 {dimension_numbers = #tpu.dot_dimension_numbers<[1], [0], [0], [1], [0, 0, 1, 1], [], []>, transpose_lhs_hint = false} : vector<1x128xf32>, vector<128x128xf32>, vector<1x128xf32> -> vector<1x128xf32>
    %get3A_151 = arith.constant 0 : index
    %get3A_152 = arith.constant 0 : index
    %get3A_153 = vector.load %arg10[%get3A_151, %get3A_152] : memref<1x128xf32, #tpu.memory_space<vmem>>, vector<1x128xf32>
    %add3A_154 = arith.addf %dot_general3A_150, %get3A_153 : vector<1x128xf32>
    %reduce_max3A_155 = arith.constant dense<0xFF800000> : vector<1xf32>
    %reduce_max3A_156 = vector.multi_reduction <maximumf>, %add3A_154, %reduce_max3A_155 [1] : vector<1x128xf32> to vector<1xf32>
    %broadcast_in_dim3A_157 = vector.shape_cast %reduce_max3A_156 : vector<1xf32> to vector<1x1xf32>
    %sub3A = vector.broadcast %broadcast_in_dim3A_157 : vector<1x1xf32> to vector<1x128xf32>
    %sub3A_158 = arith.subf %add3A_154, %sub3A : vector<1x128xf32>
    %exp3A = math.exp %sub3A_158 : vector<1x128xf32>
    %reduce_sum3A_159 = arith.constant dense<0.000000e+00> : vector<1xf32>
    %reduce_sum3A_160 = vector.multi_reduction <add>, %exp3A, %reduce_sum3A_159 [1] : vector<1x128xf32> to vector<1xf32>
    %broadcast_in_dim3A_161 = vector.shape_cast %reduce_sum3A_160 : vector<1xf32> to vector<1x1xf32>
    %log3A = math.log %broadcast_in_dim3A_161 : vector<1x1xf32>
    %sub3A_162 = vector.broadcast %broadcast_in_dim3A_157 : vector<1x1xf32> to vector<1x128xf32>
    %sub3A_163 = arith.subf %add3A_154, %sub3A_162 : vector<1x128xf32>
    %sub3A_164 = vector.broadcast %log3A : vector<1x1xf32> to vector<1x128xf32>
    %sub3A_165 = arith.subf %sub3A_163, %sub3A_164 : vector<1x128xf32>
    %swap3A = arith.constant 0 : index
    %swap3A_166 = arith.constant 0 : index
    %swap3A_167 = vector.load %arg11[%swap3A, %swap3A_166] : memref<1x128xf32, #tpu.memory_space<vmem>>, vector<1x128xf32>
    tpu.vector_store %arg11[%swap3A, %swap3A_166], %sub3A_165 {strides = array<i32>} : memref<1x128xf32, #tpu.memory_space<vmem>>, vector<1x128xf32>,
    return
  }
}

</mosaic_0001>

<sc_bundles>
// kernel: kernel.13.cloned.1.call-start
scs
__scs_entry_jumppad:
0x0: {  	(pc) =	sbr.rel $0x88, $3  }
0x1: {  	(tag) =	ssettag $0x0;
	lr =	simm.s32 $0x1  }
0x2: {  	[smem:$0x3F91] =	sst lr;
	_ =	strace $0xD0000000  }
0x3: {  	_ = 	snop  }
0x4: {  	_ = 	snop  }
0x5: {  	_ = 	snop  }
0x6: {  	_ = 	snop  }
0x7: {  	_ = 	snop  }
__scs_overlays_trampoline_lowered:
0x8: {  	[smem:$0x3FA0] =	sst s0  }
0x9: {  	[smem:$0x3FA1] =	sst s1  }
0xa: {  	[smem:$0x3FA2] =	sst s2  }
0xb: {  	[smem:$0x3FA3] =	sst s3  }
0xc: {  	[smem:$0x3FA4] =	sst s4  }
0xd: {  	[smem:$0x3FA5] =	sst s5  }
0xe: {  	[smem:$0x3FA6] =	sst s6  }
0xf: {  	[smem:$0x3FA7] =	sst s7  }
0x10: {  	[smem:$0x3FA8] =	sst s8  }
0x11: {  	[smem:$0x3FA9] =	sst s9;
	s0 =	simm.s32 @!p0 $0x0  }
0x12: {  	s1 =	sld [smem:$0x3F8F];
	s0 =	simm.s32 @p0 $0x1  }
0x13: {  	[smem:$0x3FAA] =	sst s0;
	s0 =	simm.s32 @!p1 $0x0  }
0x14: {  	s2 =	sld [smem:$0x3F8E];
	s0 =	simm.s32 @p1 $0x1  }
0x15: {  	[smem:$0x3FAB] =	sst s0;
	s0 =	simm.s32 @!p2 $0x0  }
0x16: {  	s3 =	sld [smem:$0x3FDB];
	s0 =	simm.s32 @p2 $0x1  }
0x17: {  	s4 =	simm.s32 $0x1BF5;
	[smem:$0x3FAD] =	sst s0  }
0x18: {  	s0 =	sld [smem:$0x3F90];
	_ =	swait.ge [sflag:s4], $0x0  }
0x19: {  	s7 =	sld [smem:$0x3F91]  }
0x1a: {  	s8 =	sadd.s32 $0xFFFFE003, lr  }
0x1b: {  	s9 =	sadd.s32 $0xFFFFFEF7, lr;
	s5 =	simm.s32 $0xFFFFFFFF;
	p2 =	slt.u32 s8, $0xFFFFF086  }
0x1c: {  	p1 =	slt.u32 s9, $0xF7A;
	s5 =	simm.s32 @!p2 $0x0  }
0x1d: {  	s5 =	simm.s32 @p1 $0x1;
	p0 =	seq.s32 s7, s2  }
0x1e: {  	s7 =	smul.u32 @!p0 $0xF7A, s2;
	p2 =	seq.s32 @!p0 s5, $0x0  }
0x1f: {  	s9 =	smul.u32 $0xF7A, s1;
	s8 =	simm.s32 @!p0 $0x1BF5;
	p2 =	por !p2, p0  }
0x20: {  	[sflag:s8] =	ssyncset.s32 @!p0 $0xFFFFF086;
	s6 =	sadd.s32 @!p0 s3, s7;
	s7 =	simm.s32 @!p0 $0x108  }
0x21: {  	s3 =	sadd.s32 s3, s9;
	s6 =	sadd.s32 @!p0 $0x88, s6;
	s7 =	simm.s32 @p2 $0x1082  }
0x22: {  	[simem:s7], [sflag:s8] =	dma.local @!p0 [hbm:s6], $0xF7A  }
0x23: {  	s9 =	sor.u32 $0xD0000000, s2;
	s6 =	simm.s32 $0x108;
	_ =	swait.ge @!p0 [sflag:s8], $0x0  }
0x24: {  	s3 =	sadd.s32 $0x88, s3;
	s6 =	simm.s32 @!p1 $0x1082;
	[sflag:s4] =	ssyncset.s32 $0xFFFFF086  }
0x25: {  	[simem:s6], [sflag:s4] =	dma.local [hbm:s3], $0xF7A  }
0x26: {  	[smem:$0x3F91] =	sst s1;
	(tag) =	ssettag s2;
	_ =	strace s9  }
0x27: {  	s1 =	sld [smem:$0x3FA1]  }
0x28: {  	s2 =	sld [smem:$0x3FA2]  }
0x29: {  	s4 =	sld [smem:$0x3FA4]  }
0x2a: {  	p0 =	seq.s32 s5, $0x0;
	s5 =	sld [smem:$0x3FA5]  }
0x2b: {  	s6 =	sld [smem:$0x3FA6]  }
0x2c: {  	s7 =	sld [smem:$0x3FA7]  }
0x2d: {  	s3 =	simm.s32 $0x108;
	s8 =	sld [smem:$0x3FA8]  }
0x2e: {  	s3 =	simm.s32 @!p0 $0x1082;
	s9 =	sld [smem:$0x3FA9]  }
0x2f: {  	lr =	sadd.s32 s0, s3;
	s0 =	sld [smem:$0x3FA0]  }
0x30: {  	s3 =	sld [smem:$0x3FA3]  }
0x31: {  	[smem:$0x3FAC] =	sst s10  }
0x32: {  	s10 =	sld [smem:$0x3FAA];
	_ =	sdelay $0x3  }
0x33: {  	p0 =	seq.s32 s10, $0x1;
	s10 =	sld [smem:$0x3FAC];
	_ =	sdelay $0x3  }
0x34: {  	[smem:$0x3FAC] =	sst s10  }
0x35: {  	s10 =	sld [smem:$0x3FAB];
	_ =	sdelay $0x3  }
0x36: {  	p1 =	seq.s32 s10, $0x1;
	s10 =	sld [smem:$0x3FAC];
	_ =	sdelay $0x3  }
0x37: {  	[smem:$0x3FAC] =	sst s10  }
0x38: {  	s10 =	sld [smem:$0x3FAD]  }
0x39: {  	_ = 	snop;
	(pc) =	sbr.ind lr, $3  }
0x3a: {  	_ = 	snop  }
0x3b: {  	_ = 	snop  }
0x3c: {  	p2 =	seq.s32 s10, $0x1;
	s10 =	sld [smem:$0x3FAC]  }
0x3d: {  	_ =	shalt  }
0x3e: {  	_ =	shalt  }
0x3f: {  	_ =	shalt  }
0x40: {  	_ =	shalt  }
0x41: {  	_ =	shalt  }
0x42: {  	_ =	shalt  }
0x43: {  	_ =	shalt  }
0x44: {  	_ =	shalt  }
0x45: {  	_ =	shalt  }
0x46: {  	_ =	shalt  }
0x47: {  	_ =	shalt  }
0x48: {  	_ =	shalt  }
0x49: {  	_ =	shalt  }
0x4a: {  	_ =	shalt  }
0x4b: {  	_ =	shalt  }
0x4c: {  	_ =	shalt  }
0x4d: {  	_ =	shalt  }
0x4e: {  	_ =	shalt  }
0x4f: {  	_ =	shalt  }
0x50: {  	_ =	shalt  }
0x51: {  	_ =	shalt  }
0x52: {  	_ =	shalt  }
0x53: {  	_ =	shalt  }
0x54: {  	_ =	shalt  }
0x55: {  	_ =	shalt  }
0x56: {  	_ =	shalt  }
0x57: {  	_ =	shalt  }
0x58: {  	_ =	shalt  }
0x59: {  	_ =	shalt  }
0x5a: {  	_ =	shalt  }
0x5b: {  	_ =	shalt  }
0x5c: {  	_ =	shalt  }
0x5d: {  	_ =	shalt  }
0x5e: {  	_ =	shalt  }
0x5f: {  	_ =	shalt  }
0x60: {  	_ =	shalt  }
0x61: {  	_ =	shalt  }
0x62: {  	_ =	shalt  }
0x63: {  	_ =	shalt  }
0x64: {  	_ =	shalt  }
0x65: {  	_ =	shalt  }
0x66: {  	_ =	shalt  }
0x67: {  	_ =	shalt  }
0x68: {  	_ =	shalt  }
0x69: {  	_ =	shalt  }
0x6a: {  	_ =	shalt  }
0x6b: {  	_ =	shalt  }
0x6c: {  	_ =	shalt  }
0x6d: {  	_ =	shalt  }
0x6e: {  	_ =	shalt  }
0x6f: {  	_ =	shalt  }
0x70: {  	_ =	shalt  }
0x71: {  	_ =	shalt  }
0x72: {  	_ =	shalt  }
0x73: {  	_ =	shalt  }
0x74: {  	_ =	shalt  }
0x75: {  	_ =	shalt  }
0x76: {  	_ =	shalt  }
0x77: {  	_ =	shalt  }
0x78: {  	_ =	shalt  }
0x79: {  	_ =	shalt  }
0x7a: {  	_ =	shalt  }
0x7b: {  	_ =	shalt  }
0x7c: {  	_ =	shalt  }
0x7d: {  	_ =	shalt  }
0x7e: {  	_ =	shalt  }
0x7f: {  	_ =	shalt  }
0x80: {  	_ =	shalt  }
0x81: {  	_ =	shalt  }
0x82: {  	_ =	shalt  }
0x83: {  	_ =	shalt  }
0x84: {  	_ =	shalt  }
0x85: {  	_ =	shalt  }
0x86: {  	_ =	shalt  }
0x87: {  	_ =	shalt  }
.Lfunc_end0:
.L_simem_size_0:
called_computation_lowered:
.L_overlay_start_0:
0x88: {  	s2 =	sld [smem:$0x3FD9]  }
0x89: {  	s3 =	sld [smem:$0x3FFE];
	_ =	sdelay $0x1  }
0x8a: {  	s1 =	srdreg.scid  }
0x8b: {  	s0 =	sand.u32 $0x1, s1  }
0x8c: {  	s16 =	sshll.u32 s0, $0xA;
	s2 =	sadd.s32 s3, s2  }
0x8d: {  	s2 =	sadd.s32 s2, s16  }
0x8e: {  	[smem:$0x3FB8] =	sst s2  }
0x8f: {  	_ = 	snop  }
0x90: {  	(tm) =	ssettm $0x1  }
0x91: {  	s17 =	sld [smem:$0x3FFB];
	_ =	sdelay $0x3  }
0x92: {  	_ =	strace s17  }
0x93: {  	s2 =	sld [smem:$0x3FFC];
	_ =	sdelay $0x3  }
0x94: {  	_ =	strace s2  }
0x95: {  	s2 =	sld [smem:$0x3FFD];
	_ =	sdelay $0x3  }
0x96: {  	_ =	strace s2  }
0x97: {  	_ =	strace $0x8FFFFFFF  }
0x98: {  	s18 =	sld [smem:$0x3FDB];
	_ =	sdelay $0x1  }
0x99: {  	s19 =	simm.s32 $_scs_section_size  }
0x9a: {  	s4 =	simm.s32 $_size__tile_overlayer_lowered;
	s5 =	simm.s32 $_tile_overlayer_lowered  }
0x9b: {  	s22 =	simm.s32 $0x1BFF;
	s21 =	sshll.u32 s5, $0x1;
	s2 =	sadd.s32 s19, s18  }
0x9c: {  	s6 =	simm.s32 $0x0;
	s20 =	sshll.u32 s4, $0x1;
	s4 =	sadd.s32 s21, s2  }
0x9d: {  	[timem:s6], [sflag:s22] =	dma.local [hbm:s4], s20  }
0x9e: {  	_ =	swait.ge [sflag:s22], s20  }
0x9f: {  	s3 =	ssub.s32 $0x0, s20;
	[sflag:s22] =	ssyncset.done $0x0  }
0xa0: {  	[sflag:s22] =	ssyncadd.s32 s3;
	_ =	sdelay $0x1  }
0xa1: {  	s23 =	simm.s32 $0x1B8B  }
0xa2: {  	_ =	swait.ge [sflag:s23], $0x1  }
0xa3: {  	[sflag:s23] =	ssyncset.done $0x0  }
0xa4: {  	s25 =	simm.s32 $0x1B8E;
	s24 =	sld [smem:$0x3FFE];
	[sflag:s23] =	ssyncadd.s32 $0xFFFFFFFF  }
0xa5: {  	s26 =	simm.s32 $execute0_lowered;
	[smem:$0x3FD2] =	sst s25  }
0xa6: {  	s4 =	sshll.u32 s26, $0x1;
	_ =	strace $0x80000046;
	[dreg:$0x1] =	wrdreg $0xFFFFFFFF  }
0xa7: {  	s28 =	simm.s32 $_size_execute0_lowered;
	s2 =	sadd.s32 s2, s4;
	[dreg:$0x0] =	wrdreg $0x0  }
0xa8: {  	s4 =	sshll.u32 s28, $0x1;
	[dreg:$0x2] =	wrdreg s2  }
0xa9: {  	[dreg:$0x3] =	wrdreg s4  }
0xaa: {  	[dreg:$0x4] =	wrdreg $0xC0  }
0xab: {  	_ =	task [dreg:s6], $0x5FFFF  }
0xac: {  	[dreg:$0x1] =	wrdreg $0xFFFFFFFF  }
0xad: {  	[dreg:$0x0] =	wrdreg $0x60  }
0xae: {  	[dreg:$0x2] =	wrdreg s24  }
0xaf: {  	[dreg:$0x3] =	wrdreg $0x0  }
0xb0: {  	[dreg:$0x4] =	wrdreg $0x9  }
0xb1: {  	_ =	task.clear_ibuf [dreg:s6], $0x5FFFF;
	_ =	strace $0x90000046  }
0xb2: {  	s29 =	simm.s32 $0x9;
	_ =	strace $0x80000048  }
0xb3: {  	_ =	swait.ge [sflag:s29], $0x1  }
0xb4: {  	[sflag:s29] =	ssyncadd.s32 $0xFFFFFFFF  }
0xb5: {  	_ =	strace $0x90000048  }
0xb6: {  	_ =	sfence  }
0xb7: {  	s30 =	sld [smem:$0x0];
	_ =	sdelay $0x2  }
0xb8: {  	s31 =	sshll.u32 s1, $0xD;
	s1 =	sshrl.u32 s1, $0x2  }
0xb9: {  	s3 =	sand.u32 $0x4000, s31;
	s1 =	sadd.s32 s1, s30  }
0xba: {  	s0 =	sor.u32 s3, s0;
	s1 =	sshll.u32 s1, $0x11  }
0xbb: {  	s0 =	sor.u32 s1, s0  }
0xbc: {  	s0 =	sadd.s32 $0x8F2B, s0  }
0xbd: {  	[sflag:s0] =	ssyncadd.remote.s32 $0x1  }
0xbe: {  	_ =	sfence.sel $0xFFFF  }
0xbf: {  	[dreg:$0x0] =	wrdreg $0xFFFFFFFF;
	(pc) =	sbr.abs _section_cstart, $3  }
0xc0: {  	[dreg:$0x1] =	wrdreg $0xFFFFFFFF  }
0xc1: {  	_ =	task.clear_ibuf [dreg:s6], $0x2FFFF;
	_ =	strace $0x9FFFFFFF  }
0xc2: {  	(tm) =	ssettm $0x7FFFFFFF  }
0xc3: {  	_ =	shalt  }
tec
execute0_lowered:
.L_overlay_start_1:
0x0: {  	(tag) =	ssettag $0x1  }
0x1: {  	s4 =	rddreg [dreg:$0x0]  }
0x2: {  	s0 =	srdreg.scid;
	s7 =	rddreg [dreg:$0x1]  }
0x3: {  	s2 =	simm.s32 $0x0;
	s13 =	simm.s32 $0x9F00;
	s14 =	simm.s32 $0x4F80  }
0x4: {  	s15 =	simm.s32 $0x80;
	s16 =	simm.s32 $0x400;
	s17 =	simm.s32 $0x1400  }
0x5: {  	s18 =	simm.s32 $0x14000;
	s19 =	simm.s32 $0xC680;
	s20 =	simm.s32 $0x100  }
0x6: {  	s21 =	simm.s32 $0xEE80;
	s22 =	simm.s32 $0x0;
	s6 =	sand.u32 $0x1, s0  }
0x7: {  	s0 =	stileid.u32;
	[smem:$0x7FF] =	sst s2;
	s1 =	sshll.u32 s6, $0x4  }
0x8: {  	s8 =	smul.u32 $0x500, s0;
	s9 =	sshll.u32 s6, $0x7;
	s28 =	ssub.s32 $0x2, s6  }
0x9: {  	v0 =	vimm.s32 $0xFFEDCBA9;
	s11 =	sshrl.u32 s0, $0x3;
	s30 =	smul.u32 $0x5000, s0;
	s12 =	sor.u32 s0, s6  }
0xa: {  	v0 =	vunpack.c.l.s4.s8 v0;
	s31 =	sshll.u32 s0, $0x7;
	s3 =	sor.u32 s0, s1;
	s1 =	rddreg [dreg:$0x2]  }
0xb: {  	_ =	strace $0x80000047;
	s10 =	sshrl.u32 s28, $0x1;
	s29 =	smul.u32 $0x50000, s11  }
0xc: {  	v1 =	vimm.s32 $0x87654321;
	s6 =	sand.u32 $0x380, s31;
	v2 =	vunpack.c.0.s8.s32 v0;
	v0 =	vimm.s32 $0xEDCBA987;
	p0 =	sne.s32 s12, $0x0;
	s12 =	simm.s32 $0x7780  }
0xd: {  	v3 =	vimm.s32 $0x65432100;
	v1 =	vunpack.c.l.s4.s8 v1;
	s5 =	smul.u32 $0x4E2, s3;
	s3 =	sadd.s32 $0x18C00, s4;
	s8 =	sor.u32 s9, s8;
	v4 =	vunpack.c.l.s4.s8 v0  }
0xe: {  	v5 =	vimm.s32 $0x8000000F;
	v3 =	vunpack.c.l.s4.s8 v3;
	s9 =	ssub.s32 s28, s10;
	s11 =	sshrl.u32 s30, $0x2;
	s8 =	sshrl.u32 s8, $0x3  }
0xf: {  	vm1 =	vcmask $0x3B00;
	v1 =	vunpack.c.0.s8.s32 v1;
	s10 =	sshrl.u32 s29, $0x2;
	s9 =	smax.u32 s9, $0x1;
	s5 =	sadd.s32 s5, s4;
	v4 =	vunpack.c.0.s8.s32 v4  }
0x10: {  	vm0 =	vcmask $0x3F3C;
	v6 =	vunpack.c.0.s8.s32 v3;
	v3 =	vsel vm1, $0x7FFFFFFF, v5;
	s8 =	sadd.s32 s8, s4;
	s10 =	sadd.s32 s10, s7;
	s7 =	sadd.s32 s11, s7  }
0x11: {  	v1 =	vcombine.low v1, v2;
	v2 =	vlaneseq.u32;
	s11 =	simm.s32 $0x1;
	s4 =	sadd.s32 $0xEE00, s5;
	s5 =	sadd.s32 $0x5000, s5;
	v7 =	vand.u32 $0xF, v4  }
0x12: {  	v0 =	vimm.f32 $0.0e+00;
	s6 =	sadd.s32 s6, s10;
	s8 =	sadd.s32 $0x19200, s8;
	s10 =	simm.s32 $0x2800;
	v4 =	vor.u32 $0x80000000, v2;
	v5 =	vcombine.low v6, v7  }
.LBB2_1:
0x13: {  	[tilespmem:s10], [sflag:$0x1] =	stream.linear.gather [hbm4b:s3+s2], $0x2780, $0x38;
	[tilespmem:$0xF100] =	vst v63  }
0x14: {  	_ =	swait.ge [sflag:s11], $0x2780  }
0x15: {  	[sflag:s11] =	ssyncset.done $0x0  }
0x16: {  	[sflag:s11] =	ssyncadd.s32 $0xFFFFD880  }
0x17: {  	[tilespmem:s12], [sflag:$0x1] =	stream.linear.gather [hbm4b:s4+s2], $0x2710, $0x38;
	[tilespmem:$0xF100] =	vst v63  }
0x18: {  	_ =	swait.ge [sflag:s11], $0x2710  }
0x19: {  	[sflag:s11] =	ssyncset.done $0x0  }
.Ltmp0:
0x1a: {  	[sflag:s11] =	ssyncadd.s32 $0xFFFFD8F0;
	(pc) =	sbr.rel @!p0 .LBB2_2-.Ltmp0, $4  }
0x1b: {  	[tilespmem:s13], [sflag:$0x1] =	stream.linear.gather [hbm4b:s5+s2], $0x2710, $0x38;
	[tilespmem:$0xF100] =	vst v63  }
0x1c: {  	_ =	swait.ge [sflag:s11], $0x2710  }
0x1d: {  	[sflag:s11] =	ssyncset.done $0x0  }
0x1e: {  	[sflag:s11] =	ssyncadd.s32 $0xFFFFD8F0  }
0x1f: {  	s23 =	simm.s32 $0x40;
	s24 =	simm.s32 $0x0  }
.LBB2_4:
0x20: {  	p1 =	sne.s32 s23, $0x9FC0;
	[tilespmem:s24+$0x4F80] =	vst v0;
	s24 =	smov.u32 s23;
	s23 =	sadd.s32 $0x40, s23  }
.Ltmp1:
0x21: {  	(pc) =	sbr.rel @p1 .LBB2_4-.Ltmp1, $2  }
0x22: {  	_ =	sdelay $0x2  }
0x23: {  	s24 =	sshra.s32 s24, $0x2  }
.Ltmp2:
0x24: {  	(pc) =	sbr.rel .LBB2_6-.Ltmp2, $2  }
0x25: {  	_ =	sdelay $0x2  }
0x26: {  	[tilespmem:s24+$0x4F80] =	vst v0  }
.LBB2_2:
0x27: {  	[tilespmem:s14], [sflag:$0x1] =	stream.linear.gather [hbm4b:s3+s2], $0x2710, $0x38;
	[tilespmem:$0xF100] =	vst v63  }
0x28: {  	_ =	swait.ge [sflag:s11], $0x2710  }
0x29: {  	[sflag:s11] =	ssyncset.done $0x0  }
0x2a: {  	[sflag:s11] =	ssyncadd.s32 $0xFFFFD8F0  }
0x2b: {  	[tilespmem:$0x7690] =	vst v0  }
0x2c: {  	[tilespmem:$0x76A0] =	vst v0  }
0x2d: {  	[tilespmem:$0x76B0] =	vst v0  }
0x2e: {  	[tilespmem:$0x76C0] =	vst v0  }
0x2f: {  	[tilespmem:$0x76D0] =	vst v0  }
0x30: {  	[tilespmem:$0x76E0] =	vst v0  }
0x31: {  	[tilespmem:$0x76F0] =	vst v0  }
0x32: {  	[tilespmem:$0x7700] =	vst v0  }
0x33: {  	[tilespmem:$0x7710] =	vst v0  }
0x34: {  	[tilespmem:$0x7720] =	vst v0  }
0x35: {  	[tilespmem:$0x7730] =	vst v0  }
0x36: {  	[tilespmem:$0x7740] =	vst v0  }
0x37: {  	[tilespmem:$0x7750] =	vst v0  }
0x38: {  	[tilespmem:$0x7760] =	vst v0  }
0x39: {  	[tilespmem:$0x7770] =	vst v0  }
.LBB2_6:
0x3a: {  	s24 =	simm.s32 $0x0;
	s23 =	simm.s32 $0x40  }
.LBB2_7:
0x3b: {  	p1 =	sne.s32 s23, $0x9C00;
	v6 =	vld [tilespmem:s24+$0x7780];
	_ =	sdelay $0x6  }
0x3c: {  	v7 =	vld [tilespmem:s24+$0x9F00]  }
0x3d: {  	v6 =	vld.idx.msk [tilespmem:v6+s10+$0x0], $0xffff;
	_ =	sdelay $0x4  }
0x3e: {  	v7 =	vxor.u32 $0x80000000, v7  }
0x3f: {  	(xrf1) =	vsort.ascd.msk.u32 $0xffff, v7, v6;
	_ =	sdelay $0xd  }
0x40: {  	v6, v7, _ =	vpop (xrf1)  }
0x41: {  	v6 =	vxor.u32 $0x80000000, v6  }
0x42: {  	v8 =	vperm.xlane v6, v1;
	_ =	sdelay $0x1  }
0x43: {  	vm2 =	vne.s32 v6, v8  }
0x44: {  	v8 =	vsel vm2, v4, v3  }
0x45: {  	(xrf0) =	vmax.scan.msk.u32 $0xffff, v8;
	_ =	sdelay $0x1  }
0x46: {  	(xrf2) =	vadd.scan.msk.f32 $0xffff, v7;
	_ =	sdelay $0x3  }
0x47: {  	v7, _, _ =	vpop (xrf0)  }
0x48: {  	v7 =	vxor.u32 $0x80000000, v7  }
0x49: {  	v7 =	vperm.xlane v7, v5  }
0x4a: {  	vm1 =	veq.s32 v2, $0x0  }
0x4b: {  	v7 =	vsel vm1, $0xFFFFFFFF, v7  }
0x4c: {  	vm3 =	vlt.s32 v7, $0x0  }
0x4d: {  	vm2 =	vmor vm2, vm0;
	v7 =	vsel vm3, $0x0, v7;
	v8, _, _ =	vpop (xrf2)  }
0x4e: {  	v7 =	vperm.xlane v8, v7  }
.Ltmp3:
0x4f: {  	(pc) =	sbr.rel @p1 .LBB2_7-.Ltmp3, $3  }
0x50: {  	v7 =	vsel vm3, $0x0, v7  }
0x51: {  	v7 =	vsub.f32 v8, v7;
	_ =	sdelay $0x1  }
0x52: {  	s24 =	sshra.s32 s23, $0x2;
	s23 =	sadd.s32 $0x40, s23;
	[tilespmem:v6+s14+$0x0] =	vst.idx.add.f32.msk vm2, v7  }
0x53: {  	v6 =	vld [tilespmem:s24+$0x7780];
	_ =	sdelay $0x6  }
0x54: {  	v7 =	vld [tilespmem:s24+$0x9F00]  }
0x55: {  	v6 =	vld.idx.msk [tilespmem:v6+s10+$0x0], $0xffff;
	_ =	sdelay $0x3  }
0x56: {  	v7 =	vxor.u32 $0x80000000, v7  }
0x57: {  	(xrf1) =	vsort.ascd.msk.u32 $0xffff, v7, v6;
	_ =	sdelay $0xd  }
0x58: {  	v6, v7, _ =	vpop (xrf1)  }
0x59: {  	v6 =	vxor.u32 $0x80000000, v6  }
0x5a: {  	v8 =	vperm.xlane v6, v1;
	_ =	sdelay $0x1  }
0x5b: {  	vm2 =	vne.s32 v6, v8  }
0x5c: {  	v8 =	vsel vm2, v4, v3  }
0x5d: {  	(xrf0) =	vmax.scan.msk.u32 $0xffff, v8;
	_ =	sdelay $0x1  }
0x5e: {  	(xrf2) =	vadd.scan.msk.f32 $0xffff, v7;
	_ =	sdelay $0x3  }
0x5f: {  	v7, _, _ =	vpop (xrf0)  }
0x60: {  	v7 =	vxor.u32 $0x80000000, v7  }
0x61: {  	v7 =	vperm.xlane v7, v5;
	_ =	sdelay $0x1  }
0x62: {  	v7 =	vsel vm1, $0xFFFFFFFF, v7  }
0x63: {  	vm1 =	vlt.s32 v7, $0x0  }
0x64: {  	vm2 =	vmor vm2, vm0;
	v54, _, _ =	vpop (xrf2);
	v7 =	vsel vm1, $0x0, v7  }
0x65: {  	v7 =	vperm.xlane v54, v7;
	_ =	sdelay $0x1  }
0x66: {  	v7 =	vsel vm1, $0x0, v7  }
0x67: {  	v7 =	vsub.f32 v54, v7;
	_ =	sdelay $0x1  }
0x68: {  	[tilespmem:v6+s14+$0x0] =	vst.idx.add.f32.msk vm2, v7  }
0x69: {  	[spmem:s6] =	stream.strided.scatter [tilespmem:s14], [sflag:$0x1], $0x2800, s16, s15, $0x38;
	[tilespmem:$0xF100] =	vst v63  }
0x6a: {  	_ =	swait.ge [sflag:s11], $0x2800  }
0x6b: {  	[sflag:s11] =	ssyncset.done $0x0  }
0x6c: {  	[sflag:s11] =	ssyncadd.s32 $0xFFFFD800  }
0x6d: {  	[bflag:$0x0] =	sbarrier.arrive $0xFFFF  }
0x6e: {  	[tilespmem:s19], [sflag:$0x1] =	stream.strided.gather [spmem:s7], $0x2800, s18, s17, $0x38;
	[tilespmem:$0xF100] =	vst v63  }
0x6f: {  	s23 =	simm.s32 $0x0;
	_ =	swait.ge [sflag:s11], $0x2800  }
0x70: {  	s30 =	sand.u32 $0x70, s23;
	s23 =	sand.u32 $0x1C00, s23;
	[sflag:s11] =	ssyncset.done $0x0  }
0x71: {  	s23 =	sor.u32 s30, s23;
	[sflag:s11] =	ssyncadd.s32 $0xFFFFD800  }
0x72: {  	v6 =	vld [tilespmem:s23+$0xC700]  }
0x73: {  	v7 =	vld [tilespmem:s23+$0xC680];
	_ =	sdelay $0x1  }
0x74: {  	v55 =	vld [tilespmem:s23+$0xC780];
	_ =	sdelay $0x1  }
0x75: {  	v9 =	vld [tilespmem:s23+$0xC800]  }
0x76: {  	v6 =	vadd.f32 v6, v7  }
0x77: {  	v7 =	vld [tilespmem:s23+$0xC880]  }
0x78: {  	v6 =	vadd.f32 v55, v6  }
0x79: {  	v56 =	vld [tilespmem:s23+$0xC900]  }
0x7a: {  	v6 =	vadd.f32 v9, v6  }
0x7b: {  	v57 =	vld [tilespmem:s23+$0xC980]  }
0x7c: {  	v6 =	vadd.f32 v7, v6  }
0x7d: {  	v7 =	vld [tilespmem:s23+$0xCA00]  }
0x7e: {  	v6 =	vadd.f32 v56, v6  }
0x7f: {  	v58 =	vld [tilespmem:s23+$0xDA80]  }
0x80: {  	v6 =	vadd.f32 v57, v6  }
0x81: {  	v59 =	vld [tilespmem:s23+$0xDB00]  }
0x82: {  	v6 =	vadd.f32 v7, v6  }
0x83: {  	v7 =	vld [tilespmem:s23+$0xDB80]  }
0x84: {  	v6 =	vadd.f32 v58, v6  }
0x85: {  	v60 =	vld [tilespmem:s23+$0xDC00]  }
0x86: {  	v6 =	vadd.f32 v59, v6  }
0x87: {  	v61 =	vld [tilespmem:s23+$0xDC80]  }
0x88: {  	v6 =	vadd.f32 v7, v6  }
0x89: {  	v7 =	vld [tilespmem:s23+$0xDD00]  }
0x8a: {  	v6 =	vadd.f32 v60, v6  }
0x8b: {  	v62 =	vld [tilespmem:s23+$0xDD80]  }
0x8c: {  	v6 =	vadd.f32 v61, v6  }
0x8d: {  	v63 =	vld [tilespmem:s23+$0xDE00]  }
0x8e: {  	v6 =	vadd.f32 v7, v6;
	_ =	sdelay $0x1  }
0x8f: {  	v6 =	vadd.f32 v62, v6;
	_ =	sdelay $0x1  }
0x90: {  	s31 =	simm.s32 $0x10;
	s25 =	simm.s32 $0x80;
	v6 =	vadd.f32 v63, v6  }
0x91: {  	s24 =	sand.u32 $0x70, s31;
	s26 =	sand.u32 $0x1C00, s25;
	s23 =	simm.s32 $0xEE80  }
0x92: {  	s24 =	sor.u32 s24, s26;
	s26 =	simm.s32 $0x20;
	[tilespmem:s23+$0x0] =	vst v6  }
.LBB2_9:
0x93: {  	p1 =	sne.s32 s26, $0x270;
	v6 =	vld [tilespmem:s24+$0xC700]  }
0x94: {  	v7 =	vld [tilespmem:s24+$0xC680];
	_ =	sdelay $0x1  }
0x95: {  	v8 =	vld [tilespmem:s24+$0xC780];
	_ =	sdelay $0x1  }
0x96: {  	v9 =	vld [tilespmem:s24+$0xC800]  }
0x97: {  	v6 =	vadd.f32 v6, v7  }
0x98: {  	v7 =	vld [tilespmem:s24+$0xC880]  }
0x99: {  	v6 =	vadd.f32 v8, v6  }
0x9a: {  	v8 =	vld [tilespmem:s24+$0xC900]  }
0x9b: {  	v6 =	vadd.f32 v9, v6  }
0x9c: {  	v9 =	vld [tilespmem:s24+$0xC980]  }
0x9d: {  	v6 =	vadd.f32 v7, v6  }
0x9e: {  	v7 =	vld [tilespmem:s24+$0xCA00]  }
0x9f: {  	v6 =	vadd.f32 v8, v6  }
0xa0: {  	v8 =	vld [tilespmem:s24+$0xDA80]  }
0xa1: {  	v6 =	vadd.f32 v9, v6  }
0xa2: {  	v9 =	vld [tilespmem:s24+$0xDB00]  }
0xa3: {  	v6 =	vadd.f32 v7, v6  }
0xa4: {  	v7 =	vld [tilespmem:s24+$0xDB80]  }
0xa5: {  	v6 =	vadd.f32 v8, v6  }
0xa6: {  	v8 =	vld [tilespmem:s24+$0xDC00]  }
0xa7: {  	v6 =	vadd.f32 v9, v6  }
0xa8: {  	v9 =	vld [tilespmem:s24+$0xDC80]  }
0xa9: {  	v6 =	vadd.f32 v7, v6  }
0xaa: {  	v7 =	vld [tilespmem:s24+$0xDD00]  }
0xab: {  	v6 =	vadd.f32 v8, v6  }
0xac: {  	v8 =	vld [tilespmem:s24+$0xDD80]  }
0xad: {  	v6 =	vadd.f32 v9, v6  }
0xae: {  	v9 =	vld [tilespmem:s24+$0xDE00]  }
0xaf: {  	v6 =	vadd.f32 v7, v6;
	_ =	sdelay $0x1  }
.Ltmp4:
0xb0: {  	v6 =	vadd.f32 v8, v6;
	(pc) =	sbr.rel @p1 .LBB2_9-.Ltmp4, $4  }
0xb1: {  	_ = 	snop  }
0xb2: {  	s25 =	sadd.s32 $0x80, s25;
	v6 =	vadd.f32 v9, v6  }
0xb3: {  	s23 =	sadd.s32 $0x10, s23;
	s28 =	sand.u32 $0x1C00, s25;
	s24 =	sand.u32 $0x70, s26  }
0xb4: {  	s26 =	sadd.s32 $0x10, s26;
	s24 =	sor.u32 s24, s28;
	[tilespmem:s23+$0x0] =	vst v6  }
0xb5: {  	v6 =	vld [tilespmem:s24+$0xC700]  }
0xb6: {  	v7 =	vld [tilespmem:s24+$0xC680];
	_ =	sdelay $0x1  }
0xb7: {  	v8 =	vld [tilespmem:s24+$0xC780];
	_ =	sdelay $0x1  }
0xb8: {  	v9 =	vld [tilespmem:s24+$0xC800]  }
0xb9: {  	v6 =	vadd.f32 v6, v7  }
0xba: {  	v7 =	vld [tilespmem:s24+$0xC880]  }
0xbb: {  	v6 =	vadd.f32 v8, v6  }
0xbc: {  	v56 =	vld [tilespmem:s24+$0xC900]  }
0xbd: {  	v6 =	vadd.f32 v9, v6  }
0xbe: {  	v57 =	vld [tilespmem:s24+$0xC980]  }
0xbf: {  	v6 =	vadd.f32 v7, v6  }
0xc0: {  	v7 =	vld [tilespmem:s24+$0xCA00]  }
0xc1: {  	v6 =	vadd.f32 v56, v6  }
0xc2: {  	v58 =	vld [tilespmem:s24+$0xDA80]  }
0xc3: {  	v6 =	vadd.f32 v57, v6  }
0xc4: {  	v59 =	vld [tilespmem:s24+$0xDB00]  }
0xc5: {  	v6 =	vadd.f32 v7, v6  }
0xc6: {  	v7 =	vld [tilespmem:s24+$0xDB80]  }
0xc7: {  	v6 =	vadd.f32 v58, v6  }
0xc8: {  	v60 =	vld [tilespmem:s24+$0xDC00]  }
0xc9: {  	v6 =	vadd.f32 v59, v6  }
0xca: {  	v61 =	vld [tilespmem:s24+$0xDC80]  }
0xcb: {  	v6 =	vadd.f32 v7, v6  }
0xcc: {  	v7 =	vld [tilespmem:s24+$0xDD00]  }
0xcd: {  	v6 =	vadd.f32 v60, v6  }
0xce: {  	v62 =	vld [tilespmem:s24+$0xDD80]  }
0xcf: {  	v6 =	vadd.f32 v61, v6  }
0xd0: {  	v63 =	vld [tilespmem:s24+$0xDE00]  }
0xd1: {  	v6 =	vadd.f32 v7, v6;
	_ =	sdelay $0x1  }
0xd2: {  	v6 =	vadd.f32 v62, v6;
	_ =	sdelay $0x1  }
0xd3: {  	s22 =	sadd.s32 $0x1, s22;
	v6 =	vadd.f32 v63, v6  }
0xd4: {  	s23 =	sadd.s32 $0x10, s23;
	p1 =	sne.s32 s22, s9  }
.Ltmp5:
0xd5: {  	[tilespmem:s23+$0x0] =	vst v6;
	(pc) =	sbr.rel @p1 .LBB2_1-.Ltmp5, $4  }
0xd6: {  	[hbm4b:s8+s15] =	stream.strided.scatter [tilespmem:s21], [sflag:$0x1], $0x280, s20, s15, $0x38;
	[tilespmem:$0xF100] =	vst v63  }
0xd7: {  	_ =	swait.ge [sflag:s11], $0x280  }
0xd8: {  	[sflag:s11] =	ssyncset.done $0x0  }
0xd9: {  	[sflag:s11] =	ssyncadd.s32 $0xFFFFFD80  }
0xda: {  	_ =	sfence.sel $0x180000  }
0xdb: {  	[bflag:$0x0] =	sbarrier.arrive $0xFFFF  }
0xdc: {  	p0 =	sne.s32 s0, $0x0;
	_ =	strace $0x90000047  }
0xdd: {  	s0 =	sadd.s32 @!p0 $0x100000, s1;
	[bflag:$0x2] =	sbarrier.arrive $0xFFFF  }
0xde: {  	[sflag:s0] =	ssyncadd.tile.s32 @!p0 $0x1;
	_ =	shalt  }
.Lfunc_end2:
_tile_overlayer_lowered:
.L_overlay_start_2:
0xdf: {  	(tag) =	ssettag $0x2  }
0xe0: {  	s0 =	rddreg [dreg:$0x0];
	s2 =	stileid.u32  }
0xe1: {  	s1 =	rddreg [dreg:$0x1];
	p0 =	sne.s32 s2, $0x0  }
0xe2: {  	s3 =	rddreg [dreg:$0x2];
	[bflag:$0x3] =	sbarrier.arrive $0xFFFF;
	s2 =	simm.s32 @!p0 $0x1C01  }
0xe3: {  	[timem:s3], [sflag:s2] =	dma.local @!p0 [hbm:s0], s1  }
0xe4: {  	s0 =	simm.s32 @!p0 $0x1  }
0xe5: {  	_ =	swait.ge @!p0 [sflag:s0], s1  }
0xe6: {  	s1 =	ssub.s32 @!p0 $0x0, s1;
	[sflag:s0] =	ssyncset.done @!p0 $0x0  }
0xe7: {  	[sflag:s0] =	ssyncadd.s32 @!p0 s1  }
0xe8: {  	[bflag:$0x3] =	sbarrier.arrive $0xFFFF  }
0xe9: {  	_ =	shalt  }

// kernel: kernel.16.cloned.1.call-start
scs
__scs_entry_jumppad:
0x0: {  	(pc) =	sbr.rel $0x88, $3  }
0x1: {  	(tag) =	ssettag $0x0;
	lr =	simm.s32 $0x1  }
0x2: {  	[smem:$0x3F91] =	sst lr;
	_ =	strace $0xD0000000  }
0x3: {  	_ = 	snop  }
0x4: {  	_ = 	snop  }
0x5: {  	_ = 	snop  }
0x6: {  	_ = 	snop  }
0x7: {  	_ = 	snop  }
__scs_overlays_trampoline_lowered:
0x8: {  	[smem:$0x3FA0] =	sst s0  }
0x9: {  	[smem:$0x3FA1] =	sst s1  }
0xa: {  	[smem:$0x3FA2] =	sst s2  }
0xb: {  	[smem:$0x3FA3] =	sst s3  }
0xc: {  	[smem:$0x3FA4] =	sst s4  }
0xd: {  	[smem:$0x3FA5] =	sst s5  }
0xe: {  	[smem:$0x3FA6] =	sst s6  }
0xf: {  	[smem:$0x3FA7] =	sst s7  }
0x10: {  	[smem:$0x3FA8] =	sst s8  }
0x11: {  	[smem:$0x3FA9] =	sst s9;
	s0 =	simm.s32 @!p0 $0x0  }
0x12: {  	s1 =	sld [smem:$0x3F8F];
	s0 =	simm.s32 @p0 $0x1  }
0x13: {  	[smem:$0x3FAA] =	sst s0;
	s0 =	simm.s32 @!p1 $0x0  }
0x14: {  	s2 =	sld [smem:$0x3F8E];
	s0 =	simm.s32 @p1 $0x1  }
0x15: {  	[smem:$0x3FAB] =	sst s0;
	s0 =	simm.s32 @!p2 $0x0  }
0x16: {  	s3 =	sld [smem:$0x3FDB];
	s0 =	simm.s32 @p2 $0x1  }
0x17: {  	s4 =	simm.s32 $0x1BF5;
	[smem:$0x3FAD] =	sst s0  }
0x18: {  	s0 =	sld [smem:$0x3F90];
	_ =	swait.ge [sflag:s4], $0x0  }
0x19: {  	s7 =	sld [smem:$0x3F91]  }
0x1a: {  	s8 =	sadd.s32 $0xFFFFE003, lr  }
0x1b: {  	s9 =	sadd.s32 $0xFFFFFEF7, lr;
	s5 =	simm.s32 $0xFFFFFFFF;
	p2 =	slt.u32 s8, $0xFFFFF086  }
0x1c: {  	p1 =	slt.u32 s9, $0xF7A;
	s5 =	simm.s32 @!p2 $0x0  }
0x1d: {  	s5 =	simm.s32 @p1 $0x1;
	p0 =	seq.s32 s7, s2  }
0x1e: {  	s7 =	smul.u32 @!p0 $0xF7A, s2;
	p2 =	seq.s32 @!p0 s5, $0x0  }
0x1f: {  	s9 =	smul.u32 $0xF7A, s1;
	s8 =	simm.s32 @!p0 $0x1BF5;
	p2 =	por !p2, p0  }
0x20: {  	[sflag:s8] =	ssyncset.s32 @!p0 $0xFFFFF086;
	s6 =	sadd.s32 @!p0 s3, s7;
	s7 =	simm.s32 @!p0 $0x108  }
0x21: {  	s3 =	sadd.s32 s3, s9;
	s6 =	sadd.s32 @!p0 $0x88, s6;
	s7 =	simm.s32 @p2 $0x1082  }
0x22: {  	[simem:s7], [sflag:s8] =	dma.local @!p0 [hbm:s6], $0xF7A  }
0x23: {  	s9 =	sor.u32 $0xD0000000, s2;
	s6 =	simm.s32 $0x108;
	_ =	swait.ge @!p0 [sflag:s8], $0x0  }
0x24: {  	s3 =	sadd.s32 $0x88, s3;
	s6 =	simm.s32 @!p1 $0x1082;
	[sflag:s4] =	ssyncset.s32 $0xFFFFF086  }
0x25: {  	[simem:s6], [sflag:s4] =	dma.local [hbm:s3], $0xF7A  }
0x26: {  	[smem:$0x3F91] =	sst s1;
	(tag) =	ssettag s2;
	_ =	strace s9  }
0x27: {  	s1 =	sld [smem:$0x3FA1]  }
0x28: {  	s2 =	sld [smem:$0x3FA2]  }
0x29: {  	s4 =	sld [smem:$0x3FA4]  }
0x2a: {  	p0 =	seq.s32 s5, $0x0;
	s5 =	sld [smem:$0x3FA5]  }
0x2b: {  	s6 =	sld [smem:$0x3FA6]  }
0x2c: {  	s7 =	sld [smem:$0x3FA7]  }
0x2d: {  	s3 =	simm.s32 $0x108;
	s8 =	sld [smem:$0x3FA8]  }
0x2e: {  	s3 =	simm.s32 @!p0 $0x1082;
	s9 =	sld [smem:$0x3FA9]  }
0x2f: {  	lr =	sadd.s32 s0, s3;
	s0 =	sld [smem:$0x3FA0]  }
0x30: {  	s3 =	sld [smem:$0x3FA3]  }
0x31: {  	[smem:$0x3FAC] =	sst s10  }
0x32: {  	s10 =	sld [smem:$0x3FAA];
	_ =	sdelay $0x3  }
0x33: {  	p0 =	seq.s32 s10, $0x1;
	s10 =	sld [smem:$0x3FAC];
	_ =	sdelay $0x3  }
0x34: {  	[smem:$0x3FAC] =	sst s10  }
0x35: {  	s10 =	sld [smem:$0x3FAB];
	_ =	sdelay $0x3  }
0x36: {  	p1 =	seq.s32 s10, $0x1;
	s10 =	sld [smem:$0x3FAC];
	_ =	sdelay $0x3  }
0x37: {  	[smem:$0x3FAC] =	sst s10  }
0x38: {  	s10 =	sld [smem:$0x3FAD]  }
0x39: {  	_ = 	snop;
	(pc) =	sbr.ind lr, $3  }
0x3a: {  	_ = 	snop  }
0x3b: {  	_ = 	snop  }
0x3c: {  	p2 =	seq.s32 s10, $0x1;
	s10 =	sld [smem:$0x3FAC]  }
0x3d: {  	_ =	shalt  }
0x3e: {  	_ =	shalt  }
0x3f: {  	_ =	shalt  }
0x40: {  	_ =	shalt  }
0x41: {  	_ =	shalt  }
0x42: {  	_ =	shalt  }
0x43: {  	_ =	shalt  }
0x44: {  	_ =	shalt  }
0x45: {  	_ =	shalt  }
0x46: {  	_ =	shalt  }
0x47: {  	_ =	shalt  }
0x48: {  	_ =	shalt  }
0x49: {  	_ =	shalt  }
0x4a: {  	_ =	shalt  }
0x4b: {  	_ =	shalt  }
0x4c: {  	_ =	shalt  }
0x4d: {  	_ =	shalt  }
0x4e: {  	_ =	shalt  }
0x4f: {  	_ =	shalt  }
0x50: {  	_ =	shalt  }
0x51: {  	_ =	shalt  }
0x52: {  	_ =	shalt  }
0x53: {  	_ =	shalt  }
0x54: {  	_ =	shalt  }
0x55: {  	_ =	shalt  }
0x56: {  	_ =	shalt  }
0x57: {  	_ =	shalt  }
0x58: {  	_ =	shalt  }
0x59: {  	_ =	shalt  }
0x5a: {  	_ =	shalt  }
0x5b: {  	_ =	shalt  }
0x5c: {  	_ =	shalt  }
0x5d: {  	_ =	shalt  }
0x5e: {  	_ =	shalt  }
0x5f: {  	_ =	shalt  }
0x60: {  	_ =	shalt  }
0x61: {  	_ =	shalt  }
0x62: {  	_ =	shalt  }
0x63: {  	_ =	shalt  }
0x64: {  	_ =	shalt  }
0x65: {  	_ =	shalt  }
0x66: {  	_ =	shalt  }
0x67: {  	_ =	shalt  }
0x68: {  	_ =	shalt  }
0x69: {  	_ =	shalt  }
0x6a: {  	_ =	shalt  }
0x6b: {  	_ =	shalt  }
0x6c: {  	_ =	shalt  }
0x6d: {  	_ =	shalt  }
0x6e: {  	_ =	shalt  }
0x6f: {  	_ =	shalt  }
0x70: {  	_ =	shalt  }
0x71: {  	_ =	shalt  }
0x72: {  	_ =	shalt  }
0x73: {  	_ =	shalt  }
0x74: {  	_ =	shalt  }
0x75: {  	_ =	shalt  }
0x76: {  	_ =	shalt  }
0x77: {  	_ =	shalt  }
0x78: {  	_ =	shalt  }
0x79: {  	_ =	shalt  }
0x7a: {  	_ =	shalt  }
0x7b: {  	_ =	shalt  }
0x7c: {  	_ =	shalt  }
0x7d: {  	_ =	shalt  }
0x7e: {  	_ =	shalt  }
0x7f: {  	_ =	shalt  }
0x80: {  	_ =	shalt  }
0x81: {  	_ =	shalt  }
0x82: {  	_ =	shalt  }
0x83: {  	_ =	shalt  }
0x84: {  	_ =	shalt  }
0x85: {  	_ =	shalt  }
0x86: {  	_ =	shalt  }
0x87: {  	_ =	shalt  }
.Lfunc_end0:
.L_simem_size_0:
called_computation.1_lowered:
.L_overlay_start_0:
0x88: {  	s2 =	sld [smem:$0x3FD9]  }
0x89: {  	s3 =	sld [smem:$0x3FFE];
	_ =	sdelay $0x1  }
0x8a: {  	s1 =	srdreg.scid  }
0x8b: {  	s0 =	sand.u32 $0x1, s1  }
0x8c: {  	s16 =	sshll.u32 s0, $0xA;
	s2 =	sadd.s32 s3, s2  }
0x8d: {  	s2 =	sadd.s32 s2, s16  }
0x8e: {  	[smem:$0x3FB8] =	sst s2  }
0x8f: {  	_ = 	snop  }
0x90: {  	(tm) =	ssettm $0x1  }
0x91: {  	s17 =	sld [smem:$0x3FFB];
	_ =	sdelay $0x3  }
0x92: {  	_ =	strace s17  }
0x93: {  	s2 =	sld [smem:$0x3FFC];
	_ =	sdelay $0x3  }
0x94: {  	_ =	strace s2  }
0x95: {  	s2 =	sld [smem:$0x3FFD];
	_ =	sdelay $0x3  }
0x96: {  	_ =	strace s2  }
0x97: {  	_ =	strace $0x8FFFFFFF  }
0x98: {  	s18 =	sld [smem:$0x3FDB];
	_ =	sdelay $0x1  }
0x99: {  	s19 =	simm.s32 $_scs_section_size  }
0x9a: {  	s4 =	simm.s32 $_size__tile_overlayer_lowered;
	s5 =	simm.s32 $_tile_overlayer_lowered  }
0x9b: {  	s22 =	simm.s32 $0x1BFF;
	s21 =	sshll.u32 s5, $0x1;
	s2 =	sadd.s32 s19, s18  }
0x9c: {  	s6 =	simm.s32 $0x0;
	s20 =	sshll.u32 s4, $0x1;
	s4 =	sadd.s32 s21, s2  }
0x9d: {  	[timem:s6], [sflag:s22] =	dma.local [hbm:s4], s20  }
0x9e: {  	_ =	swait.ge [sflag:s22], s20  }
0x9f: {  	s3 =	ssub.s32 $0x0, s20;
	[sflag:s22] =	ssyncset.done $0x0  }
0xa0: {  	[sflag:s22] =	ssyncadd.s32 s3;
	_ =	sdelay $0x1  }
0xa1: {  	s23 =	simm.s32 $0x1B8B  }
0xa2: {  	_ =	swait.ge [sflag:s23], $0x1  }
0xa3: {  	[sflag:s23] =	ssyncset.done $0x0  }
0xa4: {  	s25 =	simm.s32 $0x1B8E;
	s24 =	sld [smem:$0x3FFE];
	[sflag:s23] =	ssyncadd.s32 $0xFFFFFFFF  }
0xa5: {  	s26 =	simm.s32 $execute0_lowered;
	[smem:$0x3FD2] =	sst s25  }
0xa6: {  	s4 =	sshll.u32 s26, $0x1;
	_ =	strace $0x80000049;
	[dreg:$0x1] =	wrdreg $0xFFFFFFFF  }
0xa7: {  	s28 =	simm.s32 $_size_execute0_lowered;
	s2 =	sadd.s32 s2, s4;
	[dreg:$0x0] =	wrdreg $0x0  }
0xa8: {  	s4 =	sshll.u32 s28, $0x1;
	[dreg:$0x2] =	wrdreg s2  }
0xa9: {  	[dreg:$0x3] =	wrdreg s4  }
0xaa: {  	[dreg:$0x4] =	wrdreg $0xC0  }
0xab: {  	_ =	task [dreg:s6], $0x5FFFF  }
0xac: {  	[dreg:$0x1] =	wrdreg $0xFFFFFFFF  }
0xad: {  	[dreg:$0x0] =	wrdreg $0x60  }
0xae: {  	[dreg:$0x2] =	wrdreg s24  }
0xaf: {  	[dreg:$0x3] =	wrdreg $0x0  }
0xb0: {  	[dreg:$0x4] =	wrdreg $0x9  }
0xb1: {  	_ =	task.clear_ibuf [dreg:s6], $0x5FFFF;
	_ =	strace $0x90000049  }
0xb2: {  	s29 =	simm.s32 $0x9;
	_ =	strace $0x8000004B  }
0xb3: {  	_ =	swait.ge [sflag:s29], $0x1  }
0xb4: {  	[sflag:s29] =	ssyncadd.s32 $0xFFFFFFFF  }
0xb5: {  	_ =	strace $0x9000004B  }
0xb6: {  	_ =	sfence  }
0xb7: {  	s30 =	sld [smem:$0x0];
	_ =	sdelay $0x2  }
0xb8: {  	s31 =	sshll.u32 s1, $0xD;
	s1 =	sshrl.u32 s1, $0x2  }
0xb9: {  	s3 =	sand.u32 $0x4000, s31;
	s1 =	sadd.s32 s1, s30  }
0xba: {  	s0 =	sor.u32 s3, s0;
	s1 =	sshll.u32 s1, $0x11  }
0xbb: {  	s0 =	sor.u32 s1, s0  }
0xbc: {  	s0 =	sadd.s32 $0x8F2B, s0  }
0xbd: {  	[sflag:s0] =	ssyncadd.remote.s32 $0x1  }
0xbe: {  	_ =	sfence.sel $0xFFFF  }
0xbf: {  	[dreg:$0x0] =	wrdreg $0xFFFFFFFF;
	(pc) =	sbr.abs _section_cstart, $3  }
0xc0: {  	[dreg:$0x1] =	wrdreg $0xFFFFFFFF  }
0xc1: {  	_ =	task.clear_ibuf [dreg:s6], $0x2FFFF;
	_ =	strace $0x9FFFFFFF  }
0xc2: {  	(tm) =	ssettm $0x7FFFFFFF  }
0xc3: {  	_ =	shalt  }
tec
execute0_lowered:
.L_overlay_start_1:
0x0: {  	(tag) =	ssettag $0x1  }
0x1: {  	s0 =	rddreg [dreg:$0x0]  }
0x2: {  	s1 =	rddreg [dreg:$0x1]  }
0x3: {  	s2 =	simm.s32 $0x0;
	s4 =	srdreg.scid;
	s19 =	stileid.u32  }
0x4: {  	s28 =	simm.s32 $0x16000;
	s29 =	simm.s32 $0x40;
	s30 =	simm.s32 $0x16200  }
0x5: {  	s31 =	simm.s32 $0x1A200;
	[smem:$0x7FF] =	sst s2;
	s3 =	sadd.s32 $0x18C00, s0  }
0x6: {  	s7 =	sadd.s32 $0xEE00, s0;
	s5 =	sadd.s32 $0x5000, s0;
	s12 =	smul.u32 $0x50000, s19  }
0x7: {  	s6 =	sadd.s32 $0x3FE00, s0;
	s8 =	sand.u32 $0x1, s4;
	s24 =	smul.u32 $0x2800, s19  }
0x8: {  	s21 =	sadd.s32 $0x12C000, s1;
	s15 =	smul.u32 $0x2710, s19;
	_ =	strace $0x8000004A  }
0x9: {  	[dreg:$0x3] =	wrdreg s6;
	s9 =	smul.u32 $0x27100, s8;
	s10 =	sshll.u32 s8, $0x4  }
0xa: {  	s11 =	ssub.s32 $0x2, s8;
	p3 =	seq.s32 s8, $0x1;
	s10 =	sor.u32 s19, s10  }
0xb: {  	s14 =	sshrl.u32 s11, $0x1;
	s12 =	sshrl.u32 s12, $0x2;
	[dreg:$0x4] =	wrdreg s24  }
0xc: {  	s4 =	sadd.s32 s3, s24;
	p1 =	seq.s32 @p3 s19, $0xF;
	p4 =	seq.s32 @!p3 s19, $0xF  }
0xd: {  	s13 =	sadd.s32 s9, s0;
	s10 =	smul.u32 $0x2710, s10;
	s11 =	ssub.s32 s11, s14  }
0xe: {  	s20 =	sadd.s32 s12, s1;
	[dreg:$0x5] =	wrdreg s4;
	s0 =	sadd.s32 $0x3E400, s0  }
0xf: {  	s22 =	sadd.s32 s15, s9;
	p0 =	por !p1, !p3;
	p1 =	por p1, !p3  }
0x10: {  	p2 =	por !p4, p3;
	p3 =	por p4, p3;
	p4 =	seq.s32 s19, $0xF  }
0x11: {  	s12 =	simm.s32 $0x1C200;
	s15 =	simm.s32 $0x7;
	[dreg:$0x8] =	wrdreg s0  }
0x12: {  	s17 =	sadd.s32 $0x42600, s13;
	s18 =	smax.u32 s11, $0x1;
	[dreg:$0x6] =	wrdreg s20  }
0x13: {  	s23 =	sadd.s32 $0x100, s22;
	s24 =	sadd.s32 $0x140, s22;
	[dreg:$0xf] =	wrdreg s17  }
0x14: {  	s9 =	sadd.s32 $0x180, s22;
	s13 =	simm.s32 $0x1;
	[dreg:$0x10] =	wrdreg s18  }
0x15: {  	s25 =	sshrl.u32 s10, $0x3;
	[dreg:$0x11] =	wrdreg s23;
	s9 =	sshrl.u32 s9, $0x3  }
0x16: {  	s17 =	simm.s32 $0x8;
	s23 =	simm.s32 $0x0;
	s6 =	sadd.s32 s7, s25  }
0x17: {  	s26 =	sadd.s32 s5, s25;
	s14 =	sadd.s32 $0x4E0, s25;
	[dreg:$0x9] =	wrdreg s6  }
0x18: {  	s8 =	sadd.s32 $0x8, s26;
	s10 =	sadd.s32 $0x10, s26;
	[dreg:$0x7] =	wrdreg s26  }
0x19: {  	s4 =	sadd.s32 $0x18, s26;
	s16 =	sadd.s32 s7, s14;
	[dreg:$0xa] =	wrdreg s8  }
0x1a: {  	s0 =	sadd.s32 s5, s14;
	s7 =	sshrl.u32 s24, $0x3;
	[dreg:$0xb] =	wrdreg s10  }
0x1b: {  	s26 =	sadd.s32 s9, s5;
	s9 =	simm.s32 $0x16180;
	[dreg:$0xc] =	wrdreg s4  }
.Ltmp0:
0x1c: {  	s14 =	simm.s32 $0x3;
	[dreg:$0xd] =	wrdreg s16;
	(pc) =	sbr.rel .LBB2_1-.Ltmp0, $4  }
0x1d: {  	[dreg:$0xe] =	wrdreg s0;
	s0 =	sadd.s32 $0x1C0, s22;
	s25 =	sadd.s32 s7, s5  }
0x1e: {  	[dreg:$0x13] =	wrdreg s26;
	s26 =	simm.s32 $0x9;
	s0 =	sshrl.u32 s0, $0x3  }
0x1f: {  	s7 =	simm.s32 $0x5;
	[dreg:$0x12] =	wrdreg s25;
	s0 =	sadd.s32 s0, s5  }
0x20: {  	s16 =	simm.s32 $0x4;
	[dreg:$0x14] =	wrdreg s0;
	s0 =	simm.s32 $0x16100  }
.LBB2_4:
0x21: {  	_ =	swait.ge [sflag:s16], $0x40  }
0x22: {  	[sflag:s16] =	ssyncset.done $0x0  }
0x23: {  	[sflag:s16] =	ssyncadd.s32 $0xFFFFFFC0  }
0x24: {  	_ =	swait.ge [sflag:s17], $0x2000  }
0x25: {  	[sflag:s17] =	ssyncset.done $0x0  }
0x26: {  	[sflag:s17] =	ssyncadd.s32 $0xFFFFE000  }
0x27: {  	[spmem:s1] =	stream.indirect.scatter.add.f32 [tilespmem:s12], [sflag:$0x9], $0x80, s9, s29, $0xb8;
	[tilespmem:$0x1EB00] =	vst v63  }
0x28: {  	_ =	swait.ge [sflag:s26], $0x2000  }
0x29: {  	[sflag:s26] =	ssyncset.done $0x0  }
0x2a: {  	s6 =	simm.s32 $0x1E200;
	s4 =	rddreg [dreg:$0xd];
	[sflag:s26] =	ssyncadd.s32 $0xFFFFE000  }
0x2b: {  	[tilespmem:s6], [sflag:$0x9] =	stream.linear.gather [hbm4b:s4+s2], $0x10, $0x38;
	[tilespmem:$0x1EB00] =	vst v63  }
0x2c: {  	_ =	swait.ge [sflag:s26], $0x10  }
0x2d: {  	[sflag:s26] =	ssyncset.done $0x0  }
0x2e: {  	s8 =	simm.s32 $0x1E280;
	s22 =	rddreg [dreg:$0xe];
	[sflag:s26] =	ssyncadd.s32 $0xFFFFFFF0  }
0x2f: {  	[tilespmem:s8], [sflag:$0x9] =	stream.linear.gather [hbm4b:s22+s2], $0x10, $0x38;
	[tilespmem:$0x1EB00] =	vst v63  }
0x30: {  	_ =	swait.ge [sflag:s26], $0x10  }
0x31: {  	[sflag:s26] =	ssyncset.done $0x0  }
0x32: {  	s24 =	simm.s32 $0x10;
	s11 =	simm.s32 $0x1E300;
	[sflag:s26] =	ssyncadd.s32 $0xFFFFFFF0  }
0x33: {  	[tilespmem:s11], [sflag:$0x5] =	stream.indirect.gather [hbm4b:s3+s24], $0x80, s6, s24, $0xb8;
	[tilespmem:$0x1EB00] =	vst v63  }
0x34: {  	_ =	swait.ge [sflag:s7], $0x800  }
0x35: {  	[sflag:s7] =	ssyncset.done $0x0  }
0x36: {  	[sflag:s7] =	ssyncadd.s32 $0xFFFFF800  }
0x37: {  	[spmem:s1] =	stream.indirect.scatter.add.f32 [tilespmem:s11], [sflag:$0x9], $0x80, s8, s24, $0xb8;
	[tilespmem:$0x1EB00] =	vst v63  }
0x38: {  	_ =	swait.ge [sflag:s26], $0x800  }
0x39: {  	[sflag:s26] =	ssyncset.done $0x0  }
0x3a: {  	[sflag:s26] =	ssyncadd.s32 $0xFFFFF800  }
0x3b: {  	[bflag:$0x0] =	sbarrier.arrive $0xFFFF  }
0x3c: {  	s11 =	rddreg [dreg:$0xf]  }
0x3d: {  	s6 =	sshrl.u32 @p4 s10, $0x3;
	s8 =	simm.s32 @p4 $0x1FC9;
	s4 =	sadd.s32 @p4 $0x25800, s11  }
0x3e: {  	[hbm:s4], [sflag:s8] =	dma.local @p4 [spmem:s6], $0x1900  }
0x3f: {  	s4 =	simm.s32 @p4 $0x9  }
0x40: {  	_ =	swait.ge @p4 [sflag:s4], $0x1900  }
0x41: {  	s19 =	stileid.u32;
	[sflag:s4] =	ssyncset.done @p4 $0x0;
	s6 =	rddreg [dreg:$0x4]  }
0x42: {  	s20 =	rddreg [dreg:$0x6];
	[sflag:s4] =	ssyncadd.s32 @p4 $0xFFFFE700;
	s4 =	sshll.u32 @!p4 s19, $0x6  }
0x43: {  	s6 =	sadd.s32 @!p4 s6, s11;
	s8 =	sshrl.u32 @!p4 s20, $0x3;
	s4 =	sor.u32 @!p4 $0x1C09, s4  }
0x44: {  	[hbm:s6], [sflag:s4] =	dma.local @!p4 [spmem:s8], $0x2800  }
0x45: {  	s4 =	simm.s32 @!p4 $0x9  }
0x46: {  	_ =	swait.ge @!p4 [sflag:s4], $0x2800  }
0x47: {  	s23 =	sadd.s32 $0x1, s23;
	s25 =	rddreg [dreg:$0x10]  }
0x48: {  	p5 =	sne.s32 s23, s25  }
.Ltmp1:
0x49: {  	_ = 	snop;
	(pc) =	sbr.rel @!p5 .LBB2_5-.Ltmp1, $3  }
0x4a: {  	_ =	sdelay $0x1  }
0x4b: {  	[sflag:s4] =	ssyncset.done @!p4 $0x0  }
0x4c: {  	s21 =	smov.u32 s10;
	[sflag:s4] =	ssyncadd.s32 @!p4 $0xFFFFD800  }
.LBB2_1:
0x4d: {  	s11 =	sshrl.u32 @!p0 s21, $0x3;
	s18 =	simm.s32 @!p0 $0x1FC9;
	s4 =	rddreg [dreg:$0x3]  }
0x4e: {  	[spmem:s11], [sflag:s18] =	dma.local @!p0 [hbm:s4], $0x1900  }
0x4f: {  	s11 =	simm.s32 @!p0 $0x9  }
0x50: {  	_ =	swait.ge @!p0 [sflag:s11], $0x1900  }
0x51: {  	s18 =	sshll.u32 @!p1 s19, $0x6;
	[sflag:s11] =	ssyncset.done @!p0 $0x0  }
0x52: {  	[sflag:s11] =	ssyncadd.s32 @!p0 $0xFFFFE700;
	s11 =	sor.u32 @!p1 $0x1C09, s18;
	s18 =	sshrl.u32 @!p1 s20, $0x3  }
0x53: {  	[spmem:s18], [sflag:s11] =	dma.local @!p1 [hbm:s4], $0x2800  }
0x54: {  	s11 =	simm.s32 @!p1 $0x9  }
0x55: {  	_ =	swait.ge @!p1 [sflag:s11], $0x2800  }
0x56: {  	s18 =	simm.s32 @!p2 $0x1FC9;
	[sflag:s11] =	ssyncset.done @!p1 $0x0  }
0x57: {  	s4 =	rddreg [dreg:$0x8];
	[sflag:s11] =	ssyncadd.s32 @!p1 $0xFFFFD800;
	s11 =	sshrl.u32 @!p2 s21, $0x3  }
0x58: {  	[spmem:s11], [sflag:s18] =	dma.local @!p2 [hbm:s4], $0x1900  }
0x59: {  	s11 =	simm.s32 @!p2 $0x9  }
0x5a: {  	_ =	swait.ge @!p2 [sflag:s11], $0x1900  }
0x5b: {  	s18 =	sshll.u32 @!p3 s19, $0x6;
	[sflag:s11] =	ssyncset.done @!p2 $0x0;
	s4 =	rddreg [dreg:$0x5]  }
0x5c: {  	[sflag:s11] =	ssyncadd.s32 @!p2 $0xFFFFE700;
	s11 =	sor.u32 @!p3 $0x1C09, s18;
	s18 =	sshrl.u32 @!p3 s20, $0x3  }
0x5d: {  	[spmem:s18], [sflag:s11] =	dma.local @!p3 [hbm:s4], $0x2800  }
0x5e: {  	s11 =	simm.s32 @!p3 $0x9  }
0x5f: {  	_ =	swait.ge @!p3 [sflag:s11], $0x2800  }
0x60: {  	[sflag:s11] =	ssyncset.done @!p3 $0x0  }
0x61: {  	s6 =	simm.s32 $0x13880;
	s25 =	rddreg [dreg:$0x9];
	[sflag:s11] =	ssyncadd.s32 @!p3 $0xFFFFD800  }
0x62: {  	[tilespmem:s6], [sflag:$0x9] =	stream.linear.gather [hbm4b:s25+s2], $0x2710, $0x38;
	[tilespmem:$0x1EB00] =	vst v63  }
0x63: {  	_ =	swait.ge [sflag:s26], $0x2710  }
0x64: {  	[sflag:s26] =	ssyncset.done $0x0  }
0x65: {  	[sflag:s26] =	ssyncadd.s32 $0xFFFFD8F0  }
0x66: {  	[bflag:$0x0] =	sbarrier.arrive $0xFFFF  }
0x67: {  	s8 =	rddreg [dreg:$0x7]  }
0x68: {  	[tilespmem:s28], [sflag:$0x1] =	stream.linear.gather [hbm4b:s8+s2], $0x40, $0x38;
	[tilespmem:$0x1EB00] =	vst v63  }
0x69: {  	_ = 	snop  }
0x6a: {  	[tilespmem:s30], [sflag:$0x5] =	stream.indirect.gather [hbm4b:s3+s29], $0x80, s6, s29, $0xb8;
	[tilespmem:$0x1EB00] =	vst v63  }
0x6b: {  	s10 =	smov.u32 s21;
	s18 =	simm.s32 $0x16080;
	s11 =	rddreg [dreg:$0xa]  }
0x6c: {  	[tilespmem:s18], [sflag:$0x2] =	stream.linear.gather [hbm4b:s11+s2], $0x40, $0x38;
	[tilespmem:$0x1EB00] =	vst v63  }
0x6d: {  	s19 =	simm.s32 $0x138C0;
	s20 =	simm.s32 $0x18200;
	s21 =	rddreg [dreg:$0xb]  }
0x6e: {  	[tilespmem:s20], [sflag:$0x6] =	stream.indirect.gather [hbm4b:s3+s29], $0x80, s19, s29, $0xb8;
	[tilespmem:$0x1EB00] =	vst v63  }
0x6f: {  	s24 =	rddreg [dreg:$0xc]  }
0x70: {  	[tilespmem:s0], [sflag:$0x3] =	stream.linear.gather [hbm4b:s21+s2], $0x40, $0x38;
	[tilespmem:$0x1EB00] =	vst v63  }
0x71: {  	s22 =	simm.s32 $0x13900;
	s11 =	rddreg [dreg:$0x13]  }
0x72: {  	[tilespmem:s31], [sflag:$0x7] =	stream.indirect.gather [hbm4b:s3+s29], $0x80, s22, s29, $0xb8;
	[tilespmem:$0x1EB00] =	vst v63  }
0x73: {  	s18 =	rddreg [dreg:$0x11]  }
0x74: {  	[tilespmem:s9], [sflag:$0x4] =	stream.linear.gather [hbm4b:s24+s2], $0x40, $0x38;
	[tilespmem:$0x1EB00] =	vst v63  }
0x75: {  	s25 =	simm.s32 $0x13940;
	s24 =	rddreg [dreg:$0x14]  }
0x76: {  	[tilespmem:s12], [sflag:$0x8] =	stream.indirect.gather [hbm4b:s3+s29], $0x80, s25, s29, $0xb8;
	[tilespmem:$0x1EB00] =	vst v63  }
0x77: {  	s20 =	simm.s32 $0x0;
	s25 =	rddreg [dreg:$0x12]  }
.LBB2_2:
0x78: {  	_ =	swait.ge [sflag:s13], $0x40  }
0x79: {  	[sflag:s13] =	ssyncset.done $0x0  }
0x7a: {  	[sflag:s13] =	ssyncadd.s32 $0xFFFFFFC0  }
0x7b: {  	_ =	swait.ge [sflag:s7], $0x2000  }
0x7c: {  	[sflag:s7] =	ssyncset.done $0x0  }
0x7d: {  	[sflag:s7] =	ssyncadd.s32 $0xFFFFE000  }
0x7e: {  	[spmem:s1] =	stream.indirect.scatter.add.f32 [tilespmem:s30], [sflag:$0x9], $0x80, s28, s29, $0xb8;
	[tilespmem:$0x1EB00] =	vst v63  }
0x7f: {  	_ =	swait.ge [sflag:s26], $0x2000  }
0x80: {  	p5 =	seq.s32 s20, $0x9800;
	[sflag:s26] =	ssyncset.done $0x0  }
0x81: {  	s21 =	simm.s32 @p5 $0x2;
	[sflag:s26] =	ssyncadd.s32 $0xFFFFE000  }
0x82: {  	_ =	swait.ge @p5 [sflag:s21], $0x40  }
0x83: {  	[sflag:s21] =	ssyncset.done @p5 $0x0  }
0x84: {  	[sflag:s21] =	ssyncadd.s32 @p5 $0xFFFFFFC0;
	s21 =	simm.s32 @p5 $0x6  }
0x85: {  	_ =	swait.ge @p5 [sflag:s21], $0x2000  }
0x86: {  	s22 =	simm.s32 @p5 $0x16080;
	[sflag:s21] =	ssyncset.done @p5 $0x0  }
0x87: {  	s4 =	simm.s32 @p5 $0x18200;
	[sflag:s21] =	ssyncadd.s32 @p5 $0xFFFFE000;
	s21 =	simm.s32 @p5 $0x40  }
0x88: {  	[spmem:s1] =	stream.indirect.scatter.add.f32 @p5 [tilespmem:s4], [sflag:$0x9], $0x80, s22, s21, $0xb8;
	[tilespmem:$0x1EB00] =	vst v63  }
0x89: {  	s4 =	simm.s32 @p5 $0x9  }
0x8a: {  	_ =	swait.ge @p5 [sflag:s4], $0x2000  }
0x8b: {  	[sflag:s4] =	ssyncset.done @p5 $0x0  }
0x8c: {  	[sflag:s4] =	ssyncadd.s32 @p5 $0xFFFFE000;
	s4 =	sshrl.u32 @!p5 s18, $0x3  }
0x8d: {  	s21 =	simm.s32 @!p5 $0x0;
	s22 =	simm.s32 @!p5 $0x16000;
	s4 =	sadd.s32 @!p5 s5, s4  }
0x8e: {  	[tilespmem:s22], [sflag:$0x1] =	stream.linear.gather @!p5 [hbm4b:s4+s21], $0x40, $0x38;
	[tilespmem:$0x1EB00] =	vst v63  }
0x8f: {  	s4 =	sshra.s32 @!p5 s20, $0x2  }
0x90: {  	s6 =	simm.s32 @!p5 $0x40;
	s19 =	simm.s32 @!p5 $0x16200;
	s22 =	sadd.s32 @!p5 $0x13980, s4  }
0x91: {  	[tilespmem:s19], [sflag:$0x5] =	stream.indirect.gather @!p5 [hbm4b:s3+s6], $0x80, s22, s6, $0xb8;
	[tilespmem:$0x1EB00] =	vst v63  }
0x92: {  	s19 =	simm.s32 @!p5 $0x2  }
0x93: {  	_ =	swait.ge @!p5 [sflag:s19], $0x40  }
0x94: {  	[sflag:s19] =	ssyncset.done @!p5 $0x0  }
0x95: {  	[sflag:s19] =	ssyncadd.s32 @!p5 $0xFFFFFFC0;
	s19 =	simm.s32 @!p5 $0x6  }
0x96: {  	_ =	swait.ge @!p5 [sflag:s19], $0x2000  }
0x97: {  	s8 =	simm.s32 @!p5 $0x9;
	[sflag:s19] =	ssyncset.done @!p5 $0x0  }
0x98: {  	s22 =	simm.s32 @!p5 $0x18200;
	[sflag:s19] =	ssyncadd.s32 @!p5 $0xFFFFE000;
	s19 =	simm.s32 @!p5 $0x16080  }
0x99: {  	[spmem:s1] =	stream.indirect.scatter.add.f32 @!p5 [tilespmem:s22], [sflag:$0x9], $0x80, s19, s6, $0xb8;
	[tilespmem:$0x1EB00] =	vst v63  }
0x9a: {  	_ =	swait.ge @!p5 [sflag:s8], $0x2000  }
0x9b: {  	[sflag:s8] =	ssyncset.done @!p5 $0x0  }
0x9c: {  	[sflag:s8] =	ssyncadd.s32 @!p5 $0xFFFFE000  }
0x9d: {  	[tilespmem:s19], [sflag:$0x2] =	stream.linear.gather @!p5 [hbm4b:s25+s21], $0x40, $0x38;
	[tilespmem:$0x1EB00] =	vst v63  }
0x9e: {  	s4 =	sadd.s32 @!p5 $0x139C0, s4  }
0x9f: {  	[tilespmem:s22], [sflag:$0x6] =	stream.indirect.gather @!p5 [hbm4b:s3+s6], $0x80, s4, s6, $0xb8;
	[tilespmem:$0x1EB00] =	vst v63  }
0xa0: {  	_ =	swait.ge [sflag:s14], $0x40  }
0xa1: {  	[sflag:s14] =	ssyncset.done $0x0  }
0xa2: {  	[sflag:s14] =	ssyncadd.s32 $0xFFFFFFC0  }
0xa3: {  	_ =	swait.ge [sflag:s15], $0x2000  }
0xa4: {  	[sflag:s15] =	ssyncset.done $0x0  }
.Ltmp2:
0xa5: {  	[sflag:s15] =	ssyncadd.s32 $0xFFFFE000;
	(pc) =	sbr.rel @p5 .LBB2_4-.Ltmp2, $4  }
0xa6: {  	[spmem:s1] =	stream.indirect.scatter.add.f32 [tilespmem:s31], [sflag:$0x9], $0x80, s0, s29, $0xb8;
	[tilespmem:$0x1EB00] =	vst v63  }
0xa7: {  	_ =	swait.ge [sflag:s26], $0x2000  }
0xa8: {  	[sflag:s26] =	ssyncset.done $0x0  }
0xa9: {  	[sflag:s26] =	ssyncadd.s32 $0xFFFFE000  }
0xaa: {  	[tilespmem:s0], [sflag:$0x3] =	stream.linear.gather [hbm4b:s11+s2], $0x40, $0x38;
	[tilespmem:$0x1EB00] =	vst v63  }
0xab: {  	s4 =	sshra.s32 s20, $0x2  }
0xac: {  	s6 =	sadd.s32 $0x13A00, s4  }
0xad: {  	[tilespmem:s31], [sflag:$0x7] =	stream.indirect.gather [hbm4b:s3+s29], $0x80, s6, s29, $0xb8;
	[tilespmem:$0x1EB00] =	vst v63  }
0xae: {  	_ =	swait.ge [sflag:s16], $0x40  }
0xaf: {  	[sflag:s16] =	ssyncset.done $0x0  }
0xb0: {  	[sflag:s16] =	ssyncadd.s32 $0xFFFFFFC0  }
0xb1: {  	_ =	swait.ge [sflag:s17], $0x2000  }
0xb2: {  	[sflag:s17] =	ssyncset.done $0x0  }
0xb3: {  	[sflag:s17] =	ssyncadd.s32 $0xFFFFE000  }
0xb4: {  	[spmem:s1] =	stream.indirect.scatter.add.f32 [tilespmem:s12], [sflag:$0x9], $0x80, s9, s29, $0xb8;
	[tilespmem:$0x1EB00] =	vst v63  }
0xb5: {  	_ =	swait.ge [sflag:s26], $0x2000  }
.Ltmp3:
0xb6: {  	s20 =	sadd.s32 $0x400, s20;
	[sflag:s26] =	ssyncset.done $0x0;
	(pc) =	sbr.rel .LBB2_2-.Ltmp3, $4  }
0xb7: {  	s18 =	sadd.s32 $0x100, s18;
	s25 =	sadd.s32 $0x20, s25;
	[sflag:s26] =	ssyncadd.s32 $0xFFFFE000  }
0xb8: {  	[tilespmem:s9], [sflag:$0x4] =	stream.linear.gather [hbm4b:s24+s2], $0x40, $0x38;
	[tilespmem:$0x1EB00] =	vst v63  }
0xb9: {  	s11 =	sadd.s32 $0x20, s11;
	s4 =	sadd.s32 $0x13A40, s4;
	s24 =	sadd.s32 $0x20, s24  }
0xba: {  	[tilespmem:s12], [sflag:$0x8] =	stream.indirect.gather [hbm4b:s3+s29], $0x80, s4, s29, $0xb8;
	[tilespmem:$0x1EB00] =	vst v63  }
.LBB2_5:
0xbb: {  	_ =	sfence.sel $0x180000  }
0xbc: {  	[bflag:$0x0] =	sbarrier.arrive $0xFFFF  }
0xbd: {  	_ =	strace $0x9000004A  }
0xbe: {  	[bflag:$0x2] =	sbarrier.arrive $0xFFFF  }
0xbf: {  	p0 =	sne.s32 s19, $0x0;
	s0 =	rddreg [dreg:$0x2]  }
0xc0: {  	s0 =	sadd.s32 @!p0 $0x100000, s0  }
0xc1: {  	[sflag:s0] =	ssyncadd.tile.s32 @!p0 $0x1;
	_ =	shalt  }
.Lfunc_end2:
_tile_overlayer_lowered:
.L_overlay_start_2:
0xc2: {  	(tag) =	ssettag $0x2  }
0xc3: {  	s0 =	rddreg [dreg:$0x0];
	s2 =	stileid.u32  }
0xc4: {  	s1 =	rddreg [dreg:$0x1];
	p0 =	sne.s32 s2, $0x0  }
0xc5: {  	s3 =	rddreg [dreg:$0x2];
	[bflag:$0x3] =	sbarrier.arrive $0xFFFF;
	s2 =	simm.s32 @!p0 $0x1C09  }
0xc6: {  	[timem:s3], [sflag:s2] =	dma.local @!p0 [hbm:s0], s1  }
0xc7: {  	s0 =	simm.s32 @!p0 $0x9  }
0xc8: {  	_ =	swait.ge @!p0 [sflag:s0], s1  }
0xc9: {  	s1 =	ssub.s32 @!p0 $0x0, s1;
	[sflag:s0] =	ssyncset.done @!p0 $0x0  }
0xca: {  	[sflag:s0] =	ssyncadd.s32 @!p0 s1  }
0xcb: {  	[bflag:$0x3] =	sbarrier.arrive $0xFFFF  }
0xcc: {  	_ =	shalt  }

// kernel: kernel.19.cloned.1.call-start
scs
__scs_entry_jumppad:
0x0: {  	(pc) =	sbr.rel $0x88, $3  }
0x1: {  	(tag) =	ssettag $0x0;
	lr =	simm.s32 $0x1  }
0x2: {  	[smem:$0x3F91] =	sst lr;
	_ =	strace $0xD0000000  }
0x3: {  	_ = 	snop  }
0x4: {  	_ = 	snop  }
0x5: {  	_ = 	snop  }
0x6: {  	_ = 	snop  }
0x7: {  	_ = 	snop  }
__scs_overlays_trampoline_lowered:
0x8: {  	[smem:$0x3FA0] =	sst s0  }
0x9: {  	[smem:$0x3FA1] =	sst s1  }
0xa: {  	[smem:$0x3FA2] =	sst s2  }
0xb: {  	[smem:$0x3FA3] =	sst s3  }
0xc: {  	[smem:$0x3FA4] =	sst s4  }
0xd: {  	[smem:$0x3FA5] =	sst s5  }
0xe: {  	[smem:$0x3FA6] =	sst s6  }
0xf: {  	[smem:$0x3FA7] =	sst s7  }
0x10: {  	[smem:$0x3FA8] =	sst s8  }
0x11: {  	[smem:$0x3FA9] =	sst s9;
	s0 =	simm.s32 @!p0 $0x0  }
0x12: {  	s1 =	sld [smem:$0x3F8F];
	s0 =	simm.s32 @p0 $0x1  }
0x13: {  	[smem:$0x3FAA] =	sst s0;
	s0 =	simm.s32 @!p1 $0x0  }
0x14: {  	s2 =	sld [smem:$0x3F8E];
	s0 =	simm.s32 @p1 $0x1  }
0x15: {  	[smem:$0x3FAB] =	sst s0;
	s0 =	simm.s32 @!p2 $0x0  }
0x16: {  	s3 =	sld [smem:$0x3FDB];
	s0 =	simm.s32 @p2 $0x1  }
0x17: {  	s4 =	simm.s32 $0x1BF5;
	[smem:$0x3FAD] =	sst s0  }
0x18: {  	s0 =	sld [smem:$0x3F90];
	_ =	swait.ge [sflag:s4], $0x0  }
0x19: {  	s7 =	sld [smem:$0x3F91]  }
0x1a: {  	s8 =	sadd.s32 $0xFFFFE003, lr  }
0x1b: {  	s9 =	sadd.s32 $0xFFFFFEF7, lr;
	s5 =	simm.s32 $0xFFFFFFFF;
	p2 =	slt.u32 s8, $0xFFFFF086  }
0x1c: {  	p1 =	slt.u32 s9, $0xF7A;
	s5 =	simm.s32 @!p2 $0x0  }
0x1d: {  	s5 =	simm.s32 @p1 $0x1;
	p0 =	seq.s32 s7, s2  }
0x1e: {  	s7 =	smul.u32 @!p0 $0xF7A, s2;
	p2 =	seq.s32 @!p0 s5, $0x0  }
0x1f: {  	s9 =	smul.u32 $0xF7A, s1;
	s8 =	simm.s32 @!p0 $0x1BF5;
	p2 =	por !p2, p0  }
0x20: {  	[sflag:s8] =	ssyncset.s32 @!p0 $0xFFFFF086;
	s6 =	sadd.s32 @!p0 s3, s7;
	s7 =	simm.s32 @!p0 $0x108  }
0x21: {  	s3 =	sadd.s32 s3, s9;
	s6 =	sadd.s32 @!p0 $0x88, s6;
	s7 =	simm.s32 @p2 $0x1082  }
0x22: {  	[simem:s7], [sflag:s8] =	dma.local @!p0 [hbm:s6], $0xF7A  }
0x23: {  	s9 =	sor.u32 $0xD0000000, s2;
	s6 =	simm.s32 $0x108;
	_ =	swait.ge @!p0 [sflag:s8], $0x0  }
0x24: {  	s3 =	sadd.s32 $0x88, s3;
	s6 =	simm.s32 @!p1 $0x1082;
	[sflag:s4] =	ssyncset.s32 $0xFFFFF086  }
0x25: {  	[simem:s6], [sflag:s4] =	dma.local [hbm:s3], $0xF7A  }
0x26: {  	[smem:$0x3F91] =	sst s1;
	(tag) =	ssettag s2;
	_ =	strace s9  }
0x27: {  	s1 =	sld [smem:$0x3FA1]  }
0x28: {  	s2 =	sld [smem:$0x3FA2]  }
0x29: {  	s4 =	sld [smem:$0x3FA4]  }
0x2a: {  	p0 =	seq.s32 s5, $0x0;
	s5 =	sld [smem:$0x3FA5]  }
0x2b: {  	s6 =	sld [smem:$0x3FA6]  }
0x2c: {  	s7 =	sld [smem:$0x3FA7]  }
0x2d: {  	s3 =	simm.s32 $0x108;
	s8 =	sld [smem:$0x3FA8]  }
0x2e: {  	s3 =	simm.s32 @!p0 $0x1082;
	s9 =	sld [smem:$0x3FA9]  }
0x2f: {  	lr =	sadd.s32 s0, s3;
	s0 =	sld [smem:$0x3FA0]  }
0x30: {  	s3 =	sld [smem:$0x3FA3]  }
0x31: {  	[smem:$0x3FAC] =	sst s10  }
0x32: {  	s10 =	sld [smem:$0x3FAA];
	_ =	sdelay $0x3  }
0x33: {  	p0 =	seq.s32 s10, $0x1;
	s10 =	sld [smem:$0x3FAC];
	_ =	sdelay $0x3  }
0x34: {  	[smem:$0x3FAC] =	sst s10  }
0x35: {  	s10 =	sld [smem:$0x3FAB];
	_ =	sdelay $0x3  }
0x36: {  	p1 =	seq.s32 s10, $0x1;
	s10 =	sld [smem:$0x3FAC];
	_ =	sdelay $0x3  }
0x37: {  	[smem:$0x3FAC] =	sst s10  }
0x38: {  	s10 =	sld [smem:$0x3FAD]  }
0x39: {  	_ = 	snop;
	(pc) =	sbr.ind lr, $3  }
0x3a: {  	_ = 	snop  }
0x3b: {  	_ = 	snop  }
0x3c: {  	p2 =	seq.s32 s10, $0x1;
	s10 =	sld [smem:$0x3FAC]  }
0x3d: {  	_ =	shalt  }
0x3e: {  	_ =	shalt  }
0x3f: {  	_ =	shalt  }
0x40: {  	_ =	shalt  }
0x41: {  	_ =	shalt  }
0x42: {  	_ =	shalt  }
0x43: {  	_ =	shalt  }
0x44: {  	_ =	shalt  }
0x45: {  	_ =	shalt  }
0x46: {  	_ =	shalt  }
0x47: {  	_ =	shalt  }
0x48: {  	_ =	shalt  }
0x49: {  	_ =	shalt  }
0x4a: {  	_ =	shalt  }
0x4b: {  	_ =	shalt  }
0x4c: {  	_ =	shalt  }
0x4d: {  	_ =	shalt  }
0x4e: {  	_ =	shalt  }
0x4f: {  	_ =	shalt  }
0x50: {  	_ =	shalt  }
0x51: {  	_ =	shalt  }
0x52: {  	_ =	shalt  }
0x53: {  	_ =	shalt  }
0x54: {  	_ =	shalt  }
0x55: {  	_ =	shalt  }
0x56: {  	_ =	shalt  }
0x57: {  	_ =	shalt  }
0x58: {  	_ =	shalt  }
0x59: {  	_ =	shalt  }
0x5a: {  	_ =	shalt  }
0x5b: {  	_ =	shalt  }
0x5c: {  	_ =	shalt  }
0x5d: {  	_ =	shalt  }
0x5e: {  	_ =	shalt  }
0x5f: {  	_ =	shalt  }
0x60: {  	_ =	shalt  }
0x61: {  	_ =	shalt  }
0x62: {  	_ =	shalt  }
0x63: {  	_ =	shalt  }
0x64: {  	_ =	shalt  }
0x65: {  	_ =	shalt  }
0x66: {  	_ =	shalt  }
0x67: {  	_ =	shalt  }
0x68: {  	_ =	shalt  }
0x69: {  	_ =	shalt  }
0x6a: {  	_ =	shalt  }
0x6b: {  	_ =	shalt  }
0x6c: {  	_ =	shalt  }
0x6d: {  	_ =	shalt  }
0x6e: {  	_ =	shalt  }
0x6f: {  	_ =	shalt  }
0x70: {  	_ =	shalt  }
0x71: {  	_ =	shalt  }
0x72: {  	_ =	shalt  }
0x73: {  	_ =	shalt  }
0x74: {  	_ =	shalt  }
0x75: {  	_ =	shalt  }
0x76: {  	_ =	shalt  }
0x77: {  	_ =	shalt  }
0x78: {  	_ =	shalt  }
0x79: {  	_ =	shalt  }
0x7a: {  	_ =	shalt  }
0x7b: {  	_ =	shalt  }
0x7c: {  	_ =	shalt  }
0x7d: {  	_ =	shalt  }
0x7e: {  	_ =	shalt  }
0x7f: {  	_ =	shalt  }
0x80: {  	_ =	shalt  }
0x81: {  	_ =	shalt  }
0x82: {  	_ =	shalt  }
0x83: {  	_ =	shalt  }
0x84: {  	_ =	shalt  }
0x85: {  	_ =	shalt  }
0x86: {  	_ =	shalt  }
0x87: {  	_ =	shalt  }
.Lfunc_end0:
.L_simem_size_0:
called_computation.2_lowered:
.L_overlay_start_0:
0x88: {  	s2 =	sld [smem:$0x3FD9]  }
0x89: {  	s3 =	sld [smem:$0x3FFE];
	_ =	sdelay $0x1  }
0x8a: {  	s1 =	srdreg.scid  }
0x8b: {  	s0 =	sand.u32 $0x1, s1  }
0x8c: {  	s16 =	sshll.u32 s0, $0xA;
	s2 =	sadd.s32 s3, s2  }
0x8d: {  	s2 =	sadd.s32 s2, s16  }
0x8e: {  	[smem:$0x3FB8] =	sst s2  }
0x8f: {  	_ = 	snop  }
0x90: {  	(tm) =	ssettm $0x1  }
0x91: {  	s17 =	sld [smem:$0x3FFB];
	_ =	sdelay $0x3  }
0x92: {  	_ =	strace s17  }
0x93: {  	s2 =	sld [smem:$0x3FFC];
	_ =	sdelay $0x3  }
0x94: {  	_ =	strace s2  }
0x95: {  	s2 =	sld [smem:$0x3FFD];
	_ =	sdelay $0x3  }
0x96: {  	_ =	strace s2  }
0x97: {  	_ =	strace $0x8FFFFFFF  }
0x98: {  	s18 =	sld [smem:$0x3FDB];
	_ =	sdelay $0x1  }
0x99: {  	s19 =	simm.s32 $_scs_section_size  }
0x9a: {  	s4 =	simm.s32 $_size__tile_overlayer_lowered;
	s5 =	simm.s32 $_tile_overlayer_lowered  }
0x9b: {  	s22 =	simm.s32 $0x1BFF;
	s21 =	sshll.u32 s5, $0x1;
	s2 =	sadd.s32 s19, s18  }
0x9c: {  	s6 =	simm.s32 $0x0;
	s20 =	sshll.u32 s4, $0x1;
	s4 =	sadd.s32 s21, s2  }
0x9d: {  	[timem:s6], [sflag:s22] =	dma.local [hbm:s4], s20  }
0x9e: {  	_ =	swait.ge [sflag:s22], s20  }
0x9f: {  	s3 =	ssub.s32 $0x0, s20;
	[sflag:s22] =	ssyncset.done $0x0  }
0xa0: {  	[sflag:s22] =	ssyncadd.s32 s3;
	_ =	sdelay $0x1  }
0xa1: {  	s23 =	simm.s32 $0x1B8B  }
0xa2: {  	_ =	swait.ge [sflag:s23], $0x1  }
0xa3: {  	[sflag:s23] =	ssyncset.done $0x0  }
0xa4: {  	s25 =	simm.s32 $0x1B8E;
	s24 =	sld [smem:$0x3FFE];
	[sflag:s23] =	ssyncadd.s32 $0xFFFFFFFF  }
0xa5: {  	s26 =	simm.s32 $execute0_lowered;
	[smem:$0x3FD2] =	sst s25  }
0xa6: {  	s4 =	sshll.u32 s26, $0x1;
	_ =	strace $0x8000004C;
	[dreg:$0x1] =	wrdreg $0xFFFFFFFF  }
0xa7: {  	s28 =	simm.s32 $_size_execute0_lowered;
	s2 =	sadd.s32 s2, s4;
	[dreg:$0x0] =	wrdreg $0x0  }
0xa8: {  	s4 =	sshll.u32 s28, $0x1;
	[dreg:$0x2] =	wrdreg s2  }
0xa9: {  	[dreg:$0x3] =	wrdreg s4  }
0xaa: {  	[dreg:$0x4] =	wrdreg $0xC0  }
0xab: {  	_ =	task [dreg:s6], $0x5FFFF  }
0xac: {  	[dreg:$0x1] =	wrdreg $0xFFFFFFFF  }
0xad: {  	[dreg:$0x0] =	wrdreg $0x60  }
0xae: {  	[dreg:$0x2] =	wrdreg s24  }
0xaf: {  	[dreg:$0x3] =	wrdreg $0x0  }
0xb0: {  	[dreg:$0x4] =	wrdreg $0x9  }
0xb1: {  	_ =	task.clear_ibuf [dreg:s6], $0x5FFFF;
	_ =	strace $0x9000004C  }
0xb2: {  	s29 =	simm.s32 $0x9;
	_ =	strace $0x8000004E  }
0xb3: {  	_ =	swait.ge [sflag:s29], $0x1  }
0xb4: {  	[sflag:s29] =	ssyncadd.s32 $0xFFFFFFFF  }
0xb5: {  	_ =	strace $0x9000004E  }
0xb6: {  	_ =	sfence  }
0xb7: {  	s30 =	sld [smem:$0x0];
	_ =	sdelay $0x2  }
0xb8: {  	s31 =	sshll.u32 s1, $0xD;
	s1 =	sshrl.u32 s1, $0x2  }
0xb9: {  	s3 =	sand.u32 $0x4000, s31;
	s1 =	sadd.s32 s1, s30  }
0xba: {  	s0 =	sor.u32 s3, s0;
	s1 =	sshll.u32 s1, $0x11  }
0xbb: {  	s0 =	sor.u32 s1, s0  }
0xbc: {  	s0 =	sadd.s32 $0x8F2B, s0  }
0xbd: {  	[sflag:s0] =	ssyncadd.remote.s32 $0x1  }
0xbe: {  	_ =	sfence.sel $0xFFFF  }
0xbf: {  	[dreg:$0x0] =	wrdreg $0xFFFFFFFF;
	(pc) =	sbr.abs _section_cstart, $3  }
0xc0: {  	[dreg:$0x1] =	wrdreg $0xFFFFFFFF  }
0xc1: {  	_ =	task.clear_ibuf [dreg:s6], $0x2FFFF;
	_ =	strace $0x9FFFFFFF  }
0xc2: {  	(tm) =	ssettm $0x7FFFFFFF  }
0xc3: {  	_ =	shalt  }
tec
execute0_lowered:
.L_overlay_start_1:
0x0: {  	(tag) =	ssettag $0x1  }
0x1: {  	s0 =	rddreg [dreg:$0x0]  }
0x2: {  	s1 =	rddreg [dreg:$0x1]  }
0x3: {  	s2 =	simm.s32 $0x0;
	s4 =	srdreg.scid;
	s19 =	stileid.u32  }
0x4: {  	s28 =	simm.s32 $0x16000;
	s29 =	simm.s32 $0x40;
	s30 =	simm.s32 $0x16200  }
0x5: {  	s31 =	simm.s32 $0x1A200;
	[smem:$0x7FF] =	sst s2;
	s3 =	sadd.s32 $0x18C00, s0  }
0x6: {  	s7 =	sadd.s32 $0xEE00, s0;
	s5 =	sadd.s32 $0x5000, s0;
	s12 =	smul.u32 $0x50000, s19  }
0x7: {  	s6 =	sadd.s32 $0x3FE00, s0;
	s8 =	sand.u32 $0x1, s4;
	s24 =	smul.u32 $0x2800, s19  }
0x8: {  	s21 =	sadd.s32 $0x12C000, s1;
	s15 =	smul.u32 $0x2710, s19;
	_ =	strace $0x8000004D  }
0x9: {  	[dreg:$0x3] =	wrdreg s6;
	s9 =	smul.u32 $0x27100, s8;
	s10 =	sshll.u32 s8, $0x4  }
0xa: {  	s11 =	ssub.s32 $0x2, s8;
	p3 =	seq.s32 s8, $0x1;
	s10 =	sor.u32 s19, s10  }
0xb: {  	s14 =	sshrl.u32 s11, $0x1;
	s12 =	sshrl.u32 s12, $0x2;
	[dreg:$0x4] =	wrdreg s24  }
0xc: {  	s4 =	sadd.s32 s3, s24;
	p1 =	seq.s32 @p3 s19, $0xF;
	p4 =	seq.s32 @!p3 s19, $0xF  }
0xd: {  	s13 =	sadd.s32 s9, s0;
	s10 =	smul.u32 $0x2710, s10;
	s11 =	ssub.s32 s11, s14  }
0xe: {  	s20 =	sadd.s32 s12, s1;
	[dreg:$0x5] =	wrdreg s4;
	s0 =	sadd.s32 $0x3E400, s0  }
0xf: {  	s22 =	sadd.s32 s15, s9;
	p0 =	por !p1, !p3;
	p1 =	por p1, !p3  }
0x10: {  	p2 =	por !p4, p3;
	p3 =	por p4, p3;
	p4 =	seq.s32 s19, $0xF  }
0x11: {  	s12 =	simm.s32 $0x1C200;
	s15 =	simm.s32 $0x7;
	[dreg:$0x8] =	wrdreg s0  }
0x12: {  	s17 =	sadd.s32 $0x69800, s13;
	s18 =	smax.u32 s11, $0x1;
	[dreg:$0x6] =	wrdreg s20  }
0x13: {  	s23 =	sadd.s32 $0x100, s22;
	s24 =	sadd.s32 $0x140, s22;
	[dreg:$0xf] =	wrdreg s17  }
0x14: {  	s9 =	sadd.s32 $0x180, s22;
	s13 =	simm.s32 $0x1;
	[dreg:$0x10] =	wrdreg s18  }
0x15: {  	s25 =	sshrl.u32 s10, $0x3;
	[dreg:$0x11] =	wrdreg s23;
	s9 =	sshrl.u32 s9, $0x3  }
0x16: {  	s17 =	simm.s32 $0x8;
	s23 =	simm.s32 $0x0;
	s6 =	sadd.s32 s7, s25  }
0x17: {  	s26 =	sadd.s32 s5, s25;
	s14 =	sadd.s32 $0x4E0, s25;
	[dreg:$0x9] =	wrdreg s6  }
0x18: {  	s8 =	sadd.s32 $0x8, s26;
	s10 =	sadd.s32 $0x10, s26;
	[dreg:$0x7] =	wrdreg s26  }
0x19: {  	s4 =	sadd.s32 $0x18, s26;
	s16 =	sadd.s32 s7, s14;
	[dreg:$0xa] =	wrdreg s8  }
0x1a: {  	s0 =	sadd.s32 s5, s14;
	s7 =	sshrl.u32 s24, $0x3;
	[dreg:$0xb] =	wrdreg s10  }
0x1b: {  	s26 =	sadd.s32 s9, s5;
	s9 =	simm.s32 $0x16180;
	[dreg:$0xc] =	wrdreg s4  }
.Ltmp0:
0x1c: {  	s14 =	simm.s32 $0x3;
	[dreg:$0xd] =	wrdreg s16;
	(pc) =	sbr.rel .LBB2_1-.Ltmp0, $4  }
0x1d: {  	[dreg:$0xe] =	wrdreg s0;
	s0 =	sadd.s32 $0x1C0, s22;
	s25 =	sadd.s32 s7, s5  }
0x1e: {  	[dreg:$0x13] =	wrdreg s26;
	s26 =	simm.s32 $0x9;
	s0 =	sshrl.u32 s0, $0x3  }
0x1f: {  	s7 =	simm.s32 $0x5;
	[dreg:$0x12] =	wrdreg s25;
	s0 =	sadd.s32 s0, s5  }
0x20: {  	s16 =	simm.s32 $0x4;
	[dreg:$0x14] =	wrdreg s0;
	s0 =	simm.s32 $0x16100  }
.LBB2_4:
0x21: {  	_ =	swait.ge [sflag:s16], $0x40  }
0x22: {  	[sflag:s16] =	ssyncset.done $0x0  }
0x23: {  	[sflag:s16] =	ssyncadd.s32 $0xFFFFFFC0  }
0x24: {  	_ =	swait.ge [sflag:s17], $0x2000  }
0x25: {  	[sflag:s17] =	ssyncset.done $0x0  }
0x26: {  	[sflag:s17] =	ssyncadd.s32 $0xFFFFE000  }
0x27: {  	[spmem:s1] =	stream.indirect.scatter.add.f32 [tilespmem:s12], [sflag:$0x9], $0x80, s9, s29, $0xb8;
	[tilespmem:$0x1EB00] =	vst v63  }
0x28: {  	_ =	swait.ge [sflag:s26], $0x2000  }
0x29: {  	[sflag:s26] =	ssyncset.done $0x0  }
0x2a: {  	s6 =	simm.s32 $0x1E200;
	s4 =	rddreg [dreg:$0xd];
	[sflag:s26] =	ssyncadd.s32 $0xFFFFE000  }
0x2b: {  	[tilespmem:s6], [sflag:$0x9] =	stream.linear.gather [hbm4b:s4+s2], $0x10, $0x38;
	[tilespmem:$0x1EB00] =	vst v63  }
0x2c: {  	_ =	swait.ge [sflag:s26], $0x10  }
0x2d: {  	[sflag:s26] =	ssyncset.done $0x0  }
0x2e: {  	s8 =	simm.s32 $0x1E280;
	s22 =	rddreg [dreg:$0xe];
	[sflag:s26] =	ssyncadd.s32 $0xFFFFFFF0  }
0x2f: {  	[tilespmem:s8], [sflag:$0x9] =	stream.linear.gather [hbm4b:s22+s2], $0x10, $0x38;
	[tilespmem:$0x1EB00] =	vst v63  }
0x30: {  	_ =	swait.ge [sflag:s26], $0x10  }
0x31: {  	[sflag:s26] =	ssyncset.done $0x0  }
0x32: {  	s24 =	simm.s32 $0x10;
	s11 =	simm.s32 $0x1E300;
	[sflag:s26] =	ssyncadd.s32 $0xFFFFFFF0  }
0x33: {  	[tilespmem:s11], [sflag:$0x5] =	stream.indirect.gather [hbm4b:s3+s24], $0x80, s6, s24, $0xb8;
	[tilespmem:$0x1EB00] =	vst v63  }
0x34: {  	_ =	swait.ge [sflag:s7], $0x800  }
0x35: {  	[sflag:s7] =	ssyncset.done $0x0  }
0x36: {  	[sflag:s7] =	ssyncadd.s32 $0xFFFFF800  }
0x37: {  	[spmem:s1] =	stream.indirect.scatter.add.f32 [tilespmem:s11], [sflag:$0x9], $0x80, s8, s24, $0xb8;
	[tilespmem:$0x1EB00] =	vst v63  }
0x38: {  	_ =	swait.ge [sflag:s26], $0x800  }
0x39: {  	[sflag:s26] =	ssyncset.done $0x0  }
0x3a: {  	[sflag:s26] =	ssyncadd.s32 $0xFFFFF800  }
0x3b: {  	[bflag:$0x0] =	sbarrier.arrive $0xFFFF  }
0x3c: {  	s11 =	rddreg [dreg:$0xf]  }
0x3d: {  	s6 =	sshrl.u32 @p4 s10, $0x3;
	s8 =	simm.s32 @p4 $0x1FC9;
	s4 =	sadd.s32 @p4 $0x25800, s11  }
0x3e: {  	[hbm:s4], [sflag:s8] =	dma.local @p4 [spmem:s6], $0x1900  }
0x3f: {  	s4 =	simm.s32 @p4 $0x9  }
0x40: {  	_ =	swait.ge @p4 [sflag:s4], $0x1900  }
0x41: {  	s19 =	stileid.u32;
	[sflag:s4] =	ssyncset.done @p4 $0x0;
	s6 =	rddreg [dreg:$0x4]  }
0x42: {  	s20 =	rddreg [dreg:$0x6];
	[sflag:s4] =	ssyncadd.s32 @p4 $0xFFFFE700;
	s4 =	sshll.u32 @!p4 s19, $0x6  }
0x43: {  	s6 =	sadd.s32 @!p4 s6, s11;
	s8 =	sshrl.u32 @!p4 s20, $0x3;
	s4 =	sor.u32 @!p4 $0x1C09, s4  }
0x44: {  	[hbm:s6], [sflag:s4] =	dma.local @!p4 [spmem:s8], $0x2800  }
0x45: {  	s4 =	simm.s32 @!p4 $0x9  }
0x46: {  	_ =	swait.ge @!p4 [sflag:s4], $0x2800  }
0x47: {  	s23 =	sadd.s32 $0x1, s23;
	s25 =	rddreg [dreg:$0x10]  }
0x48: {  	p5 =	sne.s32 s23, s25  }
.Ltmp1:
0x49: {  	_ = 	snop;
	(pc) =	sbr.rel @!p5 .LBB2_5-.Ltmp1, $3  }
0x4a: {  	_ =	sdelay $0x1  }
0x4b: {  	[sflag:s4] =	ssyncset.done @!p4 $0x0  }
0x4c: {  	s21 =	smov.u32 s10;
	[sflag:s4] =	ssyncadd.s32 @!p4 $0xFFFFD800  }
.LBB2_1:
0x4d: {  	s11 =	sshrl.u32 @!p0 s21, $0x3;
	s18 =	simm.s32 @!p0 $0x1FC9;
	s4 =	rddreg [dreg:$0x3]  }
0x4e: {  	[spmem:s11], [sflag:s18] =	dma.local @!p0 [hbm:s4], $0x1900  }
0x4f: {  	s11 =	simm.s32 @!p0 $0x9  }
0x50: {  	_ =	swait.ge @!p0 [sflag:s11], $0x1900  }
0x51: {  	s18 =	sshll.u32 @!p1 s19, $0x6;
	[sflag:s11] =	ssyncset.done @!p0 $0x0  }
0x52: {  	[sflag:s11] =	ssyncadd.s32 @!p0 $0xFFFFE700;
	s11 =	sor.u32 @!p1 $0x1C09, s18;
	s18 =	sshrl.u32 @!p1 s20, $0x3  }
0x53: {  	[spmem:s18], [sflag:s11] =	dma.local @!p1 [hbm:s4], $0x2800  }
0x54: {  	s11 =	simm.s32 @!p1 $0x9  }
0x55: {  	_ =	swait.ge @!p1 [sflag:s11], $0x2800  }
0x56: {  	s18 =	simm.s32 @!p2 $0x1FC9;
	[sflag:s11] =	ssyncset.done @!p1 $0x0  }
0x57: {  	s4 =	rddreg [dreg:$0x8];
	[sflag:s11] =	ssyncadd.s32 @!p1 $0xFFFFD800;
	s11 =	sshrl.u32 @!p2 s21, $0x3  }
0x58: {  	[spmem:s11], [sflag:s18] =	dma.local @!p2 [hbm:s4], $0x1900  }
0x59: {  	s11 =	simm.s32 @!p2 $0x9  }
0x5a: {  	_ =	swait.ge @!p2 [sflag:s11], $0x1900  }
0x5b: {  	s18 =	sshll.u32 @!p3 s19, $0x6;
	[sflag:s11] =	ssyncset.done @!p2 $0x0;
	s4 =	rddreg [dreg:$0x5]  }
0x5c: {  	[sflag:s11] =	ssyncadd.s32 @!p2 $0xFFFFE700;
	s11 =	sor.u32 @!p3 $0x1C09, s18;
	s18 =	sshrl.u32 @!p3 s20, $0x3  }
0x5d: {  	[spmem:s18], [sflag:s11] =	dma.local @!p3 [hbm:s4], $0x2800  }
0x5e: {  	s11 =	simm.s32 @!p3 $0x9  }
0x5f: {  	_ =	swait.ge @!p3 [sflag:s11], $0x2800  }
0x60: {  	[sflag:s11] =	ssyncset.done @!p3 $0x0  }
0x61: {  	s6 =	simm.s32 $0x13880;
	s25 =	rddreg [dreg:$0x9];
	[sflag:s11] =	ssyncadd.s32 @!p3 $0xFFFFD800  }
0x62: {  	[tilespmem:s6], [sflag:$0x9] =	stream.linear.gather [hbm4b:s25+s2], $0x2710, $0x38;
	[tilespmem:$0x1EB00] =	vst v63  }
0x63: {  	_ =	swait.ge [sflag:s26], $0x2710  }
0x64: {  	[sflag:s26] =	ssyncset.done $0x0  }
0x65: {  	[sflag:s26] =	ssyncadd.s32 $0xFFFFD8F0  }
0x66: {  	[bflag:$0x0] =	sbarrier.arrive $0xFFFF  }
0x67: {  	s8 =	rddreg [dreg:$0x7]  }
0x68: {  	[tilespmem:s28], [sflag:$0x1] =	stream.linear.gather [hbm4b:s8+s2], $0x40, $0x38;
	[tilespmem:$0x1EB00] =	vst v63  }
0x69: {  	_ = 	snop  }
0x6a: {  	[tilespmem:s30], [sflag:$0x5] =	stream.indirect.gather [hbm4b:s3+s29], $0x80, s6, s29, $0xb8;
	[tilespmem:$0x1EB00] =	vst v63  }
0x6b: {  	s10 =	smov.u32 s21;
	s18 =	simm.s32 $0x16080;
	s11 =	rddreg [dreg:$0xa]  }
0x6c: {  	[tilespmem:s18], [sflag:$0x2] =	stream.linear.gather [hbm4b:s11+s2], $0x40, $0x38;
	[tilespmem:$0x1EB00] =	vst v63  }
0x6d: {  	s19 =	simm.s32 $0x138C0;
	s20 =	simm.s32 $0x18200;
	s21 =	rddreg [dreg:$0xb]  }
0x6e: {  	[tilespmem:s20], [sflag:$0x6] =	stream.indirect.gather [hbm4b:s3+s29], $0x80, s19, s29, $0xb8;
	[tilespmem:$0x1EB00] =	vst v63  }
0x6f: {  	s24 =	rddreg [dreg:$0xc]  }
0x70: {  	[tilespmem:s0], [sflag:$0x3] =	stream.linear.gather [hbm4b:s21+s2], $0x40, $0x38;
	[tilespmem:$0x1EB00] =	vst v63  }
0x71: {  	s22 =	simm.s32 $0x13900;
	s11 =	rddreg [dreg:$0x13]  }
0x72: {  	[tilespmem:s31], [sflag:$0x7] =	stream.indirect.gather [hbm4b:s3+s29], $0x80, s22, s29, $0xb8;
	[tilespmem:$0x1EB00] =	vst v63  }
0x73: {  	s18 =	rddreg [dreg:$0x11]  }
0x74: {  	[tilespmem:s9], [sflag:$0x4] =	stream.linear.gather [hbm4b:s24+s2], $0x40, $0x38;
	[tilespmem:$0x1EB00] =	vst v63  }
0x75: {  	s25 =	simm.s32 $0x13940;
	s24 =	rddreg [dreg:$0x14]  }
0x76: {  	[tilespmem:s12], [sflag:$0x8] =	stream.indirect.gather [hbm4b:s3+s29], $0x80, s25, s29, $0xb8;
	[tilespmem:$0x1EB00] =	vst v63  }
0x77: {  	s20 =	simm.s32 $0x0;
	s25 =	rddreg [dreg:$0x12]  }
.LBB2_2:
0x78: {  	_ =	swait.ge [sflag:s13], $0x40  }
0x79: {  	[sflag:s13] =	ssyncset.done $0x0  }
0x7a: {  	[sflag:s13] =	ssyncadd.s32 $0xFFFFFFC0  }
0x7b: {  	_ =	swait.ge [sflag:s7], $0x2000  }
0x7c: {  	[sflag:s7] =	ssyncset.done $0x0  }
0x7d: {  	[sflag:s7] =	ssyncadd.s32 $0xFFFFE000  }
0x7e: {  	[spmem:s1] =	stream.indirect.scatter.add.f32 [tilespmem:s30], [sflag:$0x9], $0x80, s28, s29, $0xb8;
	[tilespmem:$0x1EB00] =	vst v63  }
0x7f: {  	_ =	swait.ge [sflag:s26], $0x2000  }
0x80: {  	p5 =	seq.s32 s20, $0x9800;
	[sflag:s26] =	ssyncset.done $0x0  }
0x81: {  	s21 =	simm.s32 @p5 $0x2;
	[sflag:s26] =	ssyncadd.s32 $0xFFFFE000  }
0x82: {  	_ =	swait.ge @p5 [sflag:s21], $0x40  }
0x83: {  	[sflag:s21] =	ssyncset.done @p5 $0x0  }
0x84: {  	[sflag:s21] =	ssyncadd.s32 @p5 $0xFFFFFFC0;
	s21 =	simm.s32 @p5 $0x6  }
0x85: {  	_ =	swait.ge @p5 [sflag:s21], $0x2000  }
0x86: {  	s22 =	simm.s32 @p5 $0x16080;
	[sflag:s21] =	ssyncset.done @p5 $0x0  }
0x87: {  	s4 =	simm.s32 @p5 $0x18200;
	[sflag:s21] =	ssyncadd.s32 @p5 $0xFFFFE000;
	s21 =	simm.s32 @p5 $0x40  }
0x88: {  	[spmem:s1] =	stream.indirect.scatter.add.f32 @p5 [tilespmem:s4], [sflag:$0x9], $0x80, s22, s21, $0xb8;
	[tilespmem:$0x1EB00] =	vst v63  }
0x89: {  	s4 =	simm.s32 @p5 $0x9  }
0x8a: {  	_ =	swait.ge @p5 [sflag:s4], $0x2000  }
0x8b: {  	[sflag:s4] =	ssyncset.done @p5 $0x0  }
0x8c: {  	[sflag:s4] =	ssyncadd.s32 @p5 $0xFFFFE000;
	s4 =	sshrl.u32 @!p5 s18, $0x3  }
0x8d: {  	s21 =	simm.s32 @!p5 $0x0;
	s22 =	simm.s32 @!p5 $0x16000;
	s4 =	sadd.s32 @!p5 s5, s4  }
0x8e: {  	[tilespmem:s22], [sflag:$0x1] =	stream.linear.gather @!p5 [hbm4b:s4+s21], $0x40, $0x38;
	[tilespmem:$0x1EB00] =	vst v63  }
0x8f: {  	s4 =	sshra.s32 @!p5 s20, $0x2  }
0x90: {  	s6 =	simm.s32 @!p5 $0x40;
	s19 =	simm.s32 @!p5 $0x16200;
	s22 =	sadd.s32 @!p5 $0x13980, s4  }
0x91: {  	[tilespmem:s19], [sflag:$0x5] =	stream.indirect.gather @!p5 [hbm4b:s3+s6], $0x80, s22, s6, $0xb8;
	[tilespmem:$0x1EB00] =	vst v63  }
0x92: {  	s19 =	simm.s32 @!p5 $0x2  }
0x93: {  	_ =	swait.ge @!p5 [sflag:s19], $0x40  }
0x94: {  	[sflag:s19] =	ssyncset.done @!p5 $0x0  }
0x95: {  	[sflag:s19] =	ssyncadd.s32 @!p5 $0xFFFFFFC0;
	s19 =	simm.s32 @!p5 $0x6  }
0x96: {  	_ =	swait.ge @!p5 [sflag:s19], $0x2000  }
0x97: {  	s8 =	simm.s32 @!p5 $0x9;
	[sflag:s19] =	ssyncset.done @!p5 $0x0  }
0x98: {  	s22 =	simm.s32 @!p5 $0x18200;
	[sflag:s19] =	ssyncadd.s32 @!p5 $0xFFFFE000;
	s19 =	simm.s32 @!p5 $0x16080  }
0x99: {  	[spmem:s1] =	stream.indirect.scatter.add.f32 @!p5 [tilespmem:s22], [sflag:$0x9], $0x80, s19, s6, $0xb8;
	[tilespmem:$0x1EB00] =	vst v63  }
0x9a: {  	_ =	swait.ge @!p5 [sflag:s8], $0x2000  }
0x9b: {  	[sflag:s8] =	ssyncset.done @!p5 $0x0  }
0x9c: {  	[sflag:s8] =	ssyncadd.s32 @!p5 $0xFFFFE000  }
0x9d: {  	[tilespmem:s19], [sflag:$0x2] =	stream.linear.gather @!p5 [hbm4b:s25+s21], $0x40, $0x38;
	[tilespmem:$0x1EB00] =	vst v63  }
0x9e: {  	s4 =	sadd.s32 @!p5 $0x139C0, s4  }
0x9f: {  	[tilespmem:s22], [sflag:$0x6] =	stream.indirect.gather @!p5 [hbm4b:s3+s6], $0x80, s4, s6, $0xb8;
	[tilespmem:$0x1EB00] =	vst v63  }
0xa0: {  	_ =	swait.ge [sflag:s14], $0x40  }
0xa1: {  	[sflag:s14] =	ssyncset.done $0x0  }
0xa2: {  	[sflag:s14] =	ssyncadd.s32 $0xFFFFFFC0  }
0xa3: {  	_ =	swait.ge [sflag:s15], $0x2000  }
0xa4: {  	[sflag:s15] =	ssyncset.done $0x0  }
.Ltmp2:
0xa5: {  	[sflag:s15] =	ssyncadd.s32 $0xFFFFE000;
	(pc) =	sbr.rel @p5 .LBB2_4-.Ltmp2, $4  }
0xa6: {  	[spmem:s1] =	stream.indirect.scatter.add.f32 [tilespmem:s31], [sflag:$0x9], $0x80, s0, s29, $0xb8;
	[tilespmem:$0x1EB00] =	vst v63  }
0xa7: {  	_ =	swait.ge [sflag:s26], $0x2000  }
0xa8: {  	[sflag:s26] =	ssyncset.done $0x0  }
0xa9: {  	[sflag:s26] =	ssyncadd.s32 $0xFFFFE000  }
0xaa: {  	[tilespmem:s0], [sflag:$0x3] =	stream.linear.gather [hbm4b:s11+s2], $0x40, $0x38;
	[tilespmem:$0x1EB00] =	vst v63  }
0xab: {  	s4 =	sshra.s32 s20, $0x2  }
0xac: {  	s6 =	sadd.s32 $0x13A00, s4  }
0xad: {  	[tilespmem:s31], [sflag:$0x7] =	stream.indirect.gather [hbm4b:s3+s29], $0x80, s6, s29, $0xb8;
	[tilespmem:$0x1EB00] =	vst v63  }
0xae: {  	_ =	swait.ge [sflag:s16], $0x40  }
0xaf: {  	[sflag:s16] =	ssyncset.done $0x0  }
0xb0: {  	[sflag:s16] =	ssyncadd.s32 $0xFFFFFFC0  }
0xb1: {  	_ =	swait.ge [sflag:s17], $0x2000  }
0xb2: {  	[sflag:s17] =	ssyncset.done $0x0  }
0xb3: {  	[sflag:s17] =	ssyncadd.s32 $0xFFFFE000  }
0xb4: {  	[spmem:s1] =	stream.indirect.scatter.add.f32 [tilespmem:s12], [sflag:$0x9], $0x80, s9, s29, $0xb8;
	[tilespmem:$0x1EB00] =	vst v63  }
0xb5: {  	_ =	swait.ge [sflag:s26], $0x2000  }
.Ltmp3:
0xb6: {  	s20 =	sadd.s32 $0x400, s20;
	[sflag:s26] =	ssyncset.done $0x0;
	(pc) =	sbr.rel .LBB2_2-.Ltmp3, $4  }
0xb7: {  	s18 =	sadd.s32 $0x100, s18;
	s25 =	sadd.s32 $0x20, s25;
	[sflag:s26] =	ssyncadd.s32 $0xFFFFE000  }
0xb8: {  	[tilespmem:s9], [sflag:$0x4] =	stream.linear.gather [hbm4b:s24+s2], $0x40, $0x38;
	[tilespmem:$0x1EB00] =	vst v63  }
0xb9: {  	s11 =	sadd.s32 $0x20, s11;
	s4 =	sadd.s32 $0x13A40, s4;
	s24 =	sadd.s32 $0x20, s24  }
0xba: {  	[tilespmem:s12], [sflag:$0x8] =	stream.indirect.gather [hbm4b:s3+s29], $0x80, s4, s29, $0xb8;
	[tilespmem:$0x1EB00] =	vst v63  }
.LBB2_5:
0xbb: {  	_ =	sfence.sel $0x180000  }
0xbc: {  	[bflag:$0x0] =	sbarrier.arrive $0xFFFF  }
0xbd: {  	_ =	strace $0x9000004D  }
0xbe: {  	[bflag:$0x2] =	sbarrier.arrive $0xFFFF  }
0xbf: {  	p0 =	sne.s32 s19, $0x0;
	s0 =	rddreg [dreg:$0x2]  }
0xc0: {  	s0 =	sadd.s32 @!p0 $0x100000, s0  }
0xc1: {  	[sflag:s0] =	ssyncadd.tile.s32 @!p0 $0x1;
	_ =	shalt  }
.Lfunc_end2:
_tile_overlayer_lowered:
.L_overlay_start_2:
0xc2: {  	(tag) =	ssettag $0x2  }
0xc3: {  	s0 =	rddreg [dreg:$0x0];
	s2 =	stileid.u32  }
0xc4: {  	s1 =	rddreg [dreg:$0x1];
	p0 =	sne.s32 s2, $0x0  }
0xc5: {  	s3 =	rddreg [dreg:$0x2];
	[bflag:$0x3] =	sbarrier.arrive $0xFFFF;
	s2 =	simm.s32 @!p0 $0x1C09  }
0xc6: {  	[timem:s3], [sflag:s2] =	dma.local @!p0 [hbm:s0], s1  }
0xc7: {  	s0 =	simm.s32 @!p0 $0x9  }
0xc8: {  	_ =	swait.ge @!p0 [sflag:s0], s1  }
0xc9: {  	s1 =	ssub.s32 @!p0 $0x0, s1;
	[sflag:s0] =	ssyncset.done @!p0 $0x0  }
0xca: {  	[sflag:s0] =	ssyncadd.s32 @!p0 s1  }
0xcb: {  	[bflag:$0x3] =	sbarrier.arrive $0xFFFF  }
0xcc: {  	_ =	shalt  }

// kernel: kernel.22.cloned.1.call-start
scs
__scs_entry_jumppad:
0x0: {  	(pc) =	sbr.rel $0x88, $3  }
0x1: {  	(tag) =	ssettag $0x0;
	lr =	simm.s32 $0x1  }
0x2: {  	[smem:$0x3F91] =	sst lr;
	_ =	strace $0xD0000000  }
0x3: {  	_ = 	snop  }
0x4: {  	_ = 	snop  }
0x5: {  	_ = 	snop  }
0x6: {  	_ = 	snop  }
0x7: {  	_ = 	snop  }
__scs_overlays_trampoline_lowered:
0x8: {  	[smem:$0x3FA0] =	sst s0  }
0x9: {  	[smem:$0x3FA1] =	sst s1  }
0xa: {  	[smem:$0x3FA2] =	sst s2  }
0xb: {  	[smem:$0x3FA3] =	sst s3  }
0xc: {  	[smem:$0x3FA4] =	sst s4  }
0xd: {  	[smem:$0x3FA5] =	sst s5  }
0xe: {  	[smem:$0x3FA6] =	sst s6  }
0xf: {  	[smem:$0x3FA7] =	sst s7  }
0x10: {  	[smem:$0x3FA8] =	sst s8  }
0x11: {  	[smem:$0x3FA9] =	sst s9;
	s0 =	simm.s32 @!p0 $0x0  }
0x12: {  	s1 =	sld [smem:$0x3F8F];
	s0 =	simm.s32 @p0 $0x1  }
0x13: {  	[smem:$0x3FAA] =	sst s0;
	s0 =	simm.s32 @!p1 $0x0  }
0x14: {  	s2 =	sld [smem:$0x3F8E];
	s0 =	simm.s32 @p1 $0x1  }
0x15: {  	[smem:$0x3FAB] =	sst s0;
	s0 =	simm.s32 @!p2 $0x0  }
0x16: {  	s3 =	sld [smem:$0x3FDB];
	s0 =	simm.s32 @p2 $0x1  }
0x17: {  	s4 =	simm.s32 $0x1BF5;
	[smem:$0x3FAD] =	sst s0  }
0x18: {  	s0 =	sld [smem:$0x3F90];
	_ =	swait.ge [sflag:s4], $0x0  }
0x19: {  	s7 =	sld [smem:$0x3F91]  }
0x1a: {  	s8 =	sadd.s32 $0xFFFFE003, lr  }
0x1b: {  	s9 =	sadd.s32 $0xFFFFFEF7, lr;
	s5 =	simm.s32 $0xFFFFFFFF;
	p2 =	slt.u32 s8, $0xFFFFF086  }
0x1c: {  	p1 =	slt.u32 s9, $0xF7A;
	s5 =	simm.s32 @!p2 $0x0  }
0x1d: {  	s5 =	simm.s32 @p1 $0x1;
	p0 =	seq.s32 s7, s2  }
0x1e: {  	s7 =	smul.u32 @!p0 $0xF7A, s2;
	p2 =	seq.s32 @!p0 s5, $0x0  }
0x1f: {  	s9 =	smul.u32 $0xF7A, s1;
	s8 =	simm.s32 @!p0 $0x1BF5;
	p2 =	por !p2, p0  }
0x20: {  	[sflag:s8] =	ssyncset.s32 @!p0 $0xFFFFF086;
	s6 =	sadd.s32 @!p0 s3, s7;
	s7 =	simm.s32 @!p0 $0x108  }
0x21: {  	s3 =	sadd.s32 s3, s9;
	s6 =	sadd.s32 @!p0 $0x88, s6;
	s7 =	simm.s32 @p2 $0x1082  }
0x22: {  	[simem:s7], [sflag:s8] =	dma.local @!p0 [hbm:s6], $0xF7A  }
0x23: {  	s9 =	sor.u32 $0xD0000000, s2;
	s6 =	simm.s32 $0x108;
	_ =	swait.ge @!p0 [sflag:s8], $0x0  }
0x24: {  	s3 =	sadd.s32 $0x88, s3;
	s6 =	simm.s32 @!p1 $0x1082;
	[sflag:s4] =	ssyncset.s32 $0xFFFFF086  }
0x25: {  	[simem:s6], [sflag:s4] =	dma.local [hbm:s3], $0xF7A  }
0x26: {  	[smem:$0x3F91] =	sst s1;
	(tag) =	ssettag s2;
	_ =	strace s9  }
0x27: {  	s1 =	sld [smem:$0x3FA1]  }
0x28: {  	s2 =	sld [smem:$0x3FA2]  }
0x29: {  	s4 =	sld [smem:$0x3FA4]  }
0x2a: {  	p0 =	seq.s32 s5, $0x0;
	s5 =	sld [smem:$0x3FA5]  }
0x2b: {  	s6 =	sld [smem:$0x3FA6]  }
0x2c: {  	s7 =	sld [smem:$0x3FA7]  }
0x2d: {  	s3 =	simm.s32 $0x108;
	s8 =	sld [smem:$0x3FA8]  }
0x2e: {  	s3 =	simm.s32 @!p0 $0x1082;
	s9 =	sld [smem:$0x3FA9]  }
0x2f: {  	lr =	sadd.s32 s0, s3;
	s0 =	sld [smem:$0x3FA0]  }
0x30: {  	s3 =	sld [smem:$0x3FA3]  }
0x31: {  	[smem:$0x3FAC] =	sst s10  }
0x32: {  	s10 =	sld [smem:$0x3FAA];
	_ =	sdelay $0x3  }
0x33: {  	p0 =	seq.s32 s10, $0x1;
	s10 =	sld [smem:$0x3FAC];
	_ =	sdelay $0x3  }
0x34: {  	[smem:$0x3FAC] =	sst s10  }
0x35: {  	s10 =	sld [smem:$0x3FAB];
	_ =	sdelay $0x3  }
0x36: {  	p1 =	seq.s32 s10, $0x1;
	s10 =	sld [smem:$0x3FAC];
	_ =	sdelay $0x3  }
0x37: {  	[smem:$0x3FAC] =	sst s10  }
0x38: {  	s10 =	sld [smem:$0x3FAD]  }
0x39: {  	_ = 	snop;
	(pc) =	sbr.ind lr, $3  }
0x3a: {  	_ = 	snop  }
0x3b: {  	_ = 	snop  }
0x3c: {  	p2 =	seq.s32 s10, $0x1;
	s10 =	sld [smem:$0x3FAC]  }
0x3d: {  	_ =	shalt  }
0x3e: {  	_ =	shalt  }
0x3f: {  	_ =	shalt  }
0x40: {  	_ =	shalt  }
0x41: {  	_ =	shalt  }
0x42: {  	_ =	shalt  }
0x43: {  	_ =	shalt  }
0x44: {  	_ =	shalt  }
0x45: {  	_ =	shalt  }
0x46: {  	_ =	shalt  }
0x47: {  	_ =	shalt  }
0x48: {  	_ =	shalt  }
0x49: {  	_ =	shalt  }
0x4a: {  	_ =	shalt  }
0x4b: {  	_ =	shalt  }
0x4c: {  	_ =	shalt  }
0x4d: {  	_ =	shalt  }
0x4e: {  	_ =	shalt  }
0x4f: {  	_ =	shalt  }
0x50: {  	_ =	shalt  }
0x51: {  	_ =	shalt  }
0x52: {  	_ =	shalt  }
0x53: {  	_ =	shalt  }
0x54: {  	_ =	shalt  }
0x55: {  	_ =	shalt  }
0x56: {  	_ =	shalt  }
0x57: {  	_ =	shalt  }
0x58: {  	_ =	shalt  }
0x59: {  	_ =	shalt  }
0x5a: {  	_ =	shalt  }
0x5b: {  	_ =	shalt  }
0x5c: {  	_ =	shalt  }
0x5d: {  	_ =	shalt  }
0x5e: {  	_ =	shalt  }
0x5f: {  	_ =	shalt  }
0x60: {  	_ =	shalt  }
0x61: {  	_ =	shalt  }
0x62: {  	_ =	shalt  }
0x63: {  	_ =	shalt  }
0x64: {  	_ =	shalt  }
0x65: {  	_ =	shalt  }
0x66: {  	_ =	shalt  }
0x67: {  	_ =	shalt  }
0x68: {  	_ =	shalt  }
0x69: {  	_ =	shalt  }
0x6a: {  	_ =	shalt  }
0x6b: {  	_ =	shalt  }
0x6c: {  	_ =	shalt  }
0x6d: {  	_ =	shalt  }
0x6e: {  	_ =	shalt  }
0x6f: {  	_ =	shalt  }
0x70: {  	_ =	shalt  }
0x71: {  	_ =	shalt  }
0x72: {  	_ =	shalt  }
0x73: {  	_ =	shalt  }
0x74: {  	_ =	shalt  }
0x75: {  	_ =	shalt  }
0x76: {  	_ =	shalt  }
0x77: {  	_ =	shalt  }
0x78: {  	_ =	shalt  }
0x79: {  	_ =	shalt  }
0x7a: {  	_ =	shalt  }
0x7b: {  	_ =	shalt  }
0x7c: {  	_ =	shalt  }
0x7d: {  	_ =	shalt  }
0x7e: {  	_ =	shalt  }
0x7f: {  	_ =	shalt  }
0x80: {  	_ =	shalt  }
0x81: {  	_ =	shalt  }
0x82: {  	_ =	shalt  }
0x83: {  	_ =	shalt  }
0x84: {  	_ =	shalt  }
0x85: {  	_ =	shalt  }
0x86: {  	_ =	shalt  }
0x87: {  	_ =	shalt  }
.Lfunc_end0:
.L_simem_size_0:
called_computation.3_lowered:
.L_overlay_start_0:
0x88: {  	s2 =	sld [smem:$0x3FD9]  }
0x89: {  	s3 =	sld [smem:$0x3FFE];
	_ =	sdelay $0x1  }
0x8a: {  	s1 =	srdreg.scid  }
0x8b: {  	s0 =	sand.u32 $0x1, s1  }
0x8c: {  	s16 =	sshll.u32 s0, $0xA;
	s2 =	sadd.s32 s3, s2  }
0x8d: {  	s2 =	sadd.s32 s2, s16  }
0x8e: {  	[smem:$0x3FB8] =	sst s2  }
0x8f: {  	_ = 	snop  }
0x90: {  	(tm) =	ssettm $0x1  }
0x91: {  	s17 =	sld [smem:$0x3FFB];
	_ =	sdelay $0x3  }
0x92: {  	_ =	strace s17  }
0x93: {  	s2 =	sld [smem:$0x3FFC];
	_ =	sdelay $0x3  }
0x94: {  	_ =	strace s2  }
0x95: {  	s2 =	sld [smem:$0x3FFD];
	_ =	sdelay $0x3  }
0x96: {  	_ =	strace s2  }
0x97: {  	_ =	strace $0x8FFFFFFF  }
0x98: {  	s18 =	sld [smem:$0x3FDB];
	_ =	sdelay $0x1  }
0x99: {  	s19 =	simm.s32 $_scs_section_size  }
0x9a: {  	s4 =	simm.s32 $_size__tile_overlayer_lowered;
	s5 =	simm.s32 $_tile_overlayer_lowered  }
0x9b: {  	s22 =	simm.s32 $0x1BFF;
	s21 =	sshll.u32 s5, $0x1;
	s2 =	sadd.s32 s19, s18  }
0x9c: {  	s6 =	simm.s32 $0x0;
	s20 =	sshll.u32 s4, $0x1;
	s4 =	sadd.s32 s21, s2  }
0x9d: {  	[timem:s6], [sflag:s22] =	dma.local [hbm:s4], s20  }
0x9e: {  	_ =	swait.ge [sflag:s22], s20  }
0x9f: {  	s3 =	ssub.s32 $0x0, s20;
	[sflag:s22] =	ssyncset.done $0x0  }
0xa0: {  	[sflag:s22] =	ssyncadd.s32 s3;
	_ =	sdelay $0x1  }
0xa1: {  	s23 =	simm.s32 $0x1B8B  }
0xa2: {  	_ =	swait.ge [sflag:s23], $0x1  }
0xa3: {  	[sflag:s23] =	ssyncset.done $0x0  }
0xa4: {  	s25 =	simm.s32 $0x1B8E;
	s24 =	sld [smem:$0x3FFE];
	[sflag:s23] =	ssyncadd.s32 $0xFFFFFFFF  }
0xa5: {  	s26 =	simm.s32 $execute0_lowered;
	[smem:$0x3FD2] =	sst s25  }
0xa6: {  	s4 =	sshll.u32 s26, $0x1;
	_ =	strace $0x8000004F;
	[dreg:$0x1] =	wrdreg $0xFFFFFFFF  }
0xa7: {  	s28 =	simm.s32 $_size_execute0_lowered;
	s2 =	sadd.s32 s2, s4;
	[dreg:$0x0] =	wrdreg $0x0  }
0xa8: {  	s4 =	sshll.u32 s28, $0x1;
	[dreg:$0x2] =	wrdreg s2  }
0xa9: {  	[dreg:$0x3] =	wrdreg s4  }
0xaa: {  	[dreg:$0x4] =	wrdreg $0xC0  }
0xab: {  	_ =	task [dreg:s6], $0x5FFFF  }
0xac: {  	[dreg:$0x1] =	wrdreg $0xFFFFFFFF  }
0xad: {  	[dreg:$0x0] =	wrdreg $0x60  }
0xae: {  	[dreg:$0x2] =	wrdreg s24  }
0xaf: {  	[dreg:$0x3] =	wrdreg $0x0  }
0xb0: {  	[dreg:$0x4] =	wrdreg $0x9  }
0xb1: {  	_ =	task.clear_ibuf [dreg:s6], $0x5FFFF;
	_ =	strace $0x9000004F  }
0xb2: {  	s29 =	simm.s32 $0x9;
	_ =	strace $0x80000051  }
0xb3: {  	_ =	swait.ge [sflag:s29], $0x1  }
0xb4: {  	[sflag:s29] =	ssyncadd.s32 $0xFFFFFFFF  }
0xb5: {  	_ =	strace $0x90000051  }
0xb6: {  	_ =	sfence  }
0xb7: {  	s30 =	sld [smem:$0x0];
	_ =	sdelay $0x2  }
0xb8: {  	s31 =	sshll.u32 s1, $0xD;
	s1 =	sshrl.u32 s1, $0x2  }
0xb9: {  	s3 =	sand.u32 $0x4000, s31;
	s1 =	sadd.s32 s1, s30  }
0xba: {  	s0 =	sor.u32 s3, s0;
	s1 =	sshll.u32 s1, $0x11  }
0xbb: {  	s0 =	sor.u32 s1, s0  }
0xbc: {  	s0 =	sadd.s32 $0x8F2B, s0  }
0xbd: {  	[sflag:s0] =	ssyncadd.remote.s32 $0x1  }
0xbe: {  	_ =	sfence.sel $0xFFFF  }
0xbf: {  	[dreg:$0x0] =	wrdreg $0xFFFFFFFF;
	(pc) =	sbr.abs _section_cstart, $3  }
0xc0: {  	[dreg:$0x1] =	wrdreg $0xFFFFFFFF  }
0xc1: {  	_ =	task.clear_ibuf [dreg:s6], $0x2FFFF;
	_ =	strace $0x9FFFFFFF  }
0xc2: {  	(tm) =	ssettm $0x7FFFFFFF  }
0xc3: {  	_ =	shalt  }
tec
execute0_lowered:
.L_overlay_start_1:
0x0: {  	(tag) =	ssettag $0x1  }
0x1: {  	s0 =	rddreg [dreg:$0x0]  }
0x2: {  	s1 =	rddreg [dreg:$0x1]  }
0x3: {  	s2 =	simm.s32 $0x0;
	s4 =	srdreg.scid;
	s19 =	stileid.u32  }
0x4: {  	s28 =	simm.s32 $0x16000;
	s29 =	simm.s32 $0x40;
	s30 =	simm.s32 $0x16200  }
0x5: {  	s31 =	simm.s32 $0x1A200;
	[smem:$0x7FF] =	sst s2;
	s3 =	sadd.s32 $0x18C00, s0  }
0x6: {  	s7 =	sadd.s32 $0xEE00, s0;
	s5 =	sadd.s32 $0x5000, s0;
	s12 =	smul.u32 $0x50000, s19  }
0x7: {  	s6 =	sadd.s32 $0x3FE00, s0;
	s8 =	sand.u32 $0x1, s4;
	s24 =	smul.u32 $0x2800, s19  }
0x8: {  	s21 =	sadd.s32 $0x12C000, s1;
	s15 =	smul.u32 $0x2710, s19;
	_ =	strace $0x80000050  }
0x9: {  	[dreg:$0x3] =	wrdreg s6;
	s9 =	smul.u32 $0x27100, s8;
	s10 =	sshll.u32 s8, $0x4  }
0xa: {  	s11 =	ssub.s32 $0x2, s8;
	p3 =	seq.s32 s8, $0x1;
	s10 =	sor.u32 s19, s10  }
0xb: {  	s14 =	sshrl.u32 s11, $0x1;
	s12 =	sshrl.u32 s12, $0x2;
	[dreg:$0x4] =	wrdreg s24  }
0xc: {  	s4 =	sadd.s32 s3, s24;
	p1 =	seq.s32 @p3 s19, $0xF;
	p4 =	seq.s32 @!p3 s19, $0xF  }
0xd: {  	s13 =	sadd.s32 s9, s0;
	s10 =	smul.u32 $0x2710, s10;
	s11 =	ssub.s32 s11, s14  }
0xe: {  	s20 =	sadd.s32 s12, s1;
	[dreg:$0x5] =	wrdreg s4;
	s0 =	sadd.s32 $0x3E400, s0  }
0xf: {  	s22 =	sadd.s32 s15, s9;
	p0 =	por !p1, !p3;
	p1 =	por p1, !p3  }
0x10: {  	p2 =	por !p4, p3;
	p3 =	por p4, p3;
	p4 =	seq.s32 s19, $0xF  }
0x11: {  	s12 =	simm.s32 $0x1C200;
	s15 =	simm.s32 $0x7;
	[dreg:$0x8] =	wrdreg s0  }
0x12: {  	s17 =	sadd.s32 $0x90A00, s13;
	s18 =	smax.u32 s11, $0x1;
	[dreg:$0x6] =	wrdreg s20  }
0x13: {  	s23 =	sadd.s32 $0x100, s22;
	s24 =	sadd.s32 $0x140, s22;
	[dreg:$0xf] =	wrdreg s17  }
0x14: {  	s9 =	sadd.s32 $0x180, s22;
	s13 =	simm.s32 $0x1;
	[dreg:$0x10] =	wrdreg s18  }
0x15: {  	s25 =	sshrl.u32 s10, $0x3;
	[dreg:$0x11] =	wrdreg s23;
	s9 =	sshrl.u32 s9, $0x3  }
0x16: {  	s17 =	simm.s32 $0x8;
	s23 =	simm.s32 $0x0;
	s6 =	sadd.s32 s7, s25  }
0x17: {  	s26 =	sadd.s32 s5, s25;
	s14 =	sadd.s32 $0x4E0, s25;
	[dreg:$0x9] =	wrdreg s6  }
0x18: {  	s8 =	sadd.s32 $0x8, s26;
	s10 =	sadd.s32 $0x10, s26;
	[dreg:$0x7] =	wrdreg s26  }
0x19: {  	s4 =	sadd.s32 $0x18, s26;
	s16 =	sadd.s32 s7, s14;
	[dreg:$0xa] =	wrdreg s8  }
0x1a: {  	s0 =	sadd.s32 s5, s14;
	s7 =	sshrl.u32 s24, $0x3;
	[dreg:$0xb] =	wrdreg s10  }
0x1b: {  	s26 =	sadd.s32 s9, s5;
	s9 =	simm.s32 $0x16180;
	[dreg:$0xc] =	wrdreg s4  }
.Ltmp0:
0x1c: {  	s14 =	simm.s32 $0x3;
	[dreg:$0xd] =	wrdreg s16;
	(pc) =	sbr.rel .LBB2_1-.Ltmp0, $4  }
0x1d: {  	[dreg:$0xe] =	wrdreg s0;
	s0 =	sadd.s32 $0x1C0, s22;
	s25 =	sadd.s32 s7, s5  }
0x1e: {  	[dreg:$0x13] =	wrdreg s26;
	s26 =	simm.s32 $0x9;
	s0 =	sshrl.u32 s0, $0x3  }
0x1f: {  	s7 =	simm.s32 $0x5;
	[dreg:$0x12] =	wrdreg s25;
	s0 =	sadd.s32 s0, s5  }
0x20: {  	s16 =	simm.s32 $0x4;
	[dreg:$0x14] =	wrdreg s0;
	s0 =	simm.s32 $0x16100  }
.LBB2_4:
0x21: {  	_ =	swait.ge [sflag:s16], $0x40  }
0x22: {  	[sflag:s16] =	ssyncset.done $0x0  }
0x23: {  	[sflag:s16] =	ssyncadd.s32 $0xFFFFFFC0  }
0x24: {  	_ =	swait.ge [sflag:s17], $0x2000  }
0x25: {  	[sflag:s17] =	ssyncset.done $0x0  }
0x26: {  	[sflag:s17] =	ssyncadd.s32 $0xFFFFE000  }
0x27: {  	[spmem:s1] =	stream.indirect.scatter.add.f32 [tilespmem:s12], [sflag:$0x9], $0x80, s9, s29, $0xb8;
	[tilespmem:$0x1EB00] =	vst v63  }
0x28: {  	_ =	swait.ge [sflag:s26], $0x2000  }
0x29: {  	[sflag:s26] =	ssyncset.done $0x0  }
0x2a: {  	s6 =	simm.s32 $0x1E200;
	s4 =	rddreg [dreg:$0xd];
	[sflag:s26] =	ssyncadd.s32 $0xFFFFE000  }
0x2b: {  	[tilespmem:s6], [sflag:$0x9] =	stream.linear.gather [hbm4b:s4+s2], $0x10, $0x38;
	[tilespmem:$0x1EB00] =	vst v63  }
0x2c: {  	_ =	swait.ge [sflag:s26], $0x10  }
0x2d: {  	[sflag:s26] =	ssyncset.done $0x0  }
0x2e: {  	s8 =	simm.s32 $0x1E280;
	s22 =	rddreg [dreg:$0xe];
	[sflag:s26] =	ssyncadd.s32 $0xFFFFFFF0  }
0x2f: {  	[tilespmem:s8], [sflag:$0x9] =	stream.linear.gather [hbm4b:s22+s2], $0x10, $0x38;
	[tilespmem:$0x1EB00] =	vst v63  }
0x30: {  	_ =	swait.ge [sflag:s26], $0x10  }
0x31: {  	[sflag:s26] =	ssyncset.done $0x0  }
0x32: {  	s24 =	simm.s32 $0x10;
	s11 =	simm.s32 $0x1E300;
	[sflag:s26] =	ssyncadd.s32 $0xFFFFFFF0  }
0x33: {  	[tilespmem:s11], [sflag:$0x5] =	stream.indirect.gather [hbm4b:s3+s24], $0x80, s6, s24, $0xb8;
	[tilespmem:$0x1EB00] =	vst v63  }
0x34: {  	_ =	swait.ge [sflag:s7], $0x800  }
0x35: {  	[sflag:s7] =	ssyncset.done $0x0  }
0x36: {  	[sflag:s7] =	ssyncadd.s32 $0xFFFFF800  }
0x37: {  	[spmem:s1] =	stream.indirect.scatter.add.f32 [tilespmem:s11], [sflag:$0x9], $0x80, s8, s24, $0xb8;
	[tilespmem:$0x1EB00] =	vst v63  }
0x38: {  	_ =	swait.ge [sflag:s26], $0x800  }
0x39: {  	[sflag:s26] =	ssyncset.done $0x0  }
0x3a: {  	[sflag:s26] =	ssyncadd.s32 $0xFFFFF800  }
0x3b: {  	[bflag:$0x0] =	sbarrier.arrive $0xFFFF  }
0x3c: {  	s11 =	rddreg [dreg:$0xf]  }
0x3d: {  	s6 =	sshrl.u32 @p4 s10, $0x3;
	s8 =	simm.s32 @p4 $0x1FC9;
	s4 =	sadd.s32 @p4 $0x25800, s11  }
0x3e: {  	[hbm:s4], [sflag:s8] =	dma.local @p4 [spmem:s6], $0x1900  }
0x3f: {  	s4 =	simm.s32 @p4 $0x9  }
0x40: {  	_ =	swait.ge @p4 [sflag:s4], $0x1900  }
0x41: {  	s19 =	stileid.u32;
	[sflag:s4] =	ssyncset.done @p4 $0x0;
	s6 =	rddreg [dreg:$0x4]  }
0x42: {  	s20 =	rddreg [dreg:$0x6];
	[sflag:s4] =	ssyncadd.s32 @p4 $0xFFFFE700;
	s4 =	sshll.u32 @!p4 s19, $0x6  }
0x43: {  	s6 =	sadd.s32 @!p4 s6, s11;
	s8 =	sshrl.u32 @!p4 s20, $0x3;
	s4 =	sor.u32 @!p4 $0x1C09, s4  }
0x44: {  	[hbm:s6], [sflag:s4] =	dma.local @!p4 [spmem:s8], $0x2800  }
0x45: {  	s4 =	simm.s32 @!p4 $0x9  }
0x46: {  	_ =	swait.ge @!p4 [sflag:s4], $0x2800  }
0x47: {  	s23 =	sadd.s32 $0x1, s23;
	s25 =	rddreg [dreg:$0x10]  }
0x48: {  	p5 =	sne.s32 s23, s25  }
.Ltmp1:
0x49: {  	_ = 	snop;
	(pc) =	sbr.rel @!p5 .LBB2_5-.Ltmp1, $3  }
0x4a: {  	_ =	sdelay $0x1  }
0x4b: {  	[sflag:s4] =	ssyncset.done @!p4 $0x0  }
0x4c: {  	s21 =	smov.u32 s10;
	[sflag:s4] =	ssyncadd.s32 @!p4 $0xFFFFD800  }
.LBB2_1:
0x4d: {  	s11 =	sshrl.u32 @!p0 s21, $0x3;
	s18 =	simm.s32 @!p0 $0x1FC9;
	s4 =	rddreg [dreg:$0x3]  }
0x4e: {  	[spmem:s11], [sflag:s18] =	dma.local @!p0 [hbm:s4], $0x1900  }
0x4f: {  	s11 =	simm.s32 @!p0 $0x9  }
0x50: {  	_ =	swait.ge @!p0 [sflag:s11], $0x1900  }
0x51: {  	s18 =	sshll.u32 @!p1 s19, $0x6;
	[sflag:s11] =	ssyncset.done @!p0 $0x0  }
0x52: {  	[sflag:s11] =	ssyncadd.s32 @!p0 $0xFFFFE700;
	s11 =	sor.u32 @!p1 $0x1C09, s18;
	s18 =	sshrl.u32 @!p1 s20, $0x3  }
0x53: {  	[spmem:s18], [sflag:s11] =	dma.local @!p1 [hbm:s4], $0x2800  }
0x54: {  	s11 =	simm.s32 @!p1 $0x9  }
0x55: {  	_ =	swait.ge @!p1 [sflag:s11], $0x2800  }
0x56: {  	s18 =	simm.s32 @!p2 $0x1FC9;
	[sflag:s11] =	ssyncset.done @!p1 $0x0  }
0x57: {  	s4 =	rddreg [dreg:$0x8];
	[sflag:s11] =	ssyncadd.s32 @!p1 $0xFFFFD800;
	s11 =	sshrl.u32 @!p2 s21, $0x3  }
0x58: {  	[spmem:s11], [sflag:s18] =	dma.local @!p2 [hbm:s4], $0x1900  }
0x59: {  	s11 =	simm.s32 @!p2 $0x9  }
0x5a: {  	_ =	swait.ge @!p2 [sflag:s11], $0x1900  }
0x5b: {  	s18 =	sshll.u32 @!p3 s19, $0x6;
	[sflag:s11] =	ssyncset.done @!p2 $0x0;
	s4 =	rddreg [dreg:$0x5]  }
0x5c: {  	[sflag:s11] =	ssyncadd.s32 @!p2 $0xFFFFE700;
	s11 =	sor.u32 @!p3 $0x1C09, s18;
	s18 =	sshrl.u32 @!p3 s20, $0x3  }
0x5d: {  	[spmem:s18], [sflag:s11] =	dma.local @!p3 [hbm:s4], $0x2800  }
0x5e: {  	s11 =	simm.s32 @!p3 $0x9  }
0x5f: {  	_ =	swait.ge @!p3 [sflag:s11], $0x2800  }
0x60: {  	[sflag:s11] =	ssyncset.done @!p3 $0x0  }
0x61: {  	s6 =	simm.s32 $0x13880;
	s25 =	rddreg [dreg:$0x9];
	[sflag:s11] =	ssyncadd.s32 @!p3 $0xFFFFD800  }
0x62: {  	[tilespmem:s6], [sflag:$0x9] =	stream.linear.gather [hbm4b:s25+s2], $0x2710, $0x38;
	[tilespmem:$0x1EB00] =	vst v63  }
0x63: {  	_ =	swait.ge [sflag:s26], $0x2710  }
0x64: {  	[sflag:s26] =	ssyncset.done $0x0  }
0x65: {  	[sflag:s26] =	ssyncadd.s32 $0xFFFFD8F0  }
0x66: {  	[bflag:$0x0] =	sbarrier.arrive $0xFFFF  }
0x67: {  	s8 =	rddreg [dreg:$0x7]  }
0x68: {  	[tilespmem:s28], [sflag:$0x1] =	stream.linear.gather [hbm4b:s8+s2], $0x40, $0x38;
	[tilespmem:$0x1EB00] =	vst v63  }
0x69: {  	_ = 	snop  }
0x6a: {  	[tilespmem:s30], [sflag:$0x5] =	stream.indirect.gather [hbm4b:s3+s29], $0x80, s6, s29, $0xb8;
	[tilespmem:$0x1EB00] =	vst v63  }
0x6b: {  	s10 =	smov.u32 s21;
	s18 =	simm.s32 $0x16080;
	s11 =	rddreg [dreg:$0xa]  }
0x6c: {  	[tilespmem:s18], [sflag:$0x2] =	stream.linear.gather [hbm4b:s11+s2], $0x40, $0x38;
	[tilespmem:$0x1EB00] =	vst v63  }
0x6d: {  	s19 =	simm.s32 $0x138C0;
	s20 =	simm.s32 $0x18200;
	s21 =	rddreg [dreg:$0xb]  }
0x6e: {  	[tilespmem:s20], [sflag:$0x6] =	stream.indirect.gather [hbm4b:s3+s29], $0x80, s19, s29, $0xb8;
	[tilespmem:$0x1EB00] =	vst v63  }
0x6f: {  	s24 =	rddreg [dreg:$0xc]  }
0x70: {  	[tilespmem:s0], [sflag:$0x3] =	stream.linear.gather [hbm4b:s21+s2], $0x40, $0x38;
	[tilespmem:$0x1EB00] =	vst v63  }
0x71: {  	s22 =	simm.s32 $0x13900;
	s11 =	rddreg [dreg:$0x13]  }
0x72: {  	[tilespmem:s31], [sflag:$0x7] =	stream.indirect.gather [hbm4b:s3+s29], $0x80, s22, s29, $0xb8;
	[tilespmem:$0x1EB00] =	vst v63  }
0x73: {  	s18 =	rddreg [dreg:$0x11]  }
0x74: {  	[tilespmem:s9], [sflag:$0x4] =	stream.linear.gather [hbm4b:s24+s2], $0x40, $0x38;
	[tilespmem:$0x1EB00] =	vst v63  }
0x75: {  	s25 =	simm.s32 $0x13940;
	s24 =	rddreg [dreg:$0x14]  }
0x76: {  	[tilespmem:s12], [sflag:$0x8] =	stream.indirect.gather [hbm4b:s3+s29], $0x80, s25, s29, $0xb8;
	[tilespmem:$0x1EB00] =	vst v63  }
0x77: {  	s20 =	simm.s32 $0x0;
	s25 =	rddreg [dreg:$0x12]  }
.LBB2_2:
0x78: {  	_ =	swait.ge [sflag:s13], $0x40  }
0x79: {  	[sflag:s13] =	ssyncset.done $0x0  }
0x7a: {  	[sflag:s13] =	ssyncadd.s32 $0xFFFFFFC0  }
0x7b: {  	_ =	swait.ge [sflag:s7], $0x2000  }
0x7c: {  	[sflag:s7] =	ssyncset.done $0x0  }
0x7d: {  	[sflag:s7] =	ssyncadd.s32 $0xFFFFE000  }
0x7e: {  	[spmem:s1] =	stream.indirect.scatter.add.f32 [tilespmem:s30], [sflag:$0x9], $0x80, s28, s29, $0xb8;
	[tilespmem:$0x1EB00] =	vst v63  }
0x7f: {  	_ =	swait.ge [sflag:s26], $0x2000  }
0x80: {  	p5 =	seq.s32 s20, $0x9800;
	[sflag:s26] =	ssyncset.done $0x0  }
0x81: {  	s21 =	simm.s32 @p5 $0x2;
	[sflag:s26] =	ssyncadd.s32 $0xFFFFE000  }
0x82: {  	_ =	swait.ge @p5 [sflag:s21], $0x40  }
0x83: {  	[sflag:s21] =	ssyncset.done @p5 $0x0  }
0x84: {  	[sflag:s21] =	ssyncadd.s32 @p5 $0xFFFFFFC0;
	s21 =	simm.s32 @p5 $0x6  }
0x85: {  	_ =	swait.ge @p5 [sflag:s21], $0x2000  }
0x86: {  	s22 =	simm.s32 @p5 $0x16080;
	[sflag:s21] =	ssyncset.done @p5 $0x0  }
0x87: {  	s4 =	simm.s32 @p5 $0x18200;
	[sflag:s21] =	ssyncadd.s32 @p5 $0xFFFFE000;
	s21 =	simm.s32 @p5 $0x40  }
0x88: {  	[spmem:s1] =	stream.indirect.scatter.add.f32 @p5 [tilespmem:s4], [sflag:$0x9], $0x80, s22, s21, $0xb8;
	[tilespmem:$0x1EB00] =	vst v63  }
0x89: {  	s4 =	simm.s32 @p5 $0x9  }
0x8a: {  	_ =	swait.ge @p5 [sflag:s4], $0x2000  }
0x8b: {  	[sflag:s4] =	ssyncset.done @p5 $0x0  }
0x8c: {  	[sflag:s4] =	ssyncadd.s32 @p5 $0xFFFFE000;
	s4 =	sshrl.u32 @!p5 s18, $0x3  }
0x8d: {  	s21 =	simm.s32 @!p5 $0x0;
	s22 =	simm.s32 @!p5 $0x16000;
	s4 =	sadd.s32 @!p5 s5, s4  }
0x8e: {  	[tilespmem:s22], [sflag:$0x1] =	stream.linear.gather @!p5 [hbm4b:s4+s21], $0x40, $0x38;
	[tilespmem:$0x1EB00] =	vst v63  }
0x8f: {  	s4 =	sshra.s32 @!p5 s20, $0x2  }
0x90: {  	s6 =	simm.s32 @!p5 $0x40;
	s19 =	simm.s32 @!p5 $0x16200;
	s22 =	sadd.s32 @!p5 $0x13980, s4  }
0x91: {  	[tilespmem:s19], [sflag:$0x5] =	stream.indirect.gather @!p5 [hbm4b:s3+s6], $0x80, s22, s6, $0xb8;
	[tilespmem:$0x1EB00] =	vst v63  }
0x92: {  	s19 =	simm.s32 @!p5 $0x2  }
0x93: {  	_ =	swait.ge @!p5 [sflag:s19], $0x40  }
0x94: {  	[sflag:s19] =	ssyncset.done @!p5 $0x0  }
0x95: {  	[sflag:s19] =	ssyncadd.s32 @!p5 $0xFFFFFFC0;
	s19 =	simm.s32 @!p5 $0x6  }
0x96: {  	_ =	swait.ge @!p5 [sflag:s19], $0x2000  }
0x97: {  	s8 =	simm.s32 @!p5 $0x9;
	[sflag:s19] =	ssyncset.done @!p5 $0x0  }
0x98: {  	s22 =	simm.s32 @!p5 $0x18200;
	[sflag:s19] =	ssyncadd.s32 @!p5 $0xFFFFE000;
	s19 =	simm.s32 @!p5 $0x16080  }
0x99: {  	[spmem:s1] =	stream.indirect.scatter.add.f32 @!p5 [tilespmem:s22], [sflag:$0x9], $0x80, s19, s6, $0xb8;
	[tilespmem:$0x1EB00] =	vst v63  }
0x9a: {  	_ =	swait.ge @!p5 [sflag:s8], $0x2000  }
0x9b: {  	[sflag:s8] =	ssyncset.done @!p5 $0x0  }
0x9c: {  	[sflag:s8] =	ssyncadd.s32 @!p5 $0xFFFFE000  }
0x9d: {  	[tilespmem:s19], [sflag:$0x2] =	stream.linear.gather @!p5 [hbm4b:s25+s21], $0x40, $0x38;
	[tilespmem:$0x1EB00] =	vst v63  }
0x9e: {  	s4 =	sadd.s32 @!p5 $0x139C0, s4  }
0x9f: {  	[tilespmem:s22], [sflag:$0x6] =	stream.indirect.gather @!p5 [hbm4b:s3+s6], $0x80, s4, s6, $0xb8;
	[tilespmem:$0x1EB00] =	vst v63  }
0xa0: {  	_ =	swait.ge [sflag:s14], $0x40  }
0xa1: {  	[sflag:s14] =	ssyncset.done $0x0  }
0xa2: {  	[sflag:s14] =	ssyncadd.s32 $0xFFFFFFC0  }
0xa3: {  	_ =	swait.ge [sflag:s15], $0x2000  }
0xa4: {  	[sflag:s15] =	ssyncset.done $0x0  }
.Ltmp2:
0xa5: {  	[sflag:s15] =	ssyncadd.s32 $0xFFFFE000;
	(pc) =	sbr.rel @p5 .LBB2_4-.Ltmp2, $4  }
0xa6: {  	[spmem:s1] =	stream.indirect.scatter.add.f32 [tilespmem:s31], [sflag:$0x9], $0x80, s0, s29, $0xb8;
	[tilespmem:$0x1EB00] =	vst v63  }
0xa7: {  	_ =	swait.ge [sflag:s26], $0x2000  }
0xa8: {  	[sflag:s26] =	ssyncset.done $0x0  }
0xa9: {  	[sflag:s26] =	ssyncadd.s32 $0xFFFFE000  }
0xaa: {  	[tilespmem:s0], [sflag:$0x3] =	stream.linear.gather [hbm4b:s11+s2], $0x40, $0x38;
	[tilespmem:$0x1EB00] =	vst v63  }
0xab: {  	s4 =	sshra.s32 s20, $0x2  }
0xac: {  	s6 =	sadd.s32 $0x13A00, s4  }
0xad: {  	[tilespmem:s31], [sflag:$0x7] =	stream.indirect.gather [hbm4b:s3+s29], $0x80, s6, s29, $0xb8;
	[tilespmem:$0x1EB00] =	vst v63  }
0xae: {  	_ =	swait.ge [sflag:s16], $0x40  }
0xaf: {  	[sflag:s16] =	ssyncset.done $0x0  }
0xb0: {  	[sflag:s16] =	ssyncadd.s32 $0xFFFFFFC0  }
0xb1: {  	_ =	swait.ge [sflag:s17], $0x2000  }
0xb2: {  	[sflag:s17] =	ssyncset.done $0x0  }
0xb3: {  	[sflag:s17] =	ssyncadd.s32 $0xFFFFE000  }
0xb4: {  	[spmem:s1] =	stream.indirect.scatter.add.f32 [tilespmem:s12], [sflag:$0x9], $0x80, s9, s29, $0xb8;
	[tilespmem:$0x1EB00] =	vst v63  }
0xb5: {  	_ =	swait.ge [sflag:s26], $0x2000  }
.Ltmp3:
0xb6: {  	s20 =	sadd.s32 $0x400, s20;
	[sflag:s26] =	ssyncset.done $0x0;
	(pc) =	sbr.rel .LBB2_2-.Ltmp3, $4  }
0xb7: {  	s18 =	sadd.s32 $0x100, s18;
	s25 =	sadd.s32 $0x20, s25;
	[sflag:s26] =	ssyncadd.s32 $0xFFFFE000  }
0xb8: {  	[tilespmem:s9], [sflag:$0x4] =	stream.linear.gather [hbm4b:s24+s2], $0x40, $0x38;
	[tilespmem:$0x1EB00] =	vst v63  }
0xb9: {  	s11 =	sadd.s32 $0x20, s11;
	s4 =	sadd.s32 $0x13A40, s4;
	s24 =	sadd.s32 $0x20, s24  }
0xba: {  	[tilespmem:s12], [sflag:$0x8] =	stream.indirect.gather [hbm4b:s3+s29], $0x80, s4, s29, $0xb8;
	[tilespmem:$0x1EB00] =	vst v63  }
.LBB2_5:
0xbb: {  	_ =	sfence.sel $0x180000  }
0xbc: {  	[bflag:$0x0] =	sbarrier.arrive $0xFFFF  }
0xbd: {  	_ =	strace $0x90000050  }
0xbe: {  	[bflag:$0x2] =	sbarrier.arrive $0xFFFF  }
0xbf: {  	p0 =	sne.s32 s19, $0x0;
	s0 =	rddreg [dreg:$0x2]  }
0xc0: {  	s0 =	sadd.s32 @!p0 $0x100000, s0  }
0xc1: {  	[sflag:s0] =	ssyncadd.tile.s32 @!p0 $0x1;
	_ =	shalt  }
.Lfunc_end2:
_tile_overlayer_lowered:
.L_overlay_start_2:
0xc2: {  	(tag) =	ssettag $0x2  }
0xc3: {  	s0 =	rddreg [dreg:$0x0];
	s2 =	stileid.u32  }
0xc4: {  	s1 =	rddreg [dreg:$0x1];
	p0 =	sne.s32 s2, $0x0  }
0xc5: {  	s3 =	rddreg [dreg:$0x2];
	[bflag:$0x3] =	sbarrier.arrive $0xFFFF;
	s2 =	simm.s32 @!p0 $0x1C09  }
0xc6: {  	[timem:s3], [sflag:s2] =	dma.local @!p0 [hbm:s0], s1  }
0xc7: {  	s0 =	simm.s32 @!p0 $0x9  }
0xc8: {  	_ =	swait.ge @!p0 [sflag:s0], s1  }
0xc9: {  	s1 =	ssub.s32 @!p0 $0x0, s1;
	[sflag:s0] =	ssyncset.done @!p0 $0x0  }
0xca: {  	[sflag:s0] =	ssyncadd.s32 @!p0 s1  }
0xcb: {  	[bflag:$0x3] =	sbarrier.arrive $0xFFFF  }
0xcc: {  	_ =	shalt  }

// kernel: kernel.25.cloned.1.call-start
scs
__scs_entry_jumppad:
0x0: {  	(pc) =	sbr.rel $0x88, $3  }
0x1: {  	(tag) =	ssettag $0x0;
	lr =	simm.s32 $0x1  }
0x2: {  	[smem:$0x3F91] =	sst lr;
	_ =	strace $0xD0000000  }
0x3: {  	_ = 	snop  }
0x4: {  	_ = 	snop  }
0x5: {  	_ = 	snop  }
0x6: {  	_ = 	snop  }
0x7: {  	_ = 	snop  }
__scs_overlays_trampoline_lowered:
0x8: {  	[smem:$0x3FA0] =	sst s0  }
0x9: {  	[smem:$0x3FA1] =	sst s1  }
0xa: {  	[smem:$0x3FA2] =	sst s2  }
0xb: {  	[smem:$0x3FA3] =	sst s3  }
0xc: {  	[smem:$0x3FA4] =	sst s4  }
0xd: {  	[smem:$0x3FA5] =	sst s5  }
0xe: {  	[smem:$0x3FA6] =	sst s6  }
0xf: {  	[smem:$0x3FA7] =	sst s7  }
0x10: {  	[smem:$0x3FA8] =	sst s8  }
0x11: {  	[smem:$0x3FA9] =	sst s9;
	s0 =	simm.s32 @!p0 $0x0  }
0x12: {  	s1 =	sld [smem:$0x3F8F];
	s0 =	simm.s32 @p0 $0x1  }
0x13: {  	[smem:$0x3FAA] =	sst s0;
	s0 =	simm.s32 @!p1 $0x0  }
0x14: {  	s2 =	sld [smem:$0x3F8E];
	s0 =	simm.s32 @p1 $0x1  }
0x15: {  	[smem:$0x3FAB] =	sst s0;
	s0 =	simm.s32 @!p2 $0x0  }
0x16: {  	s3 =	sld [smem:$0x3FDB];
	s0 =	simm.s32 @p2 $0x1  }
0x17: {  	s4 =	simm.s32 $0x1BF5;
	[smem:$0x3FAD] =	sst s0  }
0x18: {  	s0 =	sld [smem:$0x3F90];
	_ =	swait.ge [sflag:s4], $0x0  }
0x19: {  	s7 =	sld [smem:$0x3F91]  }
0x1a: {  	s8 =	sadd.s32 $0xFFFFE003, lr  }
0x1b: {  	s9 =	sadd.s32 $0xFFFFFEF7, lr;
	s5 =	simm.s32 $0xFFFFFFFF;
	p2 =	slt.u32 s8, $0xFFFFF086  }
0x1c: {  	p1 =	slt.u32 s9, $0xF7A;
	s5 =	simm.s32 @!p2 $0x0  }
0x1d: {  	s5 =	simm.s32 @p1 $0x1;
	p0 =	seq.s32 s7, s2  }
0x1e: {  	s7 =	smul.u32 @!p0 $0xF7A, s2;
	p2 =	seq.s32 @!p0 s5, $0x0  }
0x1f: {  	s9 =	smul.u32 $0xF7A, s1;
	s8 =	simm.s32 @!p0 $0x1BF5;
	p2 =	por !p2, p0  }
0x20: {  	[sflag:s8] =	ssyncset.s32 @!p0 $0xFFFFF086;
	s6 =	sadd.s32 @!p0 s3, s7;
	s7 =	simm.s32 @!p0 $0x108  }
0x21: {  	s3 =	sadd.s32 s3, s9;
	s6 =	sadd.s32 @!p0 $0x88, s6;
	s7 =	simm.s32 @p2 $0x1082  }
0x22: {  	[simem:s7], [sflag:s8] =	dma.local @!p0 [hbm:s6], $0xF7A  }
0x23: {  	s9 =	sor.u32 $0xD0000000, s2;
	s6 =	simm.s32 $0x108;
	_ =	swait.ge @!p0 [sflag:s8], $0x0  }
0x24: {  	s3 =	sadd.s32 $0x88, s3;
	s6 =	simm.s32 @!p1 $0x1082;
	[sflag:s4] =	ssyncset.s32 $0xFFFFF086  }
0x25: {  	[simem:s6], [sflag:s4] =	dma.local [hbm:s3], $0xF7A  }
0x26: {  	[smem:$0x3F91] =	sst s1;
	(tag) =	ssettag s2;
	_ =	strace s9  }
0x27: {  	s1 =	sld [smem:$0x3FA1]  }
0x28: {  	s2 =	sld [smem:$0x3FA2]  }
0x29: {  	s4 =	sld [smem:$0x3FA4]  }
0x2a: {  	p0 =	seq.s32 s5, $0x0;
	s5 =	sld [smem:$0x3FA5]  }
0x2b: {  	s6 =	sld [smem:$0x3FA6]  }
0x2c: {  	s7 =	sld [smem:$0x3FA7]  }
0x2d: {  	s3 =	simm.s32 $0x108;
	s8 =	sld [smem:$0x3FA8]  }
0x2e: {  	s3 =	simm.s32 @!p0 $0x1082;
	s9 =	sld [smem:$0x3FA9]  }
0x2f: {  	lr =	sadd.s32 s0, s3;
	s0 =	sld [smem:$0x3FA0]  }
0x30: {  	s3 =	sld [smem:$0x3FA3]  }
0x31: {  	[smem:$0x3FAC] =	sst s10  }
0x32: {  	s10 =	sld [smem:$0x3FAA];
	_ =	sdelay $0x3  }
0x33: {  	p0 =	seq.s32 s10, $0x1;
	s10 =	sld [smem:$0x3FAC];
	_ =	sdelay $0x3  }
0x34: {  	[smem:$0x3FAC] =	sst s10  }
0x35: {  	s10 =	sld [smem:$0x3FAB];
	_ =	sdelay $0x3  }
0x36: {  	p1 =	seq.s32 s10, $0x1;
	s10 =	sld [smem:$0x3FAC];
	_ =	sdelay $0x3  }
0x37: {  	[smem:$0x3FAC] =	sst s10  }
0x38: {  	s10 =	sld [smem:$0x3FAD]  }
0x39: {  	_ = 	snop;
	(pc) =	sbr.ind lr, $3  }
0x3a: {  	_ = 	snop  }
0x3b: {  	_ = 	snop  }
0x3c: {  	p2 =	seq.s32 s10, $0x1;
	s10 =	sld [smem:$0x3FAC]  }
0x3d: {  	_ =	shalt  }
0x3e: {  	_ =	shalt  }
0x3f: {  	_ =	shalt  }
0x40: {  	_ =	shalt  }
0x41: {  	_ =	shalt  }
0x42: {  	_ =	shalt  }
0x43: {  	_ =	shalt  }
0x44: {  	_ =	shalt  }
0x45: {  	_ =	shalt  }
0x46: {  	_ =	shalt  }
0x47: {  	_ =	shalt  }
0x48: {  	_ =	shalt  }
0x49: {  	_ =	shalt  }
0x4a: {  	_ =	shalt  }
0x4b: {  	_ =	shalt  }
0x4c: {  	_ =	shalt  }
0x4d: {  	_ =	shalt  }
0x4e: {  	_ =	shalt  }
0x4f: {  	_ =	shalt  }
0x50: {  	_ =	shalt  }
0x51: {  	_ =	shalt  }
0x52: {  	_ =	shalt  }
0x53: {  	_ =	shalt  }
0x54: {  	_ =	shalt  }
0x55: {  	_ =	shalt  }
0x56: {  	_ =	shalt  }
0x57: {  	_ =	shalt  }
0x58: {  	_ =	shalt  }
0x59: {  	_ =	shalt  }
0x5a: {  	_ =	shalt  }
0x5b: {  	_ =	shalt  }
0x5c: {  	_ =	shalt  }
0x5d: {  	_ =	shalt  }
0x5e: {  	_ =	shalt  }
0x5f: {  	_ =	shalt  }
0x60: {  	_ =	shalt  }
0x61: {  	_ =	shalt  }
0x62: {  	_ =	shalt  }
0x63: {  	_ =	shalt  }
0x64: {  	_ =	shalt  }
0x65: {  	_ =	shalt  }
0x66: {  	_ =	shalt  }
0x67: {  	_ =	shalt  }
0x68: {  	_ =	shalt  }
0x69: {  	_ =	shalt  }
0x6a: {  	_ =	shalt  }
0x6b: {  	_ =	shalt  }
0x6c: {  	_ =	shalt  }
0x6d: {  	_ =	shalt  }
0x6e: {  	_ =	shalt  }
0x6f: {  	_ =	shalt  }
0x70: {  	_ =	shalt  }
0x71: {  	_ =	shalt  }
0x72: {  	_ =	shalt  }
0x73: {  	_ =	shalt  }
0x74: {  	_ =	shalt  }
0x75: {  	_ =	shalt  }
0x76: {  	_ =	shalt  }
0x77: {  	_ =	shalt  }
0x78: {  	_ =	shalt  }
0x79: {  	_ =	shalt  }
0x7a: {  	_ =	shalt  }
0x7b: {  	_ =	shalt  }
0x7c: {  	_ =	shalt  }
0x7d: {  	_ =	shalt  }
0x7e: {  	_ =	shalt  }
0x7f: {  	_ =	shalt  }
0x80: {  	_ =	shalt  }
0x81: {  	_ =	shalt  }
0x82: {  	_ =	shalt  }
0x83: {  	_ =	shalt  }
0x84: {  	_ =	shalt  }
0x85: {  	_ =	shalt  }
0x86: {  	_ =	shalt  }
0x87: {  	_ =	shalt  }
.Lfunc_end0:
.L_simem_size_0:
called_computation.4_lowered:
.L_overlay_start_0:
0x88: {  	s2 =	sld [smem:$0x3FD9]  }
0x89: {  	s3 =	sld [smem:$0x3FFE];
	_ =	sdelay $0x1  }
0x8a: {  	s1 =	srdreg.scid  }
0x8b: {  	s0 =	sand.u32 $0x1, s1  }
0x8c: {  	s16 =	sshll.u32 s0, $0xA;
	s2 =	sadd.s32 s3, s2  }
0x8d: {  	s2 =	sadd.s32 s2, s16  }
0x8e: {  	[smem:$0x3FB8] =	sst s2  }
0x8f: {  	_ = 	snop  }
0x90: {  	(tm) =	ssettm $0x1  }
0x91: {  	s17 =	sld [smem:$0x3FFB];
	_ =	sdelay $0x3  }
0x92: {  	_ =	strace s17  }
0x93: {  	s2 =	sld [smem:$0x3FFC];
	_ =	sdelay $0x3  }
0x94: {  	_ =	strace s2  }
0x95: {  	s2 =	sld [smem:$0x3FFD];
	_ =	sdelay $0x3  }
0x96: {  	_ =	strace s2  }
0x97: {  	_ =	strace $0x8FFFFFFF  }
0x98: {  	s18 =	sld [smem:$0x3FDB];
	_ =	sdelay $0x1  }
0x99: {  	s19 =	simm.s32 $_scs_section_size  }
0x9a: {  	s4 =	simm.s32 $_size__tile_overlayer_lowered;
	s5 =	simm.s32 $_tile_overlayer_lowered  }
0x9b: {  	s22 =	simm.s32 $0x1BFF;
	s21 =	sshll.u32 s5, $0x1;
	s2 =	sadd.s32 s19, s18  }
0x9c: {  	s6 =	simm.s32 $0x0;
	s20 =	sshll.u32 s4, $0x1;
	s4 =	sadd.s32 s21, s2  }
0x9d: {  	[timem:s6], [sflag:s22] =	dma.local [hbm:s4], s20  }
0x9e: {  	_ =	swait.ge [sflag:s22], s20  }
0x9f: {  	s3 =	ssub.s32 $0x0, s20;
	[sflag:s22] =	ssyncset.done $0x0  }
0xa0: {  	[sflag:s22] =	ssyncadd.s32 s3;
	_ =	sdelay $0x1  }
0xa1: {  	s23 =	simm.s32 $0x1B8B  }
0xa2: {  	_ =	swait.ge [sflag:s23], $0x1  }
0xa3: {  	[sflag:s23] =	ssyncset.done $0x0  }
0xa4: {  	s25 =	simm.s32 $0x1B8E;
	s24 =	sld [smem:$0x3FFE];
	[sflag:s23] =	ssyncadd.s32 $0xFFFFFFFF  }
0xa5: {  	s26 =	simm.s32 $execute0_lowered;
	[smem:$0x3FD2] =	sst s25  }
0xa6: {  	s4 =	sshll.u32 s26, $0x1;
	_ =	strace $0x80000052;
	[dreg:$0x1] =	wrdreg $0xFFFFFFFF  }
0xa7: {  	s28 =	simm.s32 $_size_execute0_lowered;
	s2 =	sadd.s32 s2, s4;
	[dreg:$0x0] =	wrdreg $0x0  }
0xa8: {  	s4 =	sshll.u32 s28, $0x1;
	[dreg:$0x2] =	wrdreg s2  }
0xa9: {  	[dreg:$0x3] =	wrdreg s4  }
0xaa: {  	[dreg:$0x4] =	wrdreg $0xC0  }
0xab: {  	_ =	task [dreg:s6], $0x5FFFF  }
0xac: {  	[dreg:$0x1] =	wrdreg $0xFFFFFFFF  }
0xad: {  	[dreg:$0x0] =	wrdreg $0x60  }
0xae: {  	[dreg:$0x2] =	wrdreg s24  }
0xaf: {  	[dreg:$0x3] =	wrdreg $0x0  }
0xb0: {  	[dreg:$0x4] =	wrdreg $0x9  }
0xb1: {  	_ =	task.clear_ibuf [dreg:s6], $0x5FFFF;
	_ =	strace $0x90000052  }
0xb2: {  	s29 =	simm.s32 $0x9;
	_ =	strace $0x80000054  }
0xb3: {  	_ =	swait.ge [sflag:s29], $0x1  }
0xb4: {  	[sflag:s29] =	ssyncadd.s32 $0xFFFFFFFF  }
0xb5: {  	_ =	strace $0x90000054  }
0xb6: {  	_ =	sfence  }
0xb7: {  	s30 =	sld [smem:$0x0];
	_ =	sdelay $0x2  }
0xb8: {  	s31 =	sshll.u32 s1, $0xD;
	s1 =	sshrl.u32 s1, $0x2  }
0xb9: {  	s3 =	sand.u32 $0x4000, s31;
	s1 =	sadd.s32 s1, s30  }
0xba: {  	s0 =	sor.u32 s3, s0;
	s1 =	sshll.u32 s1, $0x11  }
0xbb: {  	s0 =	sor.u32 s1, s0  }
0xbc: {  	s0 =	sadd.s32 $0x8F2B, s0  }
0xbd: {  	[sflag:s0] =	ssyncadd.remote.s32 $0x1  }
0xbe: {  	_ =	sfence.sel $0xFFFF  }
0xbf: {  	[dreg:$0x0] =	wrdreg $0xFFFFFFFF;
	(pc) =	sbr.abs _section_cstart, $3  }
0xc0: {  	[dreg:$0x1] =	wrdreg $0xFFFFFFFF  }
0xc1: {  	_ =	task.clear_ibuf [dreg:s6], $0x2FFFF;
	_ =	strace $0x9FFFFFFF  }
0xc2: {  	(tm) =	ssettm $0x7FFFFFFF  }
0xc3: {  	_ =	shalt  }
tec
execute0_lowered:
.L_overlay_start_1:
0x0: {  	(tag) =	ssettag $0x1  }
0x1: {  	s4 =	rddreg [dreg:$0x0]  }
0x2: {  	s0 =	srdreg.scid;
	s7 =	rddreg [dreg:$0x1]  }
0x3: {  	s2 =	simm.s32 $0x0;
	s13 =	simm.s32 $0x9F00;
	s14 =	simm.s32 $0x4F80  }
0x4: {  	s15 =	simm.s32 $0x80;
	s16 =	simm.s32 $0x400;
	s17 =	simm.s32 $0x1400  }
0x5: {  	s18 =	simm.s32 $0x14000;
	s19 =	simm.s32 $0xC680;
	s20 =	simm.s32 $0x100  }
0x6: {  	s21 =	simm.s32 $0xEE80;
	s22 =	simm.s32 $0x0;
	s6 =	sand.u32 $0x1, s0  }
0x7: {  	s0 =	stileid.u32;
	[smem:$0x7FF] =	sst s2;
	s1 =	sshll.u32 s6, $0x4  }
0x8: {  	s8 =	smul.u32 $0x500, s0;
	s9 =	sshll.u32 s6, $0x7;
	s28 =	ssub.s32 $0x2, s6  }
0x9: {  	v0 =	vimm.s32 $0xFFEDCBA9;
	s11 =	sshrl.u32 s0, $0x3;
	s30 =	smul.u32 $0x5000, s0;
	s12 =	sor.u32 s0, s6  }
0xa: {  	v0 =	vunpack.c.l.s4.s8 v0;
	s31 =	sshll.u32 s0, $0x7;
	s3 =	sor.u32 s0, s1;
	s1 =	rddreg [dreg:$0x2]  }
0xb: {  	_ =	strace $0x80000053;
	s10 =	sshrl.u32 s28, $0x1;
	s29 =	smul.u32 $0x50000, s11  }
0xc: {  	v1 =	vimm.s32 $0x87654321;
	s6 =	sand.u32 $0x380, s31;
	v2 =	vunpack.c.0.s8.s32 v0;
	v0 =	vimm.s32 $0xEDCBA987;
	p0 =	sne.s32 s12, $0x0;
	s12 =	simm.s32 $0x7780  }
0xd: {  	v3 =	vimm.s32 $0x65432100;
	v1 =	vunpack.c.l.s4.s8 v1;
	s5 =	smul.u32 $0x4E2, s3;
	s3 =	sadd.s32 $0x3FE00, s4;
	s8 =	sor.u32 s9, s8;
	v4 =	vunpack.c.l.s4.s8 v0  }
0xe: {  	v5 =	vimm.s32 $0x8000000F;
	v3 =	vunpack.c.l.s4.s8 v3;
	s9 =	ssub.s32 s28, s10;
	s11 =	sshrl.u32 s30, $0x2;
	s8 =	sshrl.u32 s8, $0x3  }
0xf: {  	vm1 =	vcmask $0x3B00;
	v1 =	vunpack.c.0.s8.s32 v1;
	s10 =	sshrl.u32 s29, $0x2;
	s9 =	smax.u32 s9, $0x1;
	s5 =	sadd.s32 s5, s4;
	v4 =	vunpack.c.0.s8.s32 v4  }
0x10: {  	vm0 =	vcmask $0x3F3C;
	v6 =	vunpack.c.0.s8.s32 v3;
	v3 =	vsel vm1, $0x7FFFFFFF, v5;
	s8 =	sadd.s32 s8, s4;
	s10 =	sadd.s32 s10, s7;
	s7 =	sadd.s32 s11, s7  }
0x11: {  	v1 =	vcombine.low v1, v2;
	v2 =	vlaneseq.u32;
	s11 =	simm.s32 $0x1;
	s4 =	sadd.s32 $0xEE00, s5;
	s5 =	sadd.s32 $0x5000, s5;
	v7 =	vand.u32 $0xF, v4  }
0x12: {  	v0 =	vimm.f32 $0.0e+00;
	s6 =	sadd.s32 s6, s10;
	s8 =	sadd.s32 $0x40400, s8;
	s10 =	simm.s32 $0x2800;
	v4 =	vor.u32 $0x80000000, v2;
	v5 =	vcombine.low v6, v7  }
.LBB2_1:
0x13: {  	[tilespmem:s10], [sflag:$0x1] =	stream.linear.gather [hbm4b:s3+s2], $0x2780, $0x38;
	[tilespmem:$0xF100] =	vst v63  }
0x14: {  	_ =	swait.ge [sflag:s11], $0x2780  }
0x15: {  	[sflag:s11] =	ssyncset.done $0x0  }
0x16: {  	[sflag:s11] =	ssyncadd.s32 $0xFFFFD880  }
0x17: {  	[tilespmem:s12], [sflag:$0x1] =	stream.linear.gather [hbm4b:s4+s2], $0x2710, $0x38;
	[tilespmem:$0xF100] =	vst v63  }
0x18: {  	_ =	swait.ge [sflag:s11], $0x2710  }
0x19: {  	[sflag:s11] =	ssyncset.done $0x0  }
.Ltmp0:
0x1a: {  	[sflag:s11] =	ssyncadd.s32 $0xFFFFD8F0;
	(pc) =	sbr.rel @!p0 .LBB2_2-.Ltmp0, $4  }
0x1b: {  	[tilespmem:s13], [sflag:$0x1] =	stream.linear.gather [hbm4b:s5+s2], $0x2710, $0x38;
	[tilespmem:$0xF100] =	vst v63  }
0x1c: {  	_ =	swait.ge [sflag:s11], $0x2710  }
0x1d: {  	[sflag:s11] =	ssyncset.done $0x0  }
0x1e: {  	[sflag:s11] =	ssyncadd.s32 $0xFFFFD8F0  }
0x1f: {  	s23 =	simm.s32 $0x40;
	s24 =	simm.s32 $0x0  }
.LBB2_4:
0x20: {  	p1 =	sne.s32 s23, $0x9FC0;
	[tilespmem:s24+$0x4F80] =	vst v0;
	s24 =	smov.u32 s23;
	s23 =	sadd.s32 $0x40, s23  }
.Ltmp1:
0x21: {  	(pc) =	sbr.rel @p1 .LBB2_4-.Ltmp1, $2  }
0x22: {  	_ =	sdelay $0x2  }
0x23: {  	s24 =	sshra.s32 s24, $0x2  }
.Ltmp2:
0x24: {  	(pc) =	sbr.rel .LBB2_6-.Ltmp2, $2  }
0x25: {  	_ =	sdelay $0x2  }
0x26: {  	[tilespmem:s24+$0x4F80] =	vst v0  }
.LBB2_2:
0x27: {  	[tilespmem:s14], [sflag:$0x1] =	stream.linear.gather [hbm4b:s3+s2], $0x2710, $0x38;
	[tilespmem:$0xF100] =	vst v63  }
0x28: {  	_ =	swait.ge [sflag:s11], $0x2710  }
0x29: {  	[sflag:s11] =	ssyncset.done $0x0  }
0x2a: {  	[sflag:s11] =	ssyncadd.s32 $0xFFFFD8F0  }
0x2b: {  	[tilespmem:$0x7690] =	vst v0  }
0x2c: {  	[tilespmem:$0x76A0] =	vst v0  }
0x2d: {  	[tilespmem:$0x76B0] =	vst v0  }
0x2e: {  	[tilespmem:$0x76C0] =	vst v0  }
0x2f: {  	[tilespmem:$0x76D0] =	vst v0  }
0x30: {  	[tilespmem:$0x76E0] =	vst v0  }
0x31: {  	[tilespmem:$0x76F0] =	vst v0  }
0x32: {  	[tilespmem:$0x7700] =	vst v0  }
0x33: {  	[tilespmem:$0x7710] =	vst v0  }
0x34: {  	[tilespmem:$0x7720] =	vst v0  }
0x35: {  	[tilespmem:$0x7730] =	vst v0  }
0x36: {  	[tilespmem:$0x7740] =	vst v0  }
0x37: {  	[tilespmem:$0x7750] =	vst v0  }
0x38: {  	[tilespmem:$0x7760] =	vst v0  }
0x39: {  	[tilespmem:$0x7770] =	vst v0  }
.LBB2_6:
0x3a: {  	s24 =	simm.s32 $0x0;
	s23 =	simm.s32 $0x40  }
.LBB2_7:
0x3b: {  	p1 =	sne.s32 s23, $0x9C00;
	v6 =	vld [tilespmem:s24+$0x7780];
	_ =	sdelay $0x6  }
0x3c: {  	v7 =	vld [tilespmem:s24+$0x9F00]  }
0x3d: {  	v6 =	vld.idx.msk [tilespmem:v6+s10+$0x0], $0xffff;
	_ =	sdelay $0x4  }
0x3e: {  	v7 =	vxor.u32 $0x80000000, v7  }
0x3f: {  	(xrf1) =	vsort.ascd.msk.u32 $0xffff, v7, v6;
	_ =	sdelay $0xd  }
0x40: {  	v6, v7, _ =	vpop (xrf1)  }
0x41: {  	v6 =	vxor.u32 $0x80000000, v6  }
0x42: {  	v8 =	vperm.xlane v6, v1;
	_ =	sdelay $0x1  }
0x43: {  	vm2 =	vne.s32 v6, v8  }
0x44: {  	v8 =	vsel vm2, v4, v3  }
0x45: {  	(xrf0) =	vmax.scan.msk.u32 $0xffff, v8;
	_ =	sdelay $0x1  }
0x46: {  	(xrf2) =	vadd.scan.msk.f32 $0xffff, v7;
	_ =	sdelay $0x3  }
0x47: {  	v7, _, _ =	vpop (xrf0)  }
0x48: {  	v7 =	vxor.u32 $0x80000000, v7  }
0x49: {  	v7 =	vperm.xlane v7, v5  }
0x4a: {  	vm1 =	veq.s32 v2, $0x0  }
0x4b: {  	v7 =	vsel vm1, $0xFFFFFFFF, v7  }
0x4c: {  	vm3 =	vlt.s32 v7, $0x0  }
0x4d: {  	vm2 =	vmor vm2, vm0;
	v7 =	vsel vm3, $0x0, v7;
	v8, _, _ =	vpop (xrf2)  }
0x4e: {  	v7 =	vperm.xlane v8, v7  }
.Ltmp3:
0x4f: {  	(pc) =	sbr.rel @p1 .LBB2_7-.Ltmp3, $3  }
0x50: {  	v7 =	vsel vm3, $0x0, v7  }
0x51: {  	v7 =	vsub.f32 v8, v7;
	_ =	sdelay $0x1  }
0x52: {  	s24 =	sshra.s32 s23, $0x2;
	s23 =	sadd.s32 $0x40, s23;
	[tilespmem:v6+s14+$0x0] =	vst.idx.add.f32.msk vm2, v7  }
0x53: {  	v6 =	vld [tilespmem:s24+$0x7780];
	_ =	sdelay $0x6  }
0x54: {  	v7 =	vld [tilespmem:s24+$0x9F00]  }
0x55: {  	v6 =	vld.idx.msk [tilespmem:v6+s10+$0x0], $0xffff;
	_ =	sdelay $0x3  }
0x56: {  	v7 =	vxor.u32 $0x80000000, v7  }
0x57: {  	(xrf1) =	vsort.ascd.msk.u32 $0xffff, v7, v6;
	_ =	sdelay $0xd  }
0x58: {  	v6, v7, _ =	vpop (xrf1)  }
0x59: {  	v6 =	vxor.u32 $0x80000000, v6  }
0x5a: {  	v8 =	vperm.xlane v6, v1;
	_ =	sdelay $0x1  }
0x5b: {  	vm2 =	vne.s32 v6, v8  }
0x5c: {  	v8 =	vsel vm2, v4, v3  }
0x5d: {  	(xrf0) =	vmax.scan.msk.u32 $0xffff, v8;
	_ =	sdelay $0x1  }
0x5e: {  	(xrf2) =	vadd.scan.msk.f32 $0xffff, v7;
	_ =	sdelay $0x3  }
0x5f: {  	v7, _, _ =	vpop (xrf0)  }
0x60: {  	v7 =	vxor.u32 $0x80000000, v7  }
0x61: {  	v7 =	vperm.xlane v7, v5;
	_ =	sdelay $0x1  }
0x62: {  	v7 =	vsel vm1, $0xFFFFFFFF, v7  }
0x63: {  	vm1 =	vlt.s32 v7, $0x0  }
0x64: {  	vm2 =	vmor vm2, vm0;
	v54, _, _ =	vpop (xrf2);
	v7 =	vsel vm1, $0x0, v7  }
0x65: {  	v7 =	vperm.xlane v54, v7;
	_ =	sdelay $0x1  }
0x66: {  	v7 =	vsel vm1, $0x0, v7  }
0x67: {  	v7 =	vsub.f32 v54, v7;
	_ =	sdelay $0x1  }
0x68: {  	[tilespmem:v6+s14+$0x0] =	vst.idx.add.f32.msk vm2, v7  }
0x69: {  	[spmem:s6] =	stream.strided.scatter [tilespmem:s14], [sflag:$0x1], $0x2800, s16, s15, $0x38;
	[tilespmem:$0xF100] =	vst v63  }
0x6a: {  	_ =	swait.ge [sflag:s11], $0x2800  }
0x6b: {  	[sflag:s11] =	ssyncset.done $0x0  }
0x6c: {  	[sflag:s11] =	ssyncadd.s32 $0xFFFFD800  }
0x6d: {  	[bflag:$0x0] =	sbarrier.arrive $0xFFFF  }
0x6e: {  	[tilespmem:s19], [sflag:$0x1] =	stream.strided.gather [spmem:s7], $0x2800, s18, s17, $0x38;
	[tilespmem:$0xF100] =	vst v63  }
0x6f: {  	s23 =	simm.s32 $0x0;
	_ =	swait.ge [sflag:s11], $0x2800  }
0x70: {  	s30 =	sand.u32 $0x70, s23;
	s23 =	sand.u32 $0x1C00, s23;
	[sflag:s11] =	ssyncset.done $0x0  }
0x71: {  	s23 =	sor.u32 s30, s23;
	[sflag:s11] =	ssyncadd.s32 $0xFFFFD800  }
0x72: {  	v6 =	vld [tilespmem:s23+$0xC700]  }
0x73: {  	v7 =	vld [tilespmem:s23+$0xC680];
	_ =	sdelay $0x1  }
0x74: {  	v55 =	vld [tilespmem:s23+$0xC780];
	_ =	sdelay $0x1  }
0x75: {  	v9 =	vld [tilespmem:s23+$0xC800]  }
0x76: {  	v6 =	vadd.f32 v6, v7  }
0x77: {  	v7 =	vld [tilespmem:s23+$0xC880]  }
0x78: {  	v6 =	vadd.f32 v55, v6  }
0x79: {  	v56 =	vld [tilespmem:s23+$0xC900]  }
0x7a: {  	v6 =	vadd.f32 v9, v6  }
0x7b: {  	v57 =	vld [tilespmem:s23+$0xC980]  }
0x7c: {  	v6 =	vadd.f32 v7, v6  }
0x7d: {  	v7 =	vld [tilespmem:s23+$0xCA00]  }
0x7e: {  	v6 =	vadd.f32 v56, v6  }
0x7f: {  	v58 =	vld [tilespmem:s23+$0xDA80]  }
0x80: {  	v6 =	vadd.f32 v57, v6  }
0x81: {  	v59 =	vld [tilespmem:s23+$0xDB00]  }
0x82: {  	v6 =	vadd.f32 v7, v6  }
0x83: {  	v7 =	vld [tilespmem:s23+$0xDB80]  }
0x84: {  	v6 =	vadd.f32 v58, v6  }
0x85: {  	v60 =	vld [tilespmem:s23+$0xDC00]  }
0x86: {  	v6 =	vadd.f32 v59, v6  }
0x87: {  	v61 =	vld [tilespmem:s23+$0xDC80]  }
0x88: {  	v6 =	vadd.f32 v7, v6  }
0x89: {  	v7 =	vld [tilespmem:s23+$0xDD00]  }
0x8a: {  	v6 =	vadd.f32 v60, v6  }
0x8b: {  	v62 =	vld [tilespmem:s23+$0xDD80]  }
0x8c: {  	v6 =	vadd.f32 v61, v6  }
0x8d: {  	v63 =	vld [tilespmem:s23+$0xDE00]  }
0x8e: {  	v6 =	vadd.f32 v7, v6;
	_ =	sdelay $0x1  }
0x8f: {  	v6 =	vadd.f32 v62, v6;
	_ =	sdelay $0x1  }
0x90: {  	s31 =	simm.s32 $0x10;
	s25 =	simm.s32 $0x80;
	v6 =	vadd.f32 v63, v6  }
0x91: {  	s24 =	sand.u32 $0x70, s31;
	s26 =	sand.u32 $0x1C00, s25;
	s23 =	simm.s32 $0xEE80  }
0x92: {  	s24 =	sor.u32 s24, s26;
	s26 =	simm.s32 $0x20;
	[tilespmem:s23+$0x0] =	vst v6  }
.LBB2_9:
0x93: {  	p1 =	sne.s32 s26, $0x270;
	v6 =	vld [tilespmem:s24+$0xC700]  }
0x94: {  	v7 =	vld [tilespmem:s24+$0xC680];
	_ =	sdelay $0x1  }
0x95: {  	v8 =	vld [tilespmem:s24+$0xC780];
	_ =	sdelay $0x1  }
0x96: {  	v9 =	vld [tilespmem:s24+$0xC800]  }
0x97: {  	v6 =	vadd.f32 v6, v7  }
0x98: {  	v7 =	vld [tilespmem:s24+$0xC880]  }
0x99: {  	v6 =	vadd.f32 v8, v6  }
0x9a: {  	v8 =	vld [tilespmem:s24+$0xC900]  }
0x9b: {  	v6 =	vadd.f32 v9, v6  }
0x9c: {  	v9 =	vld [tilespmem:s24+$0xC980]  }
0x9d: {  	v6 =	vadd.f32 v7, v6  }
0x9e: {  	v7 =	vld [tilespmem:s24+$0xCA00]  }
0x9f: {  	v6 =	vadd.f32 v8, v6  }
0xa0: {  	v8 =	vld [tilespmem:s24+$0xDA80]  }
0xa1: {  	v6 =	vadd.f32 v9, v6  }
0xa2: {  	v9 =	vld [tilespmem:s24+$0xDB00]  }
0xa3: {  	v6 =	vadd.f32 v7, v6  }
0xa4: {  	v7 =	vld [tilespmem:s24+$0xDB80]  }
0xa5: {  	v6 =	vadd.f32 v8, v6  }
0xa6: {  	v8 =	vld [tilespmem:s24+$0xDC00]  }
0xa7: {  	v6 =	vadd.f32 v9, v6  }
0xa8: {  	v9 =	vld [tilespmem:s24+$0xDC80]  }
0xa9: {  	v6 =	vadd.f32 v7, v6  }
0xaa: {  	v7 =	vld [tilespmem:s24+$0xDD00]  }
0xab: {  	v6 =	vadd.f32 v8, v6  }
0xac: {  	v8 =	vld [tilespmem:s24+$0xDD80]  }
0xad: {  	v6 =	vadd.f32 v9, v6  }
0xae: {  	v9 =	vld [tilespmem:s24+$0xDE00]  }
0xaf: {  	v6 =	vadd.f32 v7, v6;
	_ =	sdelay $0x1  }
.Ltmp4:
0xb0: {  	v6 =	vadd.f32 v8, v6;
	(pc) =	sbr.rel @p1 .LBB2_9-.Ltmp4, $4  }
0xb1: {  	_ = 	snop  }
0xb2: {  	s25 =	sadd.s32 $0x80, s25;
	v6 =	vadd.f32 v9, v6  }
0xb3: {  	s23 =	sadd.s32 $0x10, s23;
	s28 =	sand.u32 $0x1C00, s25;
	s24 =	sand.u32 $0x70, s26  }
0xb4: {  	s26 =	sadd.s32 $0x10, s26;
	s24 =	sor.u32 s24, s28;
	[tilespmem:s23+$0x0] =	vst v6  }
0xb5: {  	v6 =	vld [tilespmem:s24+$0xC700]  }
0xb6: {  	v7 =	vld [tilespmem:s24+$0xC680];
	_ =	sdelay $0x1  }
0xb7: {  	v8 =	vld [tilespmem:s24+$0xC780];
	_ =	sdelay $0x1  }
0xb8: {  	v9 =	vld [tilespmem:s24+$0xC800]  }
0xb9: {  	v6 =	vadd.f32 v6, v7  }
0xba: {  	v7 =	vld [tilespmem:s24+$0xC880]  }
0xbb: {  	v6 =	vadd.f32 v8, v6  }
0xbc: {  	v56 =	vld [tilespmem:s24+$0xC900]  }
0xbd: {  	v6 =	vadd.f32 v9, v6  }
0xbe: {  	v57 =	vld [tilespmem:s24+$0xC980]  }
0xbf: {  	v6 =	vadd.f32 v7, v6  }
0xc0: {  	v7 =	vld [tilespmem:s24+$0xCA00]  }
0xc1: {  	v6 =	vadd.f32 v56, v6  }
0xc2: {  	v58 =	vld [tilespmem:s24+$0xDA80]  }
0xc3: {  	v6 =	vadd.f32 v57, v6  }
0xc4: {  	v59 =	vld [tilespmem:s24+$0xDB00]  }
0xc5: {  	v6 =	vadd.f32 v7, v6  }
0xc6: {  	v7 =	vld [tilespmem:s24+$0xDB80]  }
0xc7: {  	v6 =	vadd.f32 v58, v6  }
0xc8: {  	v60 =	vld [tilespmem:s24+$0xDC00]  }
0xc9: {  	v6 =	vadd.f32 v59, v6  }
0xca: {  	v61 =	vld [tilespmem:s24+$0xDC80]  }
0xcb: {  	v6 =	vadd.f32 v7, v6  }
0xcc: {  	v7 =	vld [tilespmem:s24+$0xDD00]  }
0xcd: {  	v6 =	vadd.f32 v60, v6  }
0xce: {  	v62 =	vld [tilespmem:s24+$0xDD80]  }
0xcf: {  	v6 =	vadd.f32 v61, v6  }
0xd0: {  	v63 =	vld [tilespmem:s24+$0xDE00]  }
0xd1: {  	v6 =	vadd.f32 v7, v6;
	_ =	sdelay $0x1  }
0xd2: {  	v6 =	vadd.f32 v62, v6;
	_ =	sdelay $0x1  }
0xd3: {  	s22 =	sadd.s32 $0x1, s22;
	v6 =	vadd.f32 v63, v6  }
0xd4: {  	s23 =	sadd.s32 $0x10, s23;
	p1 =	sne.s32 s22, s9  }
.Ltmp5:
0xd5: {  	[tilespmem:s23+$0x0] =	vst v6;
	(pc) =	sbr.rel @p1 .LBB2_1-.Ltmp5, $4  }
0xd6: {  	[hbm4b:s8+s15] =	stream.strided.scatter [tilespmem:s21], [sflag:$0x1], $0x280, s20, s15, $0x38;
	[tilespmem:$0xF100] =	vst v63  }
0xd7: {  	_ =	swait.ge [sflag:s11], $0x280  }
0xd8: {  	[sflag:s11] =	ssyncset.done $0x0  }
0xd9: {  	[sflag:s11] =	ssyncadd.s32 $0xFFFFFD80  }
0xda: {  	_ =	sfence.sel $0x180000  }
0xdb: {  	[bflag:$0x0] =	sbarrier.arrive $0xFFFF  }
0xdc: {  	p0 =	sne.s32 s0, $0x0;
	_ =	strace $0x90000053  }
0xdd: {  	s0 =	sadd.s32 @!p0 $0x100000, s1;
	[bflag:$0x2] =	sbarrier.arrive $0xFFFF  }
0xde: {  	[sflag:s0] =	ssyncadd.tile.s32 @!p0 $0x1;
	_ =	shalt  }
.Lfunc_end2:
_tile_overlayer_lowered:
.L_overlay_start_2:
0xdf: {  	(tag) =	ssettag $0x2  }
0xe0: {  	s0 =	rddreg [dreg:$0x0];
	s2 =	stileid.u32  }
0xe1: {  	s1 =	rddreg [dreg:$0x1];
	p0 =	sne.s32 s2, $0x0  }
0xe2: {  	s3 =	rddreg [dreg:$0x2];
	[bflag:$0x3] =	sbarrier.arrive $0xFFFF;
	s2 =	simm.s32 @!p0 $0x1C01  }
0xe3: {  	[timem:s3], [sflag:s2] =	dma.local @!p0 [hbm:s0], s1  }
0xe4: {  	s0 =	simm.s32 @!p0 $0x1  }
0xe5: {  	_ =	swait.ge @!p0 [sflag:s0], s1  }
0xe6: {  	s1 =	ssub.s32 @!p0 $0x0, s1;
	[sflag:s0] =	ssyncset.done @!p0 $0x0  }
0xe7: {  	[sflag:s0] =	ssyncadd.s32 @!p0 s1  }
0xe8: {  	[bflag:$0x3] =	sbarrier.arrive $0xFFFF  }
0xe9: {  	_ =	shalt  }

</sc_bundles>
